<compile_context>
chip_gen: v7x
topology: tpu7x:2x2x1
jax: 0.10.2.dev20260603
libtpu: 0.0.44.dev20260713+nightly
codegen_flags: <defaults>
</compile_context>

<pallas_src>
import functools

import jax
import jax.numpy as jnp
from jax import lax
from jax.experimental import pallas as pl
from jax.experimental.pallas import tpu as pltpu
from jax.experimental.pallas import tpu_sc as plsc

V = 100000
D = 64
FS = 32
SS = 128
B = 16
T = 50
NT = T - 3
BT = B * T
BT_PAD = 1024
VB = 16384


def _gather_call(table, idx_pad):
    info = plsc.get_sparse_core_info()
    nw = info.num_cores * info.num_subcores
    b_per_w = BT_PAD // nw
    mesh = plsc.VectorSubcoreMesh(core_axis_name="c", subcore_axis_name="s")

    @functools.partial(
        pl.kernel,
        mesh=mesh,
        out_type=jax.ShapeDtypeStruct((BT_PAD, D), jnp.float32),
        scratch_types=[
            pltpu.VMEM((b_per_w,), jnp.int32),
            pltpu.VMEM((b_per_w, D), jnp.float32),
            pltpu.SemaphoreType.DMA,
        ],
        compiler_params=pltpu.CompilerParams(use_tc_tiling_on_sc=False),
    )
    def gk(table_hbm, idx_hbm, out_hbm, idx_v, rows_v, sem):
        wid = lax.axis_index("s") * info.num_cores + lax.axis_index("c")
        base = wid * b_per_w
        pltpu.sync_copy(idx_hbm.at[pl.ds(base, b_per_w)], idx_v)
        pltpu.async_copy(table_hbm.at[idx_v], rows_v, sem).wait()
        pltpu.sync_copy(rows_v, out_hbm.at[pl.ds(base, b_per_w)])

    return gk(table, idx_pad)


_CTX_SCRATCH = [
    pltpu.VMEM((T, B, D), jnp.float32),
    pltpu.VMEM((T, B, 1), jnp.float32),
    pltpu.VMEM((T, B, 1), jnp.float32),
    pltpu.VMEM((T, B, 1), jnp.float32),
    pltpu.VMEM((B, FS), jnp.float32),
    pltpu.VMEM((B, FS), jnp.float32),
    pltpu.VMEM((B, FS), jnp.float32),
    pltpu.VMEM((B, FS), jnp.float32),
    pltpu.VMEM((B, FS), jnp.float32),
    pltpu.VMEM((B, SS), jnp.float32),
    pltpu.VMEM((B, SS), jnp.float32),
    pltpu.VMEM((B, SS), jnp.float32),
    pltpu.VMEM((B, SS), jnp.float32),
]

_BIG = 2 ** 30


def _first_true(mask, iota):
    return jnp.min(jnp.where(mask, iota, _BIG), axis=1, keepdims=True)


def _ctx_compute(rows_ref, W1_ref, b1_ref, W2_ref, b2_ref, gamma_ref,
                 beta_ref, wgT_ref, bg_ref, wdT_ref, bd_ref, Wq_ref, bq_ref,
                 iotaF_ref, iotaS_ref, out_ref,
                 h_scr, ws_scr, qd_scr, wd_scr,
                 fused_ref, fage_ref, ds_ref, sq_ref, fsrc_ref,
                 sused_ref, sage_ref, ssc_ref, ssrc_ref):
    hg = rows_ref[0:BT, :]
    f = jnp.maximum(
        jnp.dot(hg, W1_ref[...], precision=lax.Precision.HIGHEST)
        + b1_ref[...], 0.0)
    f = jnp.dot(f, W2_ref[...], precision=lax.Precision.HIGHEST) + b2_ref[...]
    x = hg + f
    mu = jnp.mean(x, axis=-1, keepdims=True)
    var = jnp.mean((x - mu) ** 2, axis=-1, keepdims=True)
    he = (x - mu) / jnp.sqrt(var + 1e-5) * gamma_ref[...] + beta_ref[...]

    hl = he[(T - 1) * B:T * B, :]
    q2 = jnp.dot(hl, Wq_ref[...],
                 precision=lax.Precision.HIGHEST) + bq_ref[...]

    qtile = jnp.concatenate([q2] * T, axis=0)
    wsall = jax.nn.sigmoid(
        jnp.sum(he * wgT_ref[...], axis=1, keepdims=True) + bg_ref[...])
    qdall = jnp.sum(he * qtile, axis=1, keepdims=True)
    wdall = jnp.sum(he * wdT_ref[...], axis=1, keepdims=True) + bd_ref[...]
    for t in range(T):
        sl = slice(t * B, (t + 1) * B)
        h_scr[t] = he[sl, :]
        ws_scr[t] = wsall[sl, :]
        qd_scr[t] = qdall[sl, :]
        wd_scr[t] = wdall[sl, :]

    iota_f = iotaF_ref[...]
    iota_s = iotaS_ref[...]
    bd0 = bd_ref[...]

    fused_ref[...] = jnp.zeros((B, FS), jnp.float32)
    fage_ref[...] = jnp.zeros((B, FS), jnp.float32)
    ds_ref[...] = jnp.zeros((B, FS), jnp.float32) + bd0
    sq_ref[...] = jnp.zeros((B, FS), jnp.float32)
    fsrc_ref[...] = jnp.zeros((B, FS), jnp.float32) - 1.0
    sused_ref[...] = jnp.zeros((B, SS), jnp.float32)
    sage_ref[...] = jnp.zeros((B, SS), jnp.float32)
    ssc_ref[...] = jnp.zeros((B, SS), jnp.float32)
    ssrc_ref[...] = jnp.zeros((B, SS), jnp.float32) - 1.0

    def step(t, carry):
        fused = fused_ref[...]
        fage = fage_ref[...]
        ds2 = ds_ref[...]
        sq2 = sq_ref[...]
        fsrc = fsrc_ref[...]
        sused = sused_ref[...]
        sage = sage_ref[...]
        ssc = ssc_ref[...]
        ssrc = ssrc_ref[...]
        ws = ws_scr[t]
        qdot = qd_scr[t]
        wdot = wd_scr[t]
        tf = lax.convert_element_type(t, jnp.float32)

        fage = fage + fused
        sage = sage + sused
        write = ws >= 0.4
        freef = fused < 0.5
        has_free = jnp.max(jnp.where(freef, 1.0, 0.0), axis=1,
                           keepdims=True) > 0.5
        free_idx = _first_true(freef, iota_f)
        dem = _first_true(ds2 == jnp.min(ds2, axis=1, keepdims=True), iota_f)
        demf = jnp.where(iota_f == dem, 1.0, 0.0)
        dq = jnp.sum(sq2 * demf, axis=1, keepdims=True)
        dsrc = jnp.sum(fsrc * demf, axis=1, keepdims=True)

        frees = sused < 0.5
        s_has_free = jnp.max(jnp.where(frees, 1.0, 0.0), axis=1,
                             keepdims=True) > 0.5
        s_free_idx = _first_true(frees, iota_s)
        s_evict = _first_true(
            sage == jnp.max(sage, axis=1, keepdims=True), iota_s)
        ss_idx = jnp.where(s_has_free, s_free_idx, s_evict)
        do_slow = write & (~has_free)
        msf = jnp.where((iota_s == ss_idx) & do_slow, 1.0, 0.0)
        sage_ref[...] = sage * (1.0 - msf)
        sused_ref[...] = jnp.maximum(sused, msf)
        ssc_ref[...] = ssc * (1.0 - msf) + dq * msf
        ssrc_ref[...] = ssrc * (1.0 - msf) + dsrc * msf

        fast_slot = jnp.where(has_free, free_idx, dem)
        mff = jnp.where((iota_f == fast_slot) & write, 1.0, 0.0)
        fused_ref[...] = jnp.maximum(fused, mff)
        fage_ref[...] = fage * (1.0 - mff)
        ds_ref[...] = ds2 * (1.0 - mff) + wdot * mff
        sq_ref[...] = sq2 * (1.0 - mff) + qdot * mff
        fsrc_ref[...] = fsrc * (1.0 - mff) + tf * mff
        return carry

    lax.fori_loop(0, NT, step, 0)

    fused = fused_ref[...]
    sused = sused_ref[...]
    fsrc = fsrc_ref[...]
    ssrc = ssrc_ref[...]
    f_scores = jnp.where(fused > 0.5, sq_ref[...], -1e9)
    s_scores = jnp.where(sused > 0.5, ssc_ref[...], -1e9)
    f_attn = jax.nn.softmax(f_scores, axis=1)
    s_attn = jax.nn.softmax(s_scores, axis=1)

    f_ctx = jnp.zeros((B, D), jnp.float32)
    s_ctx = jnp.zeros((B, D), jnp.float32)
    for t in range(NT):
        tt = jnp.float32(t)
        ht = h_scr[t]
        awf = jnp.sum(jnp.where(fsrc == tt, f_attn, 0.0), axis=1,
                      keepdims=True)
        aws = jnp.sum(jnp.where(ssrc == tt, s_attn, 0.0), axis=1,
                      keepdims=True)
        f_ctx = f_ctx + awf * ht
        s_ctx = s_ctx + aws * ht
    out_ref[...] = jnp.concatenate([f_ctx, s_ctx], axis=1)


def _fused_body(rows_ref, W1_ref, b1_ref, W2_ref, b2_ref, gamma_ref,
                beta_ref, wgT_ref, bg_ref, wdT_ref, bd_ref, Wq_ref, bq_ref,
                iotaF_ref, iotaS_ref, wo_ref, bo_ref, out_ref,
                ctx_scr, h_scr, ws_scr, qd_scr, wd_scr,
                fused_ref, fage_ref, ds_ref, sq_ref, fsrc_ref,
                sused_ref, sage_ref, ssc_ref, ssrc_ref):
    @pl.when(pl.program_id(0) == 0)
    def _():
        _ctx_compute(rows_ref, W1_ref, b1_ref, W2_ref, b2_ref, gamma_ref,
                     beta_ref, wgT_ref, bg_ref, wdT_ref, bd_ref, Wq_ref,
                     bq_ref, iotaF_ref, iotaS_ref, ctx_scr,
                     h_scr, ws_scr, qd_scr, wd_scr,
                     fused_ref, fage_ref, ds_ref, sq_ref, fsrc_ref,
                     sused_ref, sage_ref, ssc_ref, ssrc_ref)

    out_ref[...] = (
        jnp.dot(ctx_scr[...], wo_ref[...], precision=lax.Precision.HIGHEST,
                preferred_element_type=jnp.float32) + bo_ref[...])


def _fused_call(rows, W1, b1, W2, b2, gamma, beta, wgT, bg, wdT, bd, Wq, bq,
                iota_f, iota_s, Wo, bo2):
    nvb = pl.cdiv(V, VB)
    full = lambda shape: pl.BlockSpec(shape, lambda j: (0,) * len(shape))
    return pl.pallas_call(
        _fused_body,
        grid=(nvb,),
        in_specs=[
            full((BT_PAD, D)),
            full((D, 2 * D)),
            full((1, 2 * D)),
            full((2 * D, D)),
            full((1, D)),
            full((1, D)),
            full((1, D)),
            full((1, D)),
            full((1, 1)),
            full((1, D)),
            full((1, 1)),
            full((D, D)),
            full((1, D)),
            full((B, FS)),
            full((B, SS)),
            pl.BlockSpec((2 * D, VB), lambda j: (0, j)),
            pl.BlockSpec((1, VB), lambda j: (0, j)),
        ],
        out_specs=pl.BlockSpec((B, VB), lambda j: (0, j)),
        out_shape=jax.ShapeDtypeStruct((B, V), jnp.float32),
        scratch_shapes=[pltpu.VMEM((B, 2 * D), jnp.float32)] + _CTX_SCRATCH,
        compiler_params=pltpu.CompilerParams(
            dimension_semantics=("arbitrary",)),
    )(rows, W1, b1, W2, b2, gamma, beta, wgT, bg, wdT, bd, Wq, bq,
      iota_f, iota_s, Wo, bo2)


def kernel(seq, embed, W1, b1, W2, b2, gamma, beta, Wg, bg, Wd, bd, Wq, bq,
           Wo, bo):
    idx = jnp.transpose(seq).reshape(-1).astype(jnp.int32)
    idx_pad = jnp.concatenate(
        [idx, jnp.zeros((BT_PAD - BT,), jnp.int32)])
    rows = _gather_call(embed, idx_pad)
    return _fused_call(
        rows, W1, b1.reshape(1, -1), W2, b2.reshape(1, -1),
        gamma.reshape(1, -1), beta.reshape(1, -1),
        Wg.reshape(1, -1), bg.reshape(1, 1),
        Wd.reshape(1, -1), bd.reshape(1, 1),
        Wq, bq.reshape(1, -1),
        jnp.broadcast_to(jnp.arange(FS, dtype=jnp.int32)[None, :], (B, FS)),
        jnp.broadcast_to(jnp.arange(SS, dtype=jnp.int32)[None, :], (B, SS)),
        Wo, bo.reshape(1, -1))

# --- scband reference (transcript-rebuilt; emitter-appended) ---
"""Pipeline reference for scband-always-sequential-model-35270271435254 (READ-ONLY COPY).

The authoritative reference and input builder live on the scoring server;
editing this copy changes nothing except your own understanding.
"""

import jax, jax.numpy as jnp
import numpy as np

V = 100000
D = 64
FS = 32
SS = 128
B = 16
T = 50


def _encode(seq, embed, W1, b1, W2, b2, gamma, beta):
    h = jnp.take(embed, seq, axis=0)
    f = jax.nn.relu(h @ W1 + b1) @ W2 + b2
    x = h + f
    mu = jnp.mean(x, axis=-1, keepdims=True)
    var = jnp.var(x, axis=-1, keepdims=True)
    return (x - mu) / jnp.sqrt(var + 1e-5) * gamma + beta


def _writer(h, Wg, bg, Wd, bd):
    Bn, Tn = int(h.shape[0]), int(h.shape[1])
    fast_mem = jnp.zeros((Bn, FS, D), jnp.float32)
    slow_mem = jnp.zeros((Bn, SS, D), jnp.float32)
    fast_age = jnp.zeros((Bn, FS), jnp.int32)
    slow_age = jnp.zeros((Bn, SS), jnp.int32)
    fast_used = jnp.zeros((Bn, FS), dtype=bool)
    slow_used = jnp.zeros((Bn, SS), dtype=bool)
    for t in range(Tn - 3):
        tok_h = h[:, t, :]
        ws = jax.nn.sigmoid(tok_h @ Wg + bg)[:, 0]
        fast_age = fast_age + fast_used.astype(jnp.int32)
        slow_age = slow_age + slow_used.astype(jnp.int32)
        write = ws >= 0.4
        has_free = jnp.any(~fast_used, axis=1)
        free_idx = jnp.argmax(~fast_used, axis=1)
        ds = (fast_mem @ Wd + bd)[..., 0]
        dem = jnp.argmin(ds, axis=1)
        dh = jnp.take_along_axis(fast_mem, dem[:, None, None], axis=1)[:, 0, :]
        slow_has_free = jnp.any(~slow_used, axis=1)
        slow_free_idx = jnp.argmax(~slow_used, axis=1)
        slow_evict_idx = jnp.argmax(slow_age, axis=1)
        ss = jnp.where(slow_has_free, slow_free_idx, slow_evict_idx)
        do_slow = write & (~has_free)
        mask_s = (jnp.arange(SS)[None, :] == ss[:, None]) & do_slow[:, None]
        slow_mem = jnp.where(mask_s[..., None], dh[:, None, :], slow_mem)
        slow_age = jnp.where(mask_s, 0, slow_age)
        slow_used = slow_used | mask_s
        fast_slot = jnp.where(has_free, free_idx, dem)
        mask_f = (jnp.arange(FS)[None, :] == fast_slot[:, None]) & write[:, None]
        fast_mem = jnp.where(mask_f[..., None], jax.lax.stop_gradient(tok_h)[:, None, :], fast_mem)
        fast_age = jnp.where(mask_f, 0, fast_age)
        fast_used = fast_used | mask_f
    return fast_mem, slow_mem, fast_used.astype(jnp.float32), slow_used.astype(jnp.float32)


def setup_inputs(seed: int = 0):
    key = jax.random.key(seed)
    ks = jax.random.split(key, 16)
    inp = {}
    inp['seq'] = jax.random.randint(ks[0], (B, T), 0, V)
    inp['embed'] = jax.random.normal(ks[1], (V, D), jnp.float32) * 0.02
    inp['W1'] = jax.random.normal(ks[2], (D, 2 * D), jnp.float32) * 0.05
    inp['b1'] = jnp.zeros((2 * D,), jnp.float32)
    inp['W2'] = jax.random.normal(ks[3], (2 * D, D), jnp.float32) * 0.05
    inp['b2'] = jnp.zeros((D,), jnp.float32)
    inp['gamma'] = jnp.ones((D,), jnp.float32)
    inp['beta'] = jnp.zeros((D,), jnp.float32)
    inp['Wg'] = jax.random.normal(ks[4], (D, 1), jnp.float32) * 0.05
    inp['bg'] = jnp.zeros((1,), jnp.float32)
    inp['Wd'] = jax.random.normal(ks[5], (D, 1), jnp.float32) * 0.05
    inp['bd'] = jnp.zeros((1,), jnp.float32)
    inp['Wq'] = jax.random.normal(ks[6], (D, D), jnp.float32) * 0.05
    inp['bq'] = jnp.zeros((D,), jnp.float32)
    inp['Wo'] = jax.random.normal(ks[7], (2 * D, V), jnp.float32) * 0.02
    inp['bo'] = jnp.zeros((V,), jnp.float32)
    return inp


def reference(seq, embed, W1, b1, W2, b2, gamma, beta, Wg, bg, Wd, bd, Wq, bq, Wo, bo):
    h = _encode(seq, embed, W1, b1, W2, b2, gamma, beta)
    fm, sm, fmask, smask = _writer(h, Wg, bg, Wd, bd)
    q = h[:, -1, :] @ Wq + bq
    f_scores = jnp.einsum('bsd,bd->bs', fm, q)
    f_scores = jnp.where(fmask == 0, -1000000000.0, f_scores)
    f_attn = jax.nn.softmax(f_scores, axis=-1)
    f_ctx = jnp.sum(f_attn[..., None] * fm, axis=1)
    s_scores = jnp.einsum('bsd,bd->bs', sm, q)
    s_scores = jnp.where(smask == 0, -1000000000.0, s_scores)
    s_attn = jax.nn.softmax(s_scores, axis=-1)
    s_ctx = jnp.sum(s_attn[..., None] * sm, axis=1)
    logits = jnp.concatenate([f_ctx, s_ctx], axis=-1) @ Wo + bo
    return logits

if __name__ == "__main__":
    import jax
    _d = setup_inputs()
    print(jax.jit(kernel)(*tuple(_d.values())))

</pallas_src>

<mosaic_0001>
#map = affine_map<(d0, d1) -> (0, 0)>
#map1 = affine_map<(d0, d1) -> (0)>
module attributes {stable_mosaic.version = 14 : i64} {
  func.func @gk(%arg0: i32, %arg1: i32, %arg2: memref<100000x64xf32, #tpu.memory_space<hbm>>, %arg3: memref<1024xi32, #tpu.memory_space<hbm>>, %arg4: memref<1024x64xf32, #tpu.memory_space<hbm>>, %arg5: memref<32xi32, #tpu.memory_space<vmem>>, %arg6: memref<32x64xf32, #tpu.memory_space<vmem>>, %arg7: memref<!tpu.dma_semaphore, #tpu.memory_space<semaphore_mem>>) attributes {dimension_semantics = [#tpu.dimension_semantics<core_parallel>, #tpu.dimension_semantics<subcore_parallel>], iteration_bounds = array<i64: 2, 16>, scalar_prefetch = 0 : i64, scratch_operands = 3 : i64, tpu.core_type = #tpu.core_type<sc_vector_subcore>, window_params = [{transform_indices = #map}, {transform_indices = #map1}, {transform_indices = #map}]} {
    %mul3A = arith.constant 2 : i32
    %mul3A_0 = arith.muli %arg1, %mul3A : i32
    %add3A = arith.addi %mul3A_0, %arg0 : i32
    %mul3A_1 = arith.constant 32 : i32
    %mul3A_2 = arith.muli %add3A, %mul3A_1 : i32
    "tpu.region"() ({
      %run_scoped3A = tpu.sem_alloc : memref<!tpu.dma_semaphore, #tpu.memory_space<semaphore_mem>>
      %dma_start3A_7 = tpu.memref_slice %arg3[%mul3A_2] : memref<1024xi32, #tpu.memory_space<hbm>> -> memref<32xi32, #tpu.memory_space<hbm>>
      %dma_start3A_8 = tpu.memref_slice %arg3[%mul3A_2] : memref<1024xi32, #tpu.memory_space<hbm>> -> memref<32xi32, #tpu.memory_space<hbm>>
      tpu.enqueue_dma source(%dma_start3A_8 : memref<32xi32, #tpu.memory_space<hbm>>) target(%arg5 : memref<32xi32, #tpu.memory_space<vmem>>) target_semaphore(%run_scoped3A : memref<!tpu.dma_semaphore, #tpu.memory_space<semaphore_mem>>)
      %dma_wait3A_9 = tpu.memref_slice %arg3[%mul3A_2] : memref<1024xi32, #tpu.memory_space<hbm>> -> memref<32xi32, #tpu.memory_space<hbm>>
      %dma_wait3A_10 = tpu.memref_slice %arg3[%mul3A_2] : memref<1024xi32, #tpu.memory_space<hbm>> -> memref<32xi32, #tpu.memory_space<hbm>>
      tpu.wait_dma2 semaphore(%run_scoped3A : memref<!tpu.dma_semaphore, #tpu.memory_space<semaphore_mem>>) src(%dma_wait3A_10 : memref<32xi32, #tpu.memory_space<hbm>>) dst(%arg5 : memref<32xi32, #tpu.memory_space<vmem>>)
      tpu.yield
    }) : () -> ()
    %dma_start3A = arith.constant 0 : i32
    %dma_start3A_3 = arith.constant 0 : i32
    %dma_start3A_4 = tpu.memref_slice %arg2[%dma_start3A, %dma_start3A_3] : memref<100000x64xf32, #tpu.memory_space<hbm>> -> memref<100000x64xf32, #tpu.memory_space<hbm>>
    tpu.enqueue_indirect_dma source(%dma_start3A_4 : memref<100000x64xf32, #tpu.memory_space<hbm>>) target(%arg6 : memref<32x64xf32, #tpu.memory_space<vmem>>) offsets(%arg5 : memref<32xi32, #tpu.memory_space<vmem>>) semaphore(%arg7 : memref<!tpu.dma_semaphore, #tpu.memory_space<semaphore_mem>>)
    %dma_wait3A = arith.constant 0 : i32
    %dma_wait3A_5 = arith.constant 0 : i32
    %dma_wait3A_6 = tpu.memref_slice %arg2[%dma_wait3A, %dma_wait3A_5] : memref<100000x64xf32, #tpu.memory_space<hbm>> -> memref<100000x64xf32, #tpu.memory_space<hbm>>
    tpu.wait_indirect_dma semaphore(%arg7 : memref<!tpu.dma_semaphore, #tpu.memory_space<semaphore_mem>>) src(%dma_wait3A_6 : memref<100000x64xf32, #tpu.memory_space<hbm>>) dst(%arg6 : memref<32x64xf32, #tpu.memory_space<vmem>>)
    "tpu.region"() ({
      %run_scoped3A = tpu.sem_alloc : memref<!tpu.dma_semaphore, #tpu.memory_space<semaphore_mem>>
      %dma_start3A_7 = arith.constant 0 : i32
      %dma_start3A_8 = tpu.memref_slice %arg4[%mul3A_2, %dma_start3A_7] : memref<1024x64xf32, #tpu.memory_space<hbm>> -> memref<32x64xf32, #tpu.memory_space<hbm>>
      %dma_start3A_9 = arith.constant 0 : i32
      %dma_start3A_10 = tpu.memref_slice %arg4[%mul3A_2, %dma_start3A_9] : memref<1024x64xf32, #tpu.memory_space<hbm>> -> memref<32x64xf32, #tpu.memory_space<hbm>>
      tpu.enqueue_dma source(%arg6 : memref<32x64xf32, #tpu.memory_space<vmem>>) target(%dma_start3A_10 : memref<32x64xf32, #tpu.memory_space<hbm>>) target_semaphore(%run_scoped3A : memref<!tpu.dma_semaphore, #tpu.memory_space<semaphore_mem>>)
      %dma_wait3A_11 = arith.constant 0 : i32
      %dma_wait3A_12 = tpu.memref_slice %arg4[%mul3A_2, %dma_wait3A_11] : memref<1024x64xf32, #tpu.memory_space<hbm>> -> memref<32x64xf32, #tpu.memory_space<hbm>>
      %dma_wait3A_13 = arith.constant 0 : i32
      %dma_wait3A_14 = tpu.memref_slice %arg4[%mul3A_2, %dma_wait3A_13] : memref<1024x64xf32, #tpu.memory_space<hbm>> -> memref<32x64xf32, #tpu.memory_space<hbm>>
      tpu.wait_dma2 semaphore(%run_scoped3A : memref<!tpu.dma_semaphore, #tpu.memory_space<semaphore_mem>>) src(%arg6 : memref<32x64xf32, #tpu.memory_space<vmem>>) dst(%dma_wait3A_14 : memref<32x64xf32, #tpu.memory_space<hbm>>)
      tpu.yield
    }) : () -> ()
    return
  }
}

module attributes {stable_mosaic.version = 14 : i64} {
  func.func @_fused_body(%arg0: i32, %arg1: memref<1024x64xf32, #tpu.memory_space<vmem>>, %arg2: memref<64x128xf32, #tpu.memory_space<vmem>>, %arg3: memref<1x128xf32, #tpu.memory_space<vmem>>, %arg4: memref<128x64xf32, #tpu.memory_space<vmem>>, %arg5: memref<1x64xf32, #tpu.memory_space<vmem>>, %arg6: memref<1x64xf32, #tpu.memory_space<vmem>>, %arg7: memref<1x64xf32, #tpu.memory_space<vmem>>, %arg8: memref<1x64xf32, #tpu.memory_space<vmem>>, %arg9: memref<1x1xf32, #tpu.memory_space<vmem>>, %arg10: memref<1x64xf32, #tpu.memory_space<vmem>>, %arg11: memref<1x1xf32, #tpu.memory_space<vmem>>, %arg12: memref<64x64xf32, #tpu.memory_space<vmem>>, %arg13: memref<1x64xf32, #tpu.memory_space<vmem>>, %arg14: memref<16x32xi32, #tpu.memory_space<vmem>>, %arg15: memref<16x128xi32, #tpu.memory_space<vmem>>, %arg16: memref<128x16384xf32, #tpu.memory_space<vmem>>, %arg17: memref<1x16384xf32, #tpu.memory_space<vmem>>, %arg18: memref<16x16384xf32, #tpu.memory_space<vmem>>, %arg19: memref<16x128xf32, #tpu.memory_space<vmem>>, %arg20: memref<50x16x64xf32, #tpu.memory_space<vmem>>, %arg21: memref<50x16x1xf32, #tpu.memory_space<vmem>>, %arg22: memref<50x16x1xf32, #tpu.memory_space<vmem>>, %arg23: memref<50x16x1xf32, #tpu.memory_space<vmem>>, %arg24: memref<16x32xf32, #tpu.memory_space<vmem>>, %arg25: memref<16x32xf32, #tpu.memory_space<vmem>>, %arg26: memref<16x32xf32, #tpu.memory_space<vmem>>, %arg27: memref<16x32xf32, #tpu.memory_space<vmem>>, %arg28: memref<16x32xf32, #tpu.memory_space<vmem>>, %arg29: memref<16x128xf32, #tpu.memory_space<vmem>>, %arg30: memref<16x128xf32, #tpu.memory_space<vmem>>, %arg31: memref<16x128xf32, #tpu.memory_space<vmem>>, %arg32: memref<16x128xf32, #tpu.memory_space<vmem>>) attributes {dimension_semantics = [#tpu.dimension_semantics<arbitrary>], iteration_bounds = array<i64: 7>, scalar_prefetch = 0 : i64, scratch_operands = 14 : i64, tpu.core_type = #tpu.core_type<tc>, window_params = [{pipeline_mode = #tpu.pipeline_mode<synchronous>, transform_indices = @transform_0, window_bounds = array<i64: 1024, 64>}, {pipeline_mode = #tpu.pipeline_mode<synchronous>, transform_indices = @transform_1, window_bounds = array<i64: 64, 128>}, {pipeline_mode = #tpu.pipeline_mode<synchronous>, transform_indices = @transform_2, window_bounds = array<i64: 1, 128>}, {pipeline_mode = #tpu.pipeline_mode<synchronous>, transform_indices = @transform_3, window_bounds = array<i64: 128, 64>}, {pipeline_mode = #tpu.pipeline_mode<synchronous>, transform_indices = @transform_4, window_bounds = array<i64: 1, 64>}, {pipeline_mode = #tpu.pipeline_mode<synchronous>, transform_indices = @transform_5, window_bounds = array<i64: 1, 64>}, {pipeline_mode = #tpu.pipeline_mode<synchronous>, transform_indices = @transform_6, window_bounds = array<i64: 1, 64>}, {pipeline_mode = #tpu.pipeline_mode<synchronous>, transform_indices = @transform_7, window_bounds = array<i64: 1, 64>}, {pipeline_mode = #tpu.pipeline_mode<synchronous>, transform_indices = @transform_8, window_bounds = array<i64: 1, 1>}, {pipeline_mode = #tpu.pipeline_mode<synchronous>, transform_indices = @transform_9, window_bounds = array<i64: 1, 64>}, {pipeline_mode = #tpu.pipeline_mode<synchronous>, transform_indices = @transform_10, window_bounds = array<i64: 1, 1>}, {pipeline_mode = #tpu.pipeline_mode<synchronous>, transform_indices = @transform_11, window_bounds = array<i64: 64, 64>}, {pipeline_mode = #tpu.pipeline_mode<synchronous>, transform_indices = @transform_12, window_bounds = array<i64: 1, 64>}, {pipeline_mode = #tpu.pipeline_mode<synchronous>, transform_indices = @transform_13, window_bounds = array<i64: 16, 32>}, {pipeline_mode = #tpu.pipeline_mode<synchronous>, transform_indices = @transform_14, window_bounds = array<i64: 16, 128>}, {transform_indices = @transform_15, window_bounds = array<i64: 128, 16384>}, {transform_indices = @transform_16, window_bounds = array<i64: 1, 16384>}, {transform_indices = @transform_17, window_bounds = array<i64: 16, 16384>}]} {
    %eq3A = arith.constant 0 : i32
    %eq3A_0 = arith.cmpi eq, %arg0, %eq3A : i32
    %convert_element_type3A = arith.extui %eq3A_0 : i1 to i32
    %cond3A = arith.constant 0 : i32
    %cond3A_1 = arith.cmpi ne, %convert_element_type3A, %cond3A : i32
    scf.if %cond3A_1 {
      %get3A_14 = arith.constant 0 : index
      %get3A_15 = arith.constant 0 : index
      %get3A_16 = vector.load %arg1[%get3A_14, %get3A_15] : memref<1024x64xf32, #tpu.memory_space<vmem>>, vector<800x64xf32>
      %get3A_17 = arith.constant 0 : index
      %get3A_18 = arith.constant 0 : index
      %get3A_19 = vector.load %arg2[%get3A_17, %get3A_18] : memref<64x128xf32, #tpu.memory_space<vmem>>, vector<64x128xf32>
      %dot_general3A_20 = arith.constant dense<0.000000e+00> : vector<800x128xf32>
      %dot_general3A_21 = tpu.matmul %get3A_16, %get3A_19, %dot_general3A_20 {dimension_numbers = #tpu.dot_dimension_numbers<[1], [0], [0], [1], [0, 0, 1, 1], [], []>, precision = #tpu.contract_precision<fp32>, transpose_lhs_hint = false} : vector<800x64xf32>, vector<64x128xf32>, vector<800x128xf32> -> vector<800x128xf32>
      %get3A_22 = arith.constant 0 : index
      %get3A_23 = arith.constant 0 : index
      %get3A_24 = vector.load %arg3[%get3A_22, %get3A_23] : memref<1x128xf32, #tpu.memory_space<vmem>>, vector<1x128xf32>
      %add3A_25 = vector.broadcast %get3A_24 : vector<1x128xf32> to vector<800x128xf32>
      %add3A_26 = arith.addf %dot_general3A_21, %add3A_25 : vector<800x128xf32>
      %max3A = arith.constant 0.000000e+00 : f32
      %max3A_27 = vector.broadcast %max3A : f32 to vector<800x128xf32>
      %max3A_28 = arith.maximumf %add3A_26, %max3A_27 : vector<800x128xf32>
      %get3A_29 = arith.constant 0 : index
      %get3A_30 = arith.constant 0 : index
      %get3A_31 = vector.load %arg4[%get3A_29, %get3A_30] : memref<128x64xf32, #tpu.memory_space<vmem>>, vector<128x64xf32>
      %dot_general3A_32 = arith.constant dense<0.000000e+00> : vector<800x64xf32>
      %dot_general3A_33 = tpu.matmul %max3A_28, %get3A_31, %dot_general3A_32 {dimension_numbers = #tpu.dot_dimension_numbers<[1], [0], [0], [1], [0, 0, 1, 1], [], []>, precision = #tpu.contract_precision<fp32>, transpose_lhs_hint = false} : vector<800x128xf32>, vector<128x64xf32>, vector<800x64xf32> -> vector<800x64xf32>
      %get3A_34 = arith.constant 0 : index
      %get3A_35 = arith.constant 0 : index
      %get3A_36 = vector.load %arg5[%get3A_34, %get3A_35] : memref<1x64xf32, #tpu.memory_space<vmem>>, vector<1x64xf32>
      %add3A_37 = vector.broadcast %get3A_36 : vector<1x64xf32> to vector<800x64xf32>
      %add3A_38 = arith.addf %dot_general3A_33, %add3A_37 : vector<800x64xf32>
      %add3A_39 = arith.addf %get3A_16, %add3A_38 : vector<800x64xf32>
      %reduce_sum3A = arith.constant dense<0.000000e+00> : vector<800xf32>
      %reduce_sum3A_40 = vector.multi_reduction <add>, %add3A_39, %reduce_sum3A [1] : vector<800x64xf32> to vector<800xf32>
      %broadcast_in_dim3A = vector.shape_cast %reduce_sum3A_40 : vector<800xf32> to vector<800x1xf32>
      %div3A = arith.constant 6.400000e+01 : f32
      %div3A_41 = vector.broadcast %div3A : f32 to vector<800x1xf32>
      %div3A_42 = arith.divf %broadcast_in_dim3A, %div3A_41 : vector<800x1xf32>
      %sub3A = vector.broadcast %div3A_42 : vector<800x1xf32> to vector<800x64xf32>
      %sub3A_43 = arith.subf %add3A_39, %sub3A : vector<800x64xf32>
      %integer_pow3A = arith.mulf %sub3A_43, %sub3A_43 : vector<800x64xf32>
      %reduce_sum3A_44 = arith.constant dense<0.000000e+00> : vector<800xf32>
      %reduce_sum3A_45 = vector.multi_reduction <add>, %integer_pow3A, %reduce_sum3A_44 [1] : vector<800x64xf32> to vector<800xf32>
      %broadcast_in_dim3A_46 = vector.shape_cast %reduce_sum3A_45 : vector<800xf32> to vector<800x1xf32>
      %div3A_47 = arith.constant 6.400000e+01 : f32
      %div3A_48 = vector.broadcast %div3A_47 : f32 to vector<800x1xf32>
      %div3A_49 = arith.divf %broadcast_in_dim3A_46, %div3A_48 : vector<800x1xf32>
      %sub3A_50 = vector.broadcast %div3A_42 : vector<800x1xf32> to vector<800x64xf32>
      %sub3A_51 = arith.subf %add3A_39, %sub3A_50 : vector<800x64xf32>
      %add3A_52 = arith.constant 9.99999974E-6 : f32
      %add3A_53 = vector.broadcast %add3A_52 : f32 to vector<800x1xf32>
      %add3A_54 = arith.addf %div3A_49, %add3A_53 : vector<800x1xf32>
      %sqrt3A = math.sqrt %add3A_54 : vector<800x1xf32>
      %div3A_55 = vector.broadcast %sqrt3A : vector<800x1xf32> to vector<800x64xf32>
      %div3A_56 = arith.divf %sub3A_51, %div3A_55 : vector<800x64xf32>
      %get3A_57 = arith.constant 0 : index
      %get3A_58 = arith.constant 0 : index
      %get3A_59 = vector.load %arg6[%get3A_57, %get3A_58] : memref<1x64xf32, #tpu.memory_space<vmem>>, vector<1x64xf32>
      %mul3A = vector.broadcast %get3A_59 : vector<1x64xf32> to vector<800x64xf32>
      %mul3A_60 = arith.mulf %div3A_56, %mul3A : vector<800x64xf32>
      %get3A_61 = arith.constant 0 : index
      %get3A_62 = arith.constant 0 : index
      %get3A_63 = vector.load %arg7[%get3A_61, %get3A_62] : memref<1x64xf32, #tpu.memory_space<vmem>>, vector<1x64xf32>
      %add3A_64 = vector.broadcast %get3A_63 : vector<1x64xf32> to vector<800x64xf32>
      %add3A_65 = arith.addf %mul3A_60, %add3A_64 : vector<800x64xf32>
      %slice3A = vector.extract_strided_slice %add3A_65 {offsets = [784, 0], sizes = [16, 64], strides = [1, 1]} : vector<800x64xf32> to vector<16x64xf32>
      %get3A_66 = arith.constant 0 : index
      %get3A_67 = arith.constant 0 : index
      %get3A_68 = vector.load %arg12[%get3A_66, %get3A_67] : memref<64x64xf32, #tpu.memory_space<vmem>>, vector<64x64xf32>
      %dot_general3A_69 = arith.constant dense<0.000000e+00> : vector<16x64xf32>
      %dot_general3A_70 = tpu.matmul %slice3A, %get3A_68, %dot_general3A_69 {dimension_numbers = #tpu.dot_dimension_numbers<[1], [0], [0], [1], [0, 0, 1, 1], [], []>, precision = #tpu.contract_precision<fp32>, transpose_lhs_hint = false} : vector<16x64xf32>, vector<64x64xf32>, vector<16x64xf32> -> vector<16x64xf32>
      %get3A_71 = arith.constant 0 : index
      %get3A_72 = arith.constant 0 : index
      %get3A_73 = vector.load %arg13[%get3A_71, %get3A_72] : memref<1x64xf32, #tpu.memory_space<vmem>>, vector<1x64xf32>
      %add3A_74 = vector.broadcast %get3A_73 : vector<1x64xf32> to vector<16x64xf32>
      %add3A_75 = arith.addf %dot_general3A_70, %add3A_74 : vector<16x64xf32>
      %concatenate3A = tpu.concatenate %add3A_75, %add3A_75, %add3A_75, %add3A_75, %add3A_75, %add3A_75, %add3A_75, %add3A_75, %add3A_75, %add3A_75, %add3A_75, %add3A_75, %add3A_75, %add3A_75, %add3A_75, %add3A_75, %add3A_75, %add3A_75, %add3A_75, %add3A_75, %add3A_75, %add3A_75, %add3A_75, %add3A_75, %add3A_75, %add3A_75, %add3A_75, %add3A_75, %add3A_75, %add3A_75, %add3A_75, %add3A_75, %add3A_75, %add3A_75, %add3A_75, %add3A_75, %add3A_75, %add3A_75, %add3A_75, %add3A_75, %add3A_75, %add3A_75, %add3A_75, %add3A_75, %add3A_75, %add3A_75, %add3A_75, %add3A_75, %add3A_75, %add3A_75 in 0 : vector<16x64xf32>, vector<16x64xf32>, vector<16x64xf32>, vector<16x64xf32>, vector<16x64xf32>, vector<16x64xf32>, vector<16x64xf32>, vector<16x64xf32>, vector<16x64xf32>, vector<16x64xf32>, vector<16x64xf32>, vector<16x64xf32>, vector<16x64xf32>, vector<16x64xf32>, vector<16x64xf32>, vector<16x64xf32>, vector<16x64xf32>, vector<16x64xf32>, vector<16x64xf32>, vector<16x64xf32>, vector<16x64xf32>, vector<16x64xf32>, vector<16x64xf32>, vector<16x64xf32>, vector<16x64xf32>, vector<16x64xf32>, vector<16x64xf32>, vector<16x64xf32>, vector<16x64xf32>, vector<16x64xf32>, vector<16x64xf32>, vector<16x64xf32>, vector<16x64xf32>, vector<16x64xf32>, vector<16x64xf32>, vector<16x64xf32>, vector<16x64xf32>, vector<16x64xf32>, vector<16x64xf32>, vector<16x64xf32>, vector<16x64xf32>, vector<16x64xf32>, vector<16x64xf32>, vector<16x64xf32>, vector<16x64xf32>, vector<16x64xf32>, vector<16x64xf32>, vector<16x64xf32>, vector<16x64xf32>, vector<16x64xf32> -> vector<800x64xf32>
      %get3A_76 = arith.constant 0 : index
      %get3A_77 = arith.constant 0 : index
      %get3A_78 = vector.load %arg8[%get3A_76, %get3A_77] : memref<1x64xf32, #tpu.memory_space<vmem>>, vector<1x64xf32>
      %mul3A_79 = vector.broadcast %get3A_78 : vector<1x64xf32> to vector<800x64xf32>
      %mul3A_80 = arith.mulf %add3A_65, %mul3A_79 : vector<800x64xf32>
      %reduce_sum3A_81 = arith.constant dense<0.000000e+00> : vector<800xf32>
      %reduce_sum3A_82 = vector.multi_reduction <add>, %mul3A_80, %reduce_sum3A_81 [1] : vector<800x64xf32> to vector<800xf32>
      %broadcast_in_dim3A_83 = vector.shape_cast %reduce_sum3A_82 : vector<800xf32> to vector<800x1xf32>
      %get3A_84 = arith.constant 0 : index
      %get3A_85 = arith.constant 0 : index
      %get3A_86 = vector.load %arg9[%get3A_84, %get3A_85] : memref<1x1xf32, #tpu.memory_space<vmem>>, vector<1x1xf32>
      %add3A_87 = vector.broadcast %get3A_86 : vector<1x1xf32> to vector<800x1xf32>
      %add3A_88 = arith.addf %broadcast_in_dim3A_83, %add3A_87 : vector<800x1xf32>
      %logistic3A = arith.negf %add3A_88 : vector<800x1xf32>
      %logistic3A_89 = math.exp %logistic3A : vector<800x1xf32>
      %logistic3A_90 = arith.constant 1.000000e+00 : f32
      %logistic3A_91 = vector.broadcast %logistic3A_90 : f32 to vector<800x1xf32>
      %logistic3A_92 = arith.addf %logistic3A_91, %logistic3A_89 : vector<800x1xf32>
      %logistic3A_93 = arith.divf %logistic3A_91, %logistic3A_92 : vector<800x1xf32>
      %mul3A_94 = arith.mulf %add3A_65, %concatenate3A : vector<800x64xf32>
      %reduce_sum3A_95 = arith.constant dense<0.000000e+00> : vector<800xf32>
      %reduce_sum3A_96 = vector.multi_reduction <add>, %mul3A_94, %reduce_sum3A_95 [1] : vector<800x64xf32> to vector<800xf32>
      %broadcast_in_dim3A_97 = vector.shape_cast %reduce_sum3A_96 : vector<800xf32> to vector<800x1xf32>
      %get3A_98 = arith.constant 0 : index
      %get3A_99 = arith.constant 0 : index
      %get3A_100 = vector.load %arg10[%get3A_98, %get3A_99] : memref<1x64xf32, #tpu.memory_space<vmem>>, vector<1x64xf32>
      %mul3A_101 = vector.broadcast %get3A_100 : vector<1x64xf32> to vector<800x64xf32>
      %mul3A_102 = arith.mulf %add3A_65, %mul3A_101 : vector<800x64xf32>
      %reduce_sum3A_103 = arith.constant dense<0.000000e+00> : vector<800xf32>
      %reduce_sum3A_104 = vector.multi_reduction <add>, %mul3A_102, %reduce_sum3A_103 [1] : vector<800x64xf32> to vector<800xf32>
      %broadcast_in_dim3A_105 = vector.shape_cast %reduce_sum3A_104 : vector<800xf32> to vector<800x1xf32>
      %get3A_106 = arith.constant 0 : index
      %get3A_107 = arith.constant 0 : index
      %get3A_108 = vector.load %arg11[%get3A_106, %get3A_107] : memref<1x1xf32, #tpu.memory_space<vmem>>, vector<1x1xf32>
      %add3A_109 = vector.broadcast %get3A_108 : vector<1x1xf32> to vector<800x1xf32>
      %add3A_110 = arith.addf %broadcast_in_dim3A_105, %add3A_109 : vector<800x1xf32>
      %slice3A_111 = vector.extract_strided_slice %add3A_65 {offsets = [0, 0], sizes = [16, 64], strides = [1, 1]} : vector<800x64xf32> to vector<16x64xf32>
      %swap3A_112 = arith.constant 0 : index
      %swap3A_113 = arith.constant 0 : index
      %swap3A_114 = arith.constant 0 : index
      %swap3A_115 = vector.load %arg20[%swap3A_112, %swap3A_113, %swap3A_114] : memref<50x16x64xf32, #tpu.memory_space<vmem>>, vector<1x16x64xf32>
      %swap3A_116 = vector.shape_cast %swap3A_115 : vector<1x16x64xf32> to vector<16x64xf32>
      %swap3A_117 = vector.shape_cast %slice3A_111 : vector<16x64xf32> to vector<1x16x64xf32>
      tpu.vector_store %arg20[%swap3A_112, %swap3A_113, %swap3A_114], %swap3A_117 {strides = array<i32>} : memref<50x16x64xf32, #tpu.memory_space<vmem>>, vector<1x16x64xf32>,
      %slice3A_118 = vector.extract_strided_slice %logistic3A_93 {offsets = [0, 0], sizes = [16, 1], strides = [1, 1]} : vector<800x1xf32> to vector<16x1xf32>
      %swap3A_119 = arith.constant 0 : index
      %swap3A_120 = arith.constant 0 : index
      %swap3A_121 = arith.constant 0 : index
      %swap3A_122 = vector.load %arg21[%swap3A_119, %swap3A_120, %swap3A_121] : memref<50x16x1xf32, #tpu.memory_space<vmem>>, vector<1x16x1xf32>
      %swap3A_123 = vector.shape_cast %swap3A_122 : vector<1x16x1xf32> to vector<16x1xf32>
      %swap3A_124 = vector.shape_cast %slice3A_118 : vector<16x1xf32> to vector<1x16x1xf32>
      tpu.vector_store %arg21[%swap3A_119, %swap3A_120, %swap3A_121], %swap3A_124 {strides = array<i32>} : memref<50x16x1xf32, #tpu.memory_space<vmem>>, vector<1x16x1xf32>,
      %slice3A_125 = vector.extract_strided_slice %broadcast_in_dim3A_97 {offsets = [0, 0], sizes = [16, 1], strides = [1, 1]} : vector<800x1xf32> to vector<16x1xf32>
      %swap3A_126 = arith.constant 0 : index
      %swap3A_127 = arith.constant 0 : index
      %swap3A_128 = arith.constant 0 : index
      %swap3A_129 = vector.load %arg22[%swap3A_126, %swap3A_127, %swap3A_128] : memref<50x16x1xf32, #tpu.memory_space<vmem>>, vector<1x16x1xf32>
      %swap3A_130 = vector.shape_cast %swap3A_129 : vector<1x16x1xf32> to vector<16x1xf32>
      %swap3A_131 = vector.shape_cast %slice3A_125 : vector<16x1xf32> to vector<1x16x1xf32>
      tpu.vector_store %arg22[%swap3A_126, %swap3A_127, %swap3A_128], %swap3A_131 {strides = array<i32>} : memref<50x16x1xf32, #tpu.memory_space<vmem>>, vector<1x16x1xf32>,
      %slice3A_132 = vector.extract_strided_slice %add3A_110 {offsets = [0, 0], sizes = [16, 1], strides = [1, 1]} : vector<800x1xf32> to vector<16x1xf32>
      %swap3A_133 = arith.constant 0 : index
      %swap3A_134 = arith.constant 0 : index
      %swap3A_135 = arith.constant 0 : index
      %swap3A_136 = vector.load %arg23[%swap3A_133, %swap3A_134, %swap3A_135] : memref<50x16x1xf32, #tpu.memory_space<vmem>>, vector<1x16x1xf32>
      %swap3A_137 = vector.shape_cast %swap3A_136 : vector<1x16x1xf32> to vector<16x1xf32>
      %swap3A_138 = vector.shape_cast %slice3A_132 : vector<16x1xf32> to vector<1x16x1xf32>
      tpu.vector_store %arg23[%swap3A_133, %swap3A_134, %swap3A_135], %swap3A_138 {strides = array<i32>} : memref<50x16x1xf32, #tpu.memory_space<vmem>>, vector<1x16x1xf32>,
      %slice3A_139 = vector.extract_strided_slice %add3A_65 {offsets = [16, 0], sizes = [16, 64], strides = [1, 1]} : vector<800x64xf32> to vector<16x64xf32>
      %swap3A_140 = arith.constant 1 : index
      %swap3A_141 = arith.constant 0 : index
      %swap3A_142 = arith.constant 0 : index
      %swap3A_143 = vector.load %arg20[%swap3A_140, %swap3A_141, %swap3A_142] : memref<50x16x64xf32, #tpu.memory_space<vmem>>, vector<1x16x64xf32>
      %swap3A_144 = vector.shape_cast %swap3A_143 : vector<1x16x64xf32> to vector<16x64xf32>
      %swap3A_145 = vector.shape_cast %slice3A_139 : vector<16x64xf32> to vector<1x16x64xf32>
      tpu.vector_store %arg20[%swap3A_140, %swap3A_141, %swap3A_142], %swap3A_145 {strides = array<i32>} : memref<50x16x64xf32, #tpu.memory_space<vmem>>, vector<1x16x64xf32>,
      %slice3A_146 = vector.extract_strided_slice %logistic3A_93 {offsets = [16, 0], sizes = [16, 1], strides = [1, 1]} : vector<800x1xf32> to vector<16x1xf32>
      %swap3A_147 = arith.constant 1 : index
      %swap3A_148 = arith.constant 0 : index
      %swap3A_149 = arith.constant 0 : index
      %swap3A_150 = vector.load %arg21[%swap3A_147, %swap3A_148, %swap3A_149] : memref<50x16x1xf32, #tpu.memory_space<vmem>>, vector<1x16x1xf32>
      %swap3A_151 = vector.shape_cast %swap3A_150 : vector<1x16x1xf32> to vector<16x1xf32>
      %swap3A_152 = vector.shape_cast %slice3A_146 : vector<16x1xf32> to vector<1x16x1xf32>
      tpu.vector_store %arg21[%swap3A_147, %swap3A_148, %swap3A_149], %swap3A_152 {strides = array<i32>} : memref<50x16x1xf32, #tpu.memory_space<vmem>>, vector<1x16x1xf32>,
      %slice3A_153 = vector.extract_strided_slice %broadcast_in_dim3A_97 {offsets = [16, 0], sizes = [16, 1], strides = [1, 1]} : vector<800x1xf32> to vector<16x1xf32>
      %swap3A_154 = arith.constant 1 : index
      %swap3A_155 = arith.constant 0 : index
      %swap3A_156 = arith.constant 0 : index
      %swap3A_157 = vector.load %arg22[%swap3A_154, %swap3A_155, %swap3A_156] : memref<50x16x1xf32, #tpu.memory_space<vmem>>, vector<1x16x1xf32>
      %swap3A_158 = vector.shape_cast %swap3A_157 : vector<1x16x1xf32> to vector<16x1xf32>
      %swap3A_159 = vector.shape_cast %slice3A_153 : vector<16x1xf32> to vector<1x16x1xf32>
      tpu.vector_store %arg22[%swap3A_154, %swap3A_155, %swap3A_156], %swap3A_159 {strides = array<i32>} : memref<50x16x1xf32, #tpu.memory_space<vmem>>, vector<1x16x1xf32>,
      %slice3A_160 = vector.extract_strided_slice %add3A_110 {offsets = [16, 0], sizes = [16, 1], strides = [1, 1]} : vector<800x1xf32> to vector<16x1xf32>
      %swap3A_161 = arith.constant 1 : index
      %swap3A_162 = arith.constant 0 : index
      %swap3A_163 = arith.constant 0 : index
      %swap3A_164 = vector.load %arg23[%swap3A_161, %swap3A_162, %swap3A_163] : memref<50x16x1xf32, #tpu.memory_space<vmem>>, vector<1x16x1xf32>
      %swap3A_165 = vector.shape_cast %swap3A_164 : vector<1x16x1xf32> to vector<16x1xf32>
      %swap3A_166 = vector.shape_cast %slice3A_160 : vector<16x1xf32> to vector<1x16x1xf32>
      tpu.vector_store %arg23[%swap3A_161, %swap3A_162, %swap3A_163], %swap3A_166 {strides = array<i32>} : memref<50x16x1xf32, #tpu.memory_space<vmem>>, vector<1x16x1xf32>,
      %slice3A_167 = vector.extract_strided_slice %add3A_65 {offsets = [32, 0], sizes = [16, 64], strides = [1, 1]} : vector<800x64xf32> to vector<16x64xf32>
      %swap3A_168 = arith.constant 2 : index
      %swap3A_169 = arith.constant 0 : index
      %swap3A_170 = arith.constant 0 : index
      %swap3A_171 = vector.load %arg20[%swap3A_168, %swap3A_169, %swap3A_170] : memref<50x16x64xf32, #tpu.memory_space<vmem>>, vector<1x16x64xf32>
      %swap3A_172 = vector.shape_cast %swap3A_171 : vector<1x16x64xf32> to vector<16x64xf32>
      %swap3A_173 = vector.shape_cast %slice3A_167 : vector<16x64xf32> to vector<1x16x64xf32>
      tpu.vector_store %arg20[%swap3A_168, %swap3A_169, %swap3A_170], %swap3A_173 {strides = array<i32>} : memref<50x16x64xf32, #tpu.memory_space<vmem>>, vector<1x16x64xf32>,
      %slice3A_174 = vector.extract_strided_slice %logistic3A_93 {offsets = [32, 0], sizes = [16, 1], strides = [1, 1]} : vector<800x1xf32> to vector<16x1xf32>
      %swap3A_175 = arith.constant 2 : index
      %swap3A_176 = arith.constant 0 : index
      %swap3A_177 = arith.constant 0 : index
      %swap3A_178 = vector.load %arg21[%swap3A_175, %swap3A_176, %swap3A_177] : memref<50x16x1xf32, #tpu.memory_space<vmem>>, vector<1x16x1xf32>
      %swap3A_179 = vector.shape_cast %swap3A_178 : vector<1x16x1xf32> to vector<16x1xf32>
      %swap3A_180 = vector.shape_cast %slice3A_174 : vector<16x1xf32> to vector<1x16x1xf32>
      tpu.vector_store %arg21[%swap3A_175, %swap3A_176, %swap3A_177], %swap3A_180 {strides = array<i32>} : memref<50x16x1xf32, #tpu.memory_space<vmem>>, vector<1x16x1xf32>,
      %slice3A_181 = vector.extract_strided_slice %broadcast_in_dim3A_97 {offsets = [32, 0], sizes = [16, 1], strides = [1, 1]} : vector<800x1xf32> to vector<16x1xf32>
      %swap3A_182 = arith.constant 2 : index
      %swap3A_183 = arith.constant 0 : index
      %swap3A_184 = arith.constant 0 : index
      %swap3A_185 = vector.load %arg22[%swap3A_182, %swap3A_183, %swap3A_184] : memref<50x16x1xf32, #tpu.memory_space<vmem>>, vector<1x16x1xf32>
      %swap3A_186 = vector.shape_cast %swap3A_185 : vector<1x16x1xf32> to vector<16x1xf32>
      %swap3A_187 = vector.shape_cast %slice3A_181 : vector<16x1xf32> to vector<1x16x1xf32>
      tpu.vector_store %arg22[%swap3A_182, %swap3A_183, %swap3A_184], %swap3A_187 {strides = array<i32>} : memref<50x16x1xf32, #tpu.memory_space<vmem>>, vector<1x16x1xf32>,
      %slice3A_188 = vector.extract_strided_slice %add3A_110 {offsets = [32, 0], sizes = [16, 1], strides = [1, 1]} : vector<800x1xf32> to vector<16x1xf32>
      %swap3A_189 = arith.constant 2 : index
      %swap3A_190 = arith.constant 0 : index
      %swap3A_191 = arith.constant 0 : index
      %swap3A_192 = vector.load %arg23[%swap3A_189, %swap3A_190, %swap3A_191] : memref<50x16x1xf32, #tpu.memory_space<vmem>>, vector<1x16x1xf32>
      %swap3A_193 = vector.shape_cast %swap3A_192 : vector<1x16x1xf32> to vector<16x1xf32>
      %swap3A_194 = vector.shape_cast %slice3A_188 : vector<16x1xf32> to vector<1x16x1xf32>
      tpu.vector_store %arg23[%swap3A_189, %swap3A_190, %swap3A_191], %swap3A_194 {strides = array<i32>} : memref<50x16x1xf32, #tpu.memory_space<vmem>>, vector<1x16x1xf32>,
      %slice3A_195 = vector.extract_strided_slice %add3A_65 {offsets = [48, 0], sizes = [16, 64], strides = [1, 1]} : vector<800x64xf32> to vector<16x64xf32>
      %swap3A_196 = arith.constant 3 : index
      %swap3A_197 = arith.constant 0 : index
      %swap3A_198 = arith.constant 0 : index
      %swap3A_199 = vector.load %arg20[%swap3A_196, %swap3A_197, %swap3A_198] : memref<50x16x64xf32, #tpu.memory_space<vmem>>, vector<1x16x64xf32>
      %swap3A_200 = vector.shape_cast %swap3A_199 : vector<1x16x64xf32> to vector<16x64xf32>
      %swap3A_201 = vector.shape_cast %slice3A_195 : vector<16x64xf32> to vector<1x16x64xf32>
      tpu.vector_store %arg20[%swap3A_196, %swap3A_197, %swap3A_198], %swap3A_201 {strides = array<i32>} : memref<50x16x64xf32, #tpu.memory_space<vmem>>, vector<1x16x64xf32>,
      %slice3A_202 = vector.extract_strided_slice %logistic3A_93 {offsets = [48, 0], sizes = [16, 1], strides = [1, 1]} : vector<800x1xf32> to vector<16x1xf32>
      %swap3A_203 = arith.constant 3 : index
      %swap3A_204 = arith.constant 0 : index
      %swap3A_205 = arith.constant 0 : index
      %swap3A_206 = vector.load %arg21[%swap3A_203, %swap3A_204, %swap3A_205] : memref<50x16x1xf32, #tpu.memory_space<vmem>>, vector<1x16x1xf32>
      %swap3A_207 = vector.shape_cast %swap3A_206 : vector<1x16x1xf32> to vector<16x1xf32>
      %swap3A_208 = vector.shape_cast %slice3A_202 : vector<16x1xf32> to vector<1x16x1xf32>
      tpu.vector_store %arg21[%swap3A_203, %swap3A_204, %swap3A_205], %swap3A_208 {strides = array<i32>} : memref<50x16x1xf32, #tpu.memory_space<vmem>>, vector<1x16x1xf32>,
      %slice3A_209 = vector.extract_strided_slice %broadcast_in_dim3A_97 {offsets = [48, 0], sizes = [16, 1], strides = [1, 1]} : vector<800x1xf32> to vector<16x1xf32>
      %swap3A_210 = arith.constant 3 : index
      %swap3A_211 = arith.constant 0 : index
      %swap3A_212 = arith.constant 0 : index
      %swap3A_213 = vector.load %arg22[%swap3A_210, %swap3A_211, %swap3A_212] : memref<50x16x1xf32, #tpu.memory_space<vmem>>, vector<1x16x1xf32>
      %swap3A_214 = vector.shape_cast %swap3A_213 : vector<1x16x1xf32> to vector<16x1xf32>
      %swap3A_215 = vector.shape_cast %slice3A_209 : vector<16x1xf32> to vector<1x16x1xf32>
      tpu.vector_store %arg22[%swap3A_210, %swap3A_211, %swap3A_212], %swap3A_215 {strides = array<i32>} : memref<50x16x1xf32, #tpu.memory_space<vmem>>, vector<1x16x1xf32>,
      %slice3A_216 = vector.extract_strided_slice %add3A_110 {offsets = [48, 0], sizes = [16, 1], strides = [1, 1]} : vector<800x1xf32> to vector<16x1xf32>
      %swap3A_217 = arith.constant 3 : index
      %swap3A_218 = arith.constant 0 : index
      %swap3A_219 = arith.constant 0 : index
      %swap3A_220 = vector.load %arg23[%swap3A_217, %swap3A_218, %swap3A_219] : memref<50x16x1xf32, #tpu.memory_space<vmem>>, vector<1x16x1xf32>
      %swap3A_221 = vector.shape_cast %swap3A_220 : vector<1x16x1xf32> to vector<16x1xf32>
      %swap3A_222 = vector.shape_cast %slice3A_216 : vector<16x1xf32> to vector<1x16x1xf32>
      tpu.vector_store %arg23[%swap3A_217, %swap3A_218, %swap3A_219], %swap3A_222 {strides = array<i32>} : memref<50x16x1xf32, #tpu.memory_space<vmem>>, vector<1x16x1xf32>,
      %slice3A_223 = vector.extract_strided_slice %add3A_65 {offsets = [64, 0], sizes = [16, 64], strides = [1, 1]} : vector<800x64xf32> to vector<16x64xf32>
      %swap3A_224 = arith.constant 4 : index
      %swap3A_225 = arith.constant 0 : index
      %swap3A_226 = arith.constant 0 : index
      %swap3A_227 = vector.load %arg20[%swap3A_224, %swap3A_225, %swap3A_226] : memref<50x16x64xf32, #tpu.memory_space<vmem>>, vector<1x16x64xf32>
      %swap3A_228 = vector.shape_cast %swap3A_227 : vector<1x16x64xf32> to vector<16x64xf32>
      %swap3A_229 = vector.shape_cast %slice3A_223 : vector<16x64xf32> to vector<1x16x64xf32>
      tpu.vector_store %arg20[%swap3A_224, %swap3A_225, %swap3A_226], %swap3A_229 {strides = array<i32>} : memref<50x16x64xf32, #tpu.memory_space<vmem>>, vector<1x16x64xf32>,
      %slice3A_230 = vector.extract_strided_slice %logistic3A_93 {offsets = [64, 0], sizes = [16, 1], strides = [1, 1]} : vector<800x1xf32> to vector<16x1xf32>
      %swap3A_231 = arith.constant 4 : index
      %swap3A_232 = arith.constant 0 : index
      %swap3A_233 = arith.constant 0 : index
      %swap3A_234 = vector.load %arg21[%swap3A_231, %swap3A_232, %swap3A_233] : memref<50x16x1xf32, #tpu.memory_space<vmem>>, vector<1x16x1xf32>
      %swap3A_235 = vector.shape_cast %swap3A_234 : vector<1x16x1xf32> to vector<16x1xf32>
      %swap3A_236 = vector.shape_cast %slice3A_230 : vector<16x1xf32> to vector<1x16x1xf32>
      tpu.vector_store %arg21[%swap3A_231, %swap3A_232, %swap3A_233], %swap3A_236 {strides = array<i32>} : memref<50x16x1xf32, #tpu.memory_space<vmem>>, vector<1x16x1xf32>,
      %slice3A_237 = vector.extract_strided_slice %broadcast_in_dim3A_97 {offsets = [64, 0], sizes = [16, 1], strides = [1, 1]} : vector<800x1xf32> to vector<16x1xf32>
      %swap3A_238 = arith.constant 4 : index
      %swap3A_239 = arith.constant 0 : index
      %swap3A_240 = arith.constant 0 : index
      %swap3A_241 = vector.load %arg22[%swap3A_238, %swap3A_239, %swap3A_240] : memref<50x16x1xf32, #tpu.memory_space<vmem>>, vector<1x16x1xf32>
      %swap3A_242 = vector.shape_cast %swap3A_241 : vector<1x16x1xf32> to vector<16x1xf32>
      %swap3A_243 = vector.shape_cast %slice3A_237 : vector<16x1xf32> to vector<1x16x1xf32>
      tpu.vector_store %arg22[%swap3A_238, %swap3A_239, %swap3A_240], %swap3A_243 {strides = array<i32>} : memref<50x16x1xf32, #tpu.memory_space<vmem>>, vector<1x16x1xf32>,
      %slice3A_244 = vector.extract_strided_slice %add3A_110 {offsets = [64, 0], sizes = [16, 1], strides = [1, 1]} : vector<800x1xf32> to vector<16x1xf32>
      %swap3A_245 = arith.constant 4 : index
      %swap3A_246 = arith.constant 0 : index
      %swap3A_247 = arith.constant 0 : index
      %swap3A_248 = vector.load %arg23[%swap3A_245, %swap3A_246, %swap3A_247] : memref<50x16x1xf32, #tpu.memory_space<vmem>>, vector<1x16x1xf32>
      %swap3A_249 = vector.shape_cast %swap3A_248 : vector<1x16x1xf32> to vector<16x1xf32>
      %swap3A_250 = vector.shape_cast %slice3A_244 : vector<16x1xf32> to vector<1x16x1xf32>
      tpu.vector_store %arg23[%swap3A_245, %swap3A_246, %swap3A_247], %swap3A_250 {strides = array<i32>} : memref<50x16x1xf32, #tpu.memory_space<vmem>>, vector<1x16x1xf32>,
      %slice3A_251 = vector.extract_strided_slice %add3A_65 {offsets = [80, 0], sizes = [16, 64], strides = [1, 1]} : vector<800x64xf32> to vector<16x64xf32>
      %swap3A_252 = arith.constant 5 : index
      %swap3A_253 = arith.constant 0 : index
      %swap3A_254 = arith.constant 0 : index
      %swap3A_255 = vector.load %arg20[%swap3A_252, %swap3A_253, %swap3A_254] : memref<50x16x64xf32, #tpu.memory_space<vmem>>, vector<1x16x64xf32>
      %swap3A_256 = vector.shape_cast %swap3A_255 : vector<1x16x64xf32> to vector<16x64xf32>
      %swap3A_257 = vector.shape_cast %slice3A_251 : vector<16x64xf32> to vector<1x16x64xf32>
      tpu.vector_store %arg20[%swap3A_252, %swap3A_253, %swap3A_254], %swap3A_257 {strides = array<i32>} : memref<50x16x64xf32, #tpu.memory_space<vmem>>, vector<1x16x64xf32>,
      %slice3A_258 = vector.extract_strided_slice %logistic3A_93 {offsets = [80, 0], sizes = [16, 1], strides = [1, 1]} : vector<800x1xf32> to vector<16x1xf32>
      %swap3A_259 = arith.constant 5 : index
      %swap3A_260 = arith.constant 0 : index
      %swap3A_261 = arith.constant 0 : index
      %swap3A_262 = vector.load %arg21[%swap3A_259, %swap3A_260, %swap3A_261] : memref<50x16x1xf32, #tpu.memory_space<vmem>>, vector<1x16x1xf32>
      %swap3A_263 = vector.shape_cast %swap3A_262 : vector<1x16x1xf32> to vector<16x1xf32>
      %swap3A_264 = vector.shape_cast %slice3A_258 : vector<16x1xf32> to vector<1x16x1xf32>
      tpu.vector_store %arg21[%swap3A_259, %swap3A_260, %swap3A_261], %swap3A_264 {strides = array<i32>} : memref<50x16x1xf32, #tpu.memory_space<vmem>>, vector<1x16x1xf32>,
      %slice3A_265 = vector.extract_strided_slice %broadcast_in_dim3A_97 {offsets = [80, 0], sizes = [16, 1], strides = [1, 1]} : vector<800x1xf32> to vector<16x1xf32>
      %swap3A_266 = arith.constant 5 : index
      %swap3A_267 = arith.constant 0 : index
      %swap3A_268 = arith.constant 0 : index
      %swap3A_269 = vector.load %arg22[%swap3A_266, %swap3A_267, %swap3A_268] : memref<50x16x1xf32, #tpu.memory_space<vmem>>, vector<1x16x1xf32>
      %swap3A_270 = vector.shape_cast %swap3A_269 : vector<1x16x1xf32> to vector<16x1xf32>
      %swap3A_271 = vector.shape_cast %slice3A_265 : vector<16x1xf32> to vector<1x16x1xf32>
      tpu.vector_store %arg22[%swap3A_266, %swap3A_267, %swap3A_268], %swap3A_271 {strides = array<i32>} : memref<50x16x1xf32, #tpu.memory_space<vmem>>, vector<1x16x1xf32>,
      %slice3A_272 = vector.extract_strided_slice %add3A_110 {offsets = [80, 0], sizes = [16, 1], strides = [1, 1]} : vector<800x1xf32> to vector<16x1xf32>
      %swap3A_273 = arith.constant 5 : index
      %swap3A_274 = arith.constant 0 : index
      %swap3A_275 = arith.constant 0 : index
      %swap3A_276 = vector.load %arg23[%swap3A_273, %swap3A_274, %swap3A_275] : memref<50x16x1xf32, #tpu.memory_space<vmem>>, vector<1x16x1xf32>
      %swap3A_277 = vector.shape_cast %swap3A_276 : vector<1x16x1xf32> to vector<16x1xf32>
      %swap3A_278 = vector.shape_cast %slice3A_272 : vector<16x1xf32> to vector<1x16x1xf32>
      tpu.vector_store %arg23[%swap3A_273, %swap3A_274, %swap3A_275], %swap3A_278 {strides = array<i32>} : memref<50x16x1xf32, #tpu.memory_space<vmem>>, vector<1x16x1xf32>,
      %slice3A_279 = vector.extract_strided_slice %add3A_65 {offsets = [96, 0], sizes = [16, 64], strides = [1, 1]} : vector<800x64xf32> to vector<16x64xf32>
      %swap3A_280 = arith.constant 6 : index
      %swap3A_281 = arith.constant 0 : index
      %swap3A_282 = arith.constant 0 : index
      %swap3A_283 = vector.load %arg20[%swap3A_280, %swap3A_281, %swap3A_282] : memref<50x16x64xf32, #tpu.memory_space<vmem>>, vector<1x16x64xf32>
      %swap3A_284 = vector.shape_cast %swap3A_283 : vector<1x16x64xf32> to vector<16x64xf32>
      %swap3A_285 = vector.shape_cast %slice3A_279 : vector<16x64xf32> to vector<1x16x64xf32>
      tpu.vector_store %arg20[%swap3A_280, %swap3A_281, %swap3A_282], %swap3A_285 {strides = array<i32>} : memref<50x16x64xf32, #tpu.memory_space<vmem>>, vector<1x16x64xf32>,
      %slice3A_286 = vector.extract_strided_slice %logistic3A_93 {offsets = [96, 0], sizes = [16, 1], strides = [1, 1]} : vector<800x1xf32> to vector<16x1xf32>
      %swap3A_287 = arith.constant 6 : index
      %swap3A_288 = arith.constant 0 : index
      %swap3A_289 = arith.constant 0 : index
      %swap3A_290 = vector.load %arg21[%swap3A_287, %swap3A_288, %swap3A_289] : memref<50x16x1xf32, #tpu.memory_space<vmem>>, vector<1x16x1xf32>
      %swap3A_291 = vector.shape_cast %swap3A_290 : vector<1x16x1xf32> to vector<16x1xf32>
      %swap3A_292 = vector.shape_cast %slice3A_286 : vector<16x1xf32> to vector<1x16x1xf32>
      tpu.vector_store %arg21[%swap3A_287, %swap3A_288, %swap3A_289], %swap3A_292 {strides = array<i32>} : memref<50x16x1xf32, #tpu.memory_space<vmem>>, vector<1x16x1xf32>,
      %slice3A_293 = vector.extract_strided_slice %broadcast_in_dim3A_97 {offsets = [96, 0], sizes = [16, 1], strides = [1, 1]} : vector<800x1xf32> to vector<16x1xf32>
      %swap3A_294 = arith.constant 6 : index
      %swap3A_295 = arith.constant 0 : index
      %swap3A_296 = arith.constant 0 : index
      %swap3A_297 = vector.load %arg22[%swap3A_294, %swap3A_295, %swap3A_296] : memref<50x16x1xf32, #tpu.memory_space<vmem>>, vector<1x16x1xf32>
      %swap3A_298 = vector.shape_cast %swap3A_297 : vector<1x16x1xf32> to vector<16x1xf32>
      %swap3A_299 = vector.shape_cast %slice3A_293 : vector<16x1xf32> to vector<1x16x1xf32>
      tpu.vector_store %arg22[%swap3A_294, %swap3A_295, %swap3A_296], %swap3A_299 {strides = array<i32>} : memref<50x16x1xf32, #tpu.memory_space<vmem>>, vector<1x16x1xf32>,
      %slice3A_300 = vector.extract_strided_slice %add3A_110 {offsets = [96, 0], sizes = [16, 1], strides = [1, 1]} : vector<800x1xf32> to vector<16x1xf32>
      %swap3A_301 = arith.constant 6 : index
      %swap3A_302 = arith.constant 0 : index
      %swap3A_303 = arith.constant 0 : index
      %swap3A_304 = vector.load %arg23[%swap3A_301, %swap3A_302, %swap3A_303] : memref<50x16x1xf32, #tpu.memory_space<vmem>>, vector<1x16x1xf32>
      %swap3A_305 = vector.shape_cast %swap3A_304 : vector<1x16x1xf32> to vector<16x1xf32>
      %swap3A_306 = vector.shape_cast %slice3A_300 : vector<16x1xf32> to vector<1x16x1xf32>
      tpu.vector_store %arg23[%swap3A_301, %swap3A_302, %swap3A_303], %swap3A_306 {strides = array<i32>} : memref<50x16x1xf32, #tpu.memory_space<vmem>>, vector<1x16x1xf32>,
      %slice3A_307 = vector.extract_strided_slice %add3A_65 {offsets = [112, 0], sizes = [16, 64], strides = [1, 1]} : vector<800x64xf32> to vector<16x64xf32>
      %swap3A_308 = arith.constant 7 : index
      %swap3A_309 = arith.constant 0 : index
      %swap3A_310 = arith.constant 0 : index
      %swap3A_311 = vector.load %arg20[%swap3A_308, %swap3A_309, %swap3A_310] : memref<50x16x64xf32, #tpu.memory_space<vmem>>, vector<1x16x64xf32>
      %swap3A_312 = vector.shape_cast %swap3A_311 : vector<1x16x64xf32> to vector<16x64xf32>
      %swap3A_313 = vector.shape_cast %slice3A_307 : vector<16x64xf32> to vector<1x16x64xf32>
      tpu.vector_store %arg20[%swap3A_308, %swap3A_309, %swap3A_310], %swap3A_313 {strides = array<i32>} : memref<50x16x64xf32, #tpu.memory_space<vmem>>, vector<1x16x64xf32>,
      %slice3A_314 = vector.extract_strided_slice %logistic3A_93 {offsets = [112, 0], sizes = [16, 1], strides = [1, 1]} : vector<800x1xf32> to vector<16x1xf32>
      %swap3A_315 = arith.constant 7 : index
      %swap3A_316 = arith.constant 0 : index
      %swap3A_317 = arith.constant 0 : index
      %swap3A_318 = vector.load %arg21[%swap3A_315, %swap3A_316, %swap3A_317] : memref<50x16x1xf32, #tpu.memory_space<vmem>>, vector<1x16x1xf32>
      %swap3A_319 = vector.shape_cast %swap3A_318 : vector<1x16x1xf32> to vector<16x1xf32>
      %swap3A_320 = vector.shape_cast %slice3A_314 : vector<16x1xf32> to vector<1x16x1xf32>
      tpu.vector_store %arg21[%swap3A_315, %swap3A_316, %swap3A_317], %swap3A_320 {strides = array<i32>} : memref<50x16x1xf32, #tpu.memory_space<vmem>>, vector<1x16x1xf32>,
      %slice3A_321 = vector.extract_strided_slice %broadcast_in_dim3A_97 {offsets = [112, 0], sizes = [16, 1], strides = [1, 1]} : vector<800x1xf32> to vector<16x1xf32>
      %swap3A_322 = arith.constant 7 : index
      %swap3A_323 = arith.constant 0 : index
      %swap3A_324 = arith.constant 0 : index
      %swap3A_325 = vector.load %arg22[%swap3A_322, %swap3A_323, %swap3A_324] : memref<50x16x1xf32, #tpu.memory_space<vmem>>, vector<1x16x1xf32>
      %swap3A_326 = vector.shape_cast %swap3A_325 : vector<1x16x1xf32> to vector<16x1xf32>
      %swap3A_327 = vector.shape_cast %slice3A_321 : vector<16x1xf32> to vector<1x16x1xf32>
      tpu.vector_store %arg22[%swap3A_322, %swap3A_323, %swap3A_324], %swap3A_327 {strides = array<i32>} : memref<50x16x1xf32, #tpu.memory_space<vmem>>, vector<1x16x1xf32>,
      %slice3A_328 = vector.extract_strided_slice %add3A_110 {offsets = [112, 0], sizes = [16, 1], strides = [1, 1]} : vector<800x1xf32> to vector<16x1xf32>
      %swap3A_329 = arith.constant 7 : index
      %swap3A_330 = arith.constant 0 : index
      %swap3A_331 = arith.constant 0 : index
      %swap3A_332 = vector.load %arg23[%swap3A_329, %swap3A_330, %swap3A_331] : memref<50x16x1xf32, #tpu.memory_space<vmem>>, vector<1x16x1xf32>
      %swap3A_333 = vector.shape_cast %swap3A_332 : vector<1x16x1xf32> to vector<16x1xf32>
      %swap3A_334 = vector.shape_cast %slice3A_328 : vector<16x1xf32> to vector<1x16x1xf32>
      tpu.vector_store %arg23[%swap3A_329, %swap3A_330, %swap3A_331], %swap3A_334 {strides = array<i32>} : memref<50x16x1xf32, #tpu.memory_space<vmem>>, vector<1x16x1xf32>,
      %slice3A_335 = vector.extract_strided_slice %add3A_65 {offsets = [128, 0], sizes = [16, 64], strides = [1, 1]} : vector<800x64xf32> to vector<16x64xf32>
      %swap3A_336 = arith.constant 8 : index
      %swap3A_337 = arith.constant 0 : index
      %swap3A_338 = arith.constant 0 : index
      %swap3A_339 = vector.load %arg20[%swap3A_336, %swap3A_337, %swap3A_338] : memref<50x16x64xf32, #tpu.memory_space<vmem>>, vector<1x16x64xf32>
      %swap3A_340 = vector.shape_cast %swap3A_339 : vector<1x16x64xf32> to vector<16x64xf32>
      %swap3A_341 = vector.shape_cast %slice3A_335 : vector<16x64xf32> to vector<1x16x64xf32>
      tpu.vector_store %arg20[%swap3A_336, %swap3A_337, %swap3A_338], %swap3A_341 {strides = array<i32>} : memref<50x16x64xf32, #tpu.memory_space<vmem>>, vector<1x16x64xf32>,
      %slice3A_342 = vector.extract_strided_slice %logistic3A_93 {offsets = [128, 0], sizes = [16, 1], strides = [1, 1]} : vector<800x1xf32> to vector<16x1xf32>
      %swap3A_343 = arith.constant 8 : index
      %swap3A_344 = arith.constant 0 : index
      %swap3A_345 = arith.constant 0 : index
      %swap3A_346 = vector.load %arg21[%swap3A_343, %swap3A_344, %swap3A_345] : memref<50x16x1xf32, #tpu.memory_space<vmem>>, vector<1x16x1xf32>
      %swap3A_347 = vector.shape_cast %swap3A_346 : vector<1x16x1xf32> to vector<16x1xf32>
      %swap3A_348 = vector.shape_cast %slice3A_342 : vector<16x1xf32> to vector<1x16x1xf32>
      tpu.vector_store %arg21[%swap3A_343, %swap3A_344, %swap3A_345], %swap3A_348 {strides = array<i32>} : memref<50x16x1xf32, #tpu.memory_space<vmem>>, vector<1x16x1xf32>,
      %slice3A_349 = vector.extract_strided_slice %broadcast_in_dim3A_97 {offsets = [128, 0], sizes = [16, 1], strides = [1, 1]} : vector<800x1xf32> to vector<16x1xf32>
      %swap3A_350 = arith.constant 8 : index
      %swap3A_351 = arith.constant 0 : index
      %swap3A_352 = arith.constant 0 : index
      %swap3A_353 = vector.load %arg22[%swap3A_350, %swap3A_351, %swap3A_352] : memref<50x16x1xf32, #tpu.memory_space<vmem>>, vector<1x16x1xf32>
      %swap3A_354 = vector.shape_cast %swap3A_353 : vector<1x16x1xf32> to vector<16x1xf32>
      %swap3A_355 = vector.shape_cast %slice3A_349 : vector<16x1xf32> to vector<1x16x1xf32>
      tpu.vector_store %arg22[%swap3A_350, %swap3A_351, %swap3A_352], %swap3A_355 {strides = array<i32>} : memref<50x16x1xf32, #tpu.memory_space<vmem>>, vector<1x16x1xf32>,
      %slice3A_356 = vector.extract_strided_slice %add3A_110 {offsets = [128, 0], sizes = [16, 1], strides = [1, 1]} : vector<800x1xf32> to vector<16x1xf32>
      %swap3A_357 = arith.constant 8 : index
      %swap3A_358 = arith.constant 0 : index
      %swap3A_359 = arith.constant 0 : index
      %swap3A_360 = vector.load %arg23[%swap3A_357, %swap3A_358, %swap3A_359] : memref<50x16x1xf32, #tpu.memory_space<vmem>>, vector<1x16x1xf32>
      %swap3A_361 = vector.shape_cast %swap3A_360 : vector<1x16x1xf32> to vector<16x1xf32>
      %swap3A_362 = vector.shape_cast %slice3A_356 : vector<16x1xf32> to vector<1x16x1xf32>
      tpu.vector_store %arg23[%swap3A_357, %swap3A_358, %swap3A_359], %swap3A_362 {strides = array<i32>} : memref<50x16x1xf32, #tpu.memory_space<vmem>>, vector<1x16x1xf32>,
      %slice3A_363 = vector.extract_strided_slice %add3A_65 {offsets = [144, 0], sizes = [16, 64], strides = [1, 1]} : vector<800x64xf32> to vector<16x64xf32>
      %swap3A_364 = arith.constant 9 : index
      %swap3A_365 = arith.constant 0 : index
      %swap3A_366 = arith.constant 0 : index
      %swap3A_367 = vector.load %arg20[%swap3A_364, %swap3A_365, %swap3A_366] : memref<50x16x64xf32, #tpu.memory_space<vmem>>, vector<1x16x64xf32>
      %swap3A_368 = vector.shape_cast %swap3A_367 : vector<1x16x64xf32> to vector<16x64xf32>
      %swap3A_369 = vector.shape_cast %slice3A_363 : vector<16x64xf32> to vector<1x16x64xf32>
      tpu.vector_store %arg20[%swap3A_364, %swap3A_365, %swap3A_366], %swap3A_369 {strides = array<i32>} : memref<50x16x64xf32, #tpu.memory_space<vmem>>, vector<1x16x64xf32>,
      %slice3A_370 = vector.extract_strided_slice %logistic3A_93 {offsets = [144, 0], sizes = [16, 1], strides = [1, 1]} : vector<800x1xf32> to vector<16x1xf32>
      %swap3A_371 = arith.constant 9 : index
      %swap3A_372 = arith.constant 0 : index
      %swap3A_373 = arith.constant 0 : index
      %swap3A_374 = vector.load %arg21[%swap3A_371, %swap3A_372, %swap3A_373] : memref<50x16x1xf32, #tpu.memory_space<vmem>>, vector<1x16x1xf32>
      %swap3A_375 = vector.shape_cast %swap3A_374 : vector<1x16x1xf32> to vector<16x1xf32>
      %swap3A_376 = vector.shape_cast %slice3A_370 : vector<16x1xf32> to vector<1x16x1xf32>
      tpu.vector_store %arg21[%swap3A_371, %swap3A_372, %swap3A_373], %swap3A_376 {strides = array<i32>} : memref<50x16x1xf32, #tpu.memory_space<vmem>>, vector<1x16x1xf32>,
      %slice3A_377 = vector.extract_strided_slice %broadcast_in_dim3A_97 {offsets = [144, 0], sizes = [16, 1], strides = [1, 1]} : vector<800x1xf32> to vector<16x1xf32>
      %swap3A_378 = arith.constant 9 : index
      %swap3A_379 = arith.constant 0 : index
      %swap3A_380 = arith.constant 0 : index
      %swap3A_381 = vector.load %arg22[%swap3A_378, %swap3A_379, %swap3A_380] : memref<50x16x1xf32, #tpu.memory_space<vmem>>, vector<1x16x1xf32>
      %swap3A_382 = vector.shape_cast %swap3A_381 : vector<1x16x1xf32> to vector<16x1xf32>
      %swap3A_383 = vector.shape_cast %slice3A_377 : vector<16x1xf32> to vector<1x16x1xf32>
      tpu.vector_store %arg22[%swap3A_378, %swap3A_379, %swap3A_380], %swap3A_383 {strides = array<i32>} : memref<50x16x1xf32, #tpu.memory_space<vmem>>, vector<1x16x1xf32>,
      %slice3A_384 = vector.extract_strided_slice %add3A_110 {offsets = [144, 0], sizes = [16, 1], strides = [1, 1]} : vector<800x1xf32> to vector<16x1xf32>
      %swap3A_385 = arith.constant 9 : index
      %swap3A_386 = arith.constant 0 : index
      %swap3A_387 = arith.constant 0 : index
      %swap3A_388 = vector.load %arg23[%swap3A_385, %swap3A_386, %swap3A_387] : memref<50x16x1xf32, #tpu.memory_space<vmem>>, vector<1x16x1xf32>
      %swap3A_389 = vector.shape_cast %swap3A_388 : vector<1x16x1xf32> to vector<16x1xf32>
      %swap3A_390 = vector.shape_cast %slice3A_384 : vector<16x1xf32> to vector<1x16x1xf32>
      tpu.vector_store %arg23[%swap3A_385, %swap3A_386, %swap3A_387], %swap3A_390 {strides = array<i32>} : memref<50x16x1xf32, #tpu.memory_space<vmem>>, vector<1x16x1xf32>,
      %slice3A_391 = vector.extract_strided_slice %add3A_65 {offsets = [160, 0], sizes = [16, 64], strides = [1, 1]} : vector<800x64xf32> to vector<16x64xf32>
      %swap3A_392 = arith.constant 10 : index
      %swap3A_393 = arith.constant 0 : index
      %swap3A_394 = arith.constant 0 : index
      %swap3A_395 = vector.load %arg20[%swap3A_392, %swap3A_393, %swap3A_394] : memref<50x16x64xf32, #tpu.memory_space<vmem>>, vector<1x16x64xf32>
      %swap3A_396 = vector.shape_cast %swap3A_395 : vector<1x16x64xf32> to vector<16x64xf32>
      %swap3A_397 = vector.shape_cast %slice3A_391 : vector<16x64xf32> to vector<1x16x64xf32>
      tpu.vector_store %arg20[%swap3A_392, %swap3A_393, %swap3A_394], %swap3A_397 {strides = array<i32>} : memref<50x16x64xf32, #tpu.memory_space<vmem>>, vector<1x16x64xf32>,
      %slice3A_398 = vector.extract_strided_slice %logistic3A_93 {offsets = [160, 0], sizes = [16, 1], strides = [1, 1]} : vector<800x1xf32> to vector<16x1xf32>
      %swap3A_399 = arith.constant 10 : index
      %swap3A_400 = arith.constant 0 : index
      %swap3A_401 = arith.constant 0 : index
      %swap3A_402 = vector.load %arg21[%swap3A_399, %swap3A_400, %swap3A_401] : memref<50x16x1xf32, #tpu.memory_space<vmem>>, vector<1x16x1xf32>
      %swap3A_403 = vector.shape_cast %swap3A_402 : vector<1x16x1xf32> to vector<16x1xf32>
      %swap3A_404 = vector.shape_cast %slice3A_398 : vector<16x1xf32> to vector<1x16x1xf32>
      tpu.vector_store %arg21[%swap3A_399, %swap3A_400, %swap3A_401], %swap3A_404 {strides = array<i32>} : memref<50x16x1xf32, #tpu.memory_space<vmem>>, vector<1x16x1xf32>,
      %slice3A_405 = vector.extract_strided_slice %broadcast_in_dim3A_97 {offsets = [160, 0], sizes = [16, 1], strides = [1, 1]} : vector<800x1xf32> to vector<16x1xf32>
      %swap3A_406 = arith.constant 10 : index
      %swap3A_407 = arith.constant 0 : index
      %swap3A_408 = arith.constant 0 : index
      %swap3A_409 = vector.load %arg22[%swap3A_406, %swap3A_407, %swap3A_408] : memref<50x16x1xf32, #tpu.memory_space<vmem>>, vector<1x16x1xf32>
      %swap3A_410 = vector.shape_cast %swap3A_409 : vector<1x16x1xf32> to vector<16x1xf32>
      %swap3A_411 = vector.shape_cast %slice3A_405 : vector<16x1xf32> to vector<1x16x1xf32>
      tpu.vector_store %arg22[%swap3A_406, %swap3A_407, %swap3A_408], %swap3A_411 {strides = array<i32>} : memref<50x16x1xf32, #tpu.memory_space<vmem>>, vector<1x16x1xf32>,
      %slice3A_412 = vector.extract_strided_slice %add3A_110 {offsets = [160, 0], sizes = [16, 1], strides = [1, 1]} : vector<800x1xf32> to vector<16x1xf32>
      %swap3A_413 = arith.constant 10 : index
      %swap3A_414 = arith.constant 0 : index
      %swap3A_415 = arith.constant 0 : index
      %swap3A_416 = vector.load %arg23[%swap3A_413, %swap3A_414, %swap3A_415] : memref<50x16x1xf32, #tpu.memory_space<vmem>>, vector<1x16x1xf32>
      %swap3A_417 = vector.shape_cast %swap3A_416 : vector<1x16x1xf32> to vector<16x1xf32>
      %swap3A_418 = vector.shape_cast %slice3A_412 : vector<16x1xf32> to vector<1x16x1xf32>
      tpu.vector_store %arg23[%swap3A_413, %swap3A_414, %swap3A_415], %swap3A_418 {strides = array<i32>} : memref<50x16x1xf32, #tpu.memory_space<vmem>>, vector<1x16x1xf32>,
      %slice3A_419 = vector.extract_strided_slice %add3A_65 {offsets = [176, 0], sizes = [16, 64], strides = [1, 1]} : vector<800x64xf32> to vector<16x64xf32>
      %swap3A_420 = arith.constant 11 : index
      %swap3A_421 = arith.constant 0 : index
      %swap3A_422 = arith.constant 0 : index
      %swap3A_423 = vector.load %arg20[%swap3A_420, %swap3A_421, %swap3A_422] : memref<50x16x64xf32, #tpu.memory_space<vmem>>, vector<1x16x64xf32>
      %swap3A_424 = vector.shape_cast %swap3A_423 : vector<1x16x64xf32> to vector<16x64xf32>
      %swap3A_425 = vector.shape_cast %slice3A_419 : vector<16x64xf32> to vector<1x16x64xf32>
      tpu.vector_store %arg20[%swap3A_420, %swap3A_421, %swap3A_422], %swap3A_425 {strides = array<i32>} : memref<50x16x64xf32, #tpu.memory_space<vmem>>, vector<1x16x64xf32>,
      %slice3A_426 = vector.extract_strided_slice %logistic3A_93 {offsets = [176, 0], sizes = [16, 1], strides = [1, 1]} : vector<800x1xf32> to vector<16x1xf32>
      %swap3A_427 = arith.constant 11 : index
      %swap3A_428 = arith.constant 0 : index
      %swap3A_429 = arith.constant 0 : index
      %swap3A_430 = vector.load %arg21[%swap3A_427, %swap3A_428, %swap3A_429] : memref<50x16x1xf32, #tpu.memory_space<vmem>>, vector<1x16x1xf32>
      %swap3A_431 = vector.shape_cast %swap3A_430 : vector<1x16x1xf32> to vector<16x1xf32>
      %swap3A_432 = vector.shape_cast %slice3A_426 : vector<16x1xf32> to vector<1x16x1xf32>
      tpu.vector_store %arg21[%swap3A_427, %swap3A_428, %swap3A_429], %swap3A_432 {strides = array<i32>} : memref<50x16x1xf32, #tpu.memory_space<vmem>>, vector<1x16x1xf32>,
      %slice3A_433 = vector.extract_strided_slice %broadcast_in_dim3A_97 {offsets = [176, 0], sizes = [16, 1], strides = [1, 1]} : vector<800x1xf32> to vector<16x1xf32>
      %swap3A_434 = arith.constant 11 : index
      %swap3A_435 = arith.constant 0 : index
      %swap3A_436 = arith.constant 0 : index
      %swap3A_437 = vector.load %arg22[%swap3A_434, %swap3A_435, %swap3A_436] : memref<50x16x1xf32, #tpu.memory_space<vmem>>, vector<1x16x1xf32>
      %swap3A_438 = vector.shape_cast %swap3A_437 : vector<1x16x1xf32> to vector<16x1xf32>
      %swap3A_439 = vector.shape_cast %slice3A_433 : vector<16x1xf32> to vector<1x16x1xf32>
      tpu.vector_store %arg22[%swap3A_434, %swap3A_435, %swap3A_436], %swap3A_439 {strides = array<i32>} : memref<50x16x1xf32, #tpu.memory_space<vmem>>, vector<1x16x1xf32>,
      %slice3A_440 = vector.extract_strided_slice %add3A_110 {offsets = [176, 0], sizes = [16, 1], strides = [1, 1]} : vector<800x1xf32> to vector<16x1xf32>
      %swap3A_441 = arith.constant 11 : index
      %swap3A_442 = arith.constant 0 : index
      %swap3A_443 = arith.constant 0 : index
      %swap3A_444 = vector.load %arg23[%swap3A_441, %swap3A_442, %swap3A_443] : memref<50x16x1xf32, #tpu.memory_space<vmem>>, vector<1x16x1xf32>
      %swap3A_445 = vector.shape_cast %swap3A_444 : vector<1x16x1xf32> to vector<16x1xf32>
      %swap3A_446 = vector.shape_cast %slice3A_440 : vector<16x1xf32> to vector<1x16x1xf32>
      tpu.vector_store %arg23[%swap3A_441, %swap3A_442, %swap3A_443], %swap3A_446 {strides = array<i32>} : memref<50x16x1xf32, #tpu.memory_space<vmem>>, vector<1x16x1xf32>,
      %slice3A_447 = vector.extract_strided_slice %add3A_65 {offsets = [192, 0], sizes = [16, 64], strides = [1, 1]} : vector<800x64xf32> to vector<16x64xf32>
      %swap3A_448 = arith.constant 12 : index
      %swap3A_449 = arith.constant 0 : index
      %swap3A_450 = arith.constant 0 : index
      %swap3A_451 = vector.load %arg20[%swap3A_448, %swap3A_449, %swap3A_450] : memref<50x16x64xf32, #tpu.memory_space<vmem>>, vector<1x16x64xf32>
      %swap3A_452 = vector.shape_cast %swap3A_451 : vector<1x16x64xf32> to vector<16x64xf32>
      %swap3A_453 = vector.shape_cast %slice3A_447 : vector<16x64xf32> to vector<1x16x64xf32>
      tpu.vector_store %arg20[%swap3A_448, %swap3A_449, %swap3A_450], %swap3A_453 {strides = array<i32>} : memref<50x16x64xf32, #tpu.memory_space<vmem>>, vector<1x16x64xf32>,
      %slice3A_454 = vector.extract_strided_slice %logistic3A_93 {offsets = [192, 0], sizes = [16, 1], strides = [1, 1]} : vector<800x1xf32> to vector<16x1xf32>
      %swap3A_455 = arith.constant 12 : index
      %swap3A_456 = arith.constant 0 : index
      %swap3A_457 = arith.constant 0 : index
      %swap3A_458 = vector.load %arg21[%swap3A_455, %swap3A_456, %swap3A_457] : memref<50x16x1xf32, #tpu.memory_space<vmem>>, vector<1x16x1xf32>
      %swap3A_459 = vector.shape_cast %swap3A_458 : vector<1x16x1xf32> to vector<16x1xf32>
      %swap3A_460 = vector.shape_cast %slice3A_454 : vector<16x1xf32> to vector<1x16x1xf32>
      tpu.vector_store %arg21[%swap3A_455, %swap3A_456, %swap3A_457], %swap3A_460 {strides = array<i32>} : memref<50x16x1xf32, #tpu.memory_space<vmem>>, vector<1x16x1xf32>,
      %slice3A_461 = vector.extract_strided_slice %broadcast_in_dim3A_97 {offsets = [192, 0], sizes = [16, 1], strides = [1, 1]} : vector<800x1xf32> to vector<16x1xf32>
      %swap3A_462 = arith.constant 12 : index
      %swap3A_463 = arith.constant 0 : index
      %swap3A_464 = arith.constant 0 : index
      %swap3A_465 = vector.load %arg22[%swap3A_462, %swap3A_463, %swap3A_464] : memref<50x16x1xf32, #tpu.memory_space<vmem>>, vector<1x16x1xf32>
      %swap3A_466 = vector.shape_cast %swap3A_465 : vector<1x16x1xf32> to vector<16x1xf32>
      %swap3A_467 = vector.shape_cast %slice3A_461 : vector<16x1xf32> to vector<1x16x1xf32>
      tpu.vector_store %arg22[%swap3A_462, %swap3A_463, %swap3A_464], %swap3A_467 {strides = array<i32>} : memref<50x16x1xf32, #tpu.memory_space<vmem>>, vector<1x16x1xf32>,
      %slice3A_468 = vector.extract_strided_slice %add3A_110 {offsets = [192, 0], sizes = [16, 1], strides = [1, 1]} : vector<800x1xf32> to vector<16x1xf32>
      %swap3A_469 = arith.constant 12 : index
      %swap3A_470 = arith.constant 0 : index
      %swap3A_471 = arith.constant 0 : index
      %swap3A_472 = vector.load %arg23[%swap3A_469, %swap3A_470, %swap3A_471] : memref<50x16x1xf32, #tpu.memory_space<vmem>>, vector<1x16x1xf32>
      %swap3A_473 = vector.shape_cast %swap3A_472 : vector<1x16x1xf32> to vector<16x1xf32>
      %swap3A_474 = vector.shape_cast %slice3A_468 : vector<16x1xf32> to vector<1x16x1xf32>
      tpu.vector_store %arg23[%swap3A_469, %swap3A_470, %swap3A_471], %swap3A_474 {strides = array<i32>} : memref<50x16x1xf32, #tpu.memory_space<vmem>>, vector<1x16x1xf32>,
      %slice3A_475 = vector.extract_strided_slice %add3A_65 {offsets = [208, 0], sizes = [16, 64], strides = [1, 1]} : vector<800x64xf32> to vector<16x64xf32>
      %swap3A_476 = arith.constant 13 : index
      %swap3A_477 = arith.constant 0 : index
      %swap3A_478 = arith.constant 0 : index
      %swap3A_479 = vector.load %arg20[%swap3A_476, %swap3A_477, %swap3A_478] : memref<50x16x64xf32, #tpu.memory_space<vmem>>, vector<1x16x64xf32>
      %swap3A_480 = vector.shape_cast %swap3A_479 : vector<1x16x64xf32> to vector<16x64xf32>
      %swap3A_481 = vector.shape_cast %slice3A_475 : vector<16x64xf32> to vector<1x16x64xf32>
      tpu.vector_store %arg20[%swap3A_476, %swap3A_477, %swap3A_478], %swap3A_481 {strides = array<i32>} : memref<50x16x64xf32, #tpu.memory_space<vmem>>, vector<1x16x64xf32>,
      %slice3A_482 = vector.extract_strided_slice %logistic3A_93 {offsets = [208, 0], sizes = [16, 1], strides = [1, 1]} : vector<800x1xf32> to vector<16x1xf32>
      %swap3A_483 = arith.constant 13 : index
      %swap3A_484 = arith.constant 0 : index
      %swap3A_485 = arith.constant 0 : index
      %swap3A_486 = vector.load %arg21[%swap3A_483, %swap3A_484, %swap3A_485] : memref<50x16x1xf32, #tpu.memory_space<vmem>>, vector<1x16x1xf32>
      %swap3A_487 = vector.shape_cast %swap3A_486 : vector<1x16x1xf32> to vector<16x1xf32>
      %swap3A_488 = vector.shape_cast %slice3A_482 : vector<16x1xf32> to vector<1x16x1xf32>
      tpu.vector_store %arg21[%swap3A_483, %swap3A_484, %swap3A_485], %swap3A_488 {strides = array<i32>} : memref<50x16x1xf32, #tpu.memory_space<vmem>>, vector<1x16x1xf32>,
      %slice3A_489 = vector.extract_strided_slice %broadcast_in_dim3A_97 {offsets = [208, 0], sizes = [16, 1], strides = [1, 1]} : vector<800x1xf32> to vector<16x1xf32>
      %swap3A_490 = arith.constant 13 : index
      %swap3A_491 = arith.constant 0 : index
      %swap3A_492 = arith.constant 0 : index
      %swap3A_493 = vector.load %arg22[%swap3A_490, %swap3A_491, %swap3A_492] : memref<50x16x1xf32, #tpu.memory_space<vmem>>, vector<1x16x1xf32>
      %swap3A_494 = vector.shape_cast %swap3A_493 : vector<1x16x1xf32> to vector<16x1xf32>
      %swap3A_495 = vector.shape_cast %slice3A_489 : vector<16x1xf32> to vector<1x16x1xf32>
      tpu.vector_store %arg22[%swap3A_490, %swap3A_491, %swap3A_492], %swap3A_495 {strides = array<i32>} : memref<50x16x1xf32, #tpu.memory_space<vmem>>, vector<1x16x1xf32>,
      %slice3A_496 = vector.extract_strided_slice %add3A_110 {offsets = [208, 0], sizes = [16, 1], strides = [1, 1]} : vector<800x1xf32> to vector<16x1xf32>
      %swap3A_497 = arith.constant 13 : index
      %swap3A_498 = arith.constant 0 : index
      %swap3A_499 = arith.constant 0 : index
      %swap3A_500 = vector.load %arg23[%swap3A_497, %swap3A_498, %swap3A_499] : memref<50x16x1xf32, #tpu.memory_space<vmem>>, vector<1x16x1xf32>
      %swap3A_501 = vector.shape_cast %swap3A_500 : vector<1x16x1xf32> to vector<16x1xf32>
      %swap3A_502 = vector.shape_cast %slice3A_496 : vector<16x1xf32> to vector<1x16x1xf32>
      tpu.vector_store %arg23[%swap3A_497, %swap3A_498, %swap3A_499], %swap3A_502 {strides = array<i32>} : memref<50x16x1xf32, #tpu.memory_space<vmem>>, vector<1x16x1xf32>,
      %slice3A_503 = vector.extract_strided_slice %add3A_65 {offsets = [224, 0], sizes = [16, 64], strides = [1, 1]} : vector<800x64xf32> to vector<16x64xf32>
      %swap3A_504 = arith.constant 14 : index
      %swap3A_505 = arith.constant 0 : index
      %swap3A_506 = arith.constant 0 : index
      %swap3A_507 = vector.load %arg20[%swap3A_504, %swap3A_505, %swap3A_506] : memref<50x16x64xf32, #tpu.memory_space<vmem>>, vector<1x16x64xf32>
      %swap3A_508 = vector.shape_cast %swap3A_507 : vector<1x16x64xf32> to vector<16x64xf32>
      %swap3A_509 = vector.shape_cast %slice3A_503 : vector<16x64xf32> to vector<1x16x64xf32>
      tpu.vector_store %arg20[%swap3A_504, %swap3A_505, %swap3A_506], %swap3A_509 {strides = array<i32>} : memref<50x16x64xf32, #tpu.memory_space<vmem>>, vector<1x16x64xf32>,
      %slice3A_510 = vector.extract_strided_slice %logistic3A_93 {offsets = [224, 0], sizes = [16, 1], strides = [1, 1]} : vector<800x1xf32> to vector<16x1xf32>
      %swap3A_511 = arith.constant 14 : index
      %swap3A_512 = arith.constant 0 : index
      %swap3A_513 = arith.constant 0 : index
      %swap3A_514 = vector.load %arg21[%swap3A_511, %swap3A_512, %swap3A_513] : memref<50x16x1xf32, #tpu.memory_space<vmem>>, vector<1x16x1xf32>
      %swap3A_515 = vector.shape_cast %swap3A_514 : vector<1x16x1xf32> to vector<16x1xf32>
      %swap3A_516 = vector.shape_cast %slice3A_510 : vector<16x1xf32> to vector<1x16x1xf32>
      tpu.vector_store %arg21[%swap3A_511, %swap3A_512, %swap3A_513], %swap3A_516 {strides = array<i32>} : memref<50x16x1xf32, #tpu.memory_space<vmem>>, vector<1x16x1xf32>,
      %slice3A_517 = vector.extract_strided_slice %broadcast_in_dim3A_97 {offsets = [224, 0], sizes = [16, 1], strides = [1, 1]} : vector<800x1xf32> to vector<16x1xf32>
      %swap3A_518 = arith.constant 14 : index
      %swap3A_519 = arith.constant 0 : index
      %swap3A_520 = arith.constant 0 : index
      %swap3A_521 = vector.load %arg22[%swap3A_518, %swap3A_519, %swap3A_520] : memref<50x16x1xf32, #tpu.memory_space<vmem>>, vector<1x16x1xf32>
      %swap3A_522 = vector.shape_cast %swap3A_521 : vector<1x16x1xf32> to vector<16x1xf32>
      %swap3A_523 = vector.shape_cast %slice3A_517 : vector<16x1xf32> to vector<1x16x1xf32>
      tpu.vector_store %arg22[%swap3A_518, %swap3A_519, %swap3A_520], %swap3A_523 {strides = array<i32>} : memref<50x16x1xf32, #tpu.memory_space<vmem>>, vector<1x16x1xf32>,
      %slice3A_524 = vector.extract_strided_slice %add3A_110 {offsets = [224, 0], sizes = [16, 1], strides = [1, 1]} : vector<800x1xf32> to vector<16x1xf32>
      %swap3A_525 = arith.constant 14 : index
      %swap3A_526 = arith.constant 0 : index
      %swap3A_527 = arith.constant 0 : index
      %swap3A_528 = vector.load %arg23[%swap3A_525, %swap3A_526, %swap3A_527] : memref<50x16x1xf32, #tpu.memory_space<vmem>>, vector<1x16x1xf32>
      %swap3A_529 = vector.shape_cast %swap3A_528 : vector<1x16x1xf32> to vector<16x1xf32>
      %swap3A_530 = vector.shape_cast %slice3A_524 : vector<16x1xf32> to vector<1x16x1xf32>
      tpu.vector_store %arg23[%swap3A_525, %swap3A_526, %swap3A_527], %swap3A_530 {strides = array<i32>} : memref<50x16x1xf32, #tpu.memory_space<vmem>>, vector<1x16x1xf32>,
      %slice3A_531 = vector.extract_strided_slice %add3A_65 {offsets = [240, 0], sizes = [16, 64], strides = [1, 1]} : vector<800x64xf32> to vector<16x64xf32>
      %swap3A_532 = arith.constant 15 : index
      %swap3A_533 = arith.constant 0 : index
      %swap3A_534 = arith.constant 0 : index
      %swap3A_535 = vector.load %arg20[%swap3A_532, %swap3A_533, %swap3A_534] : memref<50x16x64xf32, #tpu.memory_space<vmem>>, vector<1x16x64xf32>
      %swap3A_536 = vector.shape_cast %swap3A_535 : vector<1x16x64xf32> to vector<16x64xf32>
      %swap3A_537 = vector.shape_cast %slice3A_531 : vector<16x64xf32> to vector<1x16x64xf32>
      tpu.vector_store %arg20[%swap3A_532, %swap3A_533, %swap3A_534], %swap3A_537 {strides = array<i32>} : memref<50x16x64xf32, #tpu.memory_space<vmem>>, vector<1x16x64xf32>,
      %slice3A_538 = vector.extract_strided_slice %logistic3A_93 {offsets = [240, 0], sizes = [16, 1], strides = [1, 1]} : vector<800x1xf32> to vector<16x1xf32>
      %swap3A_539 = arith.constant 15 : index
      %swap3A_540 = arith.constant 0 : index
      %swap3A_541 = arith.constant 0 : index
      %swap3A_542 = vector.load %arg21[%swap3A_539, %swap3A_540, %swap3A_541] : memref<50x16x1xf32, #tpu.memory_space<vmem>>, vector<1x16x1xf32>
      %swap3A_543 = vector.shape_cast %swap3A_542 : vector<1x16x1xf32> to vector<16x1xf32>
      %swap3A_544 = vector.shape_cast %slice3A_538 : vector<16x1xf32> to vector<1x16x1xf32>
      tpu.vector_store %arg21[%swap3A_539, %swap3A_540, %swap3A_541], %swap3A_544 {strides = array<i32>} : memref<50x16x1xf32, #tpu.memory_space<vmem>>, vector<1x16x1xf32>,
      %slice3A_545 = vector.extract_strided_slice %broadcast_in_dim3A_97 {offsets = [240, 0], sizes = [16, 1], strides = [1, 1]} : vector<800x1xf32> to vector<16x1xf32>
      %swap3A_546 = arith.constant 15 : index
      %swap3A_547 = arith.constant 0 : index
      %swap3A_548 = arith.constant 0 : index
      %swap3A_549 = vector.load %arg22[%swap3A_546, %swap3A_547, %swap3A_548] : memref<50x16x1xf32, #tpu.memory_space<vmem>>, vector<1x16x1xf32>
      %swap3A_550 = vector.shape_cast %swap3A_549 : vector<1x16x1xf32> to vector<16x1xf32>
      %swap3A_551 = vector.shape_cast %slice3A_545 : vector<16x1xf32> to vector<1x16x1xf32>
      tpu.vector_store %arg22[%swap3A_546, %swap3A_547, %swap3A_548], %swap3A_551 {strides = array<i32>} : memref<50x16x1xf32, #tpu.memory_space<vmem>>, vector<1x16x1xf32>,
      %slice3A_552 = vector.extract_strided_slice %add3A_110 {offsets = [240, 0], sizes = [16, 1], strides = [1, 1]} : vector<800x1xf32> to vector<16x1xf32>
      %swap3A_553 = arith.constant 15 : index
      %swap3A_554 = arith.constant 0 : index
      %swap3A_555 = arith.constant 0 : index
      %swap3A_556 = vector.load %arg23[%swap3A_553, %swap3A_554, %swap3A_555] : memref<50x16x1xf32, #tpu.memory_space<vmem>>, vector<1x16x1xf32>
      %swap3A_557 = vector.shape_cast %swap3A_556 : vector<1x16x1xf32> to vector<16x1xf32>
      %swap3A_558 = vector.shape_cast %slice3A_552 : vector<16x1xf32> to vector<1x16x1xf32>
      tpu.vector_store %arg23[%swap3A_553, %swap3A_554, %swap3A_555], %swap3A_558 {strides = array<i32>} : memref<50x16x1xf32, #tpu.memory_space<vmem>>, vector<1x16x1xf32>,
      %slice3A_559 = vector.extract_strided_slice %add3A_65 {offsets = [256, 0], sizes = [16, 64], strides = [1, 1]} : vector<800x64xf32> to vector<16x64xf32>
      %swap3A_560 = arith.constant 16 : index
      %swap3A_561 = arith.constant 0 : index
      %swap3A_562 = arith.constant 0 : index
      %swap3A_563 = vector.load %arg20[%swap3A_560, %swap3A_561, %swap3A_562] : memref<50x16x64xf32, #tpu.memory_space<vmem>>, vector<1x16x64xf32>
      %swap3A_564 = vector.shape_cast %swap3A_563 : vector<1x16x64xf32> to vector<16x64xf32>
      %swap3A_565 = vector.shape_cast %slice3A_559 : vector<16x64xf32> to vector<1x16x64xf32>
      tpu.vector_store %arg20[%swap3A_560, %swap3A_561, %swap3A_562], %swap3A_565 {strides = array<i32>} : memref<50x16x64xf32, #tpu.memory_space<vmem>>, vector<1x16x64xf32>,
      %slice3A_566 = vector.extract_strided_slice %logistic3A_93 {offsets = [256, 0], sizes = [16, 1], strides = [1, 1]} : vector<800x1xf32> to vector<16x1xf32>
      %swap3A_567 = arith.constant 16 : index
      %swap3A_568 = arith.constant 0 : index
      %swap3A_569 = arith.constant 0 : index
      %swap3A_570 = vector.load %arg21[%swap3A_567, %swap3A_568, %swap3A_569] : memref<50x16x1xf32, #tpu.memory_space<vmem>>, vector<1x16x1xf32>
      %swap3A_571 = vector.shape_cast %swap3A_570 : vector<1x16x1xf32> to vector<16x1xf32>
      %swap3A_572 = vector.shape_cast %slice3A_566 : vector<16x1xf32> to vector<1x16x1xf32>
      tpu.vector_store %arg21[%swap3A_567, %swap3A_568, %swap3A_569], %swap3A_572 {strides = array<i32>} : memref<50x16x1xf32, #tpu.memory_space<vmem>>, vector<1x16x1xf32>,
      %slice3A_573 = vector.extract_strided_slice %broadcast_in_dim3A_97 {offsets = [256, 0], sizes = [16, 1], strides = [1, 1]} : vector<800x1xf32> to vector<16x1xf32>
      %swap3A_574 = arith.constant 16 : index
      %swap3A_575 = arith.constant 0 : index
      %swap3A_576 = arith.constant 0 : index
      %swap3A_577 = vector.load %arg22[%swap3A_574, %swap3A_575, %swap3A_576] : memref<50x16x1xf32, #tpu.memory_space<vmem>>, vector<1x16x1xf32>
      %swap3A_578 = vector.shape_cast %swap3A_577 : vector<1x16x1xf32> to vector<16x1xf32>
      %swap3A_579 = vector.shape_cast %slice3A_573 : vector<16x1xf32> to vector<1x16x1xf32>
      tpu.vector_store %arg22[%swap3A_574, %swap3A_575, %swap3A_576], %swap3A_579 {strides = array<i32>} : memref<50x16x1xf32, #tpu.memory_space<vmem>>, vector<1x16x1xf32>,
      %slice3A_580 = vector.extract_strided_slice %add3A_110 {offsets = [256, 0], sizes = [16, 1], strides = [1, 1]} : vector<800x1xf32> to vector<16x1xf32>
      %swap3A_581 = arith.constant 16 : index
      %swap3A_582 = arith.constant 0 : index
      %swap3A_583 = arith.constant 0 : index
      %swap3A_584 = vector.load %arg23[%swap3A_581, %swap3A_582, %swap3A_583] : memref<50x16x1xf32, #tpu.memory_space<vmem>>, vector<1x16x1xf32>
      %swap3A_585 = vector.shape_cast %swap3A_584 : vector<1x16x1xf32> to vector<16x1xf32>
      %swap3A_586 = vector.shape_cast %slice3A_580 : vector<16x1xf32> to vector<1x16x1xf32>
      tpu.vector_store %arg23[%swap3A_581, %swap3A_582, %swap3A_583], %swap3A_586 {strides = array<i32>} : memref<50x16x1xf32, #tpu.memory_space<vmem>>, vector<1x16x1xf32>,
      %slice3A_587 = vector.extract_strided_slice %add3A_65 {offsets = [272, 0], sizes = [16, 64], strides = [1, 1]} : vector<800x64xf32> to vector<16x64xf32>
      %swap3A_588 = arith.constant 17 : index
      %swap3A_589 = arith.constant 0 : index
      %swap3A_590 = arith.constant 0 : index
      %swap3A_591 = vector.load %arg20[%swap3A_588, %swap3A_589, %swap3A_590] : memref<50x16x64xf32, #tpu.memory_space<vmem>>, vector<1x16x64xf32>
      %swap3A_592 = vector.shape_cast %swap3A_591 : vector<1x16x64xf32> to vector<16x64xf32>
      %swap3A_593 = vector.shape_cast %slice3A_587 : vector<16x64xf32> to vector<1x16x64xf32>
      tpu.vector_store %arg20[%swap3A_588, %swap3A_589, %swap3A_590], %swap3A_593 {strides = array<i32>} : memref<50x16x64xf32, #tpu.memory_space<vmem>>, vector<1x16x64xf32>,
      %slice3A_594 = vector.extract_strided_slice %logistic3A_93 {offsets = [272, 0], sizes = [16, 1], strides = [1, 1]} : vector<800x1xf32> to vector<16x1xf32>
      %swap3A_595 = arith.constant 17 : index
      %swap3A_596 = arith.constant 0 : index
      %swap3A_597 = arith.constant 0 : index
      %swap3A_598 = vector.load %arg21[%swap3A_595, %swap3A_596, %swap3A_597] : memref<50x16x1xf32, #tpu.memory_space<vmem>>, vector<1x16x1xf32>
      %swap3A_599 = vector.shape_cast %swap3A_598 : vector<1x16x1xf32> to vector<16x1xf32>
      %swap3A_600 = vector.shape_cast %slice3A_594 : vector<16x1xf32> to vector<1x16x1xf32>
      tpu.vector_store %arg21[%swap3A_595, %swap3A_596, %swap3A_597], %swap3A_600 {strides = array<i32>} : memref<50x16x1xf32, #tpu.memory_space<vmem>>, vector<1x16x1xf32>,
      %slice3A_601 = vector.extract_strided_slice %broadcast_in_dim3A_97 {offsets = [272, 0], sizes = [16, 1], strides = [1, 1]} : vector<800x1xf32> to vector<16x1xf32>
      %swap3A_602 = arith.constant 17 : index
      %swap3A_603 = arith.constant 0 : index
      %swap3A_604 = arith.constant 0 : index
      %swap3A_605 = vector.load %arg22[%swap3A_602, %swap3A_603, %swap3A_604] : memref<50x16x1xf32, #tpu.memory_space<vmem>>, vector<1x16x1xf32>
      %swap3A_606 = vector.shape_cast %swap3A_605 : vector<1x16x1xf32> to vector<16x1xf32>
      %swap3A_607 = vector.shape_cast %slice3A_601 : vector<16x1xf32> to vector<1x16x1xf32>
      tpu.vector_store %arg22[%swap3A_602, %swap3A_603, %swap3A_604], %swap3A_607 {strides = array<i32>} : memref<50x16x1xf32, #tpu.memory_space<vmem>>, vector<1x16x1xf32>,
      %slice3A_608 = vector.extract_strided_slice %add3A_110 {offsets = [272, 0], sizes = [16, 1], strides = [1, 1]} : vector<800x1xf32> to vector<16x1xf32>
      %swap3A_609 = arith.constant 17 : index
      %swap3A_610 = arith.constant 0 : index
      %swap3A_611 = arith.constant 0 : index
      %swap3A_612 = vector.load %arg23[%swap3A_609, %swap3A_610, %swap3A_611] : memref<50x16x1xf32, #tpu.memory_space<vmem>>, vector<1x16x1xf32>
      %swap3A_613 = vector.shape_cast %swap3A_612 : vector<1x16x1xf32> to vector<16x1xf32>
      %swap3A_614 = vector.shape_cast %slice3A_608 : vector<16x1xf32> to vector<1x16x1xf32>
      tpu.vector_store %arg23[%swap3A_609, %swap3A_610, %swap3A_611], %swap3A_614 {strides = array<i32>} : memref<50x16x1xf32, #tpu.memory_space<vmem>>, vector<1x16x1xf32>,
      %slice3A_615 = vector.extract_strided_slice %add3A_65 {offsets = [288, 0], sizes = [16, 64], strides = [1, 1]} : vector<800x64xf32> to vector<16x64xf32>
      %swap3A_616 = arith.constant 18 : index
      %swap3A_617 = arith.constant 0 : index
      %swap3A_618 = arith.constant 0 : index
      %swap3A_619 = vector.load %arg20[%swap3A_616, %swap3A_617, %swap3A_618] : memref<50x16x64xf32, #tpu.memory_space<vmem>>, vector<1x16x64xf32>
      %swap3A_620 = vector.shape_cast %swap3A_619 : vector<1x16x64xf32> to vector<16x64xf32>
      %swap3A_621 = vector.shape_cast %slice3A_615 : vector<16x64xf32> to vector<1x16x64xf32>
      tpu.vector_store %arg20[%swap3A_616, %swap3A_617, %swap3A_618], %swap3A_621 {strides = array<i32>} : memref<50x16x64xf32, #tpu.memory_space<vmem>>, vector<1x16x64xf32>,
      %slice3A_622 = vector.extract_strided_slice %logistic3A_93 {offsets = [288, 0], sizes = [16, 1], strides = [1, 1]} : vector<800x1xf32> to vector<16x1xf32>
      %swap3A_623 = arith.constant 18 : index
      %swap3A_624 = arith.constant 0 : index
      %swap3A_625 = arith.constant 0 : index
      %swap3A_626 = vector.load %arg21[%swap3A_623, %swap3A_624, %swap3A_625] : memref<50x16x1xf32, #tpu.memory_space<vmem>>, vector<1x16x1xf32>
      %swap3A_627 = vector.shape_cast %swap3A_626 : vector<1x16x1xf32> to vector<16x1xf32>
      %swap3A_628 = vector.shape_cast %slice3A_622 : vector<16x1xf32> to vector<1x16x1xf32>
      tpu.vector_store %arg21[%swap3A_623, %swap3A_624, %swap3A_625], %swap3A_628 {strides = array<i32>} : memref<50x16x1xf32, #tpu.memory_space<vmem>>, vector<1x16x1xf32>,
      %slice3A_629 = vector.extract_strided_slice %broadcast_in_dim3A_97 {offsets = [288, 0], sizes = [16, 1], strides = [1, 1]} : vector<800x1xf32> to vector<16x1xf32>
      %swap3A_630 = arith.constant 18 : index
      %swap3A_631 = arith.constant 0 : index
      %swap3A_632 = arith.constant 0 : index
      %swap3A_633 = vector.load %arg22[%swap3A_630, %swap3A_631, %swap3A_632] : memref<50x16x1xf32, #tpu.memory_space<vmem>>, vector<1x16x1xf32>
      %swap3A_634 = vector.shape_cast %swap3A_633 : vector<1x16x1xf32> to vector<16x1xf32>
      %swap3A_635 = vector.shape_cast %slice3A_629 : vector<16x1xf32> to vector<1x16x1xf32>
      tpu.vector_store %arg22[%swap3A_630, %swap3A_631, %swap3A_632], %swap3A_635 {strides = array<i32>} : memref<50x16x1xf32, #tpu.memory_space<vmem>>, vector<1x16x1xf32>,
      %slice3A_636 = vector.extract_strided_slice %add3A_110 {offsets = [288, 0], sizes = [16, 1], strides = [1, 1]} : vector<800x1xf32> to vector<16x1xf32>
      %swap3A_637 = arith.constant 18 : index
      %swap3A_638 = arith.constant 0 : index
      %swap3A_639 = arith.constant 0 : index
      %swap3A_640 = vector.load %arg23[%swap3A_637, %swap3A_638, %swap3A_639] : memref<50x16x1xf32, #tpu.memory_space<vmem>>, vector<1x16x1xf32>
      %swap3A_641 = vector.shape_cast %swap3A_640 : vector<1x16x1xf32> to vector<16x1xf32>
      %swap3A_642 = vector.shape_cast %slice3A_636 : vector<16x1xf32> to vector<1x16x1xf32>
      tpu.vector_store %arg23[%swap3A_637, %swap3A_638, %swap3A_639], %swap3A_642 {strides = array<i32>} : memref<50x16x1xf32, #tpu.memory_space<vmem>>, vector<1x16x1xf32>,
      %slice3A_643 = vector.extract_strided_slice %add3A_65 {offsets = [304, 0], sizes = [16, 64], strides = [1, 1]} : vector<800x64xf32> to vector<16x64xf32>
      %swap3A_644 = arith.constant 19 : index
      %swap3A_645 = arith.constant 0 : index
      %swap3A_646 = arith.constant 0 : index
      %swap3A_647 = vector.load %arg20[%swap3A_644, %swap3A_645, %swap3A_646] : memref<50x16x64xf32, #tpu.memory_space<vmem>>, vector<1x16x64xf32>
      %swap3A_648 = vector.shape_cast %swap3A_647 : vector<1x16x64xf32> to vector<16x64xf32>
      %swap3A_649 = vector.shape_cast %slice3A_643 : vector<16x64xf32> to vector<1x16x64xf32>
      tpu.vector_store %arg20[%swap3A_644, %swap3A_645, %swap3A_646], %swap3A_649 {strides = array<i32>} : memref<50x16x64xf32, #tpu.memory_space<vmem>>, vector<1x16x64xf32>,
      %slice3A_650 = vector.extract_strided_slice %logistic3A_93 {offsets = [304, 0], sizes = [16, 1], strides = [1, 1]} : vector<800x1xf32> to vector<16x1xf32>
      %swap3A_651 = arith.constant 19 : index
      %swap3A_652 = arith.constant 0 : index
      %swap3A_653 = arith.constant 0 : index
      %swap3A_654 = vector.load %arg21[%swap3A_651, %swap3A_652, %swap3A_653] : memref<50x16x1xf32, #tpu.memory_space<vmem>>, vector<1x16x1xf32>
      %swap3A_655 = vector.shape_cast %swap3A_654 : vector<1x16x1xf32> to vector<16x1xf32>
      %swap3A_656 = vector.shape_cast %slice3A_650 : vector<16x1xf32> to vector<1x16x1xf32>
      tpu.vector_store %arg21[%swap3A_651, %swap3A_652, %swap3A_653], %swap3A_656 {strides = array<i32>} : memref<50x16x1xf32, #tpu.memory_space<vmem>>, vector<1x16x1xf32>,
      %slice3A_657 = vector.extract_strided_slice %broadcast_in_dim3A_97 {offsets = [304, 0], sizes = [16, 1], strides = [1, 1]} : vector<800x1xf32> to vector<16x1xf32>
      %swap3A_658 = arith.constant 19 : index
      %swap3A_659 = arith.constant 0 : index
      %swap3A_660 = arith.constant 0 : index
      %swap3A_661 = vector.load %arg22[%swap3A_658, %swap3A_659, %swap3A_660] : memref<50x16x1xf32, #tpu.memory_space<vmem>>, vector<1x16x1xf32>
      %swap3A_662 = vector.shape_cast %swap3A_661 : vector<1x16x1xf32> to vector<16x1xf32>
      %swap3A_663 = vector.shape_cast %slice3A_657 : vector<16x1xf32> to vector<1x16x1xf32>
      tpu.vector_store %arg22[%swap3A_658, %swap3A_659, %swap3A_660], %swap3A_663 {strides = array<i32>} : memref<50x16x1xf32, #tpu.memory_space<vmem>>, vector<1x16x1xf32>,
      %slice3A_664 = vector.extract_strided_slice %add3A_110 {offsets = [304, 0], sizes = [16, 1], strides = [1, 1]} : vector<800x1xf32> to vector<16x1xf32>
      %swap3A_665 = arith.constant 19 : index
      %swap3A_666 = arith.constant 0 : index
      %swap3A_667 = arith.constant 0 : index
      %swap3A_668 = vector.load %arg23[%swap3A_665, %swap3A_666, %swap3A_667] : memref<50x16x1xf32, #tpu.memory_space<vmem>>, vector<1x16x1xf32>
      %swap3A_669 = vector.shape_cast %swap3A_668 : vector<1x16x1xf32> to vector<16x1xf32>
      %swap3A_670 = vector.shape_cast %slice3A_664 : vector<16x1xf32> to vector<1x16x1xf32>
      tpu.vector_store %arg23[%swap3A_665, %swap3A_666, %swap3A_667], %swap3A_670 {strides = array<i32>} : memref<50x16x1xf32, #tpu.memory_space<vmem>>, vector<1x16x1xf32>,
      %slice3A_671 = vector.extract_strided_slice %add3A_65 {offsets = [320, 0], sizes = [16, 64], strides = [1, 1]} : vector<800x64xf32> to vector<16x64xf32>
      %swap3A_672 = arith.constant 20 : index
      %swap3A_673 = arith.constant 0 : index
      %swap3A_674 = arith.constant 0 : index
      %swap3A_675 = vector.load %arg20[%swap3A_672, %swap3A_673, %swap3A_674] : memref<50x16x64xf32, #tpu.memory_space<vmem>>, vector<1x16x64xf32>
      %swap3A_676 = vector.shape_cast %swap3A_675 : vector<1x16x64xf32> to vector<16x64xf32>
      %swap3A_677 = vector.shape_cast %slice3A_671 : vector<16x64xf32> to vector<1x16x64xf32>
      tpu.vector_store %arg20[%swap3A_672, %swap3A_673, %swap3A_674], %swap3A_677 {strides = array<i32>} : memref<50x16x64xf32, #tpu.memory_space<vmem>>, vector<1x16x64xf32>,
      %slice3A_678 = vector.extract_strided_slice %logistic3A_93 {offsets = [320, 0], sizes = [16, 1], strides = [1, 1]} : vector<800x1xf32> to vector<16x1xf32>
      %swap3A_679 = arith.constant 20 : index
      %swap3A_680 = arith.constant 0 : index
      %swap3A_681 = arith.constant 0 : index
      %swap3A_682 = vector.load %arg21[%swap3A_679, %swap3A_680, %swap3A_681] : memref<50x16x1xf32, #tpu.memory_space<vmem>>, vector<1x16x1xf32>
      %swap3A_683 = vector.shape_cast %swap3A_682 : vector<1x16x1xf32> to vector<16x1xf32>
      %swap3A_684 = vector.shape_cast %slice3A_678 : vector<16x1xf32> to vector<1x16x1xf32>
      tpu.vector_store %arg21[%swap3A_679, %swap3A_680, %swap3A_681], %swap3A_684 {strides = array<i32>} : memref<50x16x1xf32, #tpu.memory_space<vmem>>, vector<1x16x1xf32>,
      %slice3A_685 = vector.extract_strided_slice %broadcast_in_dim3A_97 {offsets = [320, 0], sizes = [16, 1], strides = [1, 1]} : vector<800x1xf32> to vector<16x1xf32>
      %swap3A_686 = arith.constant 20 : index
      %swap3A_687 = arith.constant 0 : index
      %swap3A_688 = arith.constant 0 : index
      %swap3A_689 = vector.load %arg22[%swap3A_686, %swap3A_687, %swap3A_688] : memref<50x16x1xf32, #tpu.memory_space<vmem>>, vector<1x16x1xf32>
      %swap3A_690 = vector.shape_cast %swap3A_689 : vector<1x16x1xf32> to vector<16x1xf32>
      %swap3A_691 = vector.shape_cast %slice3A_685 : vector<16x1xf32> to vector<1x16x1xf32>
      tpu.vector_store %arg22[%swap3A_686, %swap3A_687, %swap3A_688], %swap3A_691 {strides = array<i32>} : memref<50x16x1xf32, #tpu.memory_space<vmem>>, vector<1x16x1xf32>,
      %slice3A_692 = vector.extract_strided_slice %add3A_110 {offsets = [320, 0], sizes = [16, 1], strides = [1, 1]} : vector<800x1xf32> to vector<16x1xf32>
      %swap3A_693 = arith.constant 20 : index
      %swap3A_694 = arith.constant 0 : index
      %swap3A_695 = arith.constant 0 : index
      %swap3A_696 = vector.load %arg23[%swap3A_693, %swap3A_694, %swap3A_695] : memref<50x16x1xf32, #tpu.memory_space<vmem>>, vector<1x16x1xf32>
      %swap3A_697 = vector.shape_cast %swap3A_696 : vector<1x16x1xf32> to vector<16x1xf32>
      %swap3A_698 = vector.shape_cast %slice3A_692 : vector<16x1xf32> to vector<1x16x1xf32>
      tpu.vector_store %arg23[%swap3A_693, %swap3A_694, %swap3A_695], %swap3A_698 {strides = array<i32>} : memref<50x16x1xf32, #tpu.memory_space<vmem>>, vector<1x16x1xf32>,
      %slice3A_699 = vector.extract_strided_slice %add3A_65 {offsets = [336, 0], sizes = [16, 64], strides = [1, 1]} : vector<800x64xf32> to vector<16x64xf32>
      %swap3A_700 = arith.constant 21 : index
      %swap3A_701 = arith.constant 0 : index
      %swap3A_702 = arith.constant 0 : index
      %swap3A_703 = vector.load %arg20[%swap3A_700, %swap3A_701, %swap3A_702] : memref<50x16x64xf32, #tpu.memory_space<vmem>>, vector<1x16x64xf32>
      %swap3A_704 = vector.shape_cast %swap3A_703 : vector<1x16x64xf32> to vector<16x64xf32>
      %swap3A_705 = vector.shape_cast %slice3A_699 : vector<16x64xf32> to vector<1x16x64xf32>
      tpu.vector_store %arg20[%swap3A_700, %swap3A_701, %swap3A_702], %swap3A_705 {strides = array<i32>} : memref<50x16x64xf32, #tpu.memory_space<vmem>>, vector<1x16x64xf32>,
      %slice3A_706 = vector.extract_strided_slice %logistic3A_93 {offsets = [336, 0], sizes = [16, 1], strides = [1, 1]} : vector<800x1xf32> to vector<16x1xf32>
      %swap3A_707 = arith.constant 21 : index
      %swap3A_708 = arith.constant 0 : index
      %swap3A_709 = arith.constant 0 : index
      %swap3A_710 = vector.load %arg21[%swap3A_707, %swap3A_708, %swap3A_709] : memref<50x16x1xf32, #tpu.memory_space<vmem>>, vector<1x16x1xf32>
      %swap3A_711 = vector.shape_cast %swap3A_710 : vector<1x16x1xf32> to vector<16x1xf32>
      %swap3A_712 = vector.shape_cast %slice3A_706 : vector<16x1xf32> to vector<1x16x1xf32>
      tpu.vector_store %arg21[%swap3A_707, %swap3A_708, %swap3A_709], %swap3A_712 {strides = array<i32>} : memref<50x16x1xf32, #tpu.memory_space<vmem>>, vector<1x16x1xf32>,
      %slice3A_713 = vector.extract_strided_slice %broadcast_in_dim3A_97 {offsets = [336, 0], sizes = [16, 1], strides = [1, 1]} : vector<800x1xf32> to vector<16x1xf32>
      %swap3A_714 = arith.constant 21 : index
      %swap3A_715 = arith.constant 0 : index
      %swap3A_716 = arith.constant 0 : index
      %swap3A_717 = vector.load %arg22[%swap3A_714, %swap3A_715, %swap3A_716] : memref<50x16x1xf32, #tpu.memory_space<vmem>>, vector<1x16x1xf32>
      %swap3A_718 = vector.shape_cast %swap3A_717 : vector<1x16x1xf32> to vector<16x1xf32>
      %swap3A_719 = vector.shape_cast %slice3A_713 : vector<16x1xf32> to vector<1x16x1xf32>
      tpu.vector_store %arg22[%swap3A_714, %swap3A_715, %swap3A_716], %swap3A_719 {strides = array<i32>} : memref<50x16x1xf32, #tpu.memory_space<vmem>>, vector<1x16x1xf32>,
      %slice3A_720 = vector.extract_strided_slice %add3A_110 {offsets = [336, 0], sizes = [16, 1], strides = [1, 1]} : vector<800x1xf32> to vector<16x1xf32>
      %swap3A_721 = arith.constant 21 : index
      %swap3A_722 = arith.constant 0 : index
      %swap3A_723 = arith.constant 0 : index
      %swap3A_724 = vector.load %arg23[%swap3A_721, %swap3A_722, %swap3A_723] : memref<50x16x1xf32, #tpu.memory_space<vmem>>, vector<1x16x1xf32>
      %swap3A_725 = vector.shape_cast %swap3A_724 : vector<1x16x1xf32> to vector<16x1xf32>
      %swap3A_726 = vector.shape_cast %slice3A_720 : vector<16x1xf32> to vector<1x16x1xf32>
      tpu.vector_store %arg23[%swap3A_721, %swap3A_722, %swap3A_723], %swap3A_726 {strides = array<i32>} : memref<50x16x1xf32, #tpu.memory_space<vmem>>, vector<1x16x1xf32>,
      %slice3A_727 = vector.extract_strided_slice %add3A_65 {offsets = [352, 0], sizes = [16, 64], strides = [1, 1]} : vector<800x64xf32> to vector<16x64xf32>
      %swap3A_728 = arith.constant 22 : index
      %swap3A_729 = arith.constant 0 : index
      %swap3A_730 = arith.constant 0 : index
      %swap3A_731 = vector.load %arg20[%swap3A_728, %swap3A_729, %swap3A_730] : memref<50x16x64xf32, #tpu.memory_space<vmem>>, vector<1x16x64xf32>
      %swap3A_732 = vector.shape_cast %swap3A_731 : vector<1x16x64xf32> to vector<16x64xf32>
      %swap3A_733 = vector.shape_cast %slice3A_727 : vector<16x64xf32> to vector<1x16x64xf32>
      tpu.vector_store %arg20[%swap3A_728, %swap3A_729, %swap3A_730], %swap3A_733 {strides = array<i32>} : memref<50x16x64xf32, #tpu.memory_space<vmem>>, vector<1x16x64xf32>,
      %slice3A_734 = vector.extract_strided_slice %logistic3A_93 {offsets = [352, 0], sizes = [16, 1], strides = [1, 1]} : vector<800x1xf32> to vector<16x1xf32>
      %swap3A_735 = arith.constant 22 : index
      %swap3A_736 = arith.constant 0 : index
      %swap3A_737 = arith.constant 0 : index
      %swap3A_738 = vector.load %arg21[%swap3A_735, %swap3A_736, %swap3A_737] : memref<50x16x1xf32, #tpu.memory_space<vmem>>, vector<1x16x1xf32>
      %swap3A_739 = vector.shape_cast %swap3A_738 : vector<1x16x1xf32> to vector<16x1xf32>
      %swap3A_740 = vector.shape_cast %slice3A_734 : vector<16x1xf32> to vector<1x16x1xf32>
      tpu.vector_store %arg21[%swap3A_735, %swap3A_736, %swap3A_737], %swap3A_740 {strides = array<i32>} : memref<50x16x1xf32, #tpu.memory_space<vmem>>, vector<1x16x1xf32>,
      %slice3A_741 = vector.extract_strided_slice %broadcast_in_dim3A_97 {offsets = [352, 0], sizes = [16, 1], strides = [1, 1]} : vector<800x1xf32> to vector<16x1xf32>
      %swap3A_742 = arith.constant 22 : index
      %swap3A_743 = arith.constant 0 : index
      %swap3A_744 = arith.constant 0 : index
      %swap3A_745 = vector.load %arg22[%swap3A_742, %swap3A_743, %swap3A_744] : memref<50x16x1xf32, #tpu.memory_space<vmem>>, vector<1x16x1xf32>
      %swap3A_746 = vector.shape_cast %swap3A_745 : vector<1x16x1xf32> to vector<16x1xf32>
      %swap3A_747 = vector.shape_cast %slice3A_741 : vector<16x1xf32> to vector<1x16x1xf32>
      tpu.vector_store %arg22[%swap3A_742, %swap3A_743, %swap3A_744], %swap3A_747 {strides = array<i32>} : memref<50x16x1xf32, #tpu.memory_space<vmem>>, vector<1x16x1xf32>,
      %slice3A_748 = vector.extract_strided_slice %add3A_110 {offsets = [352, 0], sizes = [16, 1], strides = [1, 1]} : vector<800x1xf32> to vector<16x1xf32>
      %swap3A_749 = arith.constant 22 : index
      %swap3A_750 = arith.constant 0 : index
      %swap3A_751 = arith.constant 0 : index
      %swap3A_752 = vector.load %arg23[%swap3A_749, %swap3A_750, %swap3A_751] : memref<50x16x1xf32, #tpu.memory_space<vmem>>, vector<1x16x1xf32>
      %swap3A_753 = vector.shape_cast %swap3A_752 : vector<1x16x1xf32> to vector<16x1xf32>
      %swap3A_754 = vector.shape_cast %slice3A_748 : vector<16x1xf32> to vector<1x16x1xf32>
      tpu.vector_store %arg23[%swap3A_749, %swap3A_750, %swap3A_751], %swap3A_754 {strides = array<i32>} : memref<50x16x1xf32, #tpu.memory_space<vmem>>, vector<1x16x1xf32>,
      %slice3A_755 = vector.extract_strided_slice %add3A_65 {offsets = [368, 0], sizes = [16, 64], strides = [1, 1]} : vector<800x64xf32> to vector<16x64xf32>
      %swap3A_756 = arith.constant 23 : index
      %swap3A_757 = arith.constant 0 : index
      %swap3A_758 = arith.constant 0 : index
      %swap3A_759 = vector.load %arg20[%swap3A_756, %swap3A_757, %swap3A_758] : memref<50x16x64xf32, #tpu.memory_space<vmem>>, vector<1x16x64xf32>
      %swap3A_760 = vector.shape_cast %swap3A_759 : vector<1x16x64xf32> to vector<16x64xf32>
      %swap3A_761 = vector.shape_cast %slice3A_755 : vector<16x64xf32> to vector<1x16x64xf32>
      tpu.vector_store %arg20[%swap3A_756, %swap3A_757, %swap3A_758], %swap3A_761 {strides = array<i32>} : memref<50x16x64xf32, #tpu.memory_space<vmem>>, vector<1x16x64xf32>,
      %slice3A_762 = vector.extract_strided_slice %logistic3A_93 {offsets = [368, 0], sizes = [16, 1], strides = [1, 1]} : vector<800x1xf32> to vector<16x1xf32>
      %swap3A_763 = arith.constant 23 : index
      %swap3A_764 = arith.constant 0 : index
      %swap3A_765 = arith.constant 0 : index
      %swap3A_766 = vector.load %arg21[%swap3A_763, %swap3A_764, %swap3A_765] : memref<50x16x1xf32, #tpu.memory_space<vmem>>, vector<1x16x1xf32>
      %swap3A_767 = vector.shape_cast %swap3A_766 : vector<1x16x1xf32> to vector<16x1xf32>
      %swap3A_768 = vector.shape_cast %slice3A_762 : vector<16x1xf32> to vector<1x16x1xf32>
      tpu.vector_store %arg21[%swap3A_763, %swap3A_764, %swap3A_765], %swap3A_768 {strides = array<i32>} : memref<50x16x1xf32, #tpu.memory_space<vmem>>, vector<1x16x1xf32>,
      %slice3A_769 = vector.extract_strided_slice %broadcast_in_dim3A_97 {offsets = [368, 0], sizes = [16, 1], strides = [1, 1]} : vector<800x1xf32> to vector<16x1xf32>
      %swap3A_770 = arith.constant 23 : index
      %swap3A_771 = arith.constant 0 : index
      %swap3A_772 = arith.constant 0 : index
      %swap3A_773 = vector.load %arg22[%swap3A_770, %swap3A_771, %swap3A_772] : memref<50x16x1xf32, #tpu.memory_space<vmem>>, vector<1x16x1xf32>
      %swap3A_774 = vector.shape_cast %swap3A_773 : vector<1x16x1xf32> to vector<16x1xf32>
      %swap3A_775 = vector.shape_cast %slice3A_769 : vector<16x1xf32> to vector<1x16x1xf32>
      tpu.vector_store %arg22[%swap3A_770, %swap3A_771, %swap3A_772], %swap3A_775 {strides = array<i32>} : memref<50x16x1xf32, #tpu.memory_space<vmem>>, vector<1x16x1xf32>,
      %slice3A_776 = vector.extract_strided_slice %add3A_110 {offsets = [368, 0], sizes = [16, 1], strides = [1, 1]} : vector<800x1xf32> to vector<16x1xf32>
      %swap3A_777 = arith.constant 23 : index
      %swap3A_778 = arith.constant 0 : index
      %swap3A_779 = arith.constant 0 : index
      %swap3A_780 = vector.load %arg23[%swap3A_777, %swap3A_778, %swap3A_779] : memref<50x16x1xf32, #tpu.memory_space<vmem>>, vector<1x16x1xf32>
      %swap3A_781 = vector.shape_cast %swap3A_780 : vector<1x16x1xf32> to vector<16x1xf32>
      %swap3A_782 = vector.shape_cast %slice3A_776 : vector<16x1xf32> to vector<1x16x1xf32>
      tpu.vector_store %arg23[%swap3A_777, %swap3A_778, %swap3A_779], %swap3A_782 {strides = array<i32>} : memref<50x16x1xf32, #tpu.memory_space<vmem>>, vector<1x16x1xf32>,
      %slice3A_783 = vector.extract_strided_slice %add3A_65 {offsets = [384, 0], sizes = [16, 64], strides = [1, 1]} : vector<800x64xf32> to vector<16x64xf32>
      %swap3A_784 = arith.constant 24 : index
      %swap3A_785 = arith.constant 0 : index
      %swap3A_786 = arith.constant 0 : index
      %swap3A_787 = vector.load %arg20[%swap3A_784, %swap3A_785, %swap3A_786] : memref<50x16x64xf32, #tpu.memory_space<vmem>>, vector<1x16x64xf32>
      %swap3A_788 = vector.shape_cast %swap3A_787 : vector<1x16x64xf32> to vector<16x64xf32>
      %swap3A_789 = vector.shape_cast %slice3A_783 : vector<16x64xf32> to vector<1x16x64xf32>
      tpu.vector_store %arg20[%swap3A_784, %swap3A_785, %swap3A_786], %swap3A_789 {strides = array<i32>} : memref<50x16x64xf32, #tpu.memory_space<vmem>>, vector<1x16x64xf32>,
      %slice3A_790 = vector.extract_strided_slice %logistic3A_93 {offsets = [384, 0], sizes = [16, 1], strides = [1, 1]} : vector<800x1xf32> to vector<16x1xf32>
      %swap3A_791 = arith.constant 24 : index
      %swap3A_792 = arith.constant 0 : index
      %swap3A_793 = arith.constant 0 : index
      %swap3A_794 = vector.load %arg21[%swap3A_791, %swap3A_792, %swap3A_793] : memref<50x16x1xf32, #tpu.memory_space<vmem>>, vector<1x16x1xf32>
      %swap3A_795 = vector.shape_cast %swap3A_794 : vector<1x16x1xf32> to vector<16x1xf32>
      %swap3A_796 = vector.shape_cast %slice3A_790 : vector<16x1xf32> to vector<1x16x1xf32>
      tpu.vector_store %arg21[%swap3A_791, %swap3A_792, %swap3A_793], %swap3A_796 {strides = array<i32>} : memref<50x16x1xf32, #tpu.memory_space<vmem>>, vector<1x16x1xf32>,
      %slice3A_797 = vector.extract_strided_slice %broadcast_in_dim3A_97 {offsets = [384, 0], sizes = [16, 1], strides = [1, 1]} : vector<800x1xf32> to vector<16x1xf32>
      %swap3A_798 = arith.constant 24 : index
      %swap3A_799 = arith.constant 0 : index
      %swap3A_800 = arith.constant 0 : index
      %swap3A_801 = vector.load %arg22[%swap3A_798, %swap3A_799, %swap3A_800] : memref<50x16x1xf32, #tpu.memory_space<vmem>>, vector<1x16x1xf32>
      %swap3A_802 = vector.shape_cast %swap3A_801 : vector<1x16x1xf32> to vector<16x1xf32>
      %swap3A_803 = vector.shape_cast %slice3A_797 : vector<16x1xf32> to vector<1x16x1xf32>
      tpu.vector_store %arg22[%swap3A_798, %swap3A_799, %swap3A_800], %swap3A_803 {strides = array<i32>} : memref<50x16x1xf32, #tpu.memory_space<vmem>>, vector<1x16x1xf32>,
      %slice3A_804 = vector.extract_strided_slice %add3A_110 {offsets = [384, 0], sizes = [16, 1], strides = [1, 1]} : vector<800x1xf32> to vector<16x1xf32>
      %swap3A_805 = arith.constant 24 : index
      %swap3A_806 = arith.constant 0 : index
      %swap3A_807 = arith.constant 0 : index
      %swap3A_808 = vector.load %arg23[%swap3A_805, %swap3A_806, %swap3A_807] : memref<50x16x1xf32, #tpu.memory_space<vmem>>, vector<1x16x1xf32>
      %swap3A_809 = vector.shape_cast %swap3A_808 : vector<1x16x1xf32> to vector<16x1xf32>
      %swap3A_810 = vector.shape_cast %slice3A_804 : vector<16x1xf32> to vector<1x16x1xf32>
      tpu.vector_store %arg23[%swap3A_805, %swap3A_806, %swap3A_807], %swap3A_810 {strides = array<i32>} : memref<50x16x1xf32, #tpu.memory_space<vmem>>, vector<1x16x1xf32>,
      %slice3A_811 = vector.extract_strided_slice %add3A_65 {offsets = [400, 0], sizes = [16, 64], strides = [1, 1]} : vector<800x64xf32> to vector<16x64xf32>
      %swap3A_812 = arith.constant 25 : index
      %swap3A_813 = arith.constant 0 : index
      %swap3A_814 = arith.constant 0 : index
      %swap3A_815 = vector.load %arg20[%swap3A_812, %swap3A_813, %swap3A_814] : memref<50x16x64xf32, #tpu.memory_space<vmem>>, vector<1x16x64xf32>
      %swap3A_816 = vector.shape_cast %swap3A_815 : vector<1x16x64xf32> to vector<16x64xf32>
      %swap3A_817 = vector.shape_cast %slice3A_811 : vector<16x64xf32> to vector<1x16x64xf32>
      tpu.vector_store %arg20[%swap3A_812, %swap3A_813, %swap3A_814], %swap3A_817 {strides = array<i32>} : memref<50x16x64xf32, #tpu.memory_space<vmem>>, vector<1x16x64xf32>,
      %slice3A_818 = vector.extract_strided_slice %logistic3A_93 {offsets = [400, 0], sizes = [16, 1], strides = [1, 1]} : vector<800x1xf32> to vector<16x1xf32>
      %swap3A_819 = arith.constant 25 : index
      %swap3A_820 = arith.constant 0 : index
      %swap3A_821 = arith.constant 0 : index
      %swap3A_822 = vector.load %arg21[%swap3A_819, %swap3A_820, %swap3A_821] : memref<50x16x1xf32, #tpu.memory_space<vmem>>, vector<1x16x1xf32>
      %swap3A_823 = vector.shape_cast %swap3A_822 : vector<1x16x1xf32> to vector<16x1xf32>
      %swap3A_824 = vector.shape_cast %slice3A_818 : vector<16x1xf32> to vector<1x16x1xf32>
      tpu.vector_store %arg21[%swap3A_819, %swap3A_820, %swap3A_821], %swap3A_824 {strides = array<i32>} : memref<50x16x1xf32, #tpu.memory_space<vmem>>, vector<1x16x1xf32>,
      %slice3A_825 = vector.extract_strided_slice %broadcast_in_dim3A_97 {offsets = [400, 0], sizes = [16, 1], strides = [1, 1]} : vector<800x1xf32> to vector<16x1xf32>
      %swap3A_826 = arith.constant 25 : index
      %swap3A_827 = arith.constant 0 : index
      %swap3A_828 = arith.constant 0 : index
      %swap3A_829 = vector.load %arg22[%swap3A_826, %swap3A_827, %swap3A_828] : memref<50x16x1xf32, #tpu.memory_space<vmem>>, vector<1x16x1xf32>
      %swap3A_830 = vector.shape_cast %swap3A_829 : vector<1x16x1xf32> to vector<16x1xf32>
      %swap3A_831 = vector.shape_cast %slice3A_825 : vector<16x1xf32> to vector<1x16x1xf32>
      tpu.vector_store %arg22[%swap3A_826, %swap3A_827, %swap3A_828], %swap3A_831 {strides = array<i32>} : memref<50x16x1xf32, #tpu.memory_space<vmem>>, vector<1x16x1xf32>,
      %slice3A_832 = vector.extract_strided_slice %add3A_110 {offsets = [400, 0], sizes = [16, 1], strides = [1, 1]} : vector<800x1xf32> to vector<16x1xf32>
      %swap3A_833 = arith.constant 25 : index
      %swap3A_834 = arith.constant 0 : index
      %swap3A_835 = arith.constant 0 : index
      %swap3A_836 = vector.load %arg23[%swap3A_833, %swap3A_834, %swap3A_835] : memref<50x16x1xf32, #tpu.memory_space<vmem>>, vector<1x16x1xf32>
      %swap3A_837 = vector.shape_cast %swap3A_836 : vector<1x16x1xf32> to vector<16x1xf32>
      %swap3A_838 = vector.shape_cast %slice3A_832 : vector<16x1xf32> to vector<1x16x1xf32>
      tpu.vector_store %arg23[%swap3A_833, %swap3A_834, %swap3A_835], %swap3A_838 {strides = array<i32>} : memref<50x16x1xf32, #tpu.memory_space<vmem>>, vector<1x16x1xf32>,
      %slice3A_839 = vector.extract_strided_slice %add3A_65 {offsets = [416, 0], sizes = [16, 64], strides = [1, 1]} : vector<800x64xf32> to vector<16x64xf32>
      %swap3A_840 = arith.constant 26 : index
      %swap3A_841 = arith.constant 0 : index
      %swap3A_842 = arith.constant 0 : index
      %swap3A_843 = vector.load %arg20[%swap3A_840, %swap3A_841, %swap3A_842] : memref<50x16x64xf32, #tpu.memory_space<vmem>>, vector<1x16x64xf32>
      %swap3A_844 = vector.shape_cast %swap3A_843 : vector<1x16x64xf32> to vector<16x64xf32>
      %swap3A_845 = vector.shape_cast %slice3A_839 : vector<16x64xf32> to vector<1x16x64xf32>
      tpu.vector_store %arg20[%swap3A_840, %swap3A_841, %swap3A_842], %swap3A_845 {strides = array<i32>} : memref<50x16x64xf32, #tpu.memory_space<vmem>>, vector<1x16x64xf32>,
      %slice3A_846 = vector.extract_strided_slice %logistic3A_93 {offsets = [416, 0], sizes = [16, 1], strides = [1, 1]} : vector<800x1xf32> to vector<16x1xf32>
      %swap3A_847 = arith.constant 26 : index
      %swap3A_848 = arith.constant 0 : index
      %swap3A_849 = arith.constant 0 : index
      %swap3A_850 = vector.load %arg21[%swap3A_847, %swap3A_848, %swap3A_849] : memref<50x16x1xf32, #tpu.memory_space<vmem>>, vector<1x16x1xf32>
      %swap3A_851 = vector.shape_cast %swap3A_850 : vector<1x16x1xf32> to vector<16x1xf32>
      %swap3A_852 = vector.shape_cast %slice3A_846 : vector<16x1xf32> to vector<1x16x1xf32>
      tpu.vector_store %arg21[%swap3A_847, %swap3A_848, %swap3A_849], %swap3A_852 {strides = array<i32>} : memref<50x16x1xf32, #tpu.memory_space<vmem>>, vector<1x16x1xf32>,
      %slice3A_853 = vector.extract_strided_slice %broadcast_in_dim3A_97 {offsets = [416, 0], sizes = [16, 1], strides = [1, 1]} : vector<800x1xf32> to vector<16x1xf32>
      %swap3A_854 = arith.constant 26 : index
      %swap3A_855 = arith.constant 0 : index
      %swap3A_856 = arith.constant 0 : index
      %swap3A_857 = vector.load %arg22[%swap3A_854, %swap3A_855, %swap3A_856] : memref<50x16x1xf32, #tpu.memory_space<vmem>>, vector<1x16x1xf32>
      %swap3A_858 = vector.shape_cast %swap3A_857 : vector<1x16x1xf32> to vector<16x1xf32>
      %swap3A_859 = vector.shape_cast %slice3A_853 : vector<16x1xf32> to vector<1x16x1xf32>
      tpu.vector_store %arg22[%swap3A_854, %swap3A_855, %swap3A_856], %swap3A_859 {strides = array<i32>} : memref<50x16x1xf32, #tpu.memory_space<vmem>>, vector<1x16x1xf32>,
      %slice3A_860 = vector.extract_strided_slice %add3A_110 {offsets = [416, 0], sizes = [16, 1], strides = [1, 1]} : vector<800x1xf32> to vector<16x1xf32>
      %swap3A_861 = arith.constant 26 : index
      %swap3A_862 = arith.constant 0 : index
      %swap3A_863 = arith.constant 0 : index
      %swap3A_864 = vector.load %arg23[%swap3A_861, %swap3A_862, %swap3A_863] : memref<50x16x1xf32, #tpu.memory_space<vmem>>, vector<1x16x1xf32>
      %swap3A_865 = vector.shape_cast %swap3A_864 : vector<1x16x1xf32> to vector<16x1xf32>
      %swap3A_866 = vector.shape_cast %slice3A_860 : vector<16x1xf32> to vector<1x16x1xf32>
      tpu.vector_store %arg23[%swap3A_861, %swap3A_862, %swap3A_863], %swap3A_866 {strides = array<i32>} : memref<50x16x1xf32, #tpu.memory_space<vmem>>, vector<1x16x1xf32>,
      %slice3A_867 = vector.extract_strided_slice %add3A_65 {offsets = [432, 0], sizes = [16, 64], strides = [1, 1]} : vector<800x64xf32> to vector<16x64xf32>
      %swap3A_868 = arith.constant 27 : index
      %swap3A_869 = arith.constant 0 : index
      %swap3A_870 = arith.constant 0 : index
      %swap3A_871 = vector.load %arg20[%swap3A_868, %swap3A_869, %swap3A_870] : memref<50x16x64xf32, #tpu.memory_space<vmem>>, vector<1x16x64xf32>
      %swap3A_872 = vector.shape_cast %swap3A_871 : vector<1x16x64xf32> to vector<16x64xf32>
      %swap3A_873 = vector.shape_cast %slice3A_867 : vector<16x64xf32> to vector<1x16x64xf32>
      tpu.vector_store %arg20[%swap3A_868, %swap3A_869, %swap3A_870], %swap3A_873 {strides = array<i32>} : memref<50x16x64xf32, #tpu.memory_space<vmem>>, vector<1x16x64xf32>,
      %slice3A_874 = vector.extract_strided_slice %logistic3A_93 {offsets = [432, 0], sizes = [16, 1], strides = [1, 1]} : vector<800x1xf32> to vector<16x1xf32>
      %swap3A_875 = arith.constant 27 : index
      %swap3A_876 = arith.constant 0 : index
      %swap3A_877 = arith.constant 0 : index
      %swap3A_878 = vector.load %arg21[%swap3A_875, %swap3A_876, %swap3A_877] : memref<50x16x1xf32, #tpu.memory_space<vmem>>, vector<1x16x1xf32>
      %swap3A_879 = vector.shape_cast %swap3A_878 : vector<1x16x1xf32> to vector<16x1xf32>
      %swap3A_880 = vector.shape_cast %slice3A_874 : vector<16x1xf32> to vector<1x16x1xf32>
      tpu.vector_store %arg21[%swap3A_875, %swap3A_876, %swap3A_877], %swap3A_880 {strides = array<i32>} : memref<50x16x1xf32, #tpu.memory_space<vmem>>, vector<1x16x1xf32>,
      %slice3A_881 = vector.extract_strided_slice %broadcast_in_dim3A_97 {offsets = [432, 0], sizes = [16, 1], strides = [1, 1]} : vector<800x1xf32> to vector<16x1xf32>
      %swap3A_882 = arith.constant 27 : index
      %swap3A_883 = arith.constant 0 : index
      %swap3A_884 = arith.constant 0 : index
      %swap3A_885 = vector.load %arg22[%swap3A_882, %swap3A_883, %swap3A_884] : memref<50x16x1xf32, #tpu.memory_space<vmem>>, vector<1x16x1xf32>
      %swap3A_886 = vector.shape_cast %swap3A_885 : vector<1x16x1xf32> to vector<16x1xf32>
      %swap3A_887 = vector.shape_cast %slice3A_881 : vector<16x1xf32> to vector<1x16x1xf32>
      tpu.vector_store %arg22[%swap3A_882, %swap3A_883, %swap3A_884], %swap3A_887 {strides = array<i32>} : memref<50x16x1xf32, #tpu.memory_space<vmem>>, vector<1x16x1xf32>,
      %slice3A_888 = vector.extract_strided_slice %add3A_110 {offsets = [432, 0], sizes = [16, 1], strides = [1, 1]} : vector<800x1xf32> to vector<16x1xf32>
      %swap3A_889 = arith.constant 27 : index
      %swap3A_890 = arith.constant 0 : index
      %swap3A_891 = arith.constant 0 : index
      %swap3A_892 = vector.load %arg23[%swap3A_889, %swap3A_890, %swap3A_891] : memref<50x16x1xf32, #tpu.memory_space<vmem>>, vector<1x16x1xf32>
      %swap3A_893 = vector.shape_cast %swap3A_892 : vector<1x16x1xf32> to vector<16x1xf32>
      %swap3A_894 = vector.shape_cast %slice3A_888 : vector<16x1xf32> to vector<1x16x1xf32>
      tpu.vector_store %arg23[%swap3A_889, %swap3A_890, %swap3A_891], %swap3A_894 {strides = array<i32>} : memref<50x16x1xf32, #tpu.memory_space<vmem>>, vector<1x16x1xf32>,
      %slice3A_895 = vector.extract_strided_slice %add3A_65 {offsets = [448, 0], sizes = [16, 64], strides = [1, 1]} : vector<800x64xf32> to vector<16x64xf32>
      %swap3A_896 = arith.constant 28 : index
      %swap3A_897 = arith.constant 0 : index
      %swap3A_898 = arith.constant 0 : index
      %swap3A_899 = vector.load %arg20[%swap3A_896, %swap3A_897, %swap3A_898] : memref<50x16x64xf32, #tpu.memory_space<vmem>>, vector<1x16x64xf32>
      %swap3A_900 = vector.shape_cast %swap3A_899 : vector<1x16x64xf32> to vector<16x64xf32>
      %swap3A_901 = vector.shape_cast %slice3A_895 : vector<16x64xf32> to vector<1x16x64xf32>
      tpu.vector_store %arg20[%swap3A_896, %swap3A_897, %swap3A_898], %swap3A_901 {strides = array<i32>} : memref<50x16x64xf32, #tpu.memory_space<vmem>>, vector<1x16x64xf32>,
      %slice3A_902 = vector.extract_strided_slice %logistic3A_93 {offsets = [448, 0], sizes = [16, 1], strides = [1, 1]} : vector<800x1xf32> to vector<16x1xf32>
      %swap3A_903 = arith.constant 28 : index
      %swap3A_904 = arith.constant 0 : index
      %swap3A_905 = arith.constant 0 : index
      %swap3A_906 = vector.load %arg21[%swap3A_903, %swap3A_904, %swap3A_905] : memref<50x16x1xf32, #tpu.memory_space<vmem>>, vector<1x16x1xf32>
      %swap3A_907 = vector.shape_cast %swap3A_906 : vector<1x16x1xf32> to vector<16x1xf32>
      %swap3A_908 = vector.shape_cast %slice3A_902 : vector<16x1xf32> to vector<1x16x1xf32>
      tpu.vector_store %arg21[%swap3A_903, %swap3A_904, %swap3A_905], %swap3A_908 {strides = array<i32>} : memref<50x16x1xf32, #tpu.memory_space<vmem>>, vector<1x16x1xf32>,
      %slice3A_909 = vector.extract_strided_slice %broadcast_in_dim3A_97 {offsets = [448, 0], sizes = [16, 1], strides = [1, 1]} : vector<800x1xf32> to vector<16x1xf32>
      %swap3A_910 = arith.constant 28 : index
      %swap3A_911 = arith.constant 0 : index
      %swap3A_912 = arith.constant 0 : index
      %swap3A_913 = vector.load %arg22[%swap3A_910, %swap3A_911, %swap3A_912] : memref<50x16x1xf32, #tpu.memory_space<vmem>>, vector<1x16x1xf32>
      %swap3A_914 = vector.shape_cast %swap3A_913 : vector<1x16x1xf32> to vector<16x1xf32>
      %swap3A_915 = vector.shape_cast %slice3A_909 : vector<16x1xf32> to vector<1x16x1xf32>
      tpu.vector_store %arg22[%swap3A_910, %swap3A_911, %swap3A_912], %swap3A_915 {strides = array<i32>} : memref<50x16x1xf32, #tpu.memory_space<vmem>>, vector<1x16x1xf32>,
      %slice3A_916 = vector.extract_strided_slice %add3A_110 {offsets = [448, 0], sizes = [16, 1], strides = [1, 1]} : vector<800x1xf32> to vector<16x1xf32>
      %swap3A_917 = arith.constant 28 : index
      %swap3A_918 = arith.constant 0 : index
      %swap3A_919 = arith.constant 0 : index
      %swap3A_920 = vector.load %arg23[%swap3A_917, %swap3A_918, %swap3A_919] : memref<50x16x1xf32, #tpu.memory_space<vmem>>, vector<1x16x1xf32>
      %swap3A_921 = vector.shape_cast %swap3A_920 : vector<1x16x1xf32> to vector<16x1xf32>
      %swap3A_922 = vector.shape_cast %slice3A_916 : vector<16x1xf32> to vector<1x16x1xf32>
      tpu.vector_store %arg23[%swap3A_917, %swap3A_918, %swap3A_919], %swap3A_922 {strides = array<i32>} : memref<50x16x1xf32, #tpu.memory_space<vmem>>, vector<1x16x1xf32>,
      %slice3A_923 = vector.extract_strided_slice %add3A_65 {offsets = [464, 0], sizes = [16, 64], strides = [1, 1]} : vector<800x64xf32> to vector<16x64xf32>
      %swap3A_924 = arith.constant 29 : index
      %swap3A_925 = arith.constant 0 : index
      %swap3A_926 = arith.constant 0 : index
      %swap3A_927 = vector.load %arg20[%swap3A_924, %swap3A_925, %swap3A_926] : memref<50x16x64xf32, #tpu.memory_space<vmem>>, vector<1x16x64xf32>
      %swap3A_928 = vector.shape_cast %swap3A_927 : vector<1x16x64xf32> to vector<16x64xf32>
      %swap3A_929 = vector.shape_cast %slice3A_923 : vector<16x64xf32> to vector<1x16x64xf32>
      tpu.vector_store %arg20[%swap3A_924, %swap3A_925, %swap3A_926], %swap3A_929 {strides = array<i32>} : memref<50x16x64xf32, #tpu.memory_space<vmem>>, vector<1x16x64xf32>,
      %slice3A_930 = vector.extract_strided_slice %logistic3A_93 {offsets = [464, 0], sizes = [16, 1], strides = [1, 1]} : vector<800x1xf32> to vector<16x1xf32>
      %swap3A_931 = arith.constant 29 : index
      %swap3A_932 = arith.constant 0 : index
      %swap3A_933 = arith.constant 0 : index
      %swap3A_934 = vector.load %arg21[%swap3A_931, %swap3A_932, %swap3A_933] : memref<50x16x1xf32, #tpu.memory_space<vmem>>, vector<1x16x1xf32>
      %swap3A_935 = vector.shape_cast %swap3A_934 : vector<1x16x1xf32> to vector<16x1xf32>
      %swap3A_936 = vector.shape_cast %slice3A_930 : vector<16x1xf32> to vector<1x16x1xf32>
      tpu.vector_store %arg21[%swap3A_931, %swap3A_932, %swap3A_933], %swap3A_936 {strides = array<i32>} : memref<50x16x1xf32, #tpu.memory_space<vmem>>, vector<1x16x1xf32>,
      %slice3A_937 = vector.extract_strided_slice %broadcast_in_dim3A_97 {offsets = [464, 0], sizes = [16, 1], strides = [1, 1]} : vector<800x1xf32> to vector<16x1xf32>
      %swap3A_938 = arith.constant 29 : index
      %swap3A_939 = arith.constant 0 : index
      %swap3A_940 = arith.constant 0 : index
      %swap3A_941 = vector.load %arg22[%swap3A_938, %swap3A_939, %swap3A_940] : memref<50x16x1xf32, #tpu.memory_space<vmem>>, vector<1x16x1xf32>
      %swap3A_942 = vector.shape_cast %swap3A_941 : vector<1x16x1xf32> to vector<16x1xf32>
      %swap3A_943 = vector.shape_cast %slice3A_937 : vector<16x1xf32> to vector<1x16x1xf32>
      tpu.vector_store %arg22[%swap3A_938, %swap3A_939, %swap3A_940], %swap3A_943 {strides = array<i32>} : memref<50x16x1xf32, #tpu.memory_space<vmem>>, vector<1x16x1xf32>,
      %slice3A_944 = vector.extract_strided_slice %add3A_110 {offsets = [464, 0], sizes = [16, 1], strides = [1, 1]} : vector<800x1xf32> to vector<16x1xf32>
      %swap3A_945 = arith.constant 29 : index
      %swap3A_946 = arith.constant 0 : index
      %swap3A_947 = arith.constant 0 : index
      %swap3A_948 = vector.load %arg23[%swap3A_945, %swap3A_946, %swap3A_947] : memref<50x16x1xf32, #tpu.memory_space<vmem>>, vector<1x16x1xf32>
      %swap3A_949 = vector.shape_cast %swap3A_948 : vector<1x16x1xf32> to vector<16x1xf32>
      %swap3A_950 = vector.shape_cast %slice3A_944 : vector<16x1xf32> to vector<1x16x1xf32>
      tpu.vector_store %arg23[%swap3A_945, %swap3A_946, %swap3A_947], %swap3A_950 {strides = array<i32>} : memref<50x16x1xf32, #tpu.memory_space<vmem>>, vector<1x16x1xf32>,
      %slice3A_951 = vector.extract_strided_slice %add3A_65 {offsets = [480, 0], sizes = [16, 64], strides = [1, 1]} : vector<800x64xf32> to vector<16x64xf32>
      %swap3A_952 = arith.constant 30 : index
      %swap3A_953 = arith.constant 0 : index
      %swap3A_954 = arith.constant 0 : index
      %swap3A_955 = vector.load %arg20[%swap3A_952, %swap3A_953, %swap3A_954] : memref<50x16x64xf32, #tpu.memory_space<vmem>>, vector<1x16x64xf32>
      %swap3A_956 = vector.shape_cast %swap3A_955 : vector<1x16x64xf32> to vector<16x64xf32>
      %swap3A_957 = vector.shape_cast %slice3A_951 : vector<16x64xf32> to vector<1x16x64xf32>
      tpu.vector_store %arg20[%swap3A_952, %swap3A_953, %swap3A_954], %swap3A_957 {strides = array<i32>} : memref<50x16x64xf32, #tpu.memory_space<vmem>>, vector<1x16x64xf32>,
      %slice3A_958 = vector.extract_strided_slice %logistic3A_93 {offsets = [480, 0], sizes = [16, 1], strides = [1, 1]} : vector<800x1xf32> to vector<16x1xf32>
      %swap3A_959 = arith.constant 30 : index
      %swap3A_960 = arith.constant 0 : index
      %swap3A_961 = arith.constant 0 : index
      %swap3A_962 = vector.load %arg21[%swap3A_959, %swap3A_960, %swap3A_961] : memref<50x16x1xf32, #tpu.memory_space<vmem>>, vector<1x16x1xf32>
      %swap3A_963 = vector.shape_cast %swap3A_962 : vector<1x16x1xf32> to vector<16x1xf32>
      %swap3A_964 = vector.shape_cast %slice3A_958 : vector<16x1xf32> to vector<1x16x1xf32>
      tpu.vector_store %arg21[%swap3A_959, %swap3A_960, %swap3A_961], %swap3A_964 {strides = array<i32>} : memref<50x16x1xf32, #tpu.memory_space<vmem>>, vector<1x16x1xf32>,
      %slice3A_965 = vector.extract_strided_slice %broadcast_in_dim3A_97 {offsets = [480, 0], sizes = [16, 1], strides = [1, 1]} : vector<800x1xf32> to vector<16x1xf32>
      %swap3A_966 = arith.constant 30 : index
      %swap3A_967 = arith.constant 0 : index
      %swap3A_968 = arith.constant 0 : index
      %swap3A_969 = vector.load %arg22[%swap3A_966, %swap3A_967, %swap3A_968] : memref<50x16x1xf32, #tpu.memory_space<vmem>>, vector<1x16x1xf32>
      %swap3A_970 = vector.shape_cast %swap3A_969 : vector<1x16x1xf32> to vector<16x1xf32>
      %swap3A_971 = vector.shape_cast %slice3A_965 : vector<16x1xf32> to vector<1x16x1xf32>
      tpu.vector_store %arg22[%swap3A_966, %swap3A_967, %swap3A_968], %swap3A_971 {strides = array<i32>} : memref<50x16x1xf32, #tpu.memory_space<vmem>>, vector<1x16x1xf32>,
      %slice3A_972 = vector.extract_strided_slice %add3A_110 {offsets = [480, 0], sizes = [16, 1], strides = [1, 1]} : vector<800x1xf32> to vector<16x1xf32>
      %swap3A_973 = arith.constant 30 : index
      %swap3A_974 = arith.constant 0 : index
      %swap3A_975 = arith.constant 0 : index
      %swap3A_976 = vector.load %arg23[%swap3A_973, %swap3A_974, %swap3A_975] : memref<50x16x1xf32, #tpu.memory_space<vmem>>, vector<1x16x1xf32>
      %swap3A_977 = vector.shape_cast %swap3A_976 : vector<1x16x1xf32> to vector<16x1xf32>
      %swap3A_978 = vector.shape_cast %slice3A_972 : vector<16x1xf32> to vector<1x16x1xf32>
      tpu.vector_store %arg23[%swap3A_973, %swap3A_974, %swap3A_975], %swap3A_978 {strides = array<i32>} : memref<50x16x1xf32, #tpu.memory_space<vmem>>, vector<1x16x1xf32>,
      %slice3A_979 = vector.extract_strided_slice %add3A_65 {offsets = [496, 0], sizes = [16, 64], strides = [1, 1]} : vector<800x64xf32> to vector<16x64xf32>
      %swap3A_980 = arith.constant 31 : index
      %swap3A_981 = arith.constant 0 : index
      %swap3A_982 = arith.constant 0 : index
      %swap3A_983 = vector.load %arg20[%swap3A_980, %swap3A_981, %swap3A_982] : memref<50x16x64xf32, #tpu.memory_space<vmem>>, vector<1x16x64xf32>
      %swap3A_984 = vector.shape_cast %swap3A_983 : vector<1x16x64xf32> to vector<16x64xf32>
      %swap3A_985 = vector.shape_cast %slice3A_979 : vector<16x64xf32> to vector<1x16x64xf32>
      tpu.vector_store %arg20[%swap3A_980, %swap3A_981, %swap3A_982], %swap3A_985 {strides = array<i32>} : memref<50x16x64xf32, #tpu.memory_space<vmem>>, vector<1x16x64xf32>,
      %slice3A_986 = vector.extract_strided_slice %logistic3A_93 {offsets = [496, 0], sizes = [16, 1], strides = [1, 1]} : vector<800x1xf32> to vector<16x1xf32>
      %swap3A_987 = arith.constant 31 : index
      %swap3A_988 = arith.constant 0 : index
      %swap3A_989 = arith.constant 0 : index
      %swap3A_990 = vector.load %arg21[%swap3A_987, %swap3A_988, %swap3A_989] : memref<50x16x1xf32, #tpu.memory_space<vmem>>, vector<1x16x1xf32>
      %swap3A_991 = vector.shape_cast %swap3A_990 : vector<1x16x1xf32> to vector<16x1xf32>
      %swap3A_992 = vector.shape_cast %slice3A_986 : vector<16x1xf32> to vector<1x16x1xf32>
      tpu.vector_store %arg21[%swap3A_987, %swap3A_988, %swap3A_989], %swap3A_992 {strides = array<i32>} : memref<50x16x1xf32, #tpu.memory_space<vmem>>, vector<1x16x1xf32>,
      %slice3A_993 = vector.extract_strided_slice %broadcast_in_dim3A_97 {offsets = [496, 0], sizes = [16, 1], strides = [1, 1]} : vector<800x1xf32> to vector<16x1xf32>
      %swap3A_994 = arith.constant 31 : index
      %swap3A_995 = arith.constant 0 : index
      %swap3A_996 = arith.constant 0 : index
      %swap3A_997 = vector.load %arg22[%swap3A_994, %swap3A_995, %swap3A_996] : memref<50x16x1xf32, #tpu.memory_space<vmem>>, vector<1x16x1xf32>
      %swap3A_998 = vector.shape_cast %swap3A_997 : vector<1x16x1xf32> to vector<16x1xf32>
      %swap3A_999 = vector.shape_cast %slice3A_993 : vector<16x1xf32> to vector<1x16x1xf32>
      tpu.vector_store %arg22[%swap3A_994, %swap3A_995, %swap3A_996], %swap3A_999 {strides = array<i32>} : memref<50x16x1xf32, #tpu.memory_space<vmem>>, vector<1x16x1xf32>,
      %slice3A_1000 = vector.extract_strided_slice %add3A_110 {offsets = [496, 0], sizes = [16, 1], strides = [1, 1]} : vector<800x1xf32> to vector<16x1xf32>
      %swap3A_1001 = arith.constant 31 : index
      %swap3A_1002 = arith.constant 0 : index
      %swap3A_1003 = arith.constant 0 : index
      %swap3A_1004 = vector.load %arg23[%swap3A_1001, %swap3A_1002, %swap3A_1003] : memref<50x16x1xf32, #tpu.memory_space<vmem>>, vector<1x16x1xf32>
      %swap3A_1005 = vector.shape_cast %swap3A_1004 : vector<1x16x1xf32> to vector<16x1xf32>
      %swap3A_1006 = vector.shape_cast %slice3A_1000 : vector<16x1xf32> to vector<1x16x1xf32>
      tpu.vector_store %arg23[%swap3A_1001, %swap3A_1002, %swap3A_1003], %swap3A_1006 {strides = array<i32>} : memref<50x16x1xf32, #tpu.memory_space<vmem>>, vector<1x16x1xf32>,
      %slice3A_1007 = vector.extract_strided_slice %add3A_65 {offsets = [512, 0], sizes = [16, 64], strides = [1, 1]} : vector<800x64xf32> to vector<16x64xf32>
      %swap3A_1008 = arith.constant 32 : index
      %swap3A_1009 = arith.constant 0 : index
      %swap3A_1010 = arith.constant 0 : index
      %swap3A_1011 = vector.load %arg20[%swap3A_1008, %swap3A_1009, %swap3A_1010] : memref<50x16x64xf32, #tpu.memory_space<vmem>>, vector<1x16x64xf32>
      %swap3A_1012 = vector.shape_cast %swap3A_1011 : vector<1x16x64xf32> to vector<16x64xf32>
      %swap3A_1013 = vector.shape_cast %slice3A_1007 : vector<16x64xf32> to vector<1x16x64xf32>
      tpu.vector_store %arg20[%swap3A_1008, %swap3A_1009, %swap3A_1010], %swap3A_1013 {strides = array<i32>} : memref<50x16x64xf32, #tpu.memory_space<vmem>>, vector<1x16x64xf32>,
      %slice3A_1014 = vector.extract_strided_slice %logistic3A_93 {offsets = [512, 0], sizes = [16, 1], strides = [1, 1]} : vector<800x1xf32> to vector<16x1xf32>
      %swap3A_1015 = arith.constant 32 : index
      %swap3A_1016 = arith.constant 0 : index
      %swap3A_1017 = arith.constant 0 : index
      %swap3A_1018 = vector.load %arg21[%swap3A_1015, %swap3A_1016, %swap3A_1017] : memref<50x16x1xf32, #tpu.memory_space<vmem>>, vector<1x16x1xf32>
      %swap3A_1019 = vector.shape_cast %swap3A_1018 : vector<1x16x1xf32> to vector<16x1xf32>
      %swap3A_1020 = vector.shape_cast %slice3A_1014 : vector<16x1xf32> to vector<1x16x1xf32>
      tpu.vector_store %arg21[%swap3A_1015, %swap3A_1016, %swap3A_1017], %swap3A_1020 {strides = array<i32>} : memref<50x16x1xf32, #tpu.memory_space<vmem>>, vector<1x16x1xf32>,
      %slice3A_1021 = vector.extract_strided_slice %broadcast_in_dim3A_97 {offsets = [512, 0], sizes = [16, 1], strides = [1, 1]} : vector<800x1xf32> to vector<16x1xf32>
      %swap3A_1022 = arith.constant 32 : index
      %swap3A_1023 = arith.constant 0 : index
      %swap3A_1024 = arith.constant 0 : index
      %swap3A_1025 = vector.load %arg22[%swap3A_1022, %swap3A_1023, %swap3A_1024] : memref<50x16x1xf32, #tpu.memory_space<vmem>>, vector<1x16x1xf32>
      %swap3A_1026 = vector.shape_cast %swap3A_1025 : vector<1x16x1xf32> to vector<16x1xf32>
      %swap3A_1027 = vector.shape_cast %slice3A_1021 : vector<16x1xf32> to vector<1x16x1xf32>
      tpu.vector_store %arg22[%swap3A_1022, %swap3A_1023, %swap3A_1024], %swap3A_1027 {strides = array<i32>} : memref<50x16x1xf32, #tpu.memory_space<vmem>>, vector<1x16x1xf32>,
      %slice3A_1028 = vector.extract_strided_slice %add3A_110 {offsets = [512, 0], sizes = [16, 1], strides = [1, 1]} : vector<800x1xf32> to vector<16x1xf32>
      %swap3A_1029 = arith.constant 32 : index
      %swap3A_1030 = arith.constant 0 : index
      %swap3A_1031 = arith.constant 0 : index
      %swap3A_1032 = vector.load %arg23[%swap3A_1029, %swap3A_1030, %swap3A_1031] : memref<50x16x1xf32, #tpu.memory_space<vmem>>, vector<1x16x1xf32>
      %swap3A_1033 = vector.shape_cast %swap3A_1032 : vector<1x16x1xf32> to vector<16x1xf32>
      %swap3A_1034 = vector.shape_cast %slice3A_1028 : vector<16x1xf32> to vector<1x16x1xf32>
      tpu.vector_store %arg23[%swap3A_1029, %swap3A_1030, %swap3A_1031], %swap3A_1034 {strides = array<i32>} : memref<50x16x1xf32, #tpu.memory_space<vmem>>, vector<1x16x1xf32>,
      %slice3A_1035 = vector.extract_strided_slice %add3A_65 {offsets = [528, 0], sizes = [16, 64], strides = [1, 1]} : vector<800x64xf32> to vector<16x64xf32>
      %swap3A_1036 = arith.constant 33 : index
      %swap3A_1037 = arith.constant 0 : index
      %swap3A_1038 = arith.constant 0 : index
      %swap3A_1039 = vector.load %arg20[%swap3A_1036, %swap3A_1037, %swap3A_1038] : memref<50x16x64xf32, #tpu.memory_space<vmem>>, vector<1x16x64xf32>
      %swap3A_1040 = vector.shape_cast %swap3A_1039 : vector<1x16x64xf32> to vector<16x64xf32>
      %swap3A_1041 = vector.shape_cast %slice3A_1035 : vector<16x64xf32> to vector<1x16x64xf32>
      tpu.vector_store %arg20[%swap3A_1036, %swap3A_1037, %swap3A_1038], %swap3A_1041 {strides = array<i32>} : memref<50x16x64xf32, #tpu.memory_space<vmem>>, vector<1x16x64xf32>,
      %slice3A_1042 = vector.extract_strided_slice %logistic3A_93 {offsets = [528, 0], sizes = [16, 1], strides = [1, 1]} : vector<800x1xf32> to vector<16x1xf32>
      %swap3A_1043 = arith.constant 33 : index
      %swap3A_1044 = arith.constant 0 : index
      %swap3A_1045 = arith.constant 0 : index
      %swap3A_1046 = vector.load %arg21[%swap3A_1043, %swap3A_1044, %swap3A_1045] : memref<50x16x1xf32, #tpu.memory_space<vmem>>, vector<1x16x1xf32>
      %swap3A_1047 = vector.shape_cast %swap3A_1046 : vector<1x16x1xf32> to vector<16x1xf32>
      %swap3A_1048 = vector.shape_cast %slice3A_1042 : vector<16x1xf32> to vector<1x16x1xf32>
      tpu.vector_store %arg21[%swap3A_1043, %swap3A_1044, %swap3A_1045], %swap3A_1048 {strides = array<i32>} : memref<50x16x1xf32, #tpu.memory_space<vmem>>, vector<1x16x1xf32>,
      %slice3A_1049 = vector.extract_strided_slice %broadcast_in_dim3A_97 {offsets = [528, 0], sizes = [16, 1], strides = [1, 1]} : vector<800x1xf32> to vector<16x1xf32>
      %swap3A_1050 = arith.constant 33 : index
      %swap3A_1051 = arith.constant 0 : index
      %swap3A_1052 = arith.constant 0 : index
      %swap3A_1053 = vector.load %arg22[%swap3A_1050, %swap3A_1051, %swap3A_1052] : memref<50x16x1xf32, #tpu.memory_space<vmem>>, vector<1x16x1xf32>
      %swap3A_1054 = vector.shape_cast %swap3A_1053 : vector<1x16x1xf32> to vector<16x1xf32>
      %swap3A_1055 = vector.shape_cast %slice3A_1049 : vector<16x1xf32> to vector<1x16x1xf32>
      tpu.vector_store %arg22[%swap3A_1050, %swap3A_1051, %swap3A_1052], %swap3A_1055 {strides = array<i32>} : memref<50x16x1xf32, #tpu.memory_space<vmem>>, vector<1x16x1xf32>,
      %slice3A_1056 = vector.extract_strided_slice %add3A_110 {offsets = [528, 0], sizes = [16, 1], strides = [1, 1]} : vector<800x1xf32> to vector<16x1xf32>
      %swap3A_1057 = arith.constant 33 : index
      %swap3A_1058 = arith.constant 0 : index
      %swap3A_1059 = arith.constant 0 : index
      %swap3A_1060 = vector.load %arg23[%swap3A_1057, %swap3A_1058, %swap3A_1059] : memref<50x16x1xf32, #tpu.memory_space<vmem>>, vector<1x16x1xf32>
      %swap3A_1061 = vector.shape_cast %swap3A_1060 : vector<1x16x1xf32> to vector<16x1xf32>
      %swap3A_1062 = vector.shape_cast %slice3A_1056 : vector<16x1xf32> to vector<1x16x1xf32>
      tpu.vector_store %arg23[%swap3A_1057, %swap3A_1058, %swap3A_1059], %swap3A_1062 {strides = array<i32>} : memref<50x16x1xf32, #tpu.memory_space<vmem>>, vector<1x16x1xf32>,
      %slice3A_1063 = vector.extract_strided_slice %add3A_65 {offsets = [544, 0], sizes = [16, 64], strides = [1, 1]} : vector<800x64xf32> to vector<16x64xf32>
      %swap3A_1064 = arith.constant 34 : index
      %swap3A_1065 = arith.constant 0 : index
      %swap3A_1066 = arith.constant 0 : index
      %swap3A_1067 = vector.load %arg20[%swap3A_1064, %swap3A_1065, %swap3A_1066] : memref<50x16x64xf32, #tpu.memory_space<vmem>>, vector<1x16x64xf32>
      %swap3A_1068 = vector.shape_cast %swap3A_1067 : vector<1x16x64xf32> to vector<16x64xf32>
      %swap3A_1069 = vector.shape_cast %slice3A_1063 : vector<16x64xf32> to vector<1x16x64xf32>
      tpu.vector_store %arg20[%swap3A_1064, %swap3A_1065, %swap3A_1066], %swap3A_1069 {strides = array<i32>} : memref<50x16x64xf32, #tpu.memory_space<vmem>>, vector<1x16x64xf32>,
      %slice3A_1070 = vector.extract_strided_slice %logistic3A_93 {offsets = [544, 0], sizes = [16, 1], strides = [1, 1]} : vector<800x1xf32> to vector<16x1xf32>
      %swap3A_1071 = arith.constant 34 : index
      %swap3A_1072 = arith.constant 0 : index
      %swap3A_1073 = arith.constant 0 : index
      %swap3A_1074 = vector.load %arg21[%swap3A_1071, %swap3A_1072, %swap3A_1073] : memref<50x16x1xf32, #tpu.memory_space<vmem>>, vector<1x16x1xf32>
      %swap3A_1075 = vector.shape_cast %swap3A_1074 : vector<1x16x1xf32> to vector<16x1xf32>
      %swap3A_1076 = vector.shape_cast %slice3A_1070 : vector<16x1xf32> to vector<1x16x1xf32>
      tpu.vector_store %arg21[%swap3A_1071, %swap3A_1072, %swap3A_1073], %swap3A_1076 {strides = array<i32>} : memref<50x16x1xf32, #tpu.memory_space<vmem>>, vector<1x16x1xf32>,
      %slice3A_1077 = vector.extract_strided_slice %broadcast_in_dim3A_97 {offsets = [544, 0], sizes = [16, 1], strides = [1, 1]} : vector<800x1xf32> to vector<16x1xf32>
      %swap3A_1078 = arith.constant 34 : index
      %swap3A_1079 = arith.constant 0 : index
      %swap3A_1080 = arith.constant 0 : index
      %swap3A_1081 = vector.load %arg22[%swap3A_1078, %swap3A_1079, %swap3A_1080] : memref<50x16x1xf32, #tpu.memory_space<vmem>>, vector<1x16x1xf32>
      %swap3A_1082 = vector.shape_cast %swap3A_1081 : vector<1x16x1xf32> to vector<16x1xf32>
      %swap3A_1083 = vector.shape_cast %slice3A_1077 : vector<16x1xf32> to vector<1x16x1xf32>
      tpu.vector_store %arg22[%swap3A_1078, %swap3A_1079, %swap3A_1080], %swap3A_1083 {strides = array<i32>} : memref<50x16x1xf32, #tpu.memory_space<vmem>>, vector<1x16x1xf32>,
      %slice3A_1084 = vector.extract_strided_slice %add3A_110 {offsets = [544, 0], sizes = [16, 1], strides = [1, 1]} : vector<800x1xf32> to vector<16x1xf32>
      %swap3A_1085 = arith.constant 34 : index
      %swap3A_1086 = arith.constant 0 : index
      %swap3A_1087 = arith.constant 0 : index
      %swap3A_1088 = vector.load %arg23[%swap3A_1085, %swap3A_1086, %swap3A_1087] : memref<50x16x1xf32, #tpu.memory_space<vmem>>, vector<1x16x1xf32>
      %swap3A_1089 = vector.shape_cast %swap3A_1088 : vector<1x16x1xf32> to vector<16x1xf32>
      %swap3A_1090 = vector.shape_cast %slice3A_1084 : vector<16x1xf32> to vector<1x16x1xf32>
      tpu.vector_store %arg23[%swap3A_1085, %swap3A_1086, %swap3A_1087], %swap3A_1090 {strides = array<i32>} : memref<50x16x1xf32, #tpu.memory_space<vmem>>, vector<1x16x1xf32>,
      %slice3A_1091 = vector.extract_strided_slice %add3A_65 {offsets = [560, 0], sizes = [16, 64], strides = [1, 1]} : vector<800x64xf32> to vector<16x64xf32>
      %swap3A_1092 = arith.constant 35 : index
      %swap3A_1093 = arith.constant 0 : index
      %swap3A_1094 = arith.constant 0 : index
      %swap3A_1095 = vector.load %arg20[%swap3A_1092, %swap3A_1093, %swap3A_1094] : memref<50x16x64xf32, #tpu.memory_space<vmem>>, vector<1x16x64xf32>
      %swap3A_1096 = vector.shape_cast %swap3A_1095 : vector<1x16x64xf32> to vector<16x64xf32>
      %swap3A_1097 = vector.shape_cast %slice3A_1091 : vector<16x64xf32> to vector<1x16x64xf32>
      tpu.vector_store %arg20[%swap3A_1092, %swap3A_1093, %swap3A_1094], %swap3A_1097 {strides = array<i32>} : memref<50x16x64xf32, #tpu.memory_space<vmem>>, vector<1x16x64xf32>,
      %slice3A_1098 = vector.extract_strided_slice %logistic3A_93 {offsets = [560, 0], sizes = [16, 1], strides = [1, 1]} : vector<800x1xf32> to vector<16x1xf32>
      %swap3A_1099 = arith.constant 35 : index
      %swap3A_1100 = arith.constant 0 : index
      %swap3A_1101 = arith.constant 0 : index
      %swap3A_1102 = vector.load %arg21[%swap3A_1099, %swap3A_1100, %swap3A_1101] : memref<50x16x1xf32, #tpu.memory_space<vmem>>, vector<1x16x1xf32>
      %swap3A_1103 = vector.shape_cast %swap3A_1102 : vector<1x16x1xf32> to vector<16x1xf32>
      %swap3A_1104 = vector.shape_cast %slice3A_1098 : vector<16x1xf32> to vector<1x16x1xf32>
      tpu.vector_store %arg21[%swap3A_1099, %swap3A_1100, %swap3A_1101], %swap3A_1104 {strides = array<i32>} : memref<50x16x1xf32, #tpu.memory_space<vmem>>, vector<1x16x1xf32>,
      %slice3A_1105 = vector.extract_strided_slice %broadcast_in_dim3A_97 {offsets = [560, 0], sizes = [16, 1], strides = [1, 1]} : vector<800x1xf32> to vector<16x1xf32>
      %swap3A_1106 = arith.constant 35 : index
      %swap3A_1107 = arith.constant 0 : index
      %swap3A_1108 = arith.constant 0 : index
      %swap3A_1109 = vector.load %arg22[%swap3A_1106, %swap3A_1107, %swap3A_1108] : memref<50x16x1xf32, #tpu.memory_space<vmem>>, vector<1x16x1xf32>
      %swap3A_1110 = vector.shape_cast %swap3A_1109 : vector<1x16x1xf32> to vector<16x1xf32>
      %swap3A_1111 = vector.shape_cast %slice3A_1105 : vector<16x1xf32> to vector<1x16x1xf32>
      tpu.vector_store %arg22[%swap3A_1106, %swap3A_1107, %swap3A_1108], %swap3A_1111 {strides = array<i32>} : memref<50x16x1xf32, #tpu.memory_space<vmem>>, vector<1x16x1xf32>,
      %slice3A_1112 = vector.extract_strided_slice %add3A_110 {offsets = [560, 0], sizes = [16, 1], strides = [1, 1]} : vector<800x1xf32> to vector<16x1xf32>
      %swap3A_1113 = arith.constant 35 : index
      %swap3A_1114 = arith.constant 0 : index
      %swap3A_1115 = arith.constant 0 : index
      %swap3A_1116 = vector.load %arg23[%swap3A_1113, %swap3A_1114, %swap3A_1115] : memref<50x16x1xf32, #tpu.memory_space<vmem>>, vector<1x16x1xf32>
      %swap3A_1117 = vector.shape_cast %swap3A_1116 : vector<1x16x1xf32> to vector<16x1xf32>
      %swap3A_1118 = vector.shape_cast %slice3A_1112 : vector<16x1xf32> to vector<1x16x1xf32>
      tpu.vector_store %arg23[%swap3A_1113, %swap3A_1114, %swap3A_1115], %swap3A_1118 {strides = array<i32>} : memref<50x16x1xf32, #tpu.memory_space<vmem>>, vector<1x16x1xf32>,
      %slice3A_1119 = vector.extract_strided_slice %add3A_65 {offsets = [576, 0], sizes = [16, 64], strides = [1, 1]} : vector<800x64xf32> to vector<16x64xf32>
      %swap3A_1120 = arith.constant 36 : index
      %swap3A_1121 = arith.constant 0 : index
      %swap3A_1122 = arith.constant 0 : index
      %swap3A_1123 = vector.load %arg20[%swap3A_1120, %swap3A_1121, %swap3A_1122] : memref<50x16x64xf32, #tpu.memory_space<vmem>>, vector<1x16x64xf32>
      %swap3A_1124 = vector.shape_cast %swap3A_1123 : vector<1x16x64xf32> to vector<16x64xf32>
      %swap3A_1125 = vector.shape_cast %slice3A_1119 : vector<16x64xf32> to vector<1x16x64xf32>
      tpu.vector_store %arg20[%swap3A_1120, %swap3A_1121, %swap3A_1122], %swap3A_1125 {strides = array<i32>} : memref<50x16x64xf32, #tpu.memory_space<vmem>>, vector<1x16x64xf32>,
      %slice3A_1126 = vector.extract_strided_slice %logistic3A_93 {offsets = [576, 0], sizes = [16, 1], strides = [1, 1]} : vector<800x1xf32> to vector<16x1xf32>
      %swap3A_1127 = arith.constant 36 : index
      %swap3A_1128 = arith.constant 0 : index
      %swap3A_1129 = arith.constant 0 : index
      %swap3A_1130 = vector.load %arg21[%swap3A_1127, %swap3A_1128, %swap3A_1129] : memref<50x16x1xf32, #tpu.memory_space<vmem>>, vector<1x16x1xf32>
      %swap3A_1131 = vector.shape_cast %swap3A_1130 : vector<1x16x1xf32> to vector<16x1xf32>
      %swap3A_1132 = vector.shape_cast %slice3A_1126 : vector<16x1xf32> to vector<1x16x1xf32>
      tpu.vector_store %arg21[%swap3A_1127, %swap3A_1128, %swap3A_1129], %swap3A_1132 {strides = array<i32>} : memref<50x16x1xf32, #tpu.memory_space<vmem>>, vector<1x16x1xf32>,
      %slice3A_1133 = vector.extract_strided_slice %broadcast_in_dim3A_97 {offsets = [576, 0], sizes = [16, 1], strides = [1, 1]} : vector<800x1xf32> to vector<16x1xf32>
      %swap3A_1134 = arith.constant 36 : index
      %swap3A_1135 = arith.constant 0 : index
      %swap3A_1136 = arith.constant 0 : index
      %swap3A_1137 = vector.load %arg22[%swap3A_1134, %swap3A_1135, %swap3A_1136] : memref<50x16x1xf32, #tpu.memory_space<vmem>>, vector<1x16x1xf32>
      %swap3A_1138 = vector.shape_cast %swap3A_1137 : vector<1x16x1xf32> to vector<16x1xf32>
      %swap3A_1139 = vector.shape_cast %slice3A_1133 : vector<16x1xf32> to vector<1x16x1xf32>
      tpu.vector_store %arg22[%swap3A_1134, %swap3A_1135, %swap3A_1136], %swap3A_1139 {strides = array<i32>} : memref<50x16x1xf32, #tpu.memory_space<vmem>>, vector<1x16x1xf32>,
      %slice3A_1140 = vector.extract_strided_slice %add3A_110 {offsets = [576, 0], sizes = [16, 1], strides = [1, 1]} : vector<800x1xf32> to vector<16x1xf32>
      %swap3A_1141 = arith.constant 36 : index
      %swap3A_1142 = arith.constant 0 : index
      %swap3A_1143 = arith.constant 0 : index
      %swap3A_1144 = vector.load %arg23[%swap3A_1141, %swap3A_1142, %swap3A_1143] : memref<50x16x1xf32, #tpu.memory_space<vmem>>, vector<1x16x1xf32>
      %swap3A_1145 = vector.shape_cast %swap3A_1144 : vector<1x16x1xf32> to vector<16x1xf32>
      %swap3A_1146 = vector.shape_cast %slice3A_1140 : vector<16x1xf32> to vector<1x16x1xf32>
      tpu.vector_store %arg23[%swap3A_1141, %swap3A_1142, %swap3A_1143], %swap3A_1146 {strides = array<i32>} : memref<50x16x1xf32, #tpu.memory_space<vmem>>, vector<1x16x1xf32>,
      %slice3A_1147 = vector.extract_strided_slice %add3A_65 {offsets = [592, 0], sizes = [16, 64], strides = [1, 1]} : vector<800x64xf32> to vector<16x64xf32>
      %swap3A_1148 = arith.constant 37 : index
      %swap3A_1149 = arith.constant 0 : index
      %swap3A_1150 = arith.constant 0 : index
      %swap3A_1151 = vector.load %arg20[%swap3A_1148, %swap3A_1149, %swap3A_1150] : memref<50x16x64xf32, #tpu.memory_space<vmem>>, vector<1x16x64xf32>
      %swap3A_1152 = vector.shape_cast %swap3A_1151 : vector<1x16x64xf32> to vector<16x64xf32>
      %swap3A_1153 = vector.shape_cast %slice3A_1147 : vector<16x64xf32> to vector<1x16x64xf32>
      tpu.vector_store %arg20[%swap3A_1148, %swap3A_1149, %swap3A_1150], %swap3A_1153 {strides = array<i32>} : memref<50x16x64xf32, #tpu.memory_space<vmem>>, vector<1x16x64xf32>,
      %slice3A_1154 = vector.extract_strided_slice %logistic3A_93 {offsets = [592, 0], sizes = [16, 1], strides = [1, 1]} : vector<800x1xf32> to vector<16x1xf32>
      %swap3A_1155 = arith.constant 37 : index
      %swap3A_1156 = arith.constant 0 : index
      %swap3A_1157 = arith.constant 0 : index
      %swap3A_1158 = vector.load %arg21[%swap3A_1155, %swap3A_1156, %swap3A_1157] : memref<50x16x1xf32, #tpu.memory_space<vmem>>, vector<1x16x1xf32>
      %swap3A_1159 = vector.shape_cast %swap3A_1158 : vector<1x16x1xf32> to vector<16x1xf32>
      %swap3A_1160 = vector.shape_cast %slice3A_1154 : vector<16x1xf32> to vector<1x16x1xf32>
      tpu.vector_store %arg21[%swap3A_1155, %swap3A_1156, %swap3A_1157], %swap3A_1160 {strides = array<i32>} : memref<50x16x1xf32, #tpu.memory_space<vmem>>, vector<1x16x1xf32>,
      %slice3A_1161 = vector.extract_strided_slice %broadcast_in_dim3A_97 {offsets = [592, 0], sizes = [16, 1], strides = [1, 1]} : vector<800x1xf32> to vector<16x1xf32>
      %swap3A_1162 = arith.constant 37 : index
      %swap3A_1163 = arith.constant 0 : index
      %swap3A_1164 = arith.constant 0 : index
      %swap3A_1165 = vector.load %arg22[%swap3A_1162, %swap3A_1163, %swap3A_1164] : memref<50x16x1xf32, #tpu.memory_space<vmem>>, vector<1x16x1xf32>
      %swap3A_1166 = vector.shape_cast %swap3A_1165 : vector<1x16x1xf32> to vector<16x1xf32>
      %swap3A_1167 = vector.shape_cast %slice3A_1161 : vector<16x1xf32> to vector<1x16x1xf32>
      tpu.vector_store %arg22[%swap3A_1162, %swap3A_1163, %swap3A_1164], %swap3A_1167 {strides = array<i32>} : memref<50x16x1xf32, #tpu.memory_space<vmem>>, vector<1x16x1xf32>,
      %slice3A_1168 = vector.extract_strided_slice %add3A_110 {offsets = [592, 0], sizes = [16, 1], strides = [1, 1]} : vector<800x1xf32> to vector<16x1xf32>
      %swap3A_1169 = arith.constant 37 : index
      %swap3A_1170 = arith.constant 0 : index
      %swap3A_1171 = arith.constant 0 : index
      %swap3A_1172 = vector.load %arg23[%swap3A_1169, %swap3A_1170, %swap3A_1171] : memref<50x16x1xf32, #tpu.memory_space<vmem>>, vector<1x16x1xf32>
      %swap3A_1173 = vector.shape_cast %swap3A_1172 : vector<1x16x1xf32> to vector<16x1xf32>
      %swap3A_1174 = vector.shape_cast %slice3A_1168 : vector<16x1xf32> to vector<1x16x1xf32>
      tpu.vector_store %arg23[%swap3A_1169, %swap3A_1170, %swap3A_1171], %swap3A_1174 {strides = array<i32>} : memref<50x16x1xf32, #tpu.memory_space<vmem>>, vector<1x16x1xf32>,
      %slice3A_1175 = vector.extract_strided_slice %add3A_65 {offsets = [608, 0], sizes = [16, 64], strides = [1, 1]} : vector<800x64xf32> to vector<16x64xf32>
      %swap3A_1176 = arith.constant 38 : index
      %swap3A_1177 = arith.constant 0 : index
      %swap3A_1178 = arith.constant 0 : index
      %swap3A_1179 = vector.load %arg20[%swap3A_1176, %swap3A_1177, %swap3A_1178] : memref<50x16x64xf32, #tpu.memory_space<vmem>>, vector<1x16x64xf32>
      %swap3A_1180 = vector.shape_cast %swap3A_1179 : vector<1x16x64xf32> to vector<16x64xf32>
      %swap3A_1181 = vector.shape_cast %slice3A_1175 : vector<16x64xf32> to vector<1x16x64xf32>
      tpu.vector_store %arg20[%swap3A_1176, %swap3A_1177, %swap3A_1178], %swap3A_1181 {strides = array<i32>} : memref<50x16x64xf32, #tpu.memory_space<vmem>>, vector<1x16x64xf32>,
      %slice3A_1182 = vector.extract_strided_slice %logistic3A_93 {offsets = [608, 0], sizes = [16, 1], strides = [1, 1]} : vector<800x1xf32> to vector<16x1xf32>
      %swap3A_1183 = arith.constant 38 : index
      %swap3A_1184 = arith.constant 0 : index
      %swap3A_1185 = arith.constant 0 : index
      %swap3A_1186 = vector.load %arg21[%swap3A_1183, %swap3A_1184, %swap3A_1185] : memref<50x16x1xf32, #tpu.memory_space<vmem>>, vector<1x16x1xf32>
      %swap3A_1187 = vector.shape_cast %swap3A_1186 : vector<1x16x1xf32> to vector<16x1xf32>
      %swap3A_1188 = vector.shape_cast %slice3A_1182 : vector<16x1xf32> to vector<1x16x1xf32>
      tpu.vector_store %arg21[%swap3A_1183, %swap3A_1184, %swap3A_1185], %swap3A_1188 {strides = array<i32>} : memref<50x16x1xf32, #tpu.memory_space<vmem>>, vector<1x16x1xf32>,
      %slice3A_1189 = vector.extract_strided_slice %broadcast_in_dim3A_97 {offsets = [608, 0], sizes = [16, 1], strides = [1, 1]} : vector<800x1xf32> to vector<16x1xf32>
      %swap3A_1190 = arith.constant 38 : index
      %swap3A_1191 = arith.constant 0 : index
      %swap3A_1192 = arith.constant 0 : index
      %swap3A_1193 = vector.load %arg22[%swap3A_1190, %swap3A_1191, %swap3A_1192] : memref<50x16x1xf32, #tpu.memory_space<vmem>>, vector<1x16x1xf32>
      %swap3A_1194 = vector.shape_cast %swap3A_1193 : vector<1x16x1xf32> to vector<16x1xf32>
      %swap3A_1195 = vector.shape_cast %slice3A_1189 : vector<16x1xf32> to vector<1x16x1xf32>
      tpu.vector_store %arg22[%swap3A_1190, %swap3A_1191, %swap3A_1192], %swap3A_1195 {strides = array<i32>} : memref<50x16x1xf32, #tpu.memory_space<vmem>>, vector<1x16x1xf32>,
      %slice3A_1196 = vector.extract_strided_slice %add3A_110 {offsets = [608, 0], sizes = [16, 1], strides = [1, 1]} : vector<800x1xf32> to vector<16x1xf32>
      %swap3A_1197 = arith.constant 38 : index
      %swap3A_1198 = arith.constant 0 : index
      %swap3A_1199 = arith.constant 0 : index
      %swap3A_1200 = vector.load %arg23[%swap3A_1197, %swap3A_1198, %swap3A_1199] : memref<50x16x1xf32, #tpu.memory_space<vmem>>, vector<1x16x1xf32>
      %swap3A_1201 = vector.shape_cast %swap3A_1200 : vector<1x16x1xf32> to vector<16x1xf32>
      %swap3A_1202 = vector.shape_cast %slice3A_1196 : vector<16x1xf32> to vector<1x16x1xf32>
      tpu.vector_store %arg23[%swap3A_1197, %swap3A_1198, %swap3A_1199], %swap3A_1202 {strides = array<i32>} : memref<50x16x1xf32, #tpu.memory_space<vmem>>, vector<1x16x1xf32>,
      %slice3A_1203 = vector.extract_strided_slice %add3A_65 {offsets = [624, 0], sizes = [16, 64], strides = [1, 1]} : vector<800x64xf32> to vector<16x64xf32>
      %swap3A_1204 = arith.constant 39 : index
      %swap3A_1205 = arith.constant 0 : index
      %swap3A_1206 = arith.constant 0 : index
      %swap3A_1207 = vector.load %arg20[%swap3A_1204, %swap3A_1205, %swap3A_1206] : memref<50x16x64xf32, #tpu.memory_space<vmem>>, vector<1x16x64xf32>
      %swap3A_1208 = vector.shape_cast %swap3A_1207 : vector<1x16x64xf32> to vector<16x64xf32>
      %swap3A_1209 = vector.shape_cast %slice3A_1203 : vector<16x64xf32> to vector<1x16x64xf32>
      tpu.vector_store %arg20[%swap3A_1204, %swap3A_1205, %swap3A_1206], %swap3A_1209 {strides = array<i32>} : memref<50x16x64xf32, #tpu.memory_space<vmem>>, vector<1x16x64xf32>,
      %slice3A_1210 = vector.extract_strided_slice %logistic3A_93 {offsets = [624, 0], sizes = [16, 1], strides = [1, 1]} : vector<800x1xf32> to vector<16x1xf32>
      %swap3A_1211 = arith.constant 39 : index
      %swap3A_1212 = arith.constant 0 : index
      %swap3A_1213 = arith.constant 0 : index
      %swap3A_1214 = vector.load %arg21[%swap3A_1211, %swap3A_1212, %swap3A_1213] : memref<50x16x1xf32, #tpu.memory_space<vmem>>, vector<1x16x1xf32>
      %swap3A_1215 = vector.shape_cast %swap3A_1214 : vector<1x16x1xf32> to vector<16x1xf32>
      %swap3A_1216 = vector.shape_cast %slice3A_1210 : vector<16x1xf32> to vector<1x16x1xf32>
      tpu.vector_store %arg21[%swap3A_1211, %swap3A_1212, %swap3A_1213], %swap3A_1216 {strides = array<i32>} : memref<50x16x1xf32, #tpu.memory_space<vmem>>, vector<1x16x1xf32>,
      %slice3A_1217 = vector.extract_strided_slice %broadcast_in_dim3A_97 {offsets = [624, 0], sizes = [16, 1], strides = [1, 1]} : vector<800x1xf32> to vector<16x1xf32>
      %swap3A_1218 = arith.constant 39 : index
      %swap3A_1219 = arith.constant 0 : index
      %swap3A_1220 = arith.constant 0 : index
      %swap3A_1221 = vector.load %arg22[%swap3A_1218, %swap3A_1219, %swap3A_1220] : memref<50x16x1xf32, #tpu.memory_space<vmem>>, vector<1x16x1xf32>
      %swap3A_1222 = vector.shape_cast %swap3A_1221 : vector<1x16x1xf32> to vector<16x1xf32>
      %swap3A_1223 = vector.shape_cast %slice3A_1217 : vector<16x1xf32> to vector<1x16x1xf32>
      tpu.vector_store %arg22[%swap3A_1218, %swap3A_1219, %swap3A_1220], %swap3A_1223 {strides = array<i32>} : memref<50x16x1xf32, #tpu.memory_space<vmem>>, vector<1x16x1xf32>,
      %slice3A_1224 = vector.extract_strided_slice %add3A_110 {offsets = [624, 0], sizes = [16, 1], strides = [1, 1]} : vector<800x1xf32> to vector<16x1xf32>
      %swap3A_1225 = arith.constant 39 : index
      %swap3A_1226 = arith.constant 0 : index
      %swap3A_1227 = arith.constant 0 : index
      %swap3A_1228 = vector.load %arg23[%swap3A_1225, %swap3A_1226, %swap3A_1227] : memref<50x16x1xf32, #tpu.memory_space<vmem>>, vector<1x16x1xf32>
      %swap3A_1229 = vector.shape_cast %swap3A_1228 : vector<1x16x1xf32> to vector<16x1xf32>
      %swap3A_1230 = vector.shape_cast %slice3A_1224 : vector<16x1xf32> to vector<1x16x1xf32>
      tpu.vector_store %arg23[%swap3A_1225, %swap3A_1226, %swap3A_1227], %swap3A_1230 {strides = array<i32>} : memref<50x16x1xf32, #tpu.memory_space<vmem>>, vector<1x16x1xf32>,
      %slice3A_1231 = vector.extract_strided_slice %add3A_65 {offsets = [640, 0], sizes = [16, 64], strides = [1, 1]} : vector<800x64xf32> to vector<16x64xf32>
      %swap3A_1232 = arith.constant 40 : index
      %swap3A_1233 = arith.constant 0 : index
      %swap3A_1234 = arith.constant 0 : index
      %swap3A_1235 = vector.load %arg20[%swap3A_1232, %swap3A_1233, %swap3A_1234] : memref<50x16x64xf32, #tpu.memory_space<vmem>>, vector<1x16x64xf32>
      %swap3A_1236 = vector.shape_cast %swap3A_1235 : vector<1x16x64xf32> to vector<16x64xf32>
      %swap3A_1237 = vector.shape_cast %slice3A_1231 : vector<16x64xf32> to vector<1x16x64xf32>
      tpu.vector_store %arg20[%swap3A_1232, %swap3A_1233, %swap3A_1234], %swap3A_1237 {strides = array<i32>} : memref<50x16x64xf32, #tpu.memory_space<vmem>>, vector<1x16x64xf32>,
      %slice3A_1238 = vector.extract_strided_slice %logistic3A_93 {offsets = [640, 0], sizes = [16, 1], strides = [1, 1]} : vector<800x1xf32> to vector<16x1xf32>
      %swap3A_1239 = arith.constant 40 : index
      %swap3A_1240 = arith.constant 0 : index
      %swap3A_1241 = arith.constant 0 : index
      %swap3A_1242 = vector.load %arg21[%swap3A_1239, %swap3A_1240, %swap3A_1241] : memref<50x16x1xf32, #tpu.memory_space<vmem>>, vector<1x16x1xf32>
      %swap3A_1243 = vector.shape_cast %swap3A_1242 : vector<1x16x1xf32> to vector<16x1xf32>
      %swap3A_1244 = vector.shape_cast %slice3A_1238 : vector<16x1xf32> to vector<1x16x1xf32>
      tpu.vector_store %arg21[%swap3A_1239, %swap3A_1240, %swap3A_1241], %swap3A_1244 {strides = array<i32>} : memref<50x16x1xf32, #tpu.memory_space<vmem>>, vector<1x16x1xf32>,
      %slice3A_1245 = vector.extract_strided_slice %broadcast_in_dim3A_97 {offsets = [640, 0], sizes = [16, 1], strides = [1, 1]} : vector<800x1xf32> to vector<16x1xf32>
      %swap3A_1246 = arith.constant 40 : index
      %swap3A_1247 = arith.constant 0 : index
      %swap3A_1248 = arith.constant 0 : index
      %swap3A_1249 = vector.load %arg22[%swap3A_1246, %swap3A_1247, %swap3A_1248] : memref<50x16x1xf32, #tpu.memory_space<vmem>>, vector<1x16x1xf32>
      %swap3A_1250 = vector.shape_cast %swap3A_1249 : vector<1x16x1xf32> to vector<16x1xf32>
      %swap3A_1251 = vector.shape_cast %slice3A_1245 : vector<16x1xf32> to vector<1x16x1xf32>
      tpu.vector_store %arg22[%swap3A_1246, %swap3A_1247, %swap3A_1248], %swap3A_1251 {strides = array<i32>} : memref<50x16x1xf32, #tpu.memory_space<vmem>>, vector<1x16x1xf32>,
      %slice3A_1252 = vector.extract_strided_slice %add3A_110 {offsets = [640, 0], sizes = [16, 1], strides = [1, 1]} : vector<800x1xf32> to vector<16x1xf32>
      %swap3A_1253 = arith.constant 40 : index
      %swap3A_1254 = arith.constant 0 : index
      %swap3A_1255 = arith.constant 0 : index
      %swap3A_1256 = vector.load %arg23[%swap3A_1253, %swap3A_1254, %swap3A_1255] : memref<50x16x1xf32, #tpu.memory_space<vmem>>, vector<1x16x1xf32>
      %swap3A_1257 = vector.shape_cast %swap3A_1256 : vector<1x16x1xf32> to vector<16x1xf32>
      %swap3A_1258 = vector.shape_cast %slice3A_1252 : vector<16x1xf32> to vector<1x16x1xf32>
      tpu.vector_store %arg23[%swap3A_1253, %swap3A_1254, %swap3A_1255], %swap3A_1258 {strides = array<i32>} : memref<50x16x1xf32, #tpu.memory_space<vmem>>, vector<1x16x1xf32>,
      %slice3A_1259 = vector.extract_strided_slice %add3A_65 {offsets = [656, 0], sizes = [16, 64], strides = [1, 1]} : vector<800x64xf32> to vector<16x64xf32>
      %swap3A_1260 = arith.constant 41 : index
      %swap3A_1261 = arith.constant 0 : index
      %swap3A_1262 = arith.constant 0 : index
      %swap3A_1263 = vector.load %arg20[%swap3A_1260, %swap3A_1261, %swap3A_1262] : memref<50x16x64xf32, #tpu.memory_space<vmem>>, vector<1x16x64xf32>
      %swap3A_1264 = vector.shape_cast %swap3A_1263 : vector<1x16x64xf32> to vector<16x64xf32>
      %swap3A_1265 = vector.shape_cast %slice3A_1259 : vector<16x64xf32> to vector<1x16x64xf32>
      tpu.vector_store %arg20[%swap3A_1260, %swap3A_1261, %swap3A_1262], %swap3A_1265 {strides = array<i32>} : memref<50x16x64xf32, #tpu.memory_space<vmem>>, vector<1x16x64xf32>,
      %slice3A_1266 = vector.extract_strided_slice %logistic3A_93 {offsets = [656, 0], sizes = [16, 1], strides = [1, 1]} : vector<800x1xf32> to vector<16x1xf32>
      %swap3A_1267 = arith.constant 41 : index
      %swap3A_1268 = arith.constant 0 : index
      %swap3A_1269 = arith.constant 0 : index
      %swap3A_1270 = vector.load %arg21[%swap3A_1267, %swap3A_1268, %swap3A_1269] : memref<50x16x1xf32, #tpu.memory_space<vmem>>, vector<1x16x1xf32>
      %swap3A_1271 = vector.shape_cast %swap3A_1270 : vector<1x16x1xf32> to vector<16x1xf32>
      %swap3A_1272 = vector.shape_cast %slice3A_1266 : vector<16x1xf32> to vector<1x16x1xf32>
      tpu.vector_store %arg21[%swap3A_1267, %swap3A_1268, %swap3A_1269], %swap3A_1272 {strides = array<i32>} : memref<50x16x1xf32, #tpu.memory_space<vmem>>, vector<1x16x1xf32>,
      %slice3A_1273 = vector.extract_strided_slice %broadcast_in_dim3A_97 {offsets = [656, 0], sizes = [16, 1], strides = [1, 1]} : vector<800x1xf32> to vector<16x1xf32>
      %swap3A_1274 = arith.constant 41 : index
      %swap3A_1275 = arith.constant 0 : index
      %swap3A_1276 = arith.constant 0 : index
      %swap3A_1277 = vector.load %arg22[%swap3A_1274, %swap3A_1275, %swap3A_1276] : memref<50x16x1xf32, #tpu.memory_space<vmem>>, vector<1x16x1xf32>
      %swap3A_1278 = vector.shape_cast %swap3A_1277 : vector<1x16x1xf32> to vector<16x1xf32>
      %swap3A_1279 = vector.shape_cast %slice3A_1273 : vector<16x1xf32> to vector<1x16x1xf32>
      tpu.vector_store %arg22[%swap3A_1274, %swap3A_1275, %swap3A_1276], %swap3A_1279 {strides = array<i32>} : memref<50x16x1xf32, #tpu.memory_space<vmem>>, vector<1x16x1xf32>,
      %slice3A_1280 = vector.extract_strided_slice %add3A_110 {offsets = [656, 0], sizes = [16, 1], strides = [1, 1]} : vector<800x1xf32> to vector<16x1xf32>
      %swap3A_1281 = arith.constant 41 : index
      %swap3A_1282 = arith.constant 0 : index
      %swap3A_1283 = arith.constant 0 : index
      %swap3A_1284 = vector.load %arg23[%swap3A_1281, %swap3A_1282, %swap3A_1283] : memref<50x16x1xf32, #tpu.memory_space<vmem>>, vector<1x16x1xf32>
      %swap3A_1285 = vector.shape_cast %swap3A_1284 : vector<1x16x1xf32> to vector<16x1xf32>
      %swap3A_1286 = vector.shape_cast %slice3A_1280 : vector<16x1xf32> to vector<1x16x1xf32>
      tpu.vector_store %arg23[%swap3A_1281, %swap3A_1282, %swap3A_1283], %swap3A_1286 {strides = array<i32>} : memref<50x16x1xf32, #tpu.memory_space<vmem>>, vector<1x16x1xf32>,
      %slice3A_1287 = vector.extract_strided_slice %add3A_65 {offsets = [672, 0], sizes = [16, 64], strides = [1, 1]} : vector<800x64xf32> to vector<16x64xf32>
      %swap3A_1288 = arith.constant 42 : index
      %swap3A_1289 = arith.constant 0 : index
      %swap3A_1290 = arith.constant 0 : index
      %swap3A_1291 = vector.load %arg20[%swap3A_1288, %swap3A_1289, %swap3A_1290] : memref<50x16x64xf32, #tpu.memory_space<vmem>>, vector<1x16x64xf32>
      %swap3A_1292 = vector.shape_cast %swap3A_1291 : vector<1x16x64xf32> to vector<16x64xf32>
      %swap3A_1293 = vector.shape_cast %slice3A_1287 : vector<16x64xf32> to vector<1x16x64xf32>
      tpu.vector_store %arg20[%swap3A_1288, %swap3A_1289, %swap3A_1290], %swap3A_1293 {strides = array<i32>} : memref<50x16x64xf32, #tpu.memory_space<vmem>>, vector<1x16x64xf32>,
      %slice3A_1294 = vector.extract_strided_slice %logistic3A_93 {offsets = [672, 0], sizes = [16, 1], strides = [1, 1]} : vector<800x1xf32> to vector<16x1xf32>
      %swap3A_1295 = arith.constant 42 : index
      %swap3A_1296 = arith.constant 0 : index
      %swap3A_1297 = arith.constant 0 : index
      %swap3A_1298 = vector.load %arg21[%swap3A_1295, %swap3A_1296, %swap3A_1297] : memref<50x16x1xf32, #tpu.memory_space<vmem>>, vector<1x16x1xf32>
      %swap3A_1299 = vector.shape_cast %swap3A_1298 : vector<1x16x1xf32> to vector<16x1xf32>
      %swap3A_1300 = vector.shape_cast %slice3A_1294 : vector<16x1xf32> to vector<1x16x1xf32>
      tpu.vector_store %arg21[%swap3A_1295, %swap3A_1296, %swap3A_1297], %swap3A_1300 {strides = array<i32>} : memref<50x16x1xf32, #tpu.memory_space<vmem>>, vector<1x16x1xf32>,
      %slice3A_1301 = vector.extract_strided_slice %broadcast_in_dim3A_97 {offsets = [672, 0], sizes = [16, 1], strides = [1, 1]} : vector<800x1xf32> to vector<16x1xf32>
      %swap3A_1302 = arith.constant 42 : index
      %swap3A_1303 = arith.constant 0 : index
      %swap3A_1304 = arith.constant 0 : index
      %swap3A_1305 = vector.load %arg22[%swap3A_1302, %swap3A_1303, %swap3A_1304] : memref<50x16x1xf32, #tpu.memory_space<vmem>>, vector<1x16x1xf32>
      %swap3A_1306 = vector.shape_cast %swap3A_1305 : vector<1x16x1xf32> to vector<16x1xf32>
      %swap3A_1307 = vector.shape_cast %slice3A_1301 : vector<16x1xf32> to vector<1x16x1xf32>
      tpu.vector_store %arg22[%swap3A_1302, %swap3A_1303, %swap3A_1304], %swap3A_1307 {strides = array<i32>} : memref<50x16x1xf32, #tpu.memory_space<vmem>>, vector<1x16x1xf32>,
      %slice3A_1308 = vector.extract_strided_slice %add3A_110 {offsets = [672, 0], sizes = [16, 1], strides = [1, 1]} : vector<800x1xf32> to vector<16x1xf32>
      %swap3A_1309 = arith.constant 42 : index
      %swap3A_1310 = arith.constant 0 : index
      %swap3A_1311 = arith.constant 0 : index
      %swap3A_1312 = vector.load %arg23[%swap3A_1309, %swap3A_1310, %swap3A_1311] : memref<50x16x1xf32, #tpu.memory_space<vmem>>, vector<1x16x1xf32>
      %swap3A_1313 = vector.shape_cast %swap3A_1312 : vector<1x16x1xf32> to vector<16x1xf32>
      %swap3A_1314 = vector.shape_cast %slice3A_1308 : vector<16x1xf32> to vector<1x16x1xf32>
      tpu.vector_store %arg23[%swap3A_1309, %swap3A_1310, %swap3A_1311], %swap3A_1314 {strides = array<i32>} : memref<50x16x1xf32, #tpu.memory_space<vmem>>, vector<1x16x1xf32>,
      %slice3A_1315 = vector.extract_strided_slice %add3A_65 {offsets = [688, 0], sizes = [16, 64], strides = [1, 1]} : vector<800x64xf32> to vector<16x64xf32>
      %swap3A_1316 = arith.constant 43 : index
      %swap3A_1317 = arith.constant 0 : index
      %swap3A_1318 = arith.constant 0 : index
      %swap3A_1319 = vector.load %arg20[%swap3A_1316, %swap3A_1317, %swap3A_1318] : memref<50x16x64xf32, #tpu.memory_space<vmem>>, vector<1x16x64xf32>
      %swap3A_1320 = vector.shape_cast %swap3A_1319 : vector<1x16x64xf32> to vector<16x64xf32>
      %swap3A_1321 = vector.shape_cast %slice3A_1315 : vector<16x64xf32> to vector<1x16x64xf32>
      tpu.vector_store %arg20[%swap3A_1316, %swap3A_1317, %swap3A_1318], %swap3A_1321 {strides = array<i32>} : memref<50x16x64xf32, #tpu.memory_space<vmem>>, vector<1x16x64xf32>,
      %slice3A_1322 = vector.extract_strided_slice %logistic3A_93 {offsets = [688, 0], sizes = [16, 1], strides = [1, 1]} : vector<800x1xf32> to vector<16x1xf32>
      %swap3A_1323 = arith.constant 43 : index
      %swap3A_1324 = arith.constant 0 : index
      %swap3A_1325 = arith.constant 0 : index
      %swap3A_1326 = vector.load %arg21[%swap3A_1323, %swap3A_1324, %swap3A_1325] : memref<50x16x1xf32, #tpu.memory_space<vmem>>, vector<1x16x1xf32>
      %swap3A_1327 = vector.shape_cast %swap3A_1326 : vector<1x16x1xf32> to vector<16x1xf32>
      %swap3A_1328 = vector.shape_cast %slice3A_1322 : vector<16x1xf32> to vector<1x16x1xf32>
      tpu.vector_store %arg21[%swap3A_1323, %swap3A_1324, %swap3A_1325], %swap3A_1328 {strides = array<i32>} : memref<50x16x1xf32, #tpu.memory_space<vmem>>, vector<1x16x1xf32>,
      %slice3A_1329 = vector.extract_strided_slice %broadcast_in_dim3A_97 {offsets = [688, 0], sizes = [16, 1], strides = [1, 1]} : vector<800x1xf32> to vector<16x1xf32>
      %swap3A_1330 = arith.constant 43 : index
      %swap3A_1331 = arith.constant 0 : index
      %swap3A_1332 = arith.constant 0 : index
      %swap3A_1333 = vector.load %arg22[%swap3A_1330, %swap3A_1331, %swap3A_1332] : memref<50x16x1xf32, #tpu.memory_space<vmem>>, vector<1x16x1xf32>
      %swap3A_1334 = vector.shape_cast %swap3A_1333 : vector<1x16x1xf32> to vector<16x1xf32>
      %swap3A_1335 = vector.shape_cast %slice3A_1329 : vector<16x1xf32> to vector<1x16x1xf32>
      tpu.vector_store %arg22[%swap3A_1330, %swap3A_1331, %swap3A_1332], %swap3A_1335 {strides = array<i32>} : memref<50x16x1xf32, #tpu.memory_space<vmem>>, vector<1x16x1xf32>,
      %slice3A_1336 = vector.extract_strided_slice %add3A_110 {offsets = [688, 0], sizes = [16, 1], strides = [1, 1]} : vector<800x1xf32> to vector<16x1xf32>
      %swap3A_1337 = arith.constant 43 : index
      %swap3A_1338 = arith.constant 0 : index
      %swap3A_1339 = arith.constant 0 : index
      %swap3A_1340 = vector.load %arg23[%swap3A_1337, %swap3A_1338, %swap3A_1339] : memref<50x16x1xf32, #tpu.memory_space<vmem>>, vector<1x16x1xf32>
      %swap3A_1341 = vector.shape_cast %swap3A_1340 : vector<1x16x1xf32> to vector<16x1xf32>
      %swap3A_1342 = vector.shape_cast %slice3A_1336 : vector<16x1xf32> to vector<1x16x1xf32>
      tpu.vector_store %arg23[%swap3A_1337, %swap3A_1338, %swap3A_1339], %swap3A_1342 {strides = array<i32>} : memref<50x16x1xf32, #tpu.memory_space<vmem>>, vector<1x16x1xf32>,
      %slice3A_1343 = vector.extract_strided_slice %add3A_65 {offsets = [704, 0], sizes = [16, 64], strides = [1, 1]} : vector<800x64xf32> to vector<16x64xf32>
      %swap3A_1344 = arith.constant 44 : index
      %swap3A_1345 = arith.constant 0 : index
      %swap3A_1346 = arith.constant 0 : index
      %swap3A_1347 = vector.load %arg20[%swap3A_1344, %swap3A_1345, %swap3A_1346] : memref<50x16x64xf32, #tpu.memory_space<vmem>>, vector<1x16x64xf32>
      %swap3A_1348 = vector.shape_cast %swap3A_1347 : vector<1x16x64xf32> to vector<16x64xf32>
      %swap3A_1349 = vector.shape_cast %slice3A_1343 : vector<16x64xf32> to vector<1x16x64xf32>
      tpu.vector_store %arg20[%swap3A_1344, %swap3A_1345, %swap3A_1346], %swap3A_1349 {strides = array<i32>} : memref<50x16x64xf32, #tpu.memory_space<vmem>>, vector<1x16x64xf32>,
      %slice3A_1350 = vector.extract_strided_slice %logistic3A_93 {offsets = [704, 0], sizes = [16, 1], strides = [1, 1]} : vector<800x1xf32> to vector<16x1xf32>
      %swap3A_1351 = arith.constant 44 : index
      %swap3A_1352 = arith.constant 0 : index
      %swap3A_1353 = arith.constant 0 : index
      %swap3A_1354 = vector.load %arg21[%swap3A_1351, %swap3A_1352, %swap3A_1353] : memref<50x16x1xf32, #tpu.memory_space<vmem>>, vector<1x16x1xf32>
      %swap3A_1355 = vector.shape_cast %swap3A_1354 : vector<1x16x1xf32> to vector<16x1xf32>
      %swap3A_1356 = vector.shape_cast %slice3A_1350 : vector<16x1xf32> to vector<1x16x1xf32>
      tpu.vector_store %arg21[%swap3A_1351, %swap3A_1352, %swap3A_1353], %swap3A_1356 {strides = array<i32>} : memref<50x16x1xf32, #tpu.memory_space<vmem>>, vector<1x16x1xf32>,
      %slice3A_1357 = vector.extract_strided_slice %broadcast_in_dim3A_97 {offsets = [704, 0], sizes = [16, 1], strides = [1, 1]} : vector<800x1xf32> to vector<16x1xf32>
      %swap3A_1358 = arith.constant 44 : index
      %swap3A_1359 = arith.constant 0 : index
      %swap3A_1360 = arith.constant 0 : index
      %swap3A_1361 = vector.load %arg22[%swap3A_1358, %swap3A_1359, %swap3A_1360] : memref<50x16x1xf32, #tpu.memory_space<vmem>>, vector<1x16x1xf32>
      %swap3A_1362 = vector.shape_cast %swap3A_1361 : vector<1x16x1xf32> to vector<16x1xf32>
      %swap3A_1363 = vector.shape_cast %slice3A_1357 : vector<16x1xf32> to vector<1x16x1xf32>
      tpu.vector_store %arg22[%swap3A_1358, %swap3A_1359, %swap3A_1360], %swap3A_1363 {strides = array<i32>} : memref<50x16x1xf32, #tpu.memory_space<vmem>>, vector<1x16x1xf32>,
      %slice3A_1364 = vector.extract_strided_slice %add3A_110 {offsets = [704, 0], sizes = [16, 1], strides = [1, 1]} : vector<800x1xf32> to vector<16x1xf32>
      %swap3A_1365 = arith.constant 44 : index
      %swap3A_1366 = arith.constant 0 : index
      %swap3A_1367 = arith.constant 0 : index
      %swap3A_1368 = vector.load %arg23[%swap3A_1365, %swap3A_1366, %swap3A_1367] : memref<50x16x1xf32, #tpu.memory_space<vmem>>, vector<1x16x1xf32>
      %swap3A_1369 = vector.shape_cast %swap3A_1368 : vector<1x16x1xf32> to vector<16x1xf32>
      %swap3A_1370 = vector.shape_cast %slice3A_1364 : vector<16x1xf32> to vector<1x16x1xf32>
      tpu.vector_store %arg23[%swap3A_1365, %swap3A_1366, %swap3A_1367], %swap3A_1370 {strides = array<i32>} : memref<50x16x1xf32, #tpu.memory_space<vmem>>, vector<1x16x1xf32>,
      %slice3A_1371 = vector.extract_strided_slice %add3A_65 {offsets = [720, 0], sizes = [16, 64], strides = [1, 1]} : vector<800x64xf32> to vector<16x64xf32>
      %swap3A_1372 = arith.constant 45 : index
      %swap3A_1373 = arith.constant 0 : index
      %swap3A_1374 = arith.constant 0 : index
      %swap3A_1375 = vector.load %arg20[%swap3A_1372, %swap3A_1373, %swap3A_1374] : memref<50x16x64xf32, #tpu.memory_space<vmem>>, vector<1x16x64xf32>
      %swap3A_1376 = vector.shape_cast %swap3A_1375 : vector<1x16x64xf32> to vector<16x64xf32>
      %swap3A_1377 = vector.shape_cast %slice3A_1371 : vector<16x64xf32> to vector<1x16x64xf32>
      tpu.vector_store %arg20[%swap3A_1372, %swap3A_1373, %swap3A_1374], %swap3A_1377 {strides = array<i32>} : memref<50x16x64xf32, #tpu.memory_space<vmem>>, vector<1x16x64xf32>,
      %slice3A_1378 = vector.extract_strided_slice %logistic3A_93 {offsets = [720, 0], sizes = [16, 1], strides = [1, 1]} : vector<800x1xf32> to vector<16x1xf32>
      %swap3A_1379 = arith.constant 45 : index
      %swap3A_1380 = arith.constant 0 : index
      %swap3A_1381 = arith.constant 0 : index
      %swap3A_1382 = vector.load %arg21[%swap3A_1379, %swap3A_1380, %swap3A_1381] : memref<50x16x1xf32, #tpu.memory_space<vmem>>, vector<1x16x1xf32>
      %swap3A_1383 = vector.shape_cast %swap3A_1382 : vector<1x16x1xf32> to vector<16x1xf32>
      %swap3A_1384 = vector.shape_cast %slice3A_1378 : vector<16x1xf32> to vector<1x16x1xf32>
      tpu.vector_store %arg21[%swap3A_1379, %swap3A_1380, %swap3A_1381], %swap3A_1384 {strides = array<i32>} : memref<50x16x1xf32, #tpu.memory_space<vmem>>, vector<1x16x1xf32>,
      %slice3A_1385 = vector.extract_strided_slice %broadcast_in_dim3A_97 {offsets = [720, 0], sizes = [16, 1], strides = [1, 1]} : vector<800x1xf32> to vector<16x1xf32>
      %swap3A_1386 = arith.constant 45 : index
      %swap3A_1387 = arith.constant 0 : index
      %swap3A_1388 = arith.constant 0 : index
      %swap3A_1389 = vector.load %arg22[%swap3A_1386, %swap3A_1387, %swap3A_1388] : memref<50x16x1xf32, #tpu.memory_space<vmem>>, vector<1x16x1xf32>
      %swap3A_1390 = vector.shape_cast %swap3A_1389 : vector<1x16x1xf32> to vector<16x1xf32>
      %swap3A_1391 = vector.shape_cast %slice3A_1385 : vector<16x1xf32> to vector<1x16x1xf32>
      tpu.vector_store %arg22[%swap3A_1386, %swap3A_1387, %swap3A_1388], %swap3A_1391 {strides = array<i32>} : memref<50x16x1xf32, #tpu.memory_space<vmem>>, vector<1x16x1xf32>,
      %slice3A_1392 = vector.extract_strided_slice %add3A_110 {offsets = [720, 0], sizes = [16, 1], strides = [1, 1]} : vector<800x1xf32> to vector<16x1xf32>
      %swap3A_1393 = arith.constant 45 : index
      %swap3A_1394 = arith.constant 0 : index
      %swap3A_1395 = arith.constant 0 : index
      %swap3A_1396 = vector.load %arg23[%swap3A_1393, %swap3A_1394, %swap3A_1395] : memref<50x16x1xf32, #tpu.memory_space<vmem>>, vector<1x16x1xf32>
      %swap3A_1397 = vector.shape_cast %swap3A_1396 : vector<1x16x1xf32> to vector<16x1xf32>
      %swap3A_1398 = vector.shape_cast %slice3A_1392 : vector<16x1xf32> to vector<1x16x1xf32>
      tpu.vector_store %arg23[%swap3A_1393, %swap3A_1394, %swap3A_1395], %swap3A_1398 {strides = array<i32>} : memref<50x16x1xf32, #tpu.memory_space<vmem>>, vector<1x16x1xf32>,
      %slice3A_1399 = vector.extract_strided_slice %add3A_65 {offsets = [736, 0], sizes = [16, 64], strides = [1, 1]} : vector<800x64xf32> to vector<16x64xf32>
      %swap3A_1400 = arith.constant 46 : index
      %swap3A_1401 = arith.constant 0 : index
      %swap3A_1402 = arith.constant 0 : index
      %swap3A_1403 = vector.load %arg20[%swap3A_1400, %swap3A_1401, %swap3A_1402] : memref<50x16x64xf32, #tpu.memory_space<vmem>>, vector<1x16x64xf32>
      %swap3A_1404 = vector.shape_cast %swap3A_1403 : vector<1x16x64xf32> to vector<16x64xf32>
      %swap3A_1405 = vector.shape_cast %slice3A_1399 : vector<16x64xf32> to vector<1x16x64xf32>
      tpu.vector_store %arg20[%swap3A_1400, %swap3A_1401, %swap3A_1402], %swap3A_1405 {strides = array<i32>} : memref<50x16x64xf32, #tpu.memory_space<vmem>>, vector<1x16x64xf32>,
      %slice3A_1406 = vector.extract_strided_slice %logistic3A_93 {offsets = [736, 0], sizes = [16, 1], strides = [1, 1]} : vector<800x1xf32> to vector<16x1xf32>
      %swap3A_1407 = arith.constant 46 : index
      %swap3A_1408 = arith.constant 0 : index
      %swap3A_1409 = arith.constant 0 : index
      %swap3A_1410 = vector.load %arg21[%swap3A_1407, %swap3A_1408, %swap3A_1409] : memref<50x16x1xf32, #tpu.memory_space<vmem>>, vector<1x16x1xf32>
      %swap3A_1411 = vector.shape_cast %swap3A_1410 : vector<1x16x1xf32> to vector<16x1xf32>
      %swap3A_1412 = vector.shape_cast %slice3A_1406 : vector<16x1xf32> to vector<1x16x1xf32>
      tpu.vector_store %arg21[%swap3A_1407, %swap3A_1408, %swap3A_1409], %swap3A_1412 {strides = array<i32>} : memref<50x16x1xf32, #tpu.memory_space<vmem>>, vector<1x16x1xf32>,
      %slice3A_1413 = vector.extract_strided_slice %broadcast_in_dim3A_97 {offsets = [736, 0], sizes = [16, 1], strides = [1, 1]} : vector<800x1xf32> to vector<16x1xf32>
      %swap3A_1414 = arith.constant 46 : index
      %swap3A_1415 = arith.constant 0 : index
      %swap3A_1416 = arith.constant 0 : index
      %swap3A_1417 = vector.load %arg22[%swap3A_1414, %swap3A_1415, %swap3A_1416] : memref<50x16x1xf32, #tpu.memory_space<vmem>>, vector<1x16x1xf32>
      %swap3A_1418 = vector.shape_cast %swap3A_1417 : vector<1x16x1xf32> to vector<16x1xf32>
      %swap3A_1419 = vector.shape_cast %slice3A_1413 : vector<16x1xf32> to vector<1x16x1xf32>
      tpu.vector_store %arg22[%swap3A_1414, %swap3A_1415, %swap3A_1416], %swap3A_1419 {strides = array<i32>} : memref<50x16x1xf32, #tpu.memory_space<vmem>>, vector<1x16x1xf32>,
      %slice3A_1420 = vector.extract_strided_slice %add3A_110 {offsets = [736, 0], sizes = [16, 1], strides = [1, 1]} : vector<800x1xf32> to vector<16x1xf32>
      %swap3A_1421 = arith.constant 46 : index
      %swap3A_1422 = arith.constant 0 : index
      %swap3A_1423 = arith.constant 0 : index
      %swap3A_1424 = vector.load %arg23[%swap3A_1421, %swap3A_1422, %swap3A_1423] : memref<50x16x1xf32, #tpu.memory_space<vmem>>, vector<1x16x1xf32>
      %swap3A_1425 = vector.shape_cast %swap3A_1424 : vector<1x16x1xf32> to vector<16x1xf32>
      %swap3A_1426 = vector.shape_cast %slice3A_1420 : vector<16x1xf32> to vector<1x16x1xf32>
      tpu.vector_store %arg23[%swap3A_1421, %swap3A_1422, %swap3A_1423], %swap3A_1426 {strides = array<i32>} : memref<50x16x1xf32, #tpu.memory_space<vmem>>, vector<1x16x1xf32>,
      %slice3A_1427 = vector.extract_strided_slice %add3A_65 {offsets = [752, 0], sizes = [16, 64], strides = [1, 1]} : vector<800x64xf32> to vector<16x64xf32>
      %swap3A_1428 = arith.constant 47 : index
      %swap3A_1429 = arith.constant 0 : index
      %swap3A_1430 = arith.constant 0 : index
      %swap3A_1431 = vector.load %arg20[%swap3A_1428, %swap3A_1429, %swap3A_1430] : memref<50x16x64xf32, #tpu.memory_space<vmem>>, vector<1x16x64xf32>
      %swap3A_1432 = vector.shape_cast %swap3A_1431 : vector<1x16x64xf32> to vector<16x64xf32>
      %swap3A_1433 = vector.shape_cast %slice3A_1427 : vector<16x64xf32> to vector<1x16x64xf32>
      tpu.vector_store %arg20[%swap3A_1428, %swap3A_1429, %swap3A_1430], %swap3A_1433 {strides = array<i32>} : memref<50x16x64xf32, #tpu.memory_space<vmem>>, vector<1x16x64xf32>,
      %slice3A_1434 = vector.extract_strided_slice %logistic3A_93 {offsets = [752, 0], sizes = [16, 1], strides = [1, 1]} : vector<800x1xf32> to vector<16x1xf32>
      %swap3A_1435 = arith.constant 47 : index
      %swap3A_1436 = arith.constant 0 : index
      %swap3A_1437 = arith.constant 0 : index
      %swap3A_1438 = vector.load %arg21[%swap3A_1435, %swap3A_1436, %swap3A_1437] : memref<50x16x1xf32, #tpu.memory_space<vmem>>, vector<1x16x1xf32>
      %swap3A_1439 = vector.shape_cast %swap3A_1438 : vector<1x16x1xf32> to vector<16x1xf32>
      %swap3A_1440 = vector.shape_cast %slice3A_1434 : vector<16x1xf32> to vector<1x16x1xf32>
      tpu.vector_store %arg21[%swap3A_1435, %swap3A_1436, %swap3A_1437], %swap3A_1440 {strides = array<i32>} : memref<50x16x1xf32, #tpu.memory_space<vmem>>, vector<1x16x1xf32>,
      %slice3A_1441 = vector.extract_strided_slice %broadcast_in_dim3A_97 {offsets = [752, 0], sizes = [16, 1], strides = [1, 1]} : vector<800x1xf32> to vector<16x1xf32>
      %swap3A_1442 = arith.constant 47 : index
      %swap3A_1443 = arith.constant 0 : index
      %swap3A_1444 = arith.constant 0 : index
      %swap3A_1445 = vector.load %arg22[%swap3A_1442, %swap3A_1443, %swap3A_1444] : memref<50x16x1xf32, #tpu.memory_space<vmem>>, vector<1x16x1xf32>
      %swap3A_1446 = vector.shape_cast %swap3A_1445 : vector<1x16x1xf32> to vector<16x1xf32>
      %swap3A_1447 = vector.shape_cast %slice3A_1441 : vector<16x1xf32> to vector<1x16x1xf32>
      tpu.vector_store %arg22[%swap3A_1442, %swap3A_1443, %swap3A_1444], %swap3A_1447 {strides = array<i32>} : memref<50x16x1xf32, #tpu.memory_space<vmem>>, vector<1x16x1xf32>,
      %slice3A_1448 = vector.extract_strided_slice %add3A_110 {offsets = [752, 0], sizes = [16, 1], strides = [1, 1]} : vector<800x1xf32> to vector<16x1xf32>
      %swap3A_1449 = arith.constant 47 : index
      %swap3A_1450 = arith.constant 0 : index
      %swap3A_1451 = arith.constant 0 : index
      %swap3A_1452 = vector.load %arg23[%swap3A_1449, %swap3A_1450, %swap3A_1451] : memref<50x16x1xf32, #tpu.memory_space<vmem>>, vector<1x16x1xf32>
      %swap3A_1453 = vector.shape_cast %swap3A_1452 : vector<1x16x1xf32> to vector<16x1xf32>
      %swap3A_1454 = vector.shape_cast %slice3A_1448 : vector<16x1xf32> to vector<1x16x1xf32>
      tpu.vector_store %arg23[%swap3A_1449, %swap3A_1450, %swap3A_1451], %swap3A_1454 {strides = array<i32>} : memref<50x16x1xf32, #tpu.memory_space<vmem>>, vector<1x16x1xf32>,
      %slice3A_1455 = vector.extract_strided_slice %add3A_65 {offsets = [768, 0], sizes = [16, 64], strides = [1, 1]} : vector<800x64xf32> to vector<16x64xf32>
      %swap3A_1456 = arith.constant 48 : index
      %swap3A_1457 = arith.constant 0 : index
      %swap3A_1458 = arith.constant 0 : index
      %swap3A_1459 = vector.load %arg20[%swap3A_1456, %swap3A_1457, %swap3A_1458] : memref<50x16x64xf32, #tpu.memory_space<vmem>>, vector<1x16x64xf32>
      %swap3A_1460 = vector.shape_cast %swap3A_1459 : vector<1x16x64xf32> to vector<16x64xf32>
      %swap3A_1461 = vector.shape_cast %slice3A_1455 : vector<16x64xf32> to vector<1x16x64xf32>
      tpu.vector_store %arg20[%swap3A_1456, %swap3A_1457, %swap3A_1458], %swap3A_1461 {strides = array<i32>} : memref<50x16x64xf32, #tpu.memory_space<vmem>>, vector<1x16x64xf32>,
      %slice3A_1462 = vector.extract_strided_slice %logistic3A_93 {offsets = [768, 0], sizes = [16, 1], strides = [1, 1]} : vector<800x1xf32> to vector<16x1xf32>
      %swap3A_1463 = arith.constant 48 : index
      %swap3A_1464 = arith.constant 0 : index
      %swap3A_1465 = arith.constant 0 : index
      %swap3A_1466 = vector.load %arg21[%swap3A_1463, %swap3A_1464, %swap3A_1465] : memref<50x16x1xf32, #tpu.memory_space<vmem>>, vector<1x16x1xf32>
      %swap3A_1467 = vector.shape_cast %swap3A_1466 : vector<1x16x1xf32> to vector<16x1xf32>
      %swap3A_1468 = vector.shape_cast %slice3A_1462 : vector<16x1xf32> to vector<1x16x1xf32>
      tpu.vector_store %arg21[%swap3A_1463, %swap3A_1464, %swap3A_1465], %swap3A_1468 {strides = array<i32>} : memref<50x16x1xf32, #tpu.memory_space<vmem>>, vector<1x16x1xf32>,
      %slice3A_1469 = vector.extract_strided_slice %broadcast_in_dim3A_97 {offsets = [768, 0], sizes = [16, 1], strides = [1, 1]} : vector<800x1xf32> to vector<16x1xf32>
      %swap3A_1470 = arith.constant 48 : index
      %swap3A_1471 = arith.constant 0 : index
      %swap3A_1472 = arith.constant 0 : index
      %swap3A_1473 = vector.load %arg22[%swap3A_1470, %swap3A_1471, %swap3A_1472] : memref<50x16x1xf32, #tpu.memory_space<vmem>>, vector<1x16x1xf32>
      %swap3A_1474 = vector.shape_cast %swap3A_1473 : vector<1x16x1xf32> to vector<16x1xf32>
      %swap3A_1475 = vector.shape_cast %slice3A_1469 : vector<16x1xf32> to vector<1x16x1xf32>
      tpu.vector_store %arg22[%swap3A_1470, %swap3A_1471, %swap3A_1472], %swap3A_1475 {strides = array<i32>} : memref<50x16x1xf32, #tpu.memory_space<vmem>>, vector<1x16x1xf32>,
      %slice3A_1476 = vector.extract_strided_slice %add3A_110 {offsets = [768, 0], sizes = [16, 1], strides = [1, 1]} : vector<800x1xf32> to vector<16x1xf32>
      %swap3A_1477 = arith.constant 48 : index
      %swap3A_1478 = arith.constant 0 : index
      %swap3A_1479 = arith.constant 0 : index
      %swap3A_1480 = vector.load %arg23[%swap3A_1477, %swap3A_1478, %swap3A_1479] : memref<50x16x1xf32, #tpu.memory_space<vmem>>, vector<1x16x1xf32>
      %swap3A_1481 = vector.shape_cast %swap3A_1480 : vector<1x16x1xf32> to vector<16x1xf32>
      %swap3A_1482 = vector.shape_cast %slice3A_1476 : vector<16x1xf32> to vector<1x16x1xf32>
      tpu.vector_store %arg23[%swap3A_1477, %swap3A_1478, %swap3A_1479], %swap3A_1482 {strides = array<i32>} : memref<50x16x1xf32, #tpu.memory_space<vmem>>, vector<1x16x1xf32>,
      %slice3A_1483 = vector.extract_strided_slice %add3A_65 {offsets = [784, 0], sizes = [16, 64], strides = [1, 1]} : vector<800x64xf32> to vector<16x64xf32>
      %swap3A_1484 = arith.constant 49 : index
      %swap3A_1485 = arith.constant 0 : index
      %swap3A_1486 = arith.constant 0 : index
      %swap3A_1487 = vector.load %arg20[%swap3A_1484, %swap3A_1485, %swap3A_1486] : memref<50x16x64xf32, #tpu.memory_space<vmem>>, vector<1x16x64xf32>
      %swap3A_1488 = vector.shape_cast %swap3A_1487 : vector<1x16x64xf32> to vector<16x64xf32>
      %swap3A_1489 = vector.shape_cast %slice3A_1483 : vector<16x64xf32> to vector<1x16x64xf32>
      tpu.vector_store %arg20[%swap3A_1484, %swap3A_1485, %swap3A_1486], %swap3A_1489 {strides = array<i32>} : memref<50x16x64xf32, #tpu.memory_space<vmem>>, vector<1x16x64xf32>,
      %slice3A_1490 = vector.extract_strided_slice %logistic3A_93 {offsets = [784, 0], sizes = [16, 1], strides = [1, 1]} : vector<800x1xf32> to vector<16x1xf32>
      %swap3A_1491 = arith.constant 49 : index
      %swap3A_1492 = arith.constant 0 : index
      %swap3A_1493 = arith.constant 0 : index
      %swap3A_1494 = vector.load %arg21[%swap3A_1491, %swap3A_1492, %swap3A_1493] : memref<50x16x1xf32, #tpu.memory_space<vmem>>, vector<1x16x1xf32>
      %swap3A_1495 = vector.shape_cast %swap3A_1494 : vector<1x16x1xf32> to vector<16x1xf32>
      %swap3A_1496 = vector.shape_cast %slice3A_1490 : vector<16x1xf32> to vector<1x16x1xf32>
      tpu.vector_store %arg21[%swap3A_1491, %swap3A_1492, %swap3A_1493], %swap3A_1496 {strides = array<i32>} : memref<50x16x1xf32, #tpu.memory_space<vmem>>, vector<1x16x1xf32>,
      %slice3A_1497 = vector.extract_strided_slice %broadcast_in_dim3A_97 {offsets = [784, 0], sizes = [16, 1], strides = [1, 1]} : vector<800x1xf32> to vector<16x1xf32>
      %swap3A_1498 = arith.constant 49 : index
      %swap3A_1499 = arith.constant 0 : index
      %swap3A_1500 = arith.constant 0 : index
      %swap3A_1501 = vector.load %arg22[%swap3A_1498, %swap3A_1499, %swap3A_1500] : memref<50x16x1xf32, #tpu.memory_space<vmem>>, vector<1x16x1xf32>
      %swap3A_1502 = vector.shape_cast %swap3A_1501 : vector<1x16x1xf32> to vector<16x1xf32>
      %swap3A_1503 = vector.shape_cast %slice3A_1497 : vector<16x1xf32> to vector<1x16x1xf32>
      tpu.vector_store %arg22[%swap3A_1498, %swap3A_1499, %swap3A_1500], %swap3A_1503 {strides = array<i32>} : memref<50x16x1xf32, #tpu.memory_space<vmem>>, vector<1x16x1xf32>,
      %slice3A_1504 = vector.extract_strided_slice %add3A_110 {offsets = [784, 0], sizes = [16, 1], strides = [1, 1]} : vector<800x1xf32> to vector<16x1xf32>
      %swap3A_1505 = arith.constant 49 : index
      %swap3A_1506 = arith.constant 0 : index
      %swap3A_1507 = arith.constant 0 : index
      %swap3A_1508 = vector.load %arg23[%swap3A_1505, %swap3A_1506, %swap3A_1507] : memref<50x16x1xf32, #tpu.memory_space<vmem>>, vector<1x16x1xf32>
      %swap3A_1509 = vector.shape_cast %swap3A_1508 : vector<1x16x1xf32> to vector<16x1xf32>
      %swap3A_1510 = vector.shape_cast %slice3A_1504 : vector<16x1xf32> to vector<1x16x1xf32>
      tpu.vector_store %arg23[%swap3A_1505, %swap3A_1506, %swap3A_1507], %swap3A_1510 {strides = array<i32>} : memref<50x16x1xf32, #tpu.memory_space<vmem>>, vector<1x16x1xf32>,
      %get3A_1511 = arith.constant 0 : index
      %get3A_1512 = arith.constant 0 : index
      %get3A_1513 = vector.load %arg14[%get3A_1511, %get3A_1512] : memref<16x32xi32, #tpu.memory_space<vmem>>, vector<16x32xi32>
      %get3A_1514 = arith.constant 0 : index
      %get3A_1515 = arith.constant 0 : index
      %get3A_1516 = vector.load %arg15[%get3A_1514, %get3A_1515] : memref<16x128xi32, #tpu.memory_space<vmem>>, vector<16x128xi32>
      %get3A_1517 = arith.constant 0 : index
      %get3A_1518 = arith.constant 0 : index
      %get3A_1519 = vector.load %arg11[%get3A_1517, %get3A_1518] : memref<1x1xf32, #tpu.memory_space<vmem>>, vector<1x1xf32>
      %broadcast_in_dim3A_1520 = arith.constant 0.000000e+00 : f32
      %broadcast_in_dim3A_1521 = vector.broadcast %broadcast_in_dim3A_1520 : f32 to vector<16x32xf32>
      %swap3A_1522 = arith.constant 0 : index
      %swap3A_1523 = arith.constant 0 : index
      %swap3A_1524 = vector.load %arg24[%swap3A_1522, %swap3A_1523] : memref<16x32xf32, #tpu.memory_space<vmem>>, vector<16x32xf32>
      tpu.vector_store %arg24[%swap3A_1522, %swap3A_1523], %broadcast_in_dim3A_1521 {strides = array<i32>} : memref<16x32xf32, #tpu.memory_space<vmem>>, vector<16x32xf32>,
      %broadcast_in_dim3A_1525 = arith.constant 0.000000e+00 : f32
      %broadcast_in_dim3A_1526 = vector.broadcast %broadcast_in_dim3A_1525 : f32 to vector<16x32xf32>
      %swap3A_1527 = arith.constant 0 : index
      %swap3A_1528 = arith.constant 0 : index
      %swap3A_1529 = vector.load %arg25[%swap3A_1527, %swap3A_1528] : memref<16x32xf32, #tpu.memory_space<vmem>>, vector<16x32xf32>
      tpu.vector_store %arg25[%swap3A_1527, %swap3A_1528], %broadcast_in_dim3A_1526 {strides = array<i32>} : memref<16x32xf32, #tpu.memory_space<vmem>>, vector<16x32xf32>,
      %broadcast_in_dim3A_1530 = arith.constant 0.000000e+00 : f32
      %broadcast_in_dim3A_1531 = vector.broadcast %broadcast_in_dim3A_1530 : f32 to vector<16x32xf32>
      %add3A_1532 = vector.broadcast %get3A_1519 : vector<1x1xf32> to vector<16x32xf32>
      %add3A_1533 = arith.addf %broadcast_in_dim3A_1531, %add3A_1532 : vector<16x32xf32>
      %swap3A_1534 = arith.constant 0 : index
      %swap3A_1535 = arith.constant 0 : index
      %swap3A_1536 = vector.load %arg26[%swap3A_1534, %swap3A_1535] : memref<16x32xf32, #tpu.memory_space<vmem>>, vector<16x32xf32>
      tpu.vector_store %arg26[%swap3A_1534, %swap3A_1535], %add3A_1533 {strides = array<i32>} : memref<16x32xf32, #tpu.memory_space<vmem>>, vector<16x32xf32>,
      %broadcast_in_dim3A_1537 = arith.constant 0.000000e+00 : f32
      %broadcast_in_dim3A_1538 = vector.broadcast %broadcast_in_dim3A_1537 : f32 to vector<16x32xf32>
      %swap3A_1539 = arith.constant 0 : index
      %swap3A_1540 = arith.constant 0 : index
      %swap3A_1541 = vector.load %arg27[%swap3A_1539, %swap3A_1540] : memref<16x32xf32, #tpu.memory_space<vmem>>, vector<16x32xf32>
      tpu.vector_store %arg27[%swap3A_1539, %swap3A_1540], %broadcast_in_dim3A_1538 {strides = array<i32>} : memref<16x32xf32, #tpu.memory_space<vmem>>, vector<16x32xf32>,
      %broadcast_in_dim3A_1542 = arith.constant 0.000000e+00 : f32
      %broadcast_in_dim3A_1543 = vector.broadcast %broadcast_in_dim3A_1542 : f32 to vector<16x32xf32>
      %sub3A_1544 = arith.constant 1.000000e+00 : f32
      %sub3A_1545 = vector.broadcast %sub3A_1544 : f32 to vector<16x32xf32>
      %sub3A_1546 = arith.subf %broadcast_in_dim3A_1543, %sub3A_1545 : vector<16x32xf32>
      %swap3A_1547 = arith.constant 0 : index
      %swap3A_1548 = arith.constant 0 : index
      %swap3A_1549 = vector.load %arg28[%swap3A_1547, %swap3A_1548] : memref<16x32xf32, #tpu.memory_space<vmem>>, vector<16x32xf32>
      tpu.vector_store %arg28[%swap3A_1547, %swap3A_1548], %sub3A_1546 {strides = array<i32>} : memref<16x32xf32, #tpu.memory_space<vmem>>, vector<16x32xf32>,
      %broadcast_in_dim3A_1550 = arith.constant 0.000000e+00 : f32
      %broadcast_in_dim3A_1551 = vector.broadcast %broadcast_in_dim3A_1550 : f32 to vector<16x128xf32>
      %swap3A_1552 = arith.constant 0 : index
      %swap3A_1553 = arith.constant 0 : index
      %swap3A_1554 = vector.load %arg29[%swap3A_1552, %swap3A_1553] : memref<16x128xf32, #tpu.memory_space<vmem>>, vector<16x128xf32>
      tpu.vector_store %arg29[%swap3A_1552, %swap3A_1553], %broadcast_in_dim3A_1551 {strides = array<i32>} : memref<16x128xf32, #tpu.memory_space<vmem>>, vector<16x128xf32>,
      %broadcast_in_dim3A_1555 = arith.constant 0.000000e+00 : f32
      %broadcast_in_dim3A_1556 = vector.broadcast %broadcast_in_dim3A_1555 : f32 to vector<16x128xf32>
      %swap3A_1557 = arith.constant 0 : index
      %swap3A_1558 = arith.constant 0 : index
      %swap3A_1559 = vector.load %arg30[%swap3A_1557, %swap3A_1558] : memref<16x128xf32, #tpu.memory_space<vmem>>, vector<16x128xf32>
      tpu.vector_store %arg30[%swap3A_1557, %swap3A_1558], %broadcast_in_dim3A_1556 {strides = array<i32>} : memref<16x128xf32, #tpu.memory_space<vmem>>, vector<16x128xf32>,
      %broadcast_in_dim3A_1560 = arith.constant 0.000000e+00 : f32
      %broadcast_in_dim3A_1561 = vector.broadcast %broadcast_in_dim3A_1560 : f32 to vector<16x128xf32>
      %swap3A_1562 = arith.constant 0 : index
      %swap3A_1563 = arith.constant 0 : index
      %swap3A_1564 = vector.load %arg31[%swap3A_1562, %swap3A_1563] : memref<16x128xf32, #tpu.memory_space<vmem>>, vector<16x128xf32>
      tpu.vector_store %arg31[%swap3A_1562, %swap3A_1563], %broadcast_in_dim3A_1561 {strides = array<i32>} : memref<16x128xf32, #tpu.memory_space<vmem>>, vector<16x128xf32>,
      %broadcast_in_dim3A_1565 = arith.constant 0.000000e+00 : f32
      %broadcast_in_dim3A_1566 = vector.broadcast %broadcast_in_dim3A_1565 : f32 to vector<16x128xf32>
      %sub3A_1567 = arith.constant 1.000000e+00 : f32
      %sub3A_1568 = vector.broadcast %sub3A_1567 : f32 to vector<16x128xf32>
      %sub3A_1569 = arith.subf %broadcast_in_dim3A_1566, %sub3A_1568 : vector<16x128xf32>
      %swap3A_1570 = arith.constant 0 : index
      %swap3A_1571 = arith.constant 0 : index
      %swap3A_1572 = vector.load %arg32[%swap3A_1570, %swap3A_1571] : memref<16x128xf32, #tpu.memory_space<vmem>>, vector<16x128xf32>
      tpu.vector_store %arg32[%swap3A_1570, %swap3A_1571], %sub3A_1569 {strides = array<i32>} : memref<16x128xf32, #tpu.memory_space<vmem>>, vector<16x128xf32>,
      %scan3A = arith.constant 0 : i32
      %scan3A_1573 = arith.constant 47 : i32
      %scan3A_1574 = arith.addi %scan3A, %scan3A_1573 : i32
      %scan3A_1575 = arith.constant 1 : i32
      scf.for %scan3A_3001 = %scan3A to %scan3A_1574 step %scan3A_1575  : i32 {
        %get3A_3002 = arith.constant 0 : index
        %get3A_3003 = arith.constant 0 : index
        %get3A_3004 = vector.load %arg24[%get3A_3002, %get3A_3003] : memref<16x32xf32, #tpu.memory_space<vmem>>, vector<16x32xf32>
        %get3A_3005 = arith.constant 0 : index
        %get3A_3006 = arith.constant 0 : index
        %get3A_3007 = vector.load %arg25[%get3A_3005, %get3A_3006] : memref<16x32xf32, #tpu.memory_space<vmem>>, vector<16x32xf32>
        %get3A_3008 = arith.constant 0 : index
        %get3A_3009 = arith.constant 0 : index
        %get3A_3010 = vector.load %arg26[%get3A_3008, %get3A_3009] : memref<16x32xf32, #tpu.memory_space<vmem>>, vector<16x32xf32>
        %get3A_3011 = arith.constant 0 : index
        %get3A_3012 = arith.constant 0 : index
        %get3A_3013 = vector.load %arg27[%get3A_3011, %get3A_3012] : memref<16x32xf32, #tpu.memory_space<vmem>>, vector<16x32xf32>
        %get3A_3014 = arith.constant 0 : index
        %get3A_3015 = arith.constant 0 : index
        %get3A_3016 = vector.load %arg28[%get3A_3014, %get3A_3015] : memref<16x32xf32, #tpu.memory_space<vmem>>, vector<16x32xf32>
        %get3A_3017 = arith.constant 0 : index
        %get3A_3018 = arith.constant 0 : index
        %get3A_3019 = vector.load %arg29[%get3A_3017, %get3A_3018] : memref<16x128xf32, #tpu.memory_space<vmem>>, vector<16x128xf32>
        %get3A_3020 = arith.constant 0 : index
        %get3A_3021 = arith.constant 0 : index
        %get3A_3022 = vector.load %arg30[%get3A_3020, %get3A_3021] : memref<16x128xf32, #tpu.memory_space<vmem>>, vector<16x128xf32>
        %get3A_3023 = arith.constant 0 : index
        %get3A_3024 = arith.constant 0 : index
        %get3A_3025 = vector.load %arg31[%get3A_3023, %get3A_3024] : memref<16x128xf32, #tpu.memory_space<vmem>>, vector<16x128xf32>
        %get3A_3026 = arith.constant 0 : index
        %get3A_3027 = arith.constant 0 : index
        %get3A_3028 = vector.load %arg32[%get3A_3026, %get3A_3027] : memref<16x128xf32, #tpu.memory_space<vmem>>, vector<16x128xf32>
        %get3A_3029 = arith.index_cast %scan3A_3001 : i32 to index
        %get3A_3030 = arith.constant 0 : index
        %get3A_3031 = arith.constant 0 : index
        %get3A_3032 = vector.load %arg21[%get3A_3029, %get3A_3030, %get3A_3031] : memref<50x16x1xf32, #tpu.memory_space<vmem>>, vector<1x16x1xf32>
        %get3A_3033 = vector.shape_cast %get3A_3032 : vector<1x16x1xf32> to vector<16x1xf32>
        %get3A_3034 = arith.index_cast %scan3A_3001 : i32 to index
        %get3A_3035 = arith.constant 0 : index
        %get3A_3036 = arith.constant 0 : index
        %get3A_3037 = vector.load %arg22[%get3A_3034, %get3A_3035, %get3A_3036] : memref<50x16x1xf32, #tpu.memory_space<vmem>>, vector<1x16x1xf32>
        %get3A_3038 = vector.shape_cast %get3A_3037 : vector<1x16x1xf32> to vector<16x1xf32>
        %get3A_3039 = arith.index_cast %scan3A_3001 : i32 to index
        %get3A_3040 = arith.constant 0 : index
        %get3A_3041 = arith.constant 0 : index
        %get3A_3042 = vector.load %arg23[%get3A_3039, %get3A_3040, %get3A_3041] : memref<50x16x1xf32, #tpu.memory_space<vmem>>, vector<1x16x1xf32>
        %get3A_3043 = vector.shape_cast %get3A_3042 : vector<1x16x1xf32> to vector<16x1xf32>
        %convert_element_type3A_3044 = arith.sitofp %scan3A_3001 : i32 to f32
        %add3A_3045 = arith.addf %get3A_3007, %get3A_3004 : vector<16x32xf32>
        %add3A_3046 = arith.addf %get3A_3022, %get3A_3019 : vector<16x128xf32>
        %ge3A = arith.constant 4.000000e-01 : f32
        %ge3A_3047 = vector.broadcast %ge3A : f32 to vector<16x1xf32>
        %ge3A_3048 = arith.cmpf oge, %get3A_3033, %ge3A_3047 : vector<16x1xf32>
        %lt3A = arith.constant 5.000000e-01 : f32
        %lt3A_3049 = vector.broadcast %lt3A : f32 to vector<16x32xf32>
        %lt3A_3050 = arith.cmpf olt, %get3A_3004, %lt3A_3049 : vector<16x32xf32>
        %jit3A_3051 = arith.constant 1.000000e+00 : f32
        %jit3A_3052 = arith.constant 0.000000e+00 : f32
        %broadcast_in_dim3A_3053 = vector.broadcast %jit3A_3051 : f32 to vector<16x32xf32>
        %broadcast_in_dim3A_3054 = vector.broadcast %jit3A_3052 : f32 to vector<16x32xf32>
        %select_n3A_3055 = arith.select %lt3A_3050, %broadcast_in_dim3A_3053, %broadcast_in_dim3A_3054 : vector<16x32xi1>, vector<16x32xf32>
        %reduce_max3A_3056 = arith.constant dense<0xFF800000> : vector<16xf32>
        %reduce_max3A_3057 = vector.multi_reduction <maximumf>, %select_n3A_3055, %reduce_max3A_3056 [1] : vector<16x32xf32> to vector<16xf32>
        %broadcast_in_dim3A_3058 = vector.shape_cast %reduce_max3A_3057 : vector<16xf32> to vector<16x1xf32>
        %gt3A_3059 = arith.constant 5.000000e-01 : f32
        %gt3A_3060 = vector.broadcast %gt3A_3059 : f32 to vector<16x1xf32>
        %gt3A_3061 = arith.cmpf ogt, %broadcast_in_dim3A_3058, %gt3A_3060 : vector<16x1xf32>
        %jit3A_3062 = arith.constant 1073741824 : i32
        %broadcast_in_dim3A_3063 = vector.broadcast %jit3A_3062 : i32 to vector<16x32xi32>
        %select_n3A_3064 = arith.select %lt3A_3050, %get3A_1513, %broadcast_in_dim3A_3063 : vector<16x32xi1>, vector<16x32xi32>
        %reduce_min3A = arith.constant dense<2147483647> : vector<16xi32>
        %reduce_min3A_3065 = vector.multi_reduction <minsi>, %select_n3A_3064, %reduce_min3A [1] : vector<16x32xi32> to vector<16xi32>
        %broadcast_in_dim3A_3066 = vector.shape_cast %reduce_min3A_3065 : vector<16xi32> to vector<16x1xi32>
        %reduce_min3A_3067 = arith.constant dense<0x7F800000> : vector<16xf32>
        %reduce_min3A_3068 = vector.multi_reduction <minimumf>, %get3A_3010, %reduce_min3A_3067 [1] : vector<16x32xf32> to vector<16xf32>
        %broadcast_in_dim3A_3069 = vector.shape_cast %reduce_min3A_3068 : vector<16xf32> to vector<16x1xf32>
        %eq3A_3070 = vector.broadcast %broadcast_in_dim3A_3069 : vector<16x1xf32> to vector<16x32xf32>
        %eq3A_3071 = arith.cmpf oeq, %get3A_3010, %eq3A_3070 : vector<16x32xf32>
        %jit3A_3072 = arith.constant 1073741824 : i32
        %broadcast_in_dim3A_3073 = vector.broadcast %jit3A_3072 : i32 to vector<16x32xi32>
        %select_n3A_3074 = arith.select %eq3A_3071, %get3A_1513, %broadcast_in_dim3A_3073 : vector<16x32xi1>, vector<16x32xi32>
        %reduce_min3A_3075 = arith.constant dense<2147483647> : vector<16xi32>
        %reduce_min3A_3076 = vector.multi_reduction <minsi>, %select_n3A_3074, %reduce_min3A_3075 [1] : vector<16x32xi32> to vector<16xi32>
        %broadcast_in_dim3A_3077 = vector.shape_cast %reduce_min3A_3076 : vector<16xi32> to vector<16x1xi32>
        %eq3A_3078 = vector.broadcast %broadcast_in_dim3A_3077 : vector<16x1xi32> to vector<16x32xi32>
        %eq3A_3079 = arith.cmpi eq, %get3A_1513, %eq3A_3078 : vector<16x32xi32>
        %jit3A_3080 = arith.constant 1.000000e+00 : f32
        %jit3A_3081 = arith.constant 0.000000e+00 : f32
        %broadcast_in_dim3A_3082 = vector.broadcast %jit3A_3080 : f32 to vector<16x32xf32>
        %broadcast_in_dim3A_3083 = vector.broadcast %jit3A_3081 : f32 to vector<16x32xf32>
        %select_n3A_3084 = arith.select %eq3A_3079, %broadcast_in_dim3A_3082, %broadcast_in_dim3A_3083 : vector<16x32xi1>, vector<16x32xf32>
        %mul3A_3085 = arith.mulf %get3A_3013, %select_n3A_3084 : vector<16x32xf32>
        %reduce_sum3A_3086 = arith.constant dense<0.000000e+00> : vector<16xf32>
        %reduce_sum3A_3087 = vector.multi_reduction <add>, %mul3A_3085, %reduce_sum3A_3086 [1] : vector<16x32xf32> to vector<16xf32>
        %broadcast_in_dim3A_3088 = vector.shape_cast %reduce_sum3A_3087 : vector<16xf32> to vector<16x1xf32>
        %mul3A_3089 = arith.mulf %get3A_3016, %select_n3A_3084 : vector<16x32xf32>
        %reduce_sum3A_3090 = arith.constant dense<0.000000e+00> : vector<16xf32>
        %reduce_sum3A_3091 = vector.multi_reduction <add>, %mul3A_3089, %reduce_sum3A_3090 [1] : vector<16x32xf32> to vector<16xf32>
        %broadcast_in_dim3A_3092 = vector.shape_cast %reduce_sum3A_3091 : vector<16xf32> to vector<16x1xf32>
        %lt3A_3093 = arith.constant 5.000000e-01 : f32
        %lt3A_3094 = vector.broadcast %lt3A_3093 : f32 to vector<16x128xf32>
        %lt3A_3095 = arith.cmpf olt, %get3A_3019, %lt3A_3094 : vector<16x128xf32>
        %jit3A_3096 = arith.constant 1.000000e+00 : f32
        %jit3A_3097 = arith.constant 0.000000e+00 : f32
        %broadcast_in_dim3A_3098 = vector.broadcast %jit3A_3096 : f32 to vector<16x128xf32>
        %broadcast_in_dim3A_3099 = vector.broadcast %jit3A_3097 : f32 to vector<16x128xf32>
        %select_n3A_3100 = arith.select %lt3A_3095, %broadcast_in_dim3A_3098, %broadcast_in_dim3A_3099 : vector<16x128xi1>, vector<16x128xf32>
        %reduce_max3A_3101 = arith.constant dense<0xFF800000> : vector<16xf32>
        %reduce_max3A_3102 = vector.multi_reduction <maximumf>, %select_n3A_3100, %reduce_max3A_3101 [1] : vector<16x128xf32> to vector<16xf32>
        %broadcast_in_dim3A_3103 = vector.shape_cast %reduce_max3A_3102 : vector<16xf32> to vector<16x1xf32>
        %gt3A_3104 = arith.constant 5.000000e-01 : f32
        %gt3A_3105 = vector.broadcast %gt3A_3104 : f32 to vector<16x1xf32>
        %gt3A_3106 = arith.cmpf ogt, %broadcast_in_dim3A_3103, %gt3A_3105 : vector<16x1xf32>
        %jit3A_3107 = arith.constant 1073741824 : i32
        %broadcast_in_dim3A_3108 = vector.broadcast %jit3A_3107 : i32 to vector<16x128xi32>
        %select_n3A_3109 = arith.select %lt3A_3095, %get3A_1516, %broadcast_in_dim3A_3108 : vector<16x128xi1>, vector<16x128xi32>
        %reduce_min3A_3110 = arith.constant dense<2147483647> : vector<16xi32>
        %reduce_min3A_3111 = vector.multi_reduction <minsi>, %select_n3A_3109, %reduce_min3A_3110 [1] : vector<16x128xi32> to vector<16xi32>
        %broadcast_in_dim3A_3112 = vector.shape_cast %reduce_min3A_3111 : vector<16xi32> to vector<16x1xi32>
        %reduce_max3A_3113 = arith.constant dense<0xFF800000> : vector<16xf32>
        %reduce_max3A_3114 = vector.multi_reduction <maximumf>, %add3A_3046, %reduce_max3A_3113 [1] : vector<16x128xf32> to vector<16xf32>
        %broadcast_in_dim3A_3115 = vector.shape_cast %reduce_max3A_3114 : vector<16xf32> to vector<16x1xf32>
        %eq3A_3116 = vector.broadcast %broadcast_in_dim3A_3115 : vector<16x1xf32> to vector<16x128xf32>
        %eq3A_3117 = arith.cmpf oeq, %add3A_3046, %eq3A_3116 : vector<16x128xf32>
        %jit3A_3118 = arith.constant 1073741824 : i32
        %broadcast_in_dim3A_3119 = vector.broadcast %jit3A_3118 : i32 to vector<16x128xi32>
        %select_n3A_3120 = arith.select %eq3A_3117, %get3A_1516, %broadcast_in_dim3A_3119 : vector<16x128xi1>, vector<16x128xi32>
        %reduce_min3A_3121 = arith.constant dense<2147483647> : vector<16xi32>
        %reduce_min3A_3122 = vector.multi_reduction <minsi>, %select_n3A_3120, %reduce_min3A_3121 [1] : vector<16x128xi32> to vector<16xi32>
        %broadcast_in_dim3A_3123 = vector.shape_cast %reduce_min3A_3122 : vector<16xi32> to vector<16x1xi32>
        %select_n3A_3124 = arith.select %gt3A_3106, %broadcast_in_dim3A_3112, %broadcast_in_dim3A_3123 : vector<16x1xi1>, vector<16x1xi32>
        %not3A = arith.constant dense<true> : vector<16x1xi1>
        %not3A_3125 = arith.xori %gt3A_3061, %not3A : vector<16x1xi1>
        %and3A = arith.andi %ge3A_3048, %not3A_3125 : vector<16x1xi1>
        %eq3A_3126 = vector.broadcast %select_n3A_3124 : vector<16x1xi32> to vector<16x128xi32>
        %eq3A_3127 = arith.cmpi eq, %get3A_1516, %eq3A_3126 : vector<16x128xi32>
        %and3A_3128 = vector.broadcast %and3A : vector<16x1xi1> to vector<16x128xi1>
        %and3A_3129 = arith.andi %eq3A_3127, %and3A_3128 : vector<16x128xi1>
        %jit3A_3130 = arith.constant 1.000000e+00 : f32
        %jit3A_3131 = arith.constant 0.000000e+00 : f32
        %broadcast_in_dim3A_3132 = vector.broadcast %jit3A_3130 : f32 to vector<16x128xf32>
        %broadcast_in_dim3A_3133 = vector.broadcast %jit3A_3131 : f32 to vector<16x128xf32>
        %select_n3A_3134 = arith.select %and3A_3129, %broadcast_in_dim3A_3132, %broadcast_in_dim3A_3133 : vector<16x128xi1>, vector<16x128xf32>
        %sub3A_3135 = arith.constant 1.000000e+00 : f32
        %sub3A_3136 = vector.broadcast %sub3A_3135 : f32 to vector<16x128xf32>
        %sub3A_3137 = arith.subf %sub3A_3136, %select_n3A_3134 : vector<16x128xf32>
        %mul3A_3138 = arith.mulf %add3A_3046, %sub3A_3137 : vector<16x128xf32>
        %swap3A_3139 = arith.constant 0 : index
        %swap3A_3140 = arith.constant 0 : index
        %swap3A_3141 = vector.load %arg30[%swap3A_3139, %swap3A_3140] : memref<16x128xf32, #tpu.memory_space<vmem>>, vector<16x128xf32>
        tpu.vector_store %arg30[%swap3A_3139, %swap3A_3140], %mul3A_3138 {strides = array<i32>} : memref<16x128xf32, #tpu.memory_space<vmem>>, vector<16x128xf32>,
        %max3A_3142 = arith.maximumf %get3A_3019, %select_n3A_3134 : vector<16x128xf32>
        %swap3A_3143 = arith.constant 0 : index
        %swap3A_3144 = arith.constant 0 : index
        %swap3A_3145 = vector.load %arg29[%swap3A_3143, %swap3A_3144] : memref<16x128xf32, #tpu.memory_space<vmem>>, vector<16x128xf32>
        tpu.vector_store %arg29[%swap3A_3143, %swap3A_3144], %max3A_3142 {strides = array<i32>} : memref<16x128xf32, #tpu.memory_space<vmem>>, vector<16x128xf32>,
        %sub3A_3146 = arith.constant 1.000000e+00 : f32
        %sub3A_3147 = vector.broadcast %sub3A_3146 : f32 to vector<16x128xf32>
        %sub3A_3148 = arith.subf %sub3A_3147, %select_n3A_3134 : vector<16x128xf32>
        %mul3A_3149 = arith.mulf %get3A_3025, %sub3A_3148 : vector<16x128xf32>
        %mul3A_3150 = vector.broadcast %broadcast_in_dim3A_3088 : vector<16x1xf32> to vector<16x128xf32>
        %mul3A_3151 = arith.mulf %mul3A_3150, %select_n3A_3134 : vector<16x128xf32>
        %add3A_3152 = arith.addf %mul3A_3149, %mul3A_3151 : vector<16x128xf32>
        %swap3A_3153 = arith.constant 0 : index
        %swap3A_3154 = arith.constant 0 : index
        %swap3A_3155 = vector.load %arg31[%swap3A_3153, %swap3A_3154] : memref<16x128xf32, #tpu.memory_space<vmem>>, vector<16x128xf32>
        tpu.vector_store %arg31[%swap3A_3153, %swap3A_3154], %add3A_3152 {strides = array<i32>} : memref<16x128xf32, #tpu.memory_space<vmem>>, vector<16x128xf32>,
        %sub3A_3156 = arith.constant 1.000000e+00 : f32
        %sub3A_3157 = vector.broadcast %sub3A_3156 : f32 to vector<16x128xf32>
        %sub3A_3158 = arith.subf %sub3A_3157, %select_n3A_3134 : vector<16x128xf32>
        %mul3A_3159 = arith.mulf %get3A_3028, %sub3A_3158 : vector<16x128xf32>
        %mul3A_3160 = vector.broadcast %broadcast_in_dim3A_3092 : vector<16x1xf32> to vector<16x128xf32>
        %mul3A_3161 = arith.mulf %mul3A_3160, %select_n3A_3134 : vector<16x128xf32>
        %add3A_3162 = arith.addf %mul3A_3159, %mul3A_3161 : vector<16x128xf32>
        %swap3A_3163 = arith.constant 0 : index
        %swap3A_3164 = arith.constant 0 : index
        %swap3A_3165 = vector.load %arg32[%swap3A_3163, %swap3A_3164] : memref<16x128xf32, #tpu.memory_space<vmem>>, vector<16x128xf32>
        tpu.vector_store %arg32[%swap3A_3163, %swap3A_3164], %add3A_3162 {strides = array<i32>} : memref<16x128xf32, #tpu.memory_space<vmem>>, vector<16x128xf32>,
        %select_n3A_3166 = arith.select %gt3A_3061, %broadcast_in_dim3A_3066, %broadcast_in_dim3A_3077 : vector<16x1xi1>, vector<16x1xi32>
        %eq3A_3167 = vector.broadcast %select_n3A_3166 : vector<16x1xi32> to vector<16x32xi32>
        %eq3A_3168 = arith.cmpi eq, %get3A_1513, %eq3A_3167 : vector<16x32xi32>
        %and3A_3169 = vector.broadcast %ge3A_3048 : vector<16x1xi1> to vector<16x32xi1>
        %and3A_3170 = arith.andi %eq3A_3168, %and3A_3169 : vector<16x32xi1>
        %jit3A_3171 = arith.constant 1.000000e+00 : f32
        %jit3A_3172 = arith.constant 0.000000e+00 : f32
        %broadcast_in_dim3A_3173 = vector.broadcast %jit3A_3171 : f32 to vector<16x32xf32>
        %broadcast_in_dim3A_3174 = vector.broadcast %jit3A_3172 : f32 to vector<16x32xf32>
        %select_n3A_3175 = arith.select %and3A_3170, %broadcast_in_dim3A_3173, %broadcast_in_dim3A_3174 : vector<16x32xi1>, vector<16x32xf32>
        %max3A_3176 = arith.maximumf %get3A_3004, %select_n3A_3175 : vector<16x32xf32>
        %swap3A_3177 = arith.constant 0 : index
        %swap3A_3178 = arith.constant 0 : index
        %swap3A_3179 = vector.load %arg24[%swap3A_3177, %swap3A_3178] : memref<16x32xf32, #tpu.memory_space<vmem>>, vector<16x32xf32>
        tpu.vector_store %arg24[%swap3A_3177, %swap3A_3178], %max3A_3176 {strides = array<i32>} : memref<16x32xf32, #tpu.memory_space<vmem>>, vector<16x32xf32>,
        %sub3A_3180 = arith.constant 1.000000e+00 : f32
        %sub3A_3181 = vector.broadcast %sub3A_3180 : f32 to vector<16x32xf32>
        %sub3A_3182 = arith.subf %sub3A_3181, %select_n3A_3175 : vector<16x32xf32>
        %mul3A_3183 = arith.mulf %add3A_3045, %sub3A_3182 : vector<16x32xf32>
        %swap3A_3184 = arith.constant 0 : index
        %swap3A_3185 = arith.constant 0 : index
        %swap3A_3186 = vector.load %arg25[%swap3A_3184, %swap3A_3185] : memref<16x32xf32, #tpu.memory_space<vmem>>, vector<16x32xf32>
        tpu.vector_store %arg25[%swap3A_3184, %swap3A_3185], %mul3A_3183 {strides = array<i32>} : memref<16x32xf32, #tpu.memory_space<vmem>>, vector<16x32xf32>,
        %sub3A_3187 = arith.constant 1.000000e+00 : f32
        %sub3A_3188 = vector.broadcast %sub3A_3187 : f32 to vector<16x32xf32>
        %sub3A_3189 = arith.subf %sub3A_3188, %select_n3A_3175 : vector<16x32xf32>
        %mul3A_3190 = arith.mulf %get3A_3010, %sub3A_3189 : vector<16x32xf32>
        %mul3A_3191 = vector.broadcast %get3A_3043 : vector<16x1xf32> to vector<16x32xf32>
        %mul3A_3192 = arith.mulf %mul3A_3191, %select_n3A_3175 : vector<16x32xf32>
        %add3A_3193 = arith.addf %mul3A_3190, %mul3A_3192 : vector<16x32xf32>
        %swap3A_3194 = arith.constant 0 : index
        %swap3A_3195 = arith.constant 0 : index
        %swap3A_3196 = vector.load %arg26[%swap3A_3194, %swap3A_3195] : memref<16x32xf32, #tpu.memory_space<vmem>>, vector<16x32xf32>
        tpu.vector_store %arg26[%swap3A_3194, %swap3A_3195], %add3A_3193 {strides = array<i32>} : memref<16x32xf32, #tpu.memory_space<vmem>>, vector<16x32xf32>,
        %sub3A_3197 = arith.constant 1.000000e+00 : f32
        %sub3A_3198 = vector.broadcast %sub3A_3197 : f32 to vector<16x32xf32>
        %sub3A_3199 = arith.subf %sub3A_3198, %select_n3A_3175 : vector<16x32xf32>
        %mul3A_3200 = arith.mulf %get3A_3013, %sub3A_3199 : vector<16x32xf32>
        %mul3A_3201 = vector.broadcast %get3A_3038 : vector<16x1xf32> to vector<16x32xf32>
        %mul3A_3202 = arith.mulf %mul3A_3201, %select_n3A_3175 : vector<16x32xf32>
        %add3A_3203 = arith.addf %mul3A_3200, %mul3A_3202 : vector<16x32xf32>
        %swap3A_3204 = arith.constant 0 : index
        %swap3A_3205 = arith.constant 0 : index
        %swap3A_3206 = vector.load %arg27[%swap3A_3204, %swap3A_3205] : memref<16x32xf32, #tpu.memory_space<vmem>>, vector<16x32xf32>
        tpu.vector_store %arg27[%swap3A_3204, %swap3A_3205], %add3A_3203 {strides = array<i32>} : memref<16x32xf32, #tpu.memory_space<vmem>>, vector<16x32xf32>,
        %sub3A_3207 = arith.constant 1.000000e+00 : f32
        %sub3A_3208 = vector.broadcast %sub3A_3207 : f32 to vector<16x32xf32>
        %sub3A_3209 = arith.subf %sub3A_3208, %select_n3A_3175 : vector<16x32xf32>
        %mul3A_3210 = arith.mulf %get3A_3016, %sub3A_3209 : vector<16x32xf32>
        %mul3A_3211 = vector.broadcast %convert_element_type3A_3044 : f32 to vector<16x32xf32>
        %mul3A_3212 = arith.mulf %mul3A_3211, %select_n3A_3175 : vector<16x32xf32>
        %add3A_3213 = arith.addf %mul3A_3210, %mul3A_3212 : vector<16x32xf32>
        %swap3A_3214 = arith.constant 0 : index
        %swap3A_3215 = arith.constant 0 : index
        %swap3A_3216 = vector.load %arg28[%swap3A_3214, %swap3A_3215] : memref<16x32xf32, #tpu.memory_space<vmem>>, vector<16x32xf32>
        tpu.vector_store %arg28[%swap3A_3214, %swap3A_3215], %add3A_3213 {strides = array<i32>} : memref<16x32xf32, #tpu.memory_space<vmem>>, vector<16x32xf32>,
      }
      %scan3A_1576 = arith.constant 47 : i32
      %get3A_1577 = arith.constant 0 : index
      %get3A_1578 = arith.constant 0 : index
      %get3A_1579 = vector.load %arg24[%get3A_1577, %get3A_1578] : memref<16x32xf32, #tpu.memory_space<vmem>>, vector<16x32xf32>
      %get3A_1580 = arith.constant 0 : index
      %get3A_1581 = arith.constant 0 : index
      %get3A_1582 = vector.load %arg29[%get3A_1580, %get3A_1581] : memref<16x128xf32, #tpu.memory_space<vmem>>, vector<16x128xf32>
      %get3A_1583 = arith.constant 0 : index
      %get3A_1584 = arith.constant 0 : index
      %get3A_1585 = vector.load %arg28[%get3A_1583, %get3A_1584] : memref<16x32xf32, #tpu.memory_space<vmem>>, vector<16x32xf32>
      %get3A_1586 = arith.constant 0 : index
      %get3A_1587 = arith.constant 0 : index
      %get3A_1588 = vector.load %arg32[%get3A_1586, %get3A_1587] : memref<16x128xf32, #tpu.memory_space<vmem>>, vector<16x128xf32>
      %gt3A = arith.constant 5.000000e-01 : f32
      %gt3A_1589 = vector.broadcast %gt3A : f32 to vector<16x32xf32>
      %gt3A_1590 = arith.cmpf ogt, %get3A_1579, %gt3A_1589 : vector<16x32xf32>
      %get3A_1591 = arith.constant 0 : index
      %get3A_1592 = arith.constant 0 : index
      %get3A_1593 = vector.load %arg27[%get3A_1591, %get3A_1592] : memref<16x32xf32, #tpu.memory_space<vmem>>, vector<16x32xf32>
      %jit3A = arith.constant -1.000000e+09 : f32
      %broadcast_in_dim3A_1594 = vector.broadcast %jit3A : f32 to vector<16x32xf32>
      %select_n3A = arith.select %gt3A_1590, %get3A_1593, %broadcast_in_dim3A_1594 : vector<16x32xi1>, vector<16x32xf32>
      %gt3A_1595 = arith.constant 5.000000e-01 : f32
      %gt3A_1596 = vector.broadcast %gt3A_1595 : f32 to vector<16x128xf32>
      %gt3A_1597 = arith.cmpf ogt, %get3A_1582, %gt3A_1596 : vector<16x128xf32>
      %get3A_1598 = arith.constant 0 : index
      %get3A_1599 = arith.constant 0 : index
      %get3A_1600 = vector.load %arg31[%get3A_1598, %get3A_1599] : memref<16x128xf32, #tpu.memory_space<vmem>>, vector<16x128xf32>
      %jit3A_1601 = arith.constant -1.000000e+09 : f32
      %broadcast_in_dim3A_1602 = vector.broadcast %jit3A_1601 : f32 to vector<16x128xf32>
      %select_n3A_1603 = arith.select %gt3A_1597, %get3A_1600, %broadcast_in_dim3A_1602 : vector<16x128xi1>, vector<16x128xf32>
      %reduce_max3A = arith.constant dense<0xFF800000> : vector<16xf32>
      %reduce_max3A_1604 = vector.multi_reduction <maximumf>, %select_n3A, %reduce_max3A [1] : vector<16x32xf32> to vector<16xf32>
      %max3A_1605 = arith.constant 0xFF800000 : f32
      %max3A_1606 = vector.broadcast %max3A_1605 : f32 to vector<16xf32>
      %max3A_1607 = arith.maximumf %max3A_1606, %reduce_max3A_1604 : vector<16xf32>
      %broadcast_in_dim3A_1608 = vector.shape_cast %max3A_1607 : vector<16xf32> to vector<16x1xf32>
      %sub3A_1609 = vector.broadcast %broadcast_in_dim3A_1608 : vector<16x1xf32> to vector<16x32xf32>
      %sub3A_1610 = arith.subf %select_n3A, %sub3A_1609 : vector<16x32xf32>
      %exp3A = math.exp %sub3A_1610 : vector<16x32xf32>
      %reduce_sum3A_1611 = arith.constant dense<0.000000e+00> : vector<16xf32>
      %reduce_sum3A_1612 = vector.multi_reduction <add>, %exp3A, %reduce_sum3A_1611 [1] : vector<16x32xf32> to vector<16xf32>
      %broadcast_in_dim3A_1613 = vector.shape_cast %reduce_sum3A_1612 : vector<16xf32> to vector<16x1xf32>
      %div3A_1614 = vector.broadcast %broadcast_in_dim3A_1613 : vector<16x1xf32> to vector<16x32xf32>
      %div3A_1615 = arith.divf %exp3A, %div3A_1614 : vector<16x32xf32>
      %reduce_max3A_1616 = arith.constant dense<0xFF800000> : vector<16xf32>
      %reduce_max3A_1617 = vector.multi_reduction <maximumf>, %select_n3A_1603, %reduce_max3A_1616 [1] : vector<16x128xf32> to vector<16xf32>
      %max3A_1618 = arith.constant 0xFF800000 : f32
      %max3A_1619 = vector.broadcast %max3A_1618 : f32 to vector<16xf32>
      %max3A_1620 = arith.maximumf %max3A_1619, %reduce_max3A_1617 : vector<16xf32>
      %broadcast_in_dim3A_1621 = vector.shape_cast %max3A_1620 : vector<16xf32> to vector<16x1xf32>
      %sub3A_1622 = vector.broadcast %broadcast_in_dim3A_1621 : vector<16x1xf32> to vector<16x128xf32>
      %sub3A_1623 = arith.subf %select_n3A_1603, %sub3A_1622 : vector<16x128xf32>
      %exp3A_1624 = math.exp %sub3A_1623 : vector<16x128xf32>
      %reduce_sum3A_1625 = arith.constant dense<0.000000e+00> : vector<16xf32>
      %reduce_sum3A_1626 = vector.multi_reduction <add>, %exp3A_1624, %reduce_sum3A_1625 [1] : vector<16x128xf32> to vector<16xf32>
      %broadcast_in_dim3A_1627 = vector.shape_cast %reduce_sum3A_1626 : vector<16xf32> to vector<16x1xf32>
      %div3A_1628 = vector.broadcast %broadcast_in_dim3A_1627 : vector<16x1xf32> to vector<16x128xf32>
      %div3A_1629 = arith.divf %exp3A_1624, %div3A_1628 : vector<16x128xf32>
      %broadcast_in_dim3A_1630 = arith.constant 0.000000e+00 : f32
      %broadcast_in_dim3A_1631 = vector.broadcast %broadcast_in_dim3A_1630 : f32 to vector<16x64xf32>
      %broadcast_in_dim3A_1632 = arith.constant 0.000000e+00 : f32
      %broadcast_in_dim3A_1633 = vector.broadcast %broadcast_in_dim3A_1632 : f32 to vector<16x64xf32>
      %get3A_1634 = arith.constant 0 : index
      %get3A_1635 = arith.constant 0 : index
      %get3A_1636 = arith.constant 0 : index
      %get3A_1637 = vector.load %arg20[%get3A_1634, %get3A_1635, %get3A_1636] : memref<50x16x64xf32, #tpu.memory_space<vmem>>, vector<1x16x64xf32>
      %get3A_1638 = vector.shape_cast %get3A_1637 : vector<1x16x64xf32> to vector<16x64xf32>
      %eq3A_1639 = arith.constant 0.000000e+00 : f32
      %eq3A_1640 = vector.broadcast %eq3A_1639 : f32 to vector<16x32xf32>
      %eq3A_1641 = arith.cmpf oeq, %get3A_1585, %eq3A_1640 : vector<16x32xf32>
      %jit3A_1642 = arith.constant 0.000000e+00 : f32
      %broadcast_in_dim3A_1643 = vector.broadcast %jit3A_1642 : f32 to vector<16x32xf32>
      %select_n3A_1644 = arith.select %eq3A_1641, %div3A_1615, %broadcast_in_dim3A_1643 : vector<16x32xi1>, vector<16x32xf32>
      %reduce_sum3A_1645 = arith.constant dense<0.000000e+00> : vector<16xf32>
      %reduce_sum3A_1646 = vector.multi_reduction <add>, %select_n3A_1644, %reduce_sum3A_1645 [1] : vector<16x32xf32> to vector<16xf32>
      %broadcast_in_dim3A_1647 = vector.shape_cast %reduce_sum3A_1646 : vector<16xf32> to vector<16x1xf32>
      %eq3A_1648 = arith.constant 0.000000e+00 : f32
      %eq3A_1649 = vector.broadcast %eq3A_1648 : f32 to vector<16x128xf32>
      %eq3A_1650 = arith.cmpf oeq, %get3A_1588, %eq3A_1649 : vector<16x128xf32>
      %jit3A_1651 = arith.constant 0.000000e+00 : f32
      %broadcast_in_dim3A_1652 = vector.broadcast %jit3A_1651 : f32 to vector<16x128xf32>
      %select_n3A_1653 = arith.select %eq3A_1650, %div3A_1629, %broadcast_in_dim3A_1652 : vector<16x128xi1>, vector<16x128xf32>
      %reduce_sum3A_1654 = arith.constant dense<0.000000e+00> : vector<16xf32>
      %reduce_sum3A_1655 = vector.multi_reduction <add>, %select_n3A_1653, %reduce_sum3A_1654 [1] : vector<16x128xf32> to vector<16xf32>
      %broadcast_in_dim3A_1656 = vector.shape_cast %reduce_sum3A_1655 : vector<16xf32> to vector<16x1xf32>
      %mul3A_1657 = vector.broadcast %broadcast_in_dim3A_1647 : vector<16x1xf32> to vector<16x64xf32>
      %mul3A_1658 = arith.mulf %mul3A_1657, %get3A_1638 : vector<16x64xf32>
      %add3A_1659 = arith.addf %broadcast_in_dim3A_1631, %mul3A_1658 : vector<16x64xf32>
      %mul3A_1660 = vector.broadcast %broadcast_in_dim3A_1656 : vector<16x1xf32> to vector<16x64xf32>
      %mul3A_1661 = arith.mulf %mul3A_1660, %get3A_1638 : vector<16x64xf32>
      %add3A_1662 = arith.addf %broadcast_in_dim3A_1633, %mul3A_1661 : vector<16x64xf32>
      %get3A_1663 = arith.constant 1 : index
      %get3A_1664 = arith.constant 0 : index
      %get3A_1665 = arith.constant 0 : index
      %get3A_1666 = vector.load %arg20[%get3A_1663, %get3A_1664, %get3A_1665] : memref<50x16x64xf32, #tpu.memory_space<vmem>>, vector<1x16x64xf32>
      %get3A_1667 = vector.shape_cast %get3A_1666 : vector<1x16x64xf32> to vector<16x64xf32>
      %eq3A_1668 = arith.constant 1.000000e+00 : f32
      %eq3A_1669 = vector.broadcast %eq3A_1668 : f32 to vector<16x32xf32>
      %eq3A_1670 = arith.cmpf oeq, %get3A_1585, %eq3A_1669 : vector<16x32xf32>
      %jit3A_1671 = arith.constant 0.000000e+00 : f32
      %broadcast_in_dim3A_1672 = vector.broadcast %jit3A_1671 : f32 to vector<16x32xf32>
      %select_n3A_1673 = arith.select %eq3A_1670, %div3A_1615, %broadcast_in_dim3A_1672 : vector<16x32xi1>, vector<16x32xf32>
      %reduce_sum3A_1674 = arith.constant dense<0.000000e+00> : vector<16xf32>
      %reduce_sum3A_1675 = vector.multi_reduction <add>, %select_n3A_1673, %reduce_sum3A_1674 [1] : vector<16x32xf32> to vector<16xf32>
      %broadcast_in_dim3A_1676 = vector.shape_cast %reduce_sum3A_1675 : vector<16xf32> to vector<16x1xf32>
      %eq3A_1677 = arith.constant 1.000000e+00 : f32
      %eq3A_1678 = vector.broadcast %eq3A_1677 : f32 to vector<16x128xf32>
      %eq3A_1679 = arith.cmpf oeq, %get3A_1588, %eq3A_1678 : vector<16x128xf32>
      %jit3A_1680 = arith.constant 0.000000e+00 : f32
      %broadcast_in_dim3A_1681 = vector.broadcast %jit3A_1680 : f32 to vector<16x128xf32>
      %select_n3A_1682 = arith.select %eq3A_1679, %div3A_1629, %broadcast_in_dim3A_1681 : vector<16x128xi1>, vector<16x128xf32>
      %reduce_sum3A_1683 = arith.constant dense<0.000000e+00> : vector<16xf32>
      %reduce_sum3A_1684 = vector.multi_reduction <add>, %select_n3A_1682, %reduce_sum3A_1683 [1] : vector<16x128xf32> to vector<16xf32>
      %broadcast_in_dim3A_1685 = vector.shape_cast %reduce_sum3A_1684 : vector<16xf32> to vector<16x1xf32>
      %mul3A_1686 = vector.broadcast %broadcast_in_dim3A_1676 : vector<16x1xf32> to vector<16x64xf32>
      %mul3A_1687 = arith.mulf %mul3A_1686, %get3A_1667 : vector<16x64xf32>
      %add3A_1688 = arith.addf %add3A_1659, %mul3A_1687 : vector<16x64xf32>
      %mul3A_1689 = vector.broadcast %broadcast_in_dim3A_1685 : vector<16x1xf32> to vector<16x64xf32>
      %mul3A_1690 = arith.mulf %mul3A_1689, %get3A_1667 : vector<16x64xf32>
      %add3A_1691 = arith.addf %add3A_1662, %mul3A_1690 : vector<16x64xf32>
      %get3A_1692 = arith.constant 2 : index
      %get3A_1693 = arith.constant 0 : index
      %get3A_1694 = arith.constant 0 : index
      %get3A_1695 = vector.load %arg20[%get3A_1692, %get3A_1693, %get3A_1694] : memref<50x16x64xf32, #tpu.memory_space<vmem>>, vector<1x16x64xf32>
      %get3A_1696 = vector.shape_cast %get3A_1695 : vector<1x16x64xf32> to vector<16x64xf32>
      %eq3A_1697 = arith.constant 2.000000e+00 : f32
      %eq3A_1698 = vector.broadcast %eq3A_1697 : f32 to vector<16x32xf32>
      %eq3A_1699 = arith.cmpf oeq, %get3A_1585, %eq3A_1698 : vector<16x32xf32>
      %jit3A_1700 = arith.constant 0.000000e+00 : f32
      %broadcast_in_dim3A_1701 = vector.broadcast %jit3A_1700 : f32 to vector<16x32xf32>
      %select_n3A_1702 = arith.select %eq3A_1699, %div3A_1615, %broadcast_in_dim3A_1701 : vector<16x32xi1>, vector<16x32xf32>
      %reduce_sum3A_1703 = arith.constant dense<0.000000e+00> : vector<16xf32>
      %reduce_sum3A_1704 = vector.multi_reduction <add>, %select_n3A_1702, %reduce_sum3A_1703 [1] : vector<16x32xf32> to vector<16xf32>
      %broadcast_in_dim3A_1705 = vector.shape_cast %reduce_sum3A_1704 : vector<16xf32> to vector<16x1xf32>
      %eq3A_1706 = arith.constant 2.000000e+00 : f32
      %eq3A_1707 = vector.broadcast %eq3A_1706 : f32 to vector<16x128xf32>
      %eq3A_1708 = arith.cmpf oeq, %get3A_1588, %eq3A_1707 : vector<16x128xf32>
      %jit3A_1709 = arith.constant 0.000000e+00 : f32
      %broadcast_in_dim3A_1710 = vector.broadcast %jit3A_1709 : f32 to vector<16x128xf32>
      %select_n3A_1711 = arith.select %eq3A_1708, %div3A_1629, %broadcast_in_dim3A_1710 : vector<16x128xi1>, vector<16x128xf32>
      %reduce_sum3A_1712 = arith.constant dense<0.000000e+00> : vector<16xf32>
      %reduce_sum3A_1713 = vector.multi_reduction <add>, %select_n3A_1711, %reduce_sum3A_1712 [1] : vector<16x128xf32> to vector<16xf32>
      %broadcast_in_dim3A_1714 = vector.shape_cast %reduce_sum3A_1713 : vector<16xf32> to vector<16x1xf32>
      %mul3A_1715 = vector.broadcast %broadcast_in_dim3A_1705 : vector<16x1xf32> to vector<16x64xf32>
      %mul3A_1716 = arith.mulf %mul3A_1715, %get3A_1696 : vector<16x64xf32>
      %add3A_1717 = arith.addf %add3A_1688, %mul3A_1716 : vector<16x64xf32>
      %mul3A_1718 = vector.broadcast %broadcast_in_dim3A_1714 : vector<16x1xf32> to vector<16x64xf32>
      %mul3A_1719 = arith.mulf %mul3A_1718, %get3A_1696 : vector<16x64xf32>
      %add3A_1720 = arith.addf %add3A_1691, %mul3A_1719 : vector<16x64xf32>
      %get3A_1721 = arith.constant 3 : index
      %get3A_1722 = arith.constant 0 : index
      %get3A_1723 = arith.constant 0 : index
      %get3A_1724 = vector.load %arg20[%get3A_1721, %get3A_1722, %get3A_1723] : memref<50x16x64xf32, #tpu.memory_space<vmem>>, vector<1x16x64xf32>
      %get3A_1725 = vector.shape_cast %get3A_1724 : vector<1x16x64xf32> to vector<16x64xf32>
      %eq3A_1726 = arith.constant 3.000000e+00 : f32
      %eq3A_1727 = vector.broadcast %eq3A_1726 : f32 to vector<16x32xf32>
      %eq3A_1728 = arith.cmpf oeq, %get3A_1585, %eq3A_1727 : vector<16x32xf32>
      %jit3A_1729 = arith.constant 0.000000e+00 : f32
      %broadcast_in_dim3A_1730 = vector.broadcast %jit3A_1729 : f32 to vector<16x32xf32>
      %select_n3A_1731 = arith.select %eq3A_1728, %div3A_1615, %broadcast_in_dim3A_1730 : vector<16x32xi1>, vector<16x32xf32>
      %reduce_sum3A_1732 = arith.constant dense<0.000000e+00> : vector<16xf32>
      %reduce_sum3A_1733 = vector.multi_reduction <add>, %select_n3A_1731, %reduce_sum3A_1732 [1] : vector<16x32xf32> to vector<16xf32>
      %broadcast_in_dim3A_1734 = vector.shape_cast %reduce_sum3A_1733 : vector<16xf32> to vector<16x1xf32>
      %eq3A_1735 = arith.constant 3.000000e+00 : f32
      %eq3A_1736 = vector.broadcast %eq3A_1735 : f32 to vector<16x128xf32>
      %eq3A_1737 = arith.cmpf oeq, %get3A_1588, %eq3A_1736 : vector<16x128xf32>
      %jit3A_1738 = arith.constant 0.000000e+00 : f32
      %broadcast_in_dim3A_1739 = vector.broadcast %jit3A_1738 : f32 to vector<16x128xf32>
      %select_n3A_1740 = arith.select %eq3A_1737, %div3A_1629, %broadcast_in_dim3A_1739 : vector<16x128xi1>, vector<16x128xf32>
      %reduce_sum3A_1741 = arith.constant dense<0.000000e+00> : vector<16xf32>
      %reduce_sum3A_1742 = vector.multi_reduction <add>, %select_n3A_1740, %reduce_sum3A_1741 [1] : vector<16x128xf32> to vector<16xf32>
      %broadcast_in_dim3A_1743 = vector.shape_cast %reduce_sum3A_1742 : vector<16xf32> to vector<16x1xf32>
      %mul3A_1744 = vector.broadcast %broadcast_in_dim3A_1734 : vector<16x1xf32> to vector<16x64xf32>
      %mul3A_1745 = arith.mulf %mul3A_1744, %get3A_1725 : vector<16x64xf32>
      %add3A_1746 = arith.addf %add3A_1717, %mul3A_1745 : vector<16x64xf32>
      %mul3A_1747 = vector.broadcast %broadcast_in_dim3A_1743 : vector<16x1xf32> to vector<16x64xf32>
      %mul3A_1748 = arith.mulf %mul3A_1747, %get3A_1725 : vector<16x64xf32>
      %add3A_1749 = arith.addf %add3A_1720, %mul3A_1748 : vector<16x64xf32>
      %get3A_1750 = arith.constant 4 : index
      %get3A_1751 = arith.constant 0 : index
      %get3A_1752 = arith.constant 0 : index
      %get3A_1753 = vector.load %arg20[%get3A_1750, %get3A_1751, %get3A_1752] : memref<50x16x64xf32, #tpu.memory_space<vmem>>, vector<1x16x64xf32>
      %get3A_1754 = vector.shape_cast %get3A_1753 : vector<1x16x64xf32> to vector<16x64xf32>
      %eq3A_1755 = arith.constant 4.000000e+00 : f32
      %eq3A_1756 = vector.broadcast %eq3A_1755 : f32 to vector<16x32xf32>
      %eq3A_1757 = arith.cmpf oeq, %get3A_1585, %eq3A_1756 : vector<16x32xf32>
      %jit3A_1758 = arith.constant 0.000000e+00 : f32
      %broadcast_in_dim3A_1759 = vector.broadcast %jit3A_1758 : f32 to vector<16x32xf32>
      %select_n3A_1760 = arith.select %eq3A_1757, %div3A_1615, %broadcast_in_dim3A_1759 : vector<16x32xi1>, vector<16x32xf32>
      %reduce_sum3A_1761 = arith.constant dense<0.000000e+00> : vector<16xf32>
      %reduce_sum3A_1762 = vector.multi_reduction <add>, %select_n3A_1760, %reduce_sum3A_1761 [1] : vector<16x32xf32> to vector<16xf32>
      %broadcast_in_dim3A_1763 = vector.shape_cast %reduce_sum3A_1762 : vector<16xf32> to vector<16x1xf32>
      %eq3A_1764 = arith.constant 4.000000e+00 : f32
      %eq3A_1765 = vector.broadcast %eq3A_1764 : f32 to vector<16x128xf32>
      %eq3A_1766 = arith.cmpf oeq, %get3A_1588, %eq3A_1765 : vector<16x128xf32>
      %jit3A_1767 = arith.constant 0.000000e+00 : f32
      %broadcast_in_dim3A_1768 = vector.broadcast %jit3A_1767 : f32 to vector<16x128xf32>
      %select_n3A_1769 = arith.select %eq3A_1766, %div3A_1629, %broadcast_in_dim3A_1768 : vector<16x128xi1>, vector<16x128xf32>
      %reduce_sum3A_1770 = arith.constant dense<0.000000e+00> : vector<16xf32>
      %reduce_sum3A_1771 = vector.multi_reduction <add>, %select_n3A_1769, %reduce_sum3A_1770 [1] : vector<16x128xf32> to vector<16xf32>
      %broadcast_in_dim3A_1772 = vector.shape_cast %reduce_sum3A_1771 : vector<16xf32> to vector<16x1xf32>
      %mul3A_1773 = vector.broadcast %broadcast_in_dim3A_1763 : vector<16x1xf32> to vector<16x64xf32>
      %mul3A_1774 = arith.mulf %mul3A_1773, %get3A_1754 : vector<16x64xf32>
      %add3A_1775 = arith.addf %add3A_1746, %mul3A_1774 : vector<16x64xf32>
      %mul3A_1776 = vector.broadcast %broadcast_in_dim3A_1772 : vector<16x1xf32> to vector<16x64xf32>
      %mul3A_1777 = arith.mulf %mul3A_1776, %get3A_1754 : vector<16x64xf32>
      %add3A_1778 = arith.addf %add3A_1749, %mul3A_1777 : vector<16x64xf32>
      %get3A_1779 = arith.constant 5 : index
      %get3A_1780 = arith.constant 0 : index
      %get3A_1781 = arith.constant 0 : index
      %get3A_1782 = vector.load %arg20[%get3A_1779, %get3A_1780, %get3A_1781] : memref<50x16x64xf32, #tpu.memory_space<vmem>>, vector<1x16x64xf32>
      %get3A_1783 = vector.shape_cast %get3A_1782 : vector<1x16x64xf32> to vector<16x64xf32>
      %eq3A_1784 = arith.constant 5.000000e+00 : f32
      %eq3A_1785 = vector.broadcast %eq3A_1784 : f32 to vector<16x32xf32>
      %eq3A_1786 = arith.cmpf oeq, %get3A_1585, %eq3A_1785 : vector<16x32xf32>
      %jit3A_1787 = arith.constant 0.000000e+00 : f32
      %broadcast_in_dim3A_1788 = vector.broadcast %jit3A_1787 : f32 to vector<16x32xf32>
      %select_n3A_1789 = arith.select %eq3A_1786, %div3A_1615, %broadcast_in_dim3A_1788 : vector<16x32xi1>, vector<16x32xf32>
      %reduce_sum3A_1790 = arith.constant dense<0.000000e+00> : vector<16xf32>
      %reduce_sum3A_1791 = vector.multi_reduction <add>, %select_n3A_1789, %reduce_sum3A_1790 [1] : vector<16x32xf32> to vector<16xf32>
      %broadcast_in_dim3A_1792 = vector.shape_cast %reduce_sum3A_1791 : vector<16xf32> to vector<16x1xf32>
      %eq3A_1793 = arith.constant 5.000000e+00 : f32
      %eq3A_1794 = vector.broadcast %eq3A_1793 : f32 to vector<16x128xf32>
      %eq3A_1795 = arith.cmpf oeq, %get3A_1588, %eq3A_1794 : vector<16x128xf32>
      %jit3A_1796 = arith.constant 0.000000e+00 : f32
      %broadcast_in_dim3A_1797 = vector.broadcast %jit3A_1796 : f32 to vector<16x128xf32>
      %select_n3A_1798 = arith.select %eq3A_1795, %div3A_1629, %broadcast_in_dim3A_1797 : vector<16x128xi1>, vector<16x128xf32>
      %reduce_sum3A_1799 = arith.constant dense<0.000000e+00> : vector<16xf32>
      %reduce_sum3A_1800 = vector.multi_reduction <add>, %select_n3A_1798, %reduce_sum3A_1799 [1] : vector<16x128xf32> to vector<16xf32>
      %broadcast_in_dim3A_1801 = vector.shape_cast %reduce_sum3A_1800 : vector<16xf32> to vector<16x1xf32>
      %mul3A_1802 = vector.broadcast %broadcast_in_dim3A_1792 : vector<16x1xf32> to vector<16x64xf32>
      %mul3A_1803 = arith.mulf %mul3A_1802, %get3A_1783 : vector<16x64xf32>
      %add3A_1804 = arith.addf %add3A_1775, %mul3A_1803 : vector<16x64xf32>
      %mul3A_1805 = vector.broadcast %broadcast_in_dim3A_1801 : vector<16x1xf32> to vector<16x64xf32>
      %mul3A_1806 = arith.mulf %mul3A_1805, %get3A_1783 : vector<16x64xf32>
      %add3A_1807 = arith.addf %add3A_1778, %mul3A_1806 : vector<16x64xf32>
      %get3A_1808 = arith.constant 6 : index
      %get3A_1809 = arith.constant 0 : index
      %get3A_1810 = arith.constant 0 : index
      %get3A_1811 = vector.load %arg20[%get3A_1808, %get3A_1809, %get3A_1810] : memref<50x16x64xf32, #tpu.memory_space<vmem>>, vector<1x16x64xf32>
      %get3A_1812 = vector.shape_cast %get3A_1811 : vector<1x16x64xf32> to vector<16x64xf32>
      %eq3A_1813 = arith.constant 6.000000e+00 : f32
      %eq3A_1814 = vector.broadcast %eq3A_1813 : f32 to vector<16x32xf32>
      %eq3A_1815 = arith.cmpf oeq, %get3A_1585, %eq3A_1814 : vector<16x32xf32>
      %jit3A_1816 = arith.constant 0.000000e+00 : f32
      %broadcast_in_dim3A_1817 = vector.broadcast %jit3A_1816 : f32 to vector<16x32xf32>
      %select_n3A_1818 = arith.select %eq3A_1815, %div3A_1615, %broadcast_in_dim3A_1817 : vector<16x32xi1>, vector<16x32xf32>
      %reduce_sum3A_1819 = arith.constant dense<0.000000e+00> : vector<16xf32>
      %reduce_sum3A_1820 = vector.multi_reduction <add>, %select_n3A_1818, %reduce_sum3A_1819 [1] : vector<16x32xf32> to vector<16xf32>
      %broadcast_in_dim3A_1821 = vector.shape_cast %reduce_sum3A_1820 : vector<16xf32> to vector<16x1xf32>
      %eq3A_1822 = arith.constant 6.000000e+00 : f32
      %eq3A_1823 = vector.broadcast %eq3A_1822 : f32 to vector<16x128xf32>
      %eq3A_1824 = arith.cmpf oeq, %get3A_1588, %eq3A_1823 : vector<16x128xf32>
      %jit3A_1825 = arith.constant 0.000000e+00 : f32
      %broadcast_in_dim3A_1826 = vector.broadcast %jit3A_1825 : f32 to vector<16x128xf32>
      %select_n3A_1827 = arith.select %eq3A_1824, %div3A_1629, %broadcast_in_dim3A_1826 : vector<16x128xi1>, vector<16x128xf32>
      %reduce_sum3A_1828 = arith.constant dense<0.000000e+00> : vector<16xf32>
      %reduce_sum3A_1829 = vector.multi_reduction <add>, %select_n3A_1827, %reduce_sum3A_1828 [1] : vector<16x128xf32> to vector<16xf32>
      %broadcast_in_dim3A_1830 = vector.shape_cast %reduce_sum3A_1829 : vector<16xf32> to vector<16x1xf32>
      %mul3A_1831 = vector.broadcast %broadcast_in_dim3A_1821 : vector<16x1xf32> to vector<16x64xf32>
      %mul3A_1832 = arith.mulf %mul3A_1831, %get3A_1812 : vector<16x64xf32>
      %add3A_1833 = arith.addf %add3A_1804, %mul3A_1832 : vector<16x64xf32>
      %mul3A_1834 = vector.broadcast %broadcast_in_dim3A_1830 : vector<16x1xf32> to vector<16x64xf32>
      %mul3A_1835 = arith.mulf %mul3A_1834, %get3A_1812 : vector<16x64xf32>
      %add3A_1836 = arith.addf %add3A_1807, %mul3A_1835 : vector<16x64xf32>
      %get3A_1837 = arith.constant 7 : index
      %get3A_1838 = arith.constant 0 : index
      %get3A_1839 = arith.constant 0 : index
      %get3A_1840 = vector.load %arg20[%get3A_1837, %get3A_1838, %get3A_1839] : memref<50x16x64xf32, #tpu.memory_space<vmem>>, vector<1x16x64xf32>
      %get3A_1841 = vector.shape_cast %get3A_1840 : vector<1x16x64xf32> to vector<16x64xf32>
      %eq3A_1842 = arith.constant 7.000000e+00 : f32
      %eq3A_1843 = vector.broadcast %eq3A_1842 : f32 to vector<16x32xf32>
      %eq3A_1844 = arith.cmpf oeq, %get3A_1585, %eq3A_1843 : vector<16x32xf32>
      %jit3A_1845 = arith.constant 0.000000e+00 : f32
      %broadcast_in_dim3A_1846 = vector.broadcast %jit3A_1845 : f32 to vector<16x32xf32>
      %select_n3A_1847 = arith.select %eq3A_1844, %div3A_1615, %broadcast_in_dim3A_1846 : vector<16x32xi1>, vector<16x32xf32>
      %reduce_sum3A_1848 = arith.constant dense<0.000000e+00> : vector<16xf32>
      %reduce_sum3A_1849 = vector.multi_reduction <add>, %select_n3A_1847, %reduce_sum3A_1848 [1] : vector<16x32xf32> to vector<16xf32>
      %broadcast_in_dim3A_1850 = vector.shape_cast %reduce_sum3A_1849 : vector<16xf32> to vector<16x1xf32>
      %eq3A_1851 = arith.constant 7.000000e+00 : f32
      %eq3A_1852 = vector.broadcast %eq3A_1851 : f32 to vector<16x128xf32>
      %eq3A_1853 = arith.cmpf oeq, %get3A_1588, %eq3A_1852 : vector<16x128xf32>
      %jit3A_1854 = arith.constant 0.000000e+00 : f32
      %broadcast_in_dim3A_1855 = vector.broadcast %jit3A_1854 : f32 to vector<16x128xf32>
      %select_n3A_1856 = arith.select %eq3A_1853, %div3A_1629, %broadcast_in_dim3A_1855 : vector<16x128xi1>, vector<16x128xf32>
      %reduce_sum3A_1857 = arith.constant dense<0.000000e+00> : vector<16xf32>
      %reduce_sum3A_1858 = vector.multi_reduction <add>, %select_n3A_1856, %reduce_sum3A_1857 [1] : vector<16x128xf32> to vector<16xf32>
      %broadcast_in_dim3A_1859 = vector.shape_cast %reduce_sum3A_1858 : vector<16xf32> to vector<16x1xf32>
      %mul3A_1860 = vector.broadcast %broadcast_in_dim3A_1850 : vector<16x1xf32> to vector<16x64xf32>
      %mul3A_1861 = arith.mulf %mul3A_1860, %get3A_1841 : vector<16x64xf32>
      %add3A_1862 = arith.addf %add3A_1833, %mul3A_1861 : vector<16x64xf32>
      %mul3A_1863 = vector.broadcast %broadcast_in_dim3A_1859 : vector<16x1xf32> to vector<16x64xf32>
      %mul3A_1864 = arith.mulf %mul3A_1863, %get3A_1841 : vector<16x64xf32>
      %add3A_1865 = arith.addf %add3A_1836, %mul3A_1864 : vector<16x64xf32>
      %get3A_1866 = arith.constant 8 : index
      %get3A_1867 = arith.constant 0 : index
      %get3A_1868 = arith.constant 0 : index
      %get3A_1869 = vector.load %arg20[%get3A_1866, %get3A_1867, %get3A_1868] : memref<50x16x64xf32, #tpu.memory_space<vmem>>, vector<1x16x64xf32>
      %get3A_1870 = vector.shape_cast %get3A_1869 : vector<1x16x64xf32> to vector<16x64xf32>
      %eq3A_1871 = arith.constant 8.000000e+00 : f32
      %eq3A_1872 = vector.broadcast %eq3A_1871 : f32 to vector<16x32xf32>
      %eq3A_1873 = arith.cmpf oeq, %get3A_1585, %eq3A_1872 : vector<16x32xf32>
      %jit3A_1874 = arith.constant 0.000000e+00 : f32
      %broadcast_in_dim3A_1875 = vector.broadcast %jit3A_1874 : f32 to vector<16x32xf32>
      %select_n3A_1876 = arith.select %eq3A_1873, %div3A_1615, %broadcast_in_dim3A_1875 : vector<16x32xi1>, vector<16x32xf32>
      %reduce_sum3A_1877 = arith.constant dense<0.000000e+00> : vector<16xf32>
      %reduce_sum3A_1878 = vector.multi_reduction <add>, %select_n3A_1876, %reduce_sum3A_1877 [1] : vector<16x32xf32> to vector<16xf32>
      %broadcast_in_dim3A_1879 = vector.shape_cast %reduce_sum3A_1878 : vector<16xf32> to vector<16x1xf32>
      %eq3A_1880 = arith.constant 8.000000e+00 : f32
      %eq3A_1881 = vector.broadcast %eq3A_1880 : f32 to vector<16x128xf32>
      %eq3A_1882 = arith.cmpf oeq, %get3A_1588, %eq3A_1881 : vector<16x128xf32>
      %jit3A_1883 = arith.constant 0.000000e+00 : f32
      %broadcast_in_dim3A_1884 = vector.broadcast %jit3A_1883 : f32 to vector<16x128xf32>
      %select_n3A_1885 = arith.select %eq3A_1882, %div3A_1629, %broadcast_in_dim3A_1884 : vector<16x128xi1>, vector<16x128xf32>
      %reduce_sum3A_1886 = arith.constant dense<0.000000e+00> : vector<16xf32>
      %reduce_sum3A_1887 = vector.multi_reduction <add>, %select_n3A_1885, %reduce_sum3A_1886 [1] : vector<16x128xf32> to vector<16xf32>
      %broadcast_in_dim3A_1888 = vector.shape_cast %reduce_sum3A_1887 : vector<16xf32> to vector<16x1xf32>
      %mul3A_1889 = vector.broadcast %broadcast_in_dim3A_1879 : vector<16x1xf32> to vector<16x64xf32>
      %mul3A_1890 = arith.mulf %mul3A_1889, %get3A_1870 : vector<16x64xf32>
      %add3A_1891 = arith.addf %add3A_1862, %mul3A_1890 : vector<16x64xf32>
      %mul3A_1892 = vector.broadcast %broadcast_in_dim3A_1888 : vector<16x1xf32> to vector<16x64xf32>
      %mul3A_1893 = arith.mulf %mul3A_1892, %get3A_1870 : vector<16x64xf32>
      %add3A_1894 = arith.addf %add3A_1865, %mul3A_1893 : vector<16x64xf32>
      %get3A_1895 = arith.constant 9 : index
      %get3A_1896 = arith.constant 0 : index
      %get3A_1897 = arith.constant 0 : index
      %get3A_1898 = vector.load %arg20[%get3A_1895, %get3A_1896, %get3A_1897] : memref<50x16x64xf32, #tpu.memory_space<vmem>>, vector<1x16x64xf32>
      %get3A_1899 = vector.shape_cast %get3A_1898 : vector<1x16x64xf32> to vector<16x64xf32>
      %eq3A_1900 = arith.constant 9.000000e+00 : f32
      %eq3A_1901 = vector.broadcast %eq3A_1900 : f32 to vector<16x32xf32>
      %eq3A_1902 = arith.cmpf oeq, %get3A_1585, %eq3A_1901 : vector<16x32xf32>
      %jit3A_1903 = arith.constant 0.000000e+00 : f32
      %broadcast_in_dim3A_1904 = vector.broadcast %jit3A_1903 : f32 to vector<16x32xf32>
      %select_n3A_1905 = arith.select %eq3A_1902, %div3A_1615, %broadcast_in_dim3A_1904 : vector<16x32xi1>, vector<16x32xf32>
      %reduce_sum3A_1906 = arith.constant dense<0.000000e+00> : vector<16xf32>
      %reduce_sum3A_1907 = vector.multi_reduction <add>, %select_n3A_1905, %reduce_sum3A_1906 [1] : vector<16x32xf32> to vector<16xf32>
      %broadcast_in_dim3A_1908 = vector.shape_cast %reduce_sum3A_1907 : vector<16xf32> to vector<16x1xf32>
      %eq3A_1909 = arith.constant 9.000000e+00 : f32
      %eq3A_1910 = vector.broadcast %eq3A_1909 : f32 to vector<16x128xf32>
      %eq3A_1911 = arith.cmpf oeq, %get3A_1588, %eq3A_1910 : vector<16x128xf32>
      %jit3A_1912 = arith.constant 0.000000e+00 : f32
      %broadcast_in_dim3A_1913 = vector.broadcast %jit3A_1912 : f32 to vector<16x128xf32>
      %select_n3A_1914 = arith.select %eq3A_1911, %div3A_1629, %broadcast_in_dim3A_1913 : vector<16x128xi1>, vector<16x128xf32>
      %reduce_sum3A_1915 = arith.constant dense<0.000000e+00> : vector<16xf32>
      %reduce_sum3A_1916 = vector.multi_reduction <add>, %select_n3A_1914, %reduce_sum3A_1915 [1] : vector<16x128xf32> to vector<16xf32>
      %broadcast_in_dim3A_1917 = vector.shape_cast %reduce_sum3A_1916 : vector<16xf32> to vector<16x1xf32>
      %mul3A_1918 = vector.broadcast %broadcast_in_dim3A_1908 : vector<16x1xf32> to vector<16x64xf32>
      %mul3A_1919 = arith.mulf %mul3A_1918, %get3A_1899 : vector<16x64xf32>
      %add3A_1920 = arith.addf %add3A_1891, %mul3A_1919 : vector<16x64xf32>
      %mul3A_1921 = vector.broadcast %broadcast_in_dim3A_1917 : vector<16x1xf32> to vector<16x64xf32>
      %mul3A_1922 = arith.mulf %mul3A_1921, %get3A_1899 : vector<16x64xf32>
      %add3A_1923 = arith.addf %add3A_1894, %mul3A_1922 : vector<16x64xf32>
      %get3A_1924 = arith.constant 10 : index
      %get3A_1925 = arith.constant 0 : index
      %get3A_1926 = arith.constant 0 : index
      %get3A_1927 = vector.load %arg20[%get3A_1924, %get3A_1925, %get3A_1926] : memref<50x16x64xf32, #tpu.memory_space<vmem>>, vector<1x16x64xf32>
      %get3A_1928 = vector.shape_cast %get3A_1927 : vector<1x16x64xf32> to vector<16x64xf32>
      %eq3A_1929 = arith.constant 1.000000e+01 : f32
      %eq3A_1930 = vector.broadcast %eq3A_1929 : f32 to vector<16x32xf32>
      %eq3A_1931 = arith.cmpf oeq, %get3A_1585, %eq3A_1930 : vector<16x32xf32>
      %jit3A_1932 = arith.constant 0.000000e+00 : f32
      %broadcast_in_dim3A_1933 = vector.broadcast %jit3A_1932 : f32 to vector<16x32xf32>
      %select_n3A_1934 = arith.select %eq3A_1931, %div3A_1615, %broadcast_in_dim3A_1933 : vector<16x32xi1>, vector<16x32xf32>
      %reduce_sum3A_1935 = arith.constant dense<0.000000e+00> : vector<16xf32>
      %reduce_sum3A_1936 = vector.multi_reduction <add>, %select_n3A_1934, %reduce_sum3A_1935 [1] : vector<16x32xf32> to vector<16xf32>
      %broadcast_in_dim3A_1937 = vector.shape_cast %reduce_sum3A_1936 : vector<16xf32> to vector<16x1xf32>
      %eq3A_1938 = arith.constant 1.000000e+01 : f32
      %eq3A_1939 = vector.broadcast %eq3A_1938 : f32 to vector<16x128xf32>
      %eq3A_1940 = arith.cmpf oeq, %get3A_1588, %eq3A_1939 : vector<16x128xf32>
      %jit3A_1941 = arith.constant 0.000000e+00 : f32
      %broadcast_in_dim3A_1942 = vector.broadcast %jit3A_1941 : f32 to vector<16x128xf32>
      %select_n3A_1943 = arith.select %eq3A_1940, %div3A_1629, %broadcast_in_dim3A_1942 : vector<16x128xi1>, vector<16x128xf32>
      %reduce_sum3A_1944 = arith.constant dense<0.000000e+00> : vector<16xf32>
      %reduce_sum3A_1945 = vector.multi_reduction <add>, %select_n3A_1943, %reduce_sum3A_1944 [1] : vector<16x128xf32> to vector<16xf32>
      %broadcast_in_dim3A_1946 = vector.shape_cast %reduce_sum3A_1945 : vector<16xf32> to vector<16x1xf32>
      %mul3A_1947 = vector.broadcast %broadcast_in_dim3A_1937 : vector<16x1xf32> to vector<16x64xf32>
      %mul3A_1948 = arith.mulf %mul3A_1947, %get3A_1928 : vector<16x64xf32>
      %add3A_1949 = arith.addf %add3A_1920, %mul3A_1948 : vector<16x64xf32>
      %mul3A_1950 = vector.broadcast %broadcast_in_dim3A_1946 : vector<16x1xf32> to vector<16x64xf32>
      %mul3A_1951 = arith.mulf %mul3A_1950, %get3A_1928 : vector<16x64xf32>
      %add3A_1952 = arith.addf %add3A_1923, %mul3A_1951 : vector<16x64xf32>
      %get3A_1953 = arith.constant 11 : index
      %get3A_1954 = arith.constant 0 : index
      %get3A_1955 = arith.constant 0 : index
      %get3A_1956 = vector.load %arg20[%get3A_1953, %get3A_1954, %get3A_1955] : memref<50x16x64xf32, #tpu.memory_space<vmem>>, vector<1x16x64xf32>
      %get3A_1957 = vector.shape_cast %get3A_1956 : vector<1x16x64xf32> to vector<16x64xf32>
      %eq3A_1958 = arith.constant 1.100000e+01 : f32
      %eq3A_1959 = vector.broadcast %eq3A_1958 : f32 to vector<16x32xf32>
      %eq3A_1960 = arith.cmpf oeq, %get3A_1585, %eq3A_1959 : vector<16x32xf32>
      %jit3A_1961 = arith.constant 0.000000e+00 : f32
      %broadcast_in_dim3A_1962 = vector.broadcast %jit3A_1961 : f32 to vector<16x32xf32>
      %select_n3A_1963 = arith.select %eq3A_1960, %div3A_1615, %broadcast_in_dim3A_1962 : vector<16x32xi1>, vector<16x32xf32>
      %reduce_sum3A_1964 = arith.constant dense<0.000000e+00> : vector<16xf32>
      %reduce_sum3A_1965 = vector.multi_reduction <add>, %select_n3A_1963, %reduce_sum3A_1964 [1] : vector<16x32xf32> to vector<16xf32>
      %broadcast_in_dim3A_1966 = vector.shape_cast %reduce_sum3A_1965 : vector<16xf32> to vector<16x1xf32>
      %eq3A_1967 = arith.constant 1.100000e+01 : f32
      %eq3A_1968 = vector.broadcast %eq3A_1967 : f32 to vector<16x128xf32>
      %eq3A_1969 = arith.cmpf oeq, %get3A_1588, %eq3A_1968 : vector<16x128xf32>
      %jit3A_1970 = arith.constant 0.000000e+00 : f32
      %broadcast_in_dim3A_1971 = vector.broadcast %jit3A_1970 : f32 to vector<16x128xf32>
      %select_n3A_1972 = arith.select %eq3A_1969, %div3A_1629, %broadcast_in_dim3A_1971 : vector<16x128xi1>, vector<16x128xf32>
      %reduce_sum3A_1973 = arith.constant dense<0.000000e+00> : vector<16xf32>
      %reduce_sum3A_1974 = vector.multi_reduction <add>, %select_n3A_1972, %reduce_sum3A_1973 [1] : vector<16x128xf32> to vector<16xf32>
      %broadcast_in_dim3A_1975 = vector.shape_cast %reduce_sum3A_1974 : vector<16xf32> to vector<16x1xf32>
      %mul3A_1976 = vector.broadcast %broadcast_in_dim3A_1966 : vector<16x1xf32> to vector<16x64xf32>
      %mul3A_1977 = arith.mulf %mul3A_1976, %get3A_1957 : vector<16x64xf32>
      %add3A_1978 = arith.addf %add3A_1949, %mul3A_1977 : vector<16x64xf32>
      %mul3A_1979 = vector.broadcast %broadcast_in_dim3A_1975 : vector<16x1xf32> to vector<16x64xf32>
      %mul3A_1980 = arith.mulf %mul3A_1979, %get3A_1957 : vector<16x64xf32>
      %add3A_1981 = arith.addf %add3A_1952, %mul3A_1980 : vector<16x64xf32>
      %get3A_1982 = arith.constant 12 : index
      %get3A_1983 = arith.constant 0 : index
      %get3A_1984 = arith.constant 0 : index
      %get3A_1985 = vector.load %arg20[%get3A_1982, %get3A_1983, %get3A_1984] : memref<50x16x64xf32, #tpu.memory_space<vmem>>, vector<1x16x64xf32>
      %get3A_1986 = vector.shape_cast %get3A_1985 : vector<1x16x64xf32> to vector<16x64xf32>
      %eq3A_1987 = arith.constant 1.200000e+01 : f32
      %eq3A_1988 = vector.broadcast %eq3A_1987 : f32 to vector<16x32xf32>
      %eq3A_1989 = arith.cmpf oeq, %get3A_1585, %eq3A_1988 : vector<16x32xf32>
      %jit3A_1990 = arith.constant 0.000000e+00 : f32
      %broadcast_in_dim3A_1991 = vector.broadcast %jit3A_1990 : f32 to vector<16x32xf32>
      %select_n3A_1992 = arith.select %eq3A_1989, %div3A_1615, %broadcast_in_dim3A_1991 : vector<16x32xi1>, vector<16x32xf32>
      %reduce_sum3A_1993 = arith.constant dense<0.000000e+00> : vector<16xf32>
      %reduce_sum3A_1994 = vector.multi_reduction <add>, %select_n3A_1992, %reduce_sum3A_1993 [1] : vector<16x32xf32> to vector<16xf32>
      %broadcast_in_dim3A_1995 = vector.shape_cast %reduce_sum3A_1994 : vector<16xf32> to vector<16x1xf32>
      %eq3A_1996 = arith.constant 1.200000e+01 : f32
      %eq3A_1997 = vector.broadcast %eq3A_1996 : f32 to vector<16x128xf32>
      %eq3A_1998 = arith.cmpf oeq, %get3A_1588, %eq3A_1997 : vector<16x128xf32>
      %jit3A_1999 = arith.constant 0.000000e+00 : f32
      %broadcast_in_dim3A_2000 = vector.broadcast %jit3A_1999 : f32 to vector<16x128xf32>
      %select_n3A_2001 = arith.select %eq3A_1998, %div3A_1629, %broadcast_in_dim3A_2000 : vector<16x128xi1>, vector<16x128xf32>
      %reduce_sum3A_2002 = arith.constant dense<0.000000e+00> : vector<16xf32>
      %reduce_sum3A_2003 = vector.multi_reduction <add>, %select_n3A_2001, %reduce_sum3A_2002 [1] : vector<16x128xf32> to vector<16xf32>
      %broadcast_in_dim3A_2004 = vector.shape_cast %reduce_sum3A_2003 : vector<16xf32> to vector<16x1xf32>
      %mul3A_2005 = vector.broadcast %broadcast_in_dim3A_1995 : vector<16x1xf32> to vector<16x64xf32>
      %mul3A_2006 = arith.mulf %mul3A_2005, %get3A_1986 : vector<16x64xf32>
      %add3A_2007 = arith.addf %add3A_1978, %mul3A_2006 : vector<16x64xf32>
      %mul3A_2008 = vector.broadcast %broadcast_in_dim3A_2004 : vector<16x1xf32> to vector<16x64xf32>
      %mul3A_2009 = arith.mulf %mul3A_2008, %get3A_1986 : vector<16x64xf32>
      %add3A_2010 = arith.addf %add3A_1981, %mul3A_2009 : vector<16x64xf32>
      %get3A_2011 = arith.constant 13 : index
      %get3A_2012 = arith.constant 0 : index
      %get3A_2013 = arith.constant 0 : index
      %get3A_2014 = vector.load %arg20[%get3A_2011, %get3A_2012, %get3A_2013] : memref<50x16x64xf32, #tpu.memory_space<vmem>>, vector<1x16x64xf32>
      %get3A_2015 = vector.shape_cast %get3A_2014 : vector<1x16x64xf32> to vector<16x64xf32>
      %eq3A_2016 = arith.constant 1.300000e+01 : f32
      %eq3A_2017 = vector.broadcast %eq3A_2016 : f32 to vector<16x32xf32>
      %eq3A_2018 = arith.cmpf oeq, %get3A_1585, %eq3A_2017 : vector<16x32xf32>
      %jit3A_2019 = arith.constant 0.000000e+00 : f32
      %broadcast_in_dim3A_2020 = vector.broadcast %jit3A_2019 : f32 to vector<16x32xf32>
      %select_n3A_2021 = arith.select %eq3A_2018, %div3A_1615, %broadcast_in_dim3A_2020 : vector<16x32xi1>, vector<16x32xf32>
      %reduce_sum3A_2022 = arith.constant dense<0.000000e+00> : vector<16xf32>
      %reduce_sum3A_2023 = vector.multi_reduction <add>, %select_n3A_2021, %reduce_sum3A_2022 [1] : vector<16x32xf32> to vector<16xf32>
      %broadcast_in_dim3A_2024 = vector.shape_cast %reduce_sum3A_2023 : vector<16xf32> to vector<16x1xf32>
      %eq3A_2025 = arith.constant 1.300000e+01 : f32
      %eq3A_2026 = vector.broadcast %eq3A_2025 : f32 to vector<16x128xf32>
      %eq3A_2027 = arith.cmpf oeq, %get3A_1588, %eq3A_2026 : vector<16x128xf32>
      %jit3A_2028 = arith.constant 0.000000e+00 : f32
      %broadcast_in_dim3A_2029 = vector.broadcast %jit3A_2028 : f32 to vector<16x128xf32>
      %select_n3A_2030 = arith.select %eq3A_2027, %div3A_1629, %broadcast_in_dim3A_2029 : vector<16x128xi1>, vector<16x128xf32>
      %reduce_sum3A_2031 = arith.constant dense<0.000000e+00> : vector<16xf32>
      %reduce_sum3A_2032 = vector.multi_reduction <add>, %select_n3A_2030, %reduce_sum3A_2031 [1] : vector<16x128xf32> to vector<16xf32>
      %broadcast_in_dim3A_2033 = vector.shape_cast %reduce_sum3A_2032 : vector<16xf32> to vector<16x1xf32>
      %mul3A_2034 = vector.broadcast %broadcast_in_dim3A_2024 : vector<16x1xf32> to vector<16x64xf32>
      %mul3A_2035 = arith.mulf %mul3A_2034, %get3A_2015 : vector<16x64xf32>
      %add3A_2036 = arith.addf %add3A_2007, %mul3A_2035 : vector<16x64xf32>
      %mul3A_2037 = vector.broadcast %broadcast_in_dim3A_2033 : vector<16x1xf32> to vector<16x64xf32>
      %mul3A_2038 = arith.mulf %mul3A_2037, %get3A_2015 : vector<16x64xf32>
      %add3A_2039 = arith.addf %add3A_2010, %mul3A_2038 : vector<16x64xf32>
      %get3A_2040 = arith.constant 14 : index
      %get3A_2041 = arith.constant 0 : index
      %get3A_2042 = arith.constant 0 : index
      %get3A_2043 = vector.load %arg20[%get3A_2040, %get3A_2041, %get3A_2042] : memref<50x16x64xf32, #tpu.memory_space<vmem>>, vector<1x16x64xf32>
      %get3A_2044 = vector.shape_cast %get3A_2043 : vector<1x16x64xf32> to vector<16x64xf32>
      %eq3A_2045 = arith.constant 1.400000e+01 : f32
      %eq3A_2046 = vector.broadcast %eq3A_2045 : f32 to vector<16x32xf32>
      %eq3A_2047 = arith.cmpf oeq, %get3A_1585, %eq3A_2046 : vector<16x32xf32>
      %jit3A_2048 = arith.constant 0.000000e+00 : f32
      %broadcast_in_dim3A_2049 = vector.broadcast %jit3A_2048 : f32 to vector<16x32xf32>
      %select_n3A_2050 = arith.select %eq3A_2047, %div3A_1615, %broadcast_in_dim3A_2049 : vector<16x32xi1>, vector<16x32xf32>
      %reduce_sum3A_2051 = arith.constant dense<0.000000e+00> : vector<16xf32>
      %reduce_sum3A_2052 = vector.multi_reduction <add>, %select_n3A_2050, %reduce_sum3A_2051 [1] : vector<16x32xf32> to vector<16xf32>
      %broadcast_in_dim3A_2053 = vector.shape_cast %reduce_sum3A_2052 : vector<16xf32> to vector<16x1xf32>
      %eq3A_2054 = arith.constant 1.400000e+01 : f32
      %eq3A_2055 = vector.broadcast %eq3A_2054 : f32 to vector<16x128xf32>
      %eq3A_2056 = arith.cmpf oeq, %get3A_1588, %eq3A_2055 : vector<16x128xf32>
      %jit3A_2057 = arith.constant 0.000000e+00 : f32
      %broadcast_in_dim3A_2058 = vector.broadcast %jit3A_2057 : f32 to vector<16x128xf32>
      %select_n3A_2059 = arith.select %eq3A_2056, %div3A_1629, %broadcast_in_dim3A_2058 : vector<16x128xi1>, vector<16x128xf32>
      %reduce_sum3A_2060 = arith.constant dense<0.000000e+00> : vector<16xf32>
      %reduce_sum3A_2061 = vector.multi_reduction <add>, %select_n3A_2059, %reduce_sum3A_2060 [1] : vector<16x128xf32> to vector<16xf32>
      %broadcast_in_dim3A_2062 = vector.shape_cast %reduce_sum3A_2061 : vector<16xf32> to vector<16x1xf32>
      %mul3A_2063 = vector.broadcast %broadcast_in_dim3A_2053 : vector<16x1xf32> to vector<16x64xf32>
      %mul3A_2064 = arith.mulf %mul3A_2063, %get3A_2044 : vector<16x64xf32>
      %add3A_2065 = arith.addf %add3A_2036, %mul3A_2064 : vector<16x64xf32>
      %mul3A_2066 = vector.broadcast %broadcast_in_dim3A_2062 : vector<16x1xf32> to vector<16x64xf32>
      %mul3A_2067 = arith.mulf %mul3A_2066, %get3A_2044 : vector<16x64xf32>
      %add3A_2068 = arith.addf %add3A_2039, %mul3A_2067 : vector<16x64xf32>
      %get3A_2069 = arith.constant 15 : index
      %get3A_2070 = arith.constant 0 : index
      %get3A_2071 = arith.constant 0 : index
      %get3A_2072 = vector.load %arg20[%get3A_2069, %get3A_2070, %get3A_2071] : memref<50x16x64xf32, #tpu.memory_space<vmem>>, vector<1x16x64xf32>
      %get3A_2073 = vector.shape_cast %get3A_2072 : vector<1x16x64xf32> to vector<16x64xf32>
      %eq3A_2074 = arith.constant 1.500000e+01 : f32
      %eq3A_2075 = vector.broadcast %eq3A_2074 : f32 to vector<16x32xf32>
      %eq3A_2076 = arith.cmpf oeq, %get3A_1585, %eq3A_2075 : vector<16x32xf32>
      %jit3A_2077 = arith.constant 0.000000e+00 : f32
      %broadcast_in_dim3A_2078 = vector.broadcast %jit3A_2077 : f32 to vector<16x32xf32>
      %select_n3A_2079 = arith.select %eq3A_2076, %div3A_1615, %broadcast_in_dim3A_2078 : vector<16x32xi1>, vector<16x32xf32>
      %reduce_sum3A_2080 = arith.constant dense<0.000000e+00> : vector<16xf32>
      %reduce_sum3A_2081 = vector.multi_reduction <add>, %select_n3A_2079, %reduce_sum3A_2080 [1] : vector<16x32xf32> to vector<16xf32>
      %broadcast_in_dim3A_2082 = vector.shape_cast %reduce_sum3A_2081 : vector<16xf32> to vector<16x1xf32>
      %eq3A_2083 = arith.constant 1.500000e+01 : f32
      %eq3A_2084 = vector.broadcast %eq3A_2083 : f32 to vector<16x128xf32>
      %eq3A_2085 = arith.cmpf oeq, %get3A_1588, %eq3A_2084 : vector<16x128xf32>
      %jit3A_2086 = arith.constant 0.000000e+00 : f32
      %broadcast_in_dim3A_2087 = vector.broadcast %jit3A_2086 : f32 to vector<16x128xf32>
      %select_n3A_2088 = arith.select %eq3A_2085, %div3A_1629, %broadcast_in_dim3A_2087 : vector<16x128xi1>, vector<16x128xf32>
      %reduce_sum3A_2089 = arith.constant dense<0.000000e+00> : vector<16xf32>
      %reduce_sum3A_2090 = vector.multi_reduction <add>, %select_n3A_2088, %reduce_sum3A_2089 [1] : vector<16x128xf32> to vector<16xf32>
      %broadcast_in_dim3A_2091 = vector.shape_cast %reduce_sum3A_2090 : vector<16xf32> to vector<16x1xf32>
      %mul3A_2092 = vector.broadcast %broadcast_in_dim3A_2082 : vector<16x1xf32> to vector<16x64xf32>
      %mul3A_2093 = arith.mulf %mul3A_2092, %get3A_2073 : vector<16x64xf32>
      %add3A_2094 = arith.addf %add3A_2065, %mul3A_2093 : vector<16x64xf32>
      %mul3A_2095 = vector.broadcast %broadcast_in_dim3A_2091 : vector<16x1xf32> to vector<16x64xf32>
      %mul3A_2096 = arith.mulf %mul3A_2095, %get3A_2073 : vector<16x64xf32>
      %add3A_2097 = arith.addf %add3A_2068, %mul3A_2096 : vector<16x64xf32>
      %get3A_2098 = arith.constant 16 : index
      %get3A_2099 = arith.constant 0 : index
      %get3A_2100 = arith.constant 0 : index
      %get3A_2101 = vector.load %arg20[%get3A_2098, %get3A_2099, %get3A_2100] : memref<50x16x64xf32, #tpu.memory_space<vmem>>, vector<1x16x64xf32>
      %get3A_2102 = vector.shape_cast %get3A_2101 : vector<1x16x64xf32> to vector<16x64xf32>
      %eq3A_2103 = arith.constant 1.600000e+01 : f32
      %eq3A_2104 = vector.broadcast %eq3A_2103 : f32 to vector<16x32xf32>
      %eq3A_2105 = arith.cmpf oeq, %get3A_1585, %eq3A_2104 : vector<16x32xf32>
      %jit3A_2106 = arith.constant 0.000000e+00 : f32
      %broadcast_in_dim3A_2107 = vector.broadcast %jit3A_2106 : f32 to vector<16x32xf32>
      %select_n3A_2108 = arith.select %eq3A_2105, %div3A_1615, %broadcast_in_dim3A_2107 : vector<16x32xi1>, vector<16x32xf32>
      %reduce_sum3A_2109 = arith.constant dense<0.000000e+00> : vector<16xf32>
      %reduce_sum3A_2110 = vector.multi_reduction <add>, %select_n3A_2108, %reduce_sum3A_2109 [1] : vector<16x32xf32> to vector<16xf32>
      %broadcast_in_dim3A_2111 = vector.shape_cast %reduce_sum3A_2110 : vector<16xf32> to vector<16x1xf32>
      %eq3A_2112 = arith.constant 1.600000e+01 : f32
      %eq3A_2113 = vector.broadcast %eq3A_2112 : f32 to vector<16x128xf32>
      %eq3A_2114 = arith.cmpf oeq, %get3A_1588, %eq3A_2113 : vector<16x128xf32>
      %jit3A_2115 = arith.constant 0.000000e+00 : f32
      %broadcast_in_dim3A_2116 = vector.broadcast %jit3A_2115 : f32 to vector<16x128xf32>
      %select_n3A_2117 = arith.select %eq3A_2114, %div3A_1629, %broadcast_in_dim3A_2116 : vector<16x128xi1>, vector<16x128xf32>
      %reduce_sum3A_2118 = arith.constant dense<0.000000e+00> : vector<16xf32>
      %reduce_sum3A_2119 = vector.multi_reduction <add>, %select_n3A_2117, %reduce_sum3A_2118 [1] : vector<16x128xf32> to vector<16xf32>
      %broadcast_in_dim3A_2120 = vector.shape_cast %reduce_sum3A_2119 : vector<16xf32> to vector<16x1xf32>
      %mul3A_2121 = vector.broadcast %broadcast_in_dim3A_2111 : vector<16x1xf32> to vector<16x64xf32>
      %mul3A_2122 = arith.mulf %mul3A_2121, %get3A_2102 : vector<16x64xf32>
      %add3A_2123 = arith.addf %add3A_2094, %mul3A_2122 : vector<16x64xf32>
      %mul3A_2124 = vector.broadcast %broadcast_in_dim3A_2120 : vector<16x1xf32> to vector<16x64xf32>
      %mul3A_2125 = arith.mulf %mul3A_2124, %get3A_2102 : vector<16x64xf32>
      %add3A_2126 = arith.addf %add3A_2097, %mul3A_2125 : vector<16x64xf32>
      %get3A_2127 = arith.constant 17 : index
      %get3A_2128 = arith.constant 0 : index
      %get3A_2129 = arith.constant 0 : index
      %get3A_2130 = vector.load %arg20[%get3A_2127, %get3A_2128, %get3A_2129] : memref<50x16x64xf32, #tpu.memory_space<vmem>>, vector<1x16x64xf32>
      %get3A_2131 = vector.shape_cast %get3A_2130 : vector<1x16x64xf32> to vector<16x64xf32>
      %eq3A_2132 = arith.constant 1.700000e+01 : f32
      %eq3A_2133 = vector.broadcast %eq3A_2132 : f32 to vector<16x32xf32>
      %eq3A_2134 = arith.cmpf oeq, %get3A_1585, %eq3A_2133 : vector<16x32xf32>
      %jit3A_2135 = arith.constant 0.000000e+00 : f32
      %broadcast_in_dim3A_2136 = vector.broadcast %jit3A_2135 : f32 to vector<16x32xf32>
      %select_n3A_2137 = arith.select %eq3A_2134, %div3A_1615, %broadcast_in_dim3A_2136 : vector<16x32xi1>, vector<16x32xf32>
      %reduce_sum3A_2138 = arith.constant dense<0.000000e+00> : vector<16xf32>
      %reduce_sum3A_2139 = vector.multi_reduction <add>, %select_n3A_2137, %reduce_sum3A_2138 [1] : vector<16x32xf32> to vector<16xf32>
      %broadcast_in_dim3A_2140 = vector.shape_cast %reduce_sum3A_2139 : vector<16xf32> to vector<16x1xf32>
      %eq3A_2141 = arith.constant 1.700000e+01 : f32
      %eq3A_2142 = vector.broadcast %eq3A_2141 : f32 to vector<16x128xf32>
      %eq3A_2143 = arith.cmpf oeq, %get3A_1588, %eq3A_2142 : vector<16x128xf32>
      %jit3A_2144 = arith.constant 0.000000e+00 : f32
      %broadcast_in_dim3A_2145 = vector.broadcast %jit3A_2144 : f32 to vector<16x128xf32>
      %select_n3A_2146 = arith.select %eq3A_2143, %div3A_1629, %broadcast_in_dim3A_2145 : vector<16x128xi1>, vector<16x128xf32>
      %reduce_sum3A_2147 = arith.constant dense<0.000000e+00> : vector<16xf32>
      %reduce_sum3A_2148 = vector.multi_reduction <add>, %select_n3A_2146, %reduce_sum3A_2147 [1] : vector<16x128xf32> to vector<16xf32>
      %broadcast_in_dim3A_2149 = vector.shape_cast %reduce_sum3A_2148 : vector<16xf32> to vector<16x1xf32>
      %mul3A_2150 = vector.broadcast %broadcast_in_dim3A_2140 : vector<16x1xf32> to vector<16x64xf32>
      %mul3A_2151 = arith.mulf %mul3A_2150, %get3A_2131 : vector<16x64xf32>
      %add3A_2152 = arith.addf %add3A_2123, %mul3A_2151 : vector<16x64xf32>
      %mul3A_2153 = vector.broadcast %broadcast_in_dim3A_2149 : vector<16x1xf32> to vector<16x64xf32>
      %mul3A_2154 = arith.mulf %mul3A_2153, %get3A_2131 : vector<16x64xf32>
      %add3A_2155 = arith.addf %add3A_2126, %mul3A_2154 : vector<16x64xf32>
      %get3A_2156 = arith.constant 18 : index
      %get3A_2157 = arith.constant 0 : index
      %get3A_2158 = arith.constant 0 : index
      %get3A_2159 = vector.load %arg20[%get3A_2156, %get3A_2157, %get3A_2158] : memref<50x16x64xf32, #tpu.memory_space<vmem>>, vector<1x16x64xf32>
      %get3A_2160 = vector.shape_cast %get3A_2159 : vector<1x16x64xf32> to vector<16x64xf32>
      %eq3A_2161 = arith.constant 1.800000e+01 : f32
      %eq3A_2162 = vector.broadcast %eq3A_2161 : f32 to vector<16x32xf32>
      %eq3A_2163 = arith.cmpf oeq, %get3A_1585, %eq3A_2162 : vector<16x32xf32>
      %jit3A_2164 = arith.constant 0.000000e+00 : f32
      %broadcast_in_dim3A_2165 = vector.broadcast %jit3A_2164 : f32 to vector<16x32xf32>
      %select_n3A_2166 = arith.select %eq3A_2163, %div3A_1615, %broadcast_in_dim3A_2165 : vector<16x32xi1>, vector<16x32xf32>
      %reduce_sum3A_2167 = arith.constant dense<0.000000e+00> : vector<16xf32>
      %reduce_sum3A_2168 = vector.multi_reduction <add>, %select_n3A_2166, %reduce_sum3A_2167 [1] : vector<16x32xf32> to vector<16xf32>
      %broadcast_in_dim3A_2169 = vector.shape_cast %reduce_sum3A_2168 : vector<16xf32> to vector<16x1xf32>
      %eq3A_2170 = arith.constant 1.800000e+01 : f32
      %eq3A_2171 = vector.broadcast %eq3A_2170 : f32 to vector<16x128xf32>
      %eq3A_2172 = arith.cmpf oeq, %get3A_1588, %eq3A_2171 : vector<16x128xf32>
      %jit3A_2173 = arith.constant 0.000000e+00 : f32
      %broadcast_in_dim3A_2174 = vector.broadcast %jit3A_2173 : f32 to vector<16x128xf32>
      %select_n3A_2175 = arith.select %eq3A_2172, %div3A_1629, %broadcast_in_dim3A_2174 : vector<16x128xi1>, vector<16x128xf32>
      %reduce_sum3A_2176 = arith.constant dense<0.000000e+00> : vector<16xf32>
      %reduce_sum3A_2177 = vector.multi_reduction <add>, %select_n3A_2175, %reduce_sum3A_2176 [1] : vector<16x128xf32> to vector<16xf32>
      %broadcast_in_dim3A_2178 = vector.shape_cast %reduce_sum3A_2177 : vector<16xf32> to vector<16x1xf32>
      %mul3A_2179 = vector.broadcast %broadcast_in_dim3A_2169 : vector<16x1xf32> to vector<16x64xf32>
      %mul3A_2180 = arith.mulf %mul3A_2179, %get3A_2160 : vector<16x64xf32>
      %add3A_2181 = arith.addf %add3A_2152, %mul3A_2180 : vector<16x64xf32>
      %mul3A_2182 = vector.broadcast %broadcast_in_dim3A_2178 : vector<16x1xf32> to vector<16x64xf32>
      %mul3A_2183 = arith.mulf %mul3A_2182, %get3A_2160 : vector<16x64xf32>
      %add3A_2184 = arith.addf %add3A_2155, %mul3A_2183 : vector<16x64xf32>
      %get3A_2185 = arith.constant 19 : index
      %get3A_2186 = arith.constant 0 : index
      %get3A_2187 = arith.constant 0 : index
      %get3A_2188 = vector.load %arg20[%get3A_2185, %get3A_2186, %get3A_2187] : memref<50x16x64xf32, #tpu.memory_space<vmem>>, vector<1x16x64xf32>
      %get3A_2189 = vector.shape_cast %get3A_2188 : vector<1x16x64xf32> to vector<16x64xf32>
      %eq3A_2190 = arith.constant 1.900000e+01 : f32
      %eq3A_2191 = vector.broadcast %eq3A_2190 : f32 to vector<16x32xf32>
      %eq3A_2192 = arith.cmpf oeq, %get3A_1585, %eq3A_2191 : vector<16x32xf32>
      %jit3A_2193 = arith.constant 0.000000e+00 : f32
      %broadcast_in_dim3A_2194 = vector.broadcast %jit3A_2193 : f32 to vector<16x32xf32>
      %select_n3A_2195 = arith.select %eq3A_2192, %div3A_1615, %broadcast_in_dim3A_2194 : vector<16x32xi1>, vector<16x32xf32>
      %reduce_sum3A_2196 = arith.constant dense<0.000000e+00> : vector<16xf32>
      %reduce_sum3A_2197 = vector.multi_reduction <add>, %select_n3A_2195, %reduce_sum3A_2196 [1] : vector<16x32xf32> to vector<16xf32>
      %broadcast_in_dim3A_2198 = vector.shape_cast %reduce_sum3A_2197 : vector<16xf32> to vector<16x1xf32>
      %eq3A_2199 = arith.constant 1.900000e+01 : f32
      %eq3A_2200 = vector.broadcast %eq3A_2199 : f32 to vector<16x128xf32>
      %eq3A_2201 = arith.cmpf oeq, %get3A_1588, %eq3A_2200 : vector<16x128xf32>
      %jit3A_2202 = arith.constant 0.000000e+00 : f32
      %broadcast_in_dim3A_2203 = vector.broadcast %jit3A_2202 : f32 to vector<16x128xf32>
      %select_n3A_2204 = arith.select %eq3A_2201, %div3A_1629, %broadcast_in_dim3A_2203 : vector<16x128xi1>, vector<16x128xf32>
      %reduce_sum3A_2205 = arith.constant dense<0.000000e+00> : vector<16xf32>
      %reduce_sum3A_2206 = vector.multi_reduction <add>, %select_n3A_2204, %reduce_sum3A_2205 [1] : vector<16x128xf32> to vector<16xf32>
      %broadcast_in_dim3A_2207 = vector.shape_cast %reduce_sum3A_2206 : vector<16xf32> to vector<16x1xf32>
      %mul3A_2208 = vector.broadcast %broadcast_in_dim3A_2198 : vector<16x1xf32> to vector<16x64xf32>
      %mul3A_2209 = arith.mulf %mul3A_2208, %get3A_2189 : vector<16x64xf32>
      %add3A_2210 = arith.addf %add3A_2181, %mul3A_2209 : vector<16x64xf32>
      %mul3A_2211 = vector.broadcast %broadcast_in_dim3A_2207 : vector<16x1xf32> to vector<16x64xf32>
      %mul3A_2212 = arith.mulf %mul3A_2211, %get3A_2189 : vector<16x64xf32>
      %add3A_2213 = arith.addf %add3A_2184, %mul3A_2212 : vector<16x64xf32>
      %get3A_2214 = arith.constant 20 : index
      %get3A_2215 = arith.constant 0 : index
      %get3A_2216 = arith.constant 0 : index
      %get3A_2217 = vector.load %arg20[%get3A_2214, %get3A_2215, %get3A_2216] : memref<50x16x64xf32, #tpu.memory_space<vmem>>, vector<1x16x64xf32>
      %get3A_2218 = vector.shape_cast %get3A_2217 : vector<1x16x64xf32> to vector<16x64xf32>
      %eq3A_2219 = arith.constant 2.000000e+01 : f32
      %eq3A_2220 = vector.broadcast %eq3A_2219 : f32 to vector<16x32xf32>
      %eq3A_2221 = arith.cmpf oeq, %get3A_1585, %eq3A_2220 : vector<16x32xf32>
      %jit3A_2222 = arith.constant 0.000000e+00 : f32
      %broadcast_in_dim3A_2223 = vector.broadcast %jit3A_2222 : f32 to vector<16x32xf32>
      %select_n3A_2224 = arith.select %eq3A_2221, %div3A_1615, %broadcast_in_dim3A_2223 : vector<16x32xi1>, vector<16x32xf32>
      %reduce_sum3A_2225 = arith.constant dense<0.000000e+00> : vector<16xf32>
      %reduce_sum3A_2226 = vector.multi_reduction <add>, %select_n3A_2224, %reduce_sum3A_2225 [1] : vector<16x32xf32> to vector<16xf32>
      %broadcast_in_dim3A_2227 = vector.shape_cast %reduce_sum3A_2226 : vector<16xf32> to vector<16x1xf32>
      %eq3A_2228 = arith.constant 2.000000e+01 : f32
      %eq3A_2229 = vector.broadcast %eq3A_2228 : f32 to vector<16x128xf32>
      %eq3A_2230 = arith.cmpf oeq, %get3A_1588, %eq3A_2229 : vector<16x128xf32>
      %jit3A_2231 = arith.constant 0.000000e+00 : f32
      %broadcast_in_dim3A_2232 = vector.broadcast %jit3A_2231 : f32 to vector<16x128xf32>
      %select_n3A_2233 = arith.select %eq3A_2230, %div3A_1629, %broadcast_in_dim3A_2232 : vector<16x128xi1>, vector<16x128xf32>
      %reduce_sum3A_2234 = arith.constant dense<0.000000e+00> : vector<16xf32>
      %reduce_sum3A_2235 = vector.multi_reduction <add>, %select_n3A_2233, %reduce_sum3A_2234 [1] : vector<16x128xf32> to vector<16xf32>
      %broadcast_in_dim3A_2236 = vector.shape_cast %reduce_sum3A_2235 : vector<16xf32> to vector<16x1xf32>
      %mul3A_2237 = vector.broadcast %broadcast_in_dim3A_2227 : vector<16x1xf32> to vector<16x64xf32>
      %mul3A_2238 = arith.mulf %mul3A_2237, %get3A_2218 : vector<16x64xf32>
      %add3A_2239 = arith.addf %add3A_2210, %mul3A_2238 : vector<16x64xf32>
      %mul3A_2240 = vector.broadcast %broadcast_in_dim3A_2236 : vector<16x1xf32> to vector<16x64xf32>
      %mul3A_2241 = arith.mulf %mul3A_2240, %get3A_2218 : vector<16x64xf32>
      %add3A_2242 = arith.addf %add3A_2213, %mul3A_2241 : vector<16x64xf32>
      %get3A_2243 = arith.constant 21 : index
      %get3A_2244 = arith.constant 0 : index
      %get3A_2245 = arith.constant 0 : index
      %get3A_2246 = vector.load %arg20[%get3A_2243, %get3A_2244, %get3A_2245] : memref<50x16x64xf32, #tpu.memory_space<vmem>>, vector<1x16x64xf32>
      %get3A_2247 = vector.shape_cast %get3A_2246 : vector<1x16x64xf32> to vector<16x64xf32>
      %eq3A_2248 = arith.constant 2.100000e+01 : f32
      %eq3A_2249 = vector.broadcast %eq3A_2248 : f32 to vector<16x32xf32>
      %eq3A_2250 = arith.cmpf oeq, %get3A_1585, %eq3A_2249 : vector<16x32xf32>
      %jit3A_2251 = arith.constant 0.000000e+00 : f32
      %broadcast_in_dim3A_2252 = vector.broadcast %jit3A_2251 : f32 to vector<16x32xf32>
      %select_n3A_2253 = arith.select %eq3A_2250, %div3A_1615, %broadcast_in_dim3A_2252 : vector<16x32xi1>, vector<16x32xf32>
      %reduce_sum3A_2254 = arith.constant dense<0.000000e+00> : vector<16xf32>
      %reduce_sum3A_2255 = vector.multi_reduction <add>, %select_n3A_2253, %reduce_sum3A_2254 [1] : vector<16x32xf32> to vector<16xf32>
      %broadcast_in_dim3A_2256 = vector.shape_cast %reduce_sum3A_2255 : vector<16xf32> to vector<16x1xf32>
      %eq3A_2257 = arith.constant 2.100000e+01 : f32
      %eq3A_2258 = vector.broadcast %eq3A_2257 : f32 to vector<16x128xf32>
      %eq3A_2259 = arith.cmpf oeq, %get3A_1588, %eq3A_2258 : vector<16x128xf32>
      %jit3A_2260 = arith.constant 0.000000e+00 : f32
      %broadcast_in_dim3A_2261 = vector.broadcast %jit3A_2260 : f32 to vector<16x128xf32>
      %select_n3A_2262 = arith.select %eq3A_2259, %div3A_1629, %broadcast_in_dim3A_2261 : vector<16x128xi1>, vector<16x128xf32>
      %reduce_sum3A_2263 = arith.constant dense<0.000000e+00> : vector<16xf32>
      %reduce_sum3A_2264 = vector.multi_reduction <add>, %select_n3A_2262, %reduce_sum3A_2263 [1] : vector<16x128xf32> to vector<16xf32>
      %broadcast_in_dim3A_2265 = vector.shape_cast %reduce_sum3A_2264 : vector<16xf32> to vector<16x1xf32>
      %mul3A_2266 = vector.broadcast %broadcast_in_dim3A_2256 : vector<16x1xf32> to vector<16x64xf32>
      %mul3A_2267 = arith.mulf %mul3A_2266, %get3A_2247 : vector<16x64xf32>
      %add3A_2268 = arith.addf %add3A_2239, %mul3A_2267 : vector<16x64xf32>
      %mul3A_2269 = vector.broadcast %broadcast_in_dim3A_2265 : vector<16x1xf32> to vector<16x64xf32>
      %mul3A_2270 = arith.mulf %mul3A_2269, %get3A_2247 : vector<16x64xf32>
      %add3A_2271 = arith.addf %add3A_2242, %mul3A_2270 : vector<16x64xf32>
      %get3A_2272 = arith.constant 22 : index
      %get3A_2273 = arith.constant 0 : index
      %get3A_2274 = arith.constant 0 : index
      %get3A_2275 = vector.load %arg20[%get3A_2272, %get3A_2273, %get3A_2274] : memref<50x16x64xf32, #tpu.memory_space<vmem>>, vector<1x16x64xf32>
      %get3A_2276 = vector.shape_cast %get3A_2275 : vector<1x16x64xf32> to vector<16x64xf32>
      %eq3A_2277 = arith.constant 2.200000e+01 : f32
      %eq3A_2278 = vector.broadcast %eq3A_2277 : f32 to vector<16x32xf32>
      %eq3A_2279 = arith.cmpf oeq, %get3A_1585, %eq3A_2278 : vector<16x32xf32>
      %jit3A_2280 = arith.constant 0.000000e+00 : f32
      %broadcast_in_dim3A_2281 = vector.broadcast %jit3A_2280 : f32 to vector<16x32xf32>
      %select_n3A_2282 = arith.select %eq3A_2279, %div3A_1615, %broadcast_in_dim3A_2281 : vector<16x32xi1>, vector<16x32xf32>
      %reduce_sum3A_2283 = arith.constant dense<0.000000e+00> : vector<16xf32>
      %reduce_sum3A_2284 = vector.multi_reduction <add>, %select_n3A_2282, %reduce_sum3A_2283 [1] : vector<16x32xf32> to vector<16xf32>
      %broadcast_in_dim3A_2285 = vector.shape_cast %reduce_sum3A_2284 : vector<16xf32> to vector<16x1xf32>
      %eq3A_2286 = arith.constant 2.200000e+01 : f32
      %eq3A_2287 = vector.broadcast %eq3A_2286 : f32 to vector<16x128xf32>
      %eq3A_2288 = arith.cmpf oeq, %get3A_1588, %eq3A_2287 : vector<16x128xf32>
      %jit3A_2289 = arith.constant 0.000000e+00 : f32
      %broadcast_in_dim3A_2290 = vector.broadcast %jit3A_2289 : f32 to vector<16x128xf32>
      %select_n3A_2291 = arith.select %eq3A_2288, %div3A_1629, %broadcast_in_dim3A_2290 : vector<16x128xi1>, vector<16x128xf32>
      %reduce_sum3A_2292 = arith.constant dense<0.000000e+00> : vector<16xf32>
      %reduce_sum3A_2293 = vector.multi_reduction <add>, %select_n3A_2291, %reduce_sum3A_2292 [1] : vector<16x128xf32> to vector<16xf32>
      %broadcast_in_dim3A_2294 = vector.shape_cast %reduce_sum3A_2293 : vector<16xf32> to vector<16x1xf32>
      %mul3A_2295 = vector.broadcast %broadcast_in_dim3A_2285 : vector<16x1xf32> to vector<16x64xf32>
      %mul3A_2296 = arith.mulf %mul3A_2295, %get3A_2276 : vector<16x64xf32>
      %add3A_2297 = arith.addf %add3A_2268, %mul3A_2296 : vector<16x64xf32>
      %mul3A_2298 = vector.broadcast %broadcast_in_dim3A_2294 : vector<16x1xf32> to vector<16x64xf32>
      %mul3A_2299 = arith.mulf %mul3A_2298, %get3A_2276 : vector<16x64xf32>
      %add3A_2300 = arith.addf %add3A_2271, %mul3A_2299 : vector<16x64xf32>
      %get3A_2301 = arith.constant 23 : index
      %get3A_2302 = arith.constant 0 : index
      %get3A_2303 = arith.constant 0 : index
      %get3A_2304 = vector.load %arg20[%get3A_2301, %get3A_2302, %get3A_2303] : memref<50x16x64xf32, #tpu.memory_space<vmem>>, vector<1x16x64xf32>
      %get3A_2305 = vector.shape_cast %get3A_2304 : vector<1x16x64xf32> to vector<16x64xf32>
      %eq3A_2306 = arith.constant 2.300000e+01 : f32
      %eq3A_2307 = vector.broadcast %eq3A_2306 : f32 to vector<16x32xf32>
      %eq3A_2308 = arith.cmpf oeq, %get3A_1585, %eq3A_2307 : vector<16x32xf32>
      %jit3A_2309 = arith.constant 0.000000e+00 : f32
      %broadcast_in_dim3A_2310 = vector.broadcast %jit3A_2309 : f32 to vector<16x32xf32>
      %select_n3A_2311 = arith.select %eq3A_2308, %div3A_1615, %broadcast_in_dim3A_2310 : vector<16x32xi1>, vector<16x32xf32>
      %reduce_sum3A_2312 = arith.constant dense<0.000000e+00> : vector<16xf32>
      %reduce_sum3A_2313 = vector.multi_reduction <add>, %select_n3A_2311, %reduce_sum3A_2312 [1] : vector<16x32xf32> to vector<16xf32>
      %broadcast_in_dim3A_2314 = vector.shape_cast %reduce_sum3A_2313 : vector<16xf32> to vector<16x1xf32>
      %eq3A_2315 = arith.constant 2.300000e+01 : f32
      %eq3A_2316 = vector.broadcast %eq3A_2315 : f32 to vector<16x128xf32>
      %eq3A_2317 = arith.cmpf oeq, %get3A_1588, %eq3A_2316 : vector<16x128xf32>
      %jit3A_2318 = arith.constant 0.000000e+00 : f32
      %broadcast_in_dim3A_2319 = vector.broadcast %jit3A_2318 : f32 to vector<16x128xf32>
      %select_n3A_2320 = arith.select %eq3A_2317, %div3A_1629, %broadcast_in_dim3A_2319 : vector<16x128xi1>, vector<16x128xf32>
      %reduce_sum3A_2321 = arith.constant dense<0.000000e+00> : vector<16xf32>
      %reduce_sum3A_2322 = vector.multi_reduction <add>, %select_n3A_2320, %reduce_sum3A_2321 [1] : vector<16x128xf32> to vector<16xf32>
      %broadcast_in_dim3A_2323 = vector.shape_cast %reduce_sum3A_2322 : vector<16xf32> to vector<16x1xf32>
      %mul3A_2324 = vector.broadcast %broadcast_in_dim3A_2314 : vector<16x1xf32> to vector<16x64xf32>
      %mul3A_2325 = arith.mulf %mul3A_2324, %get3A_2305 : vector<16x64xf32>
      %add3A_2326 = arith.addf %add3A_2297, %mul3A_2325 : vector<16x64xf32>
      %mul3A_2327 = vector.broadcast %broadcast_in_dim3A_2323 : vector<16x1xf32> to vector<16x64xf32>
      %mul3A_2328 = arith.mulf %mul3A_2327, %get3A_2305 : vector<16x64xf32>
      %add3A_2329 = arith.addf %add3A_2300, %mul3A_2328 : vector<16x64xf32>
      %get3A_2330 = arith.constant 24 : index
      %get3A_2331 = arith.constant 0 : index
      %get3A_2332 = arith.constant 0 : index
      %get3A_2333 = vector.load %arg20[%get3A_2330, %get3A_2331, %get3A_2332] : memref<50x16x64xf32, #tpu.memory_space<vmem>>, vector<1x16x64xf32>
      %get3A_2334 = vector.shape_cast %get3A_2333 : vector<1x16x64xf32> to vector<16x64xf32>
      %eq3A_2335 = arith.constant 2.400000e+01 : f32
      %eq3A_2336 = vector.broadcast %eq3A_2335 : f32 to vector<16x32xf32>
      %eq3A_2337 = arith.cmpf oeq, %get3A_1585, %eq3A_2336 : vector<16x32xf32>
      %jit3A_2338 = arith.constant 0.000000e+00 : f32
      %broadcast_in_dim3A_2339 = vector.broadcast %jit3A_2338 : f32 to vector<16x32xf32>
      %select_n3A_2340 = arith.select %eq3A_2337, %div3A_1615, %broadcast_in_dim3A_2339 : vector<16x32xi1>, vector<16x32xf32>
      %reduce_sum3A_2341 = arith.constant dense<0.000000e+00> : vector<16xf32>
      %reduce_sum3A_2342 = vector.multi_reduction <add>, %select_n3A_2340, %reduce_sum3A_2341 [1] : vector<16x32xf32> to vector<16xf32>
      %broadcast_in_dim3A_2343 = vector.shape_cast %reduce_sum3A_2342 : vector<16xf32> to vector<16x1xf32>
      %eq3A_2344 = arith.constant 2.400000e+01 : f32
      %eq3A_2345 = vector.broadcast %eq3A_2344 : f32 to vector<16x128xf32>
      %eq3A_2346 = arith.cmpf oeq, %get3A_1588, %eq3A_2345 : vector<16x128xf32>
      %jit3A_2347 = arith.constant 0.000000e+00 : f32
      %broadcast_in_dim3A_2348 = vector.broadcast %jit3A_2347 : f32 to vector<16x128xf32>
      %select_n3A_2349 = arith.select %eq3A_2346, %div3A_1629, %broadcast_in_dim3A_2348 : vector<16x128xi1>, vector<16x128xf32>
      %reduce_sum3A_2350 = arith.constant dense<0.000000e+00> : vector<16xf32>
      %reduce_sum3A_2351 = vector.multi_reduction <add>, %select_n3A_2349, %reduce_sum3A_2350 [1] : vector<16x128xf32> to vector<16xf32>
      %broadcast_in_dim3A_2352 = vector.shape_cast %reduce_sum3A_2351 : vector<16xf32> to vector<16x1xf32>
      %mul3A_2353 = vector.broadcast %broadcast_in_dim3A_2343 : vector<16x1xf32> to vector<16x64xf32>
      %mul3A_2354 = arith.mulf %mul3A_2353, %get3A_2334 : vector<16x64xf32>
      %add3A_2355 = arith.addf %add3A_2326, %mul3A_2354 : vector<16x64xf32>
      %mul3A_2356 = vector.broadcast %broadcast_in_dim3A_2352 : vector<16x1xf32> to vector<16x64xf32>
      %mul3A_2357 = arith.mulf %mul3A_2356, %get3A_2334 : vector<16x64xf32>
      %add3A_2358 = arith.addf %add3A_2329, %mul3A_2357 : vector<16x64xf32>
      %get3A_2359 = arith.constant 25 : index
      %get3A_2360 = arith.constant 0 : index
      %get3A_2361 = arith.constant 0 : index
      %get3A_2362 = vector.load %arg20[%get3A_2359, %get3A_2360, %get3A_2361] : memref<50x16x64xf32, #tpu.memory_space<vmem>>, vector<1x16x64xf32>
      %get3A_2363 = vector.shape_cast %get3A_2362 : vector<1x16x64xf32> to vector<16x64xf32>
      %eq3A_2364 = arith.constant 2.500000e+01 : f32
      %eq3A_2365 = vector.broadcast %eq3A_2364 : f32 to vector<16x32xf32>
      %eq3A_2366 = arith.cmpf oeq, %get3A_1585, %eq3A_2365 : vector<16x32xf32>
      %jit3A_2367 = arith.constant 0.000000e+00 : f32
      %broadcast_in_dim3A_2368 = vector.broadcast %jit3A_2367 : f32 to vector<16x32xf32>
      %select_n3A_2369 = arith.select %eq3A_2366, %div3A_1615, %broadcast_in_dim3A_2368 : vector<16x32xi1>, vector<16x32xf32>
      %reduce_sum3A_2370 = arith.constant dense<0.000000e+00> : vector<16xf32>
      %reduce_sum3A_2371 = vector.multi_reduction <add>, %select_n3A_2369, %reduce_sum3A_2370 [1] : vector<16x32xf32> to vector<16xf32>
      %broadcast_in_dim3A_2372 = vector.shape_cast %reduce_sum3A_2371 : vector<16xf32> to vector<16x1xf32>
      %eq3A_2373 = arith.constant 2.500000e+01 : f32
      %eq3A_2374 = vector.broadcast %eq3A_2373 : f32 to vector<16x128xf32>
      %eq3A_2375 = arith.cmpf oeq, %get3A_1588, %eq3A_2374 : vector<16x128xf32>
      %jit3A_2376 = arith.constant 0.000000e+00 : f32
      %broadcast_in_dim3A_2377 = vector.broadcast %jit3A_2376 : f32 to vector<16x128xf32>
      %select_n3A_2378 = arith.select %eq3A_2375, %div3A_1629, %broadcast_in_dim3A_2377 : vector<16x128xi1>, vector<16x128xf32>
      %reduce_sum3A_2379 = arith.constant dense<0.000000e+00> : vector<16xf32>
      %reduce_sum3A_2380 = vector.multi_reduction <add>, %select_n3A_2378, %reduce_sum3A_2379 [1] : vector<16x128xf32> to vector<16xf32>
      %broadcast_in_dim3A_2381 = vector.shape_cast %reduce_sum3A_2380 : vector<16xf32> to vector<16x1xf32>
      %mul3A_2382 = vector.broadcast %broadcast_in_dim3A_2372 : vector<16x1xf32> to vector<16x64xf32>
      %mul3A_2383 = arith.mulf %mul3A_2382, %get3A_2363 : vector<16x64xf32>
      %add3A_2384 = arith.addf %add3A_2355, %mul3A_2383 : vector<16x64xf32>
      %mul3A_2385 = vector.broadcast %broadcast_in_dim3A_2381 : vector<16x1xf32> to vector<16x64xf32>
      %mul3A_2386 = arith.mulf %mul3A_2385, %get3A_2363 : vector<16x64xf32>
      %add3A_2387 = arith.addf %add3A_2358, %mul3A_2386 : vector<16x64xf32>
      %get3A_2388 = arith.constant 26 : index
      %get3A_2389 = arith.constant 0 : index
      %get3A_2390 = arith.constant 0 : index
      %get3A_2391 = vector.load %arg20[%get3A_2388, %get3A_2389, %get3A_2390] : memref<50x16x64xf32, #tpu.memory_space<vmem>>, vector<1x16x64xf32>
      %get3A_2392 = vector.shape_cast %get3A_2391 : vector<1x16x64xf32> to vector<16x64xf32>
      %eq3A_2393 = arith.constant 2.600000e+01 : f32
      %eq3A_2394 = vector.broadcast %eq3A_2393 : f32 to vector<16x32xf32>
      %eq3A_2395 = arith.cmpf oeq, %get3A_1585, %eq3A_2394 : vector<16x32xf32>
      %jit3A_2396 = arith.constant 0.000000e+00 : f32
      %broadcast_in_dim3A_2397 = vector.broadcast %jit3A_2396 : f32 to vector<16x32xf32>
      %select_n3A_2398 = arith.select %eq3A_2395, %div3A_1615, %broadcast_in_dim3A_2397 : vector<16x32xi1>, vector<16x32xf32>
      %reduce_sum3A_2399 = arith.constant dense<0.000000e+00> : vector<16xf32>
      %reduce_sum3A_2400 = vector.multi_reduction <add>, %select_n3A_2398, %reduce_sum3A_2399 [1] : vector<16x32xf32> to vector<16xf32>
      %broadcast_in_dim3A_2401 = vector.shape_cast %reduce_sum3A_2400 : vector<16xf32> to vector<16x1xf32>
      %eq3A_2402 = arith.constant 2.600000e+01 : f32
      %eq3A_2403 = vector.broadcast %eq3A_2402 : f32 to vector<16x128xf32>
      %eq3A_2404 = arith.cmpf oeq, %get3A_1588, %eq3A_2403 : vector<16x128xf32>
      %jit3A_2405 = arith.constant 0.000000e+00 : f32
      %broadcast_in_dim3A_2406 = vector.broadcast %jit3A_2405 : f32 to vector<16x128xf32>
      %select_n3A_2407 = arith.select %eq3A_2404, %div3A_1629, %broadcast_in_dim3A_2406 : vector<16x128xi1>, vector<16x128xf32>
      %reduce_sum3A_2408 = arith.constant dense<0.000000e+00> : vector<16xf32>
      %reduce_sum3A_2409 = vector.multi_reduction <add>, %select_n3A_2407, %reduce_sum3A_2408 [1] : vector<16x128xf32> to vector<16xf32>
      %broadcast_in_dim3A_2410 = vector.shape_cast %reduce_sum3A_2409 : vector<16xf32> to vector<16x1xf32>
      %mul3A_2411 = vector.broadcast %broadcast_in_dim3A_2401 : vector<16x1xf32> to vector<16x64xf32>
      %mul3A_2412 = arith.mulf %mul3A_2411, %get3A_2392 : vector<16x64xf32>
      %add3A_2413 = arith.addf %add3A_2384, %mul3A_2412 : vector<16x64xf32>
      %mul3A_2414 = vector.broadcast %broadcast_in_dim3A_2410 : vector<16x1xf32> to vector<16x64xf32>
      %mul3A_2415 = arith.mulf %mul3A_2414, %get3A_2392 : vector<16x64xf32>
      %add3A_2416 = arith.addf %add3A_2387, %mul3A_2415 : vector<16x64xf32>
      %get3A_2417 = arith.constant 27 : index
      %get3A_2418 = arith.constant 0 : index
      %get3A_2419 = arith.constant 0 : index
      %get3A_2420 = vector.load %arg20[%get3A_2417, %get3A_2418, %get3A_2419] : memref<50x16x64xf32, #tpu.memory_space<vmem>>, vector<1x16x64xf32>
      %get3A_2421 = vector.shape_cast %get3A_2420 : vector<1x16x64xf32> to vector<16x64xf32>
      %eq3A_2422 = arith.constant 2.700000e+01 : f32
      %eq3A_2423 = vector.broadcast %eq3A_2422 : f32 to vector<16x32xf32>
      %eq3A_2424 = arith.cmpf oeq, %get3A_1585, %eq3A_2423 : vector<16x32xf32>
      %jit3A_2425 = arith.constant 0.000000e+00 : f32
      %broadcast_in_dim3A_2426 = vector.broadcast %jit3A_2425 : f32 to vector<16x32xf32>
      %select_n3A_2427 = arith.select %eq3A_2424, %div3A_1615, %broadcast_in_dim3A_2426 : vector<16x32xi1>, vector<16x32xf32>
      %reduce_sum3A_2428 = arith.constant dense<0.000000e+00> : vector<16xf32>
      %reduce_sum3A_2429 = vector.multi_reduction <add>, %select_n3A_2427, %reduce_sum3A_2428 [1] : vector<16x32xf32> to vector<16xf32>
      %broadcast_in_dim3A_2430 = vector.shape_cast %reduce_sum3A_2429 : vector<16xf32> to vector<16x1xf32>
      %eq3A_2431 = arith.constant 2.700000e+01 : f32
      %eq3A_2432 = vector.broadcast %eq3A_2431 : f32 to vector<16x128xf32>
      %eq3A_2433 = arith.cmpf oeq, %get3A_1588, %eq3A_2432 : vector<16x128xf32>
      %jit3A_2434 = arith.constant 0.000000e+00 : f32
      %broadcast_in_dim3A_2435 = vector.broadcast %jit3A_2434 : f32 to vector<16x128xf32>
      %select_n3A_2436 = arith.select %eq3A_2433, %div3A_1629, %broadcast_in_dim3A_2435 : vector<16x128xi1>, vector<16x128xf32>
      %reduce_sum3A_2437 = arith.constant dense<0.000000e+00> : vector<16xf32>
      %reduce_sum3A_2438 = vector.multi_reduction <add>, %select_n3A_2436, %reduce_sum3A_2437 [1] : vector<16x128xf32> to vector<16xf32>
      %broadcast_in_dim3A_2439 = vector.shape_cast %reduce_sum3A_2438 : vector<16xf32> to vector<16x1xf32>
      %mul3A_2440 = vector.broadcast %broadcast_in_dim3A_2430 : vector<16x1xf32> to vector<16x64xf32>
      %mul3A_2441 = arith.mulf %mul3A_2440, %get3A_2421 : vector<16x64xf32>
      %add3A_2442 = arith.addf %add3A_2413, %mul3A_2441 : vector<16x64xf32>
      %mul3A_2443 = vector.broadcast %broadcast_in_dim3A_2439 : vector<16x1xf32> to vector<16x64xf32>
      %mul3A_2444 = arith.mulf %mul3A_2443, %get3A_2421 : vector<16x64xf32>
      %add3A_2445 = arith.addf %add3A_2416, %mul3A_2444 : vector<16x64xf32>
      %get3A_2446 = arith.constant 28 : index
      %get3A_2447 = arith.constant 0 : index
      %get3A_2448 = arith.constant 0 : index
      %get3A_2449 = vector.load %arg20[%get3A_2446, %get3A_2447, %get3A_2448] : memref<50x16x64xf32, #tpu.memory_space<vmem>>, vector<1x16x64xf32>
      %get3A_2450 = vector.shape_cast %get3A_2449 : vector<1x16x64xf32> to vector<16x64xf32>
      %eq3A_2451 = arith.constant 2.800000e+01 : f32
      %eq3A_2452 = vector.broadcast %eq3A_2451 : f32 to vector<16x32xf32>
      %eq3A_2453 = arith.cmpf oeq, %get3A_1585, %eq3A_2452 : vector<16x32xf32>
      %jit3A_2454 = arith.constant 0.000000e+00 : f32
      %broadcast_in_dim3A_2455 = vector.broadcast %jit3A_2454 : f32 to vector<16x32xf32>
      %select_n3A_2456 = arith.select %eq3A_2453, %div3A_1615, %broadcast_in_dim3A_2455 : vector<16x32xi1>, vector<16x32xf32>
      %reduce_sum3A_2457 = arith.constant dense<0.000000e+00> : vector<16xf32>
      %reduce_sum3A_2458 = vector.multi_reduction <add>, %select_n3A_2456, %reduce_sum3A_2457 [1] : vector<16x32xf32> to vector<16xf32>
      %broadcast_in_dim3A_2459 = vector.shape_cast %reduce_sum3A_2458 : vector<16xf32> to vector<16x1xf32>
      %eq3A_2460 = arith.constant 2.800000e+01 : f32
      %eq3A_2461 = vector.broadcast %eq3A_2460 : f32 to vector<16x128xf32>
      %eq3A_2462 = arith.cmpf oeq, %get3A_1588, %eq3A_2461 : vector<16x128xf32>
      %jit3A_2463 = arith.constant 0.000000e+00 : f32
      %broadcast_in_dim3A_2464 = vector.broadcast %jit3A_2463 : f32 to vector<16x128xf32>
      %select_n3A_2465 = arith.select %eq3A_2462, %div3A_1629, %broadcast_in_dim3A_2464 : vector<16x128xi1>, vector<16x128xf32>
      %reduce_sum3A_2466 = arith.constant dense<0.000000e+00> : vector<16xf32>
      %reduce_sum3A_2467 = vector.multi_reduction <add>, %select_n3A_2465, %reduce_sum3A_2466 [1] : vector<16x128xf32> to vector<16xf32>
      %broadcast_in_dim3A_2468 = vector.shape_cast %reduce_sum3A_2467 : vector<16xf32> to vector<16x1xf32>
      %mul3A_2469 = vector.broadcast %broadcast_in_dim3A_2459 : vector<16x1xf32> to vector<16x64xf32>
      %mul3A_2470 = arith.mulf %mul3A_2469, %get3A_2450 : vector<16x64xf32>
      %add3A_2471 = arith.addf %add3A_2442, %mul3A_2470 : vector<16x64xf32>
      %mul3A_2472 = vector.broadcast %broadcast_in_dim3A_2468 : vector<16x1xf32> to vector<16x64xf32>
      %mul3A_2473 = arith.mulf %mul3A_2472, %get3A_2450 : vector<16x64xf32>
      %add3A_2474 = arith.addf %add3A_2445, %mul3A_2473 : vector<16x64xf32>
      %get3A_2475 = arith.constant 29 : index
      %get3A_2476 = arith.constant 0 : index
      %get3A_2477 = arith.constant 0 : index
      %get3A_2478 = vector.load %arg20[%get3A_2475, %get3A_2476, %get3A_2477] : memref<50x16x64xf32, #tpu.memory_space<vmem>>, vector<1x16x64xf32>
      %get3A_2479 = vector.shape_cast %get3A_2478 : vector<1x16x64xf32> to vector<16x64xf32>
      %eq3A_2480 = arith.constant 2.900000e+01 : f32
      %eq3A_2481 = vector.broadcast %eq3A_2480 : f32 to vector<16x32xf32>
      %eq3A_2482 = arith.cmpf oeq, %get3A_1585, %eq3A_2481 : vector<16x32xf32>
      %jit3A_2483 = arith.constant 0.000000e+00 : f32
      %broadcast_in_dim3A_2484 = vector.broadcast %jit3A_2483 : f32 to vector<16x32xf32>
      %select_n3A_2485 = arith.select %eq3A_2482, %div3A_1615, %broadcast_in_dim3A_2484 : vector<16x32xi1>, vector<16x32xf32>
      %reduce_sum3A_2486 = arith.constant dense<0.000000e+00> : vector<16xf32>
      %reduce_sum3A_2487 = vector.multi_reduction <add>, %select_n3A_2485, %reduce_sum3A_2486 [1] : vector<16x32xf32> to vector<16xf32>
      %broadcast_in_dim3A_2488 = vector.shape_cast %reduce_sum3A_2487 : vector<16xf32> to vector<16x1xf32>
      %eq3A_2489 = arith.constant 2.900000e+01 : f32
      %eq3A_2490 = vector.broadcast %eq3A_2489 : f32 to vector<16x128xf32>
      %eq3A_2491 = arith.cmpf oeq, %get3A_1588, %eq3A_2490 : vector<16x128xf32>
      %jit3A_2492 = arith.constant 0.000000e+00 : f32
      %broadcast_in_dim3A_2493 = vector.broadcast %jit3A_2492 : f32 to vector<16x128xf32>
      %select_n3A_2494 = arith.select %eq3A_2491, %div3A_1629, %broadcast_in_dim3A_2493 : vector<16x128xi1>, vector<16x128xf32>
      %reduce_sum3A_2495 = arith.constant dense<0.000000e+00> : vector<16xf32>
      %reduce_sum3A_2496 = vector.multi_reduction <add>, %select_n3A_2494, %reduce_sum3A_2495 [1] : vector<16x128xf32> to vector<16xf32>
      %broadcast_in_dim3A_2497 = vector.shape_cast %reduce_sum3A_2496 : vector<16xf32> to vector<16x1xf32>
      %mul3A_2498 = vector.broadcast %broadcast_in_dim3A_2488 : vector<16x1xf32> to vector<16x64xf32>
      %mul3A_2499 = arith.mulf %mul3A_2498, %get3A_2479 : vector<16x64xf32>
      %add3A_2500 = arith.addf %add3A_2471, %mul3A_2499 : vector<16x64xf32>
      %mul3A_2501 = vector.broadcast %broadcast_in_dim3A_2497 : vector<16x1xf32> to vector<16x64xf32>
      %mul3A_2502 = arith.mulf %mul3A_2501, %get3A_2479 : vector<16x64xf32>
      %add3A_2503 = arith.addf %add3A_2474, %mul3A_2502 : vector<16x64xf32>
      %get3A_2504 = arith.constant 30 : index
      %get3A_2505 = arith.constant 0 : index
      %get3A_2506 = arith.constant 0 : index
      %get3A_2507 = vector.load %arg20[%get3A_2504, %get3A_2505, %get3A_2506] : memref<50x16x64xf32, #tpu.memory_space<vmem>>, vector<1x16x64xf32>
      %get3A_2508 = vector.shape_cast %get3A_2507 : vector<1x16x64xf32> to vector<16x64xf32>
      %eq3A_2509 = arith.constant 3.000000e+01 : f32
      %eq3A_2510 = vector.broadcast %eq3A_2509 : f32 to vector<16x32xf32>
      %eq3A_2511 = arith.cmpf oeq, %get3A_1585, %eq3A_2510 : vector<16x32xf32>
      %jit3A_2512 = arith.constant 0.000000e+00 : f32
      %broadcast_in_dim3A_2513 = vector.broadcast %jit3A_2512 : f32 to vector<16x32xf32>
      %select_n3A_2514 = arith.select %eq3A_2511, %div3A_1615, %broadcast_in_dim3A_2513 : vector<16x32xi1>, vector<16x32xf32>
      %reduce_sum3A_2515 = arith.constant dense<0.000000e+00> : vector<16xf32>
      %reduce_sum3A_2516 = vector.multi_reduction <add>, %select_n3A_2514, %reduce_sum3A_2515 [1] : vector<16x32xf32> to vector<16xf32>
      %broadcast_in_dim3A_2517 = vector.shape_cast %reduce_sum3A_2516 : vector<16xf32> to vector<16x1xf32>
      %eq3A_2518 = arith.constant 3.000000e+01 : f32
      %eq3A_2519 = vector.broadcast %eq3A_2518 : f32 to vector<16x128xf32>
      %eq3A_2520 = arith.cmpf oeq, %get3A_1588, %eq3A_2519 : vector<16x128xf32>
      %jit3A_2521 = arith.constant 0.000000e+00 : f32
      %broadcast_in_dim3A_2522 = vector.broadcast %jit3A_2521 : f32 to vector<16x128xf32>
      %select_n3A_2523 = arith.select %eq3A_2520, %div3A_1629, %broadcast_in_dim3A_2522 : vector<16x128xi1>, vector<16x128xf32>
      %reduce_sum3A_2524 = arith.constant dense<0.000000e+00> : vector<16xf32>
      %reduce_sum3A_2525 = vector.multi_reduction <add>, %select_n3A_2523, %reduce_sum3A_2524 [1] : vector<16x128xf32> to vector<16xf32>
      %broadcast_in_dim3A_2526 = vector.shape_cast %reduce_sum3A_2525 : vector<16xf32> to vector<16x1xf32>
      %mul3A_2527 = vector.broadcast %broadcast_in_dim3A_2517 : vector<16x1xf32> to vector<16x64xf32>
      %mul3A_2528 = arith.mulf %mul3A_2527, %get3A_2508 : vector<16x64xf32>
      %add3A_2529 = arith.addf %add3A_2500, %mul3A_2528 : vector<16x64xf32>
      %mul3A_2530 = vector.broadcast %broadcast_in_dim3A_2526 : vector<16x1xf32> to vector<16x64xf32>
      %mul3A_2531 = arith.mulf %mul3A_2530, %get3A_2508 : vector<16x64xf32>
      %add3A_2532 = arith.addf %add3A_2503, %mul3A_2531 : vector<16x64xf32>
      %get3A_2533 = arith.constant 31 : index
      %get3A_2534 = arith.constant 0 : index
      %get3A_2535 = arith.constant 0 : index
      %get3A_2536 = vector.load %arg20[%get3A_2533, %get3A_2534, %get3A_2535] : memref<50x16x64xf32, #tpu.memory_space<vmem>>, vector<1x16x64xf32>
      %get3A_2537 = vector.shape_cast %get3A_2536 : vector<1x16x64xf32> to vector<16x64xf32>
      %eq3A_2538 = arith.constant 3.100000e+01 : f32
      %eq3A_2539 = vector.broadcast %eq3A_2538 : f32 to vector<16x32xf32>
      %eq3A_2540 = arith.cmpf oeq, %get3A_1585, %eq3A_2539 : vector<16x32xf32>
      %jit3A_2541 = arith.constant 0.000000e+00 : f32
      %broadcast_in_dim3A_2542 = vector.broadcast %jit3A_2541 : f32 to vector<16x32xf32>
      %select_n3A_2543 = arith.select %eq3A_2540, %div3A_1615, %broadcast_in_dim3A_2542 : vector<16x32xi1>, vector<16x32xf32>
      %reduce_sum3A_2544 = arith.constant dense<0.000000e+00> : vector<16xf32>
      %reduce_sum3A_2545 = vector.multi_reduction <add>, %select_n3A_2543, %reduce_sum3A_2544 [1] : vector<16x32xf32> to vector<16xf32>
      %broadcast_in_dim3A_2546 = vector.shape_cast %reduce_sum3A_2545 : vector<16xf32> to vector<16x1xf32>
      %eq3A_2547 = arith.constant 3.100000e+01 : f32
      %eq3A_2548 = vector.broadcast %eq3A_2547 : f32 to vector<16x128xf32>
      %eq3A_2549 = arith.cmpf oeq, %get3A_1588, %eq3A_2548 : vector<16x128xf32>
      %jit3A_2550 = arith.constant 0.000000e+00 : f32
      %broadcast_in_dim3A_2551 = vector.broadcast %jit3A_2550 : f32 to vector<16x128xf32>
      %select_n3A_2552 = arith.select %eq3A_2549, %div3A_1629, %broadcast_in_dim3A_2551 : vector<16x128xi1>, vector<16x128xf32>
      %reduce_sum3A_2553 = arith.constant dense<0.000000e+00> : vector<16xf32>
      %reduce_sum3A_2554 = vector.multi_reduction <add>, %select_n3A_2552, %reduce_sum3A_2553 [1] : vector<16x128xf32> to vector<16xf32>
      %broadcast_in_dim3A_2555 = vector.shape_cast %reduce_sum3A_2554 : vector<16xf32> to vector<16x1xf32>
      %mul3A_2556 = vector.broadcast %broadcast_in_dim3A_2546 : vector<16x1xf32> to vector<16x64xf32>
      %mul3A_2557 = arith.mulf %mul3A_2556, %get3A_2537 : vector<16x64xf32>
      %add3A_2558 = arith.addf %add3A_2529, %mul3A_2557 : vector<16x64xf32>
      %mul3A_2559 = vector.broadcast %broadcast_in_dim3A_2555 : vector<16x1xf32> to vector<16x64xf32>
      %mul3A_2560 = arith.mulf %mul3A_2559, %get3A_2537 : vector<16x64xf32>
      %add3A_2561 = arith.addf %add3A_2532, %mul3A_2560 : vector<16x64xf32>
      %get3A_2562 = arith.constant 32 : index
      %get3A_2563 = arith.constant 0 : index
      %get3A_2564 = arith.constant 0 : index
      %get3A_2565 = vector.load %arg20[%get3A_2562, %get3A_2563, %get3A_2564] : memref<50x16x64xf32, #tpu.memory_space<vmem>>, vector<1x16x64xf32>
      %get3A_2566 = vector.shape_cast %get3A_2565 : vector<1x16x64xf32> to vector<16x64xf32>
      %eq3A_2567 = arith.constant 3.200000e+01 : f32
      %eq3A_2568 = vector.broadcast %eq3A_2567 : f32 to vector<16x32xf32>
      %eq3A_2569 = arith.cmpf oeq, %get3A_1585, %eq3A_2568 : vector<16x32xf32>
      %jit3A_2570 = arith.constant 0.000000e+00 : f32
      %broadcast_in_dim3A_2571 = vector.broadcast %jit3A_2570 : f32 to vector<16x32xf32>
      %select_n3A_2572 = arith.select %eq3A_2569, %div3A_1615, %broadcast_in_dim3A_2571 : vector<16x32xi1>, vector<16x32xf32>
      %reduce_sum3A_2573 = arith.constant dense<0.000000e+00> : vector<16xf32>
      %reduce_sum3A_2574 = vector.multi_reduction <add>, %select_n3A_2572, %reduce_sum3A_2573 [1] : vector<16x32xf32> to vector<16xf32>
      %broadcast_in_dim3A_2575 = vector.shape_cast %reduce_sum3A_2574 : vector<16xf32> to vector<16x1xf32>
      %eq3A_2576 = arith.constant 3.200000e+01 : f32
      %eq3A_2577 = vector.broadcast %eq3A_2576 : f32 to vector<16x128xf32>
      %eq3A_2578 = arith.cmpf oeq, %get3A_1588, %eq3A_2577 : vector<16x128xf32>
      %jit3A_2579 = arith.constant 0.000000e+00 : f32
      %broadcast_in_dim3A_2580 = vector.broadcast %jit3A_2579 : f32 to vector<16x128xf32>
      %select_n3A_2581 = arith.select %eq3A_2578, %div3A_1629, %broadcast_in_dim3A_2580 : vector<16x128xi1>, vector<16x128xf32>
      %reduce_sum3A_2582 = arith.constant dense<0.000000e+00> : vector<16xf32>
      %reduce_sum3A_2583 = vector.multi_reduction <add>, %select_n3A_2581, %reduce_sum3A_2582 [1] : vector<16x128xf32> to vector<16xf32>
      %broadcast_in_dim3A_2584 = vector.shape_cast %reduce_sum3A_2583 : vector<16xf32> to vector<16x1xf32>
      %mul3A_2585 = vector.broadcast %broadcast_in_dim3A_2575 : vector<16x1xf32> to vector<16x64xf32>
      %mul3A_2586 = arith.mulf %mul3A_2585, %get3A_2566 : vector<16x64xf32>
      %add3A_2587 = arith.addf %add3A_2558, %mul3A_2586 : vector<16x64xf32>
      %mul3A_2588 = vector.broadcast %broadcast_in_dim3A_2584 : vector<16x1xf32> to vector<16x64xf32>
      %mul3A_2589 = arith.mulf %mul3A_2588, %get3A_2566 : vector<16x64xf32>
      %add3A_2590 = arith.addf %add3A_2561, %mul3A_2589 : vector<16x64xf32>
      %get3A_2591 = arith.constant 33 : index
      %get3A_2592 = arith.constant 0 : index
      %get3A_2593 = arith.constant 0 : index
      %get3A_2594 = vector.load %arg20[%get3A_2591, %get3A_2592, %get3A_2593] : memref<50x16x64xf32, #tpu.memory_space<vmem>>, vector<1x16x64xf32>
      %get3A_2595 = vector.shape_cast %get3A_2594 : vector<1x16x64xf32> to vector<16x64xf32>
      %eq3A_2596 = arith.constant 3.300000e+01 : f32
      %eq3A_2597 = vector.broadcast %eq3A_2596 : f32 to vector<16x32xf32>
      %eq3A_2598 = arith.cmpf oeq, %get3A_1585, %eq3A_2597 : vector<16x32xf32>
      %jit3A_2599 = arith.constant 0.000000e+00 : f32
      %broadcast_in_dim3A_2600 = vector.broadcast %jit3A_2599 : f32 to vector<16x32xf32>
      %select_n3A_2601 = arith.select %eq3A_2598, %div3A_1615, %broadcast_in_dim3A_2600 : vector<16x32xi1>, vector<16x32xf32>
      %reduce_sum3A_2602 = arith.constant dense<0.000000e+00> : vector<16xf32>
      %reduce_sum3A_2603 = vector.multi_reduction <add>, %select_n3A_2601, %reduce_sum3A_2602 [1] : vector<16x32xf32> to vector<16xf32>
      %broadcast_in_dim3A_2604 = vector.shape_cast %reduce_sum3A_2603 : vector<16xf32> to vector<16x1xf32>
      %eq3A_2605 = arith.constant 3.300000e+01 : f32
      %eq3A_2606 = vector.broadcast %eq3A_2605 : f32 to vector<16x128xf32>
      %eq3A_2607 = arith.cmpf oeq, %get3A_1588, %eq3A_2606 : vector<16x128xf32>
      %jit3A_2608 = arith.constant 0.000000e+00 : f32
      %broadcast_in_dim3A_2609 = vector.broadcast %jit3A_2608 : f32 to vector<16x128xf32>
      %select_n3A_2610 = arith.select %eq3A_2607, %div3A_1629, %broadcast_in_dim3A_2609 : vector<16x128xi1>, vector<16x128xf32>
      %reduce_sum3A_2611 = arith.constant dense<0.000000e+00> : vector<16xf32>
      %reduce_sum3A_2612 = vector.multi_reduction <add>, %select_n3A_2610, %reduce_sum3A_2611 [1] : vector<16x128xf32> to vector<16xf32>
      %broadcast_in_dim3A_2613 = vector.shape_cast %reduce_sum3A_2612 : vector<16xf32> to vector<16x1xf32>
      %mul3A_2614 = vector.broadcast %broadcast_in_dim3A_2604 : vector<16x1xf32> to vector<16x64xf32>
      %mul3A_2615 = arith.mulf %mul3A_2614, %get3A_2595 : vector<16x64xf32>
      %add3A_2616 = arith.addf %add3A_2587, %mul3A_2615 : vector<16x64xf32>
      %mul3A_2617 = vector.broadcast %broadcast_in_dim3A_2613 : vector<16x1xf32> to vector<16x64xf32>
      %mul3A_2618 = arith.mulf %mul3A_2617, %get3A_2595 : vector<16x64xf32>
      %add3A_2619 = arith.addf %add3A_2590, %mul3A_2618 : vector<16x64xf32>
      %get3A_2620 = arith.constant 34 : index
      %get3A_2621 = arith.constant 0 : index
      %get3A_2622 = arith.constant 0 : index
      %get3A_2623 = vector.load %arg20[%get3A_2620, %get3A_2621, %get3A_2622] : memref<50x16x64xf32, #tpu.memory_space<vmem>>, vector<1x16x64xf32>
      %get3A_2624 = vector.shape_cast %get3A_2623 : vector<1x16x64xf32> to vector<16x64xf32>
      %eq3A_2625 = arith.constant 3.400000e+01 : f32
      %eq3A_2626 = vector.broadcast %eq3A_2625 : f32 to vector<16x32xf32>
      %eq3A_2627 = arith.cmpf oeq, %get3A_1585, %eq3A_2626 : vector<16x32xf32>
      %jit3A_2628 = arith.constant 0.000000e+00 : f32
      %broadcast_in_dim3A_2629 = vector.broadcast %jit3A_2628 : f32 to vector<16x32xf32>
      %select_n3A_2630 = arith.select %eq3A_2627, %div3A_1615, %broadcast_in_dim3A_2629 : vector<16x32xi1>, vector<16x32xf32>
      %reduce_sum3A_2631 = arith.constant dense<0.000000e+00> : vector<16xf32>
      %reduce_sum3A_2632 = vector.multi_reduction <add>, %select_n3A_2630, %reduce_sum3A_2631 [1] : vector<16x32xf32> to vector<16xf32>
      %broadcast_in_dim3A_2633 = vector.shape_cast %reduce_sum3A_2632 : vector<16xf32> to vector<16x1xf32>
      %eq3A_2634 = arith.constant 3.400000e+01 : f32
      %eq3A_2635 = vector.broadcast %eq3A_2634 : f32 to vector<16x128xf32>
      %eq3A_2636 = arith.cmpf oeq, %get3A_1588, %eq3A_2635 : vector<16x128xf32>
      %jit3A_2637 = arith.constant 0.000000e+00 : f32
      %broadcast_in_dim3A_2638 = vector.broadcast %jit3A_2637 : f32 to vector<16x128xf32>
      %select_n3A_2639 = arith.select %eq3A_2636, %div3A_1629, %broadcast_in_dim3A_2638 : vector<16x128xi1>, vector<16x128xf32>
      %reduce_sum3A_2640 = arith.constant dense<0.000000e+00> : vector<16xf32>
      %reduce_sum3A_2641 = vector.multi_reduction <add>, %select_n3A_2639, %reduce_sum3A_2640 [1] : vector<16x128xf32> to vector<16xf32>
      %broadcast_in_dim3A_2642 = vector.shape_cast %reduce_sum3A_2641 : vector<16xf32> to vector<16x1xf32>
      %mul3A_2643 = vector.broadcast %broadcast_in_dim3A_2633 : vector<16x1xf32> to vector<16x64xf32>
      %mul3A_2644 = arith.mulf %mul3A_2643, %get3A_2624 : vector<16x64xf32>
      %add3A_2645 = arith.addf %add3A_2616, %mul3A_2644 : vector<16x64xf32>
      %mul3A_2646 = vector.broadcast %broadcast_in_dim3A_2642 : vector<16x1xf32> to vector<16x64xf32>
      %mul3A_2647 = arith.mulf %mul3A_2646, %get3A_2624 : vector<16x64xf32>
      %add3A_2648 = arith.addf %add3A_2619, %mul3A_2647 : vector<16x64xf32>
      %get3A_2649 = arith.constant 35 : index
      %get3A_2650 = arith.constant 0 : index
      %get3A_2651 = arith.constant 0 : index
      %get3A_2652 = vector.load %arg20[%get3A_2649, %get3A_2650, %get3A_2651] : memref<50x16x64xf32, #tpu.memory_space<vmem>>, vector<1x16x64xf32>
      %get3A_2653 = vector.shape_cast %get3A_2652 : vector<1x16x64xf32> to vector<16x64xf32>
      %eq3A_2654 = arith.constant 3.500000e+01 : f32
      %eq3A_2655 = vector.broadcast %eq3A_2654 : f32 to vector<16x32xf32>
      %eq3A_2656 = arith.cmpf oeq, %get3A_1585, %eq3A_2655 : vector<16x32xf32>
      %jit3A_2657 = arith.constant 0.000000e+00 : f32
      %broadcast_in_dim3A_2658 = vector.broadcast %jit3A_2657 : f32 to vector<16x32xf32>
      %select_n3A_2659 = arith.select %eq3A_2656, %div3A_1615, %broadcast_in_dim3A_2658 : vector<16x32xi1>, vector<16x32xf32>
      %reduce_sum3A_2660 = arith.constant dense<0.000000e+00> : vector<16xf32>
      %reduce_sum3A_2661 = vector.multi_reduction <add>, %select_n3A_2659, %reduce_sum3A_2660 [1] : vector<16x32xf32> to vector<16xf32>
      %broadcast_in_dim3A_2662 = vector.shape_cast %reduce_sum3A_2661 : vector<16xf32> to vector<16x1xf32>
      %eq3A_2663 = arith.constant 3.500000e+01 : f32
      %eq3A_2664 = vector.broadcast %eq3A_2663 : f32 to vector<16x128xf32>
      %eq3A_2665 = arith.cmpf oeq, %get3A_1588, %eq3A_2664 : vector<16x128xf32>
      %jit3A_2666 = arith.constant 0.000000e+00 : f32
      %broadcast_in_dim3A_2667 = vector.broadcast %jit3A_2666 : f32 to vector<16x128xf32>
      %select_n3A_2668 = arith.select %eq3A_2665, %div3A_1629, %broadcast_in_dim3A_2667 : vector<16x128xi1>, vector<16x128xf32>
      %reduce_sum3A_2669 = arith.constant dense<0.000000e+00> : vector<16xf32>
      %reduce_sum3A_2670 = vector.multi_reduction <add>, %select_n3A_2668, %reduce_sum3A_2669 [1] : vector<16x128xf32> to vector<16xf32>
      %broadcast_in_dim3A_2671 = vector.shape_cast %reduce_sum3A_2670 : vector<16xf32> to vector<16x1xf32>
      %mul3A_2672 = vector.broadcast %broadcast_in_dim3A_2662 : vector<16x1xf32> to vector<16x64xf32>
      %mul3A_2673 = arith.mulf %mul3A_2672, %get3A_2653 : vector<16x64xf32>
      %add3A_2674 = arith.addf %add3A_2645, %mul3A_2673 : vector<16x64xf32>
      %mul3A_2675 = vector.broadcast %broadcast_in_dim3A_2671 : vector<16x1xf32> to vector<16x64xf32>
      %mul3A_2676 = arith.mulf %mul3A_2675, %get3A_2653 : vector<16x64xf32>
      %add3A_2677 = arith.addf %add3A_2648, %mul3A_2676 : vector<16x64xf32>
      %get3A_2678 = arith.constant 36 : index
      %get3A_2679 = arith.constant 0 : index
      %get3A_2680 = arith.constant 0 : index
      %get3A_2681 = vector.load %arg20[%get3A_2678, %get3A_2679, %get3A_2680] : memref<50x16x64xf32, #tpu.memory_space<vmem>>, vector<1x16x64xf32>
      %get3A_2682 = vector.shape_cast %get3A_2681 : vector<1x16x64xf32> to vector<16x64xf32>
      %eq3A_2683 = arith.constant 3.600000e+01 : f32
      %eq3A_2684 = vector.broadcast %eq3A_2683 : f32 to vector<16x32xf32>
      %eq3A_2685 = arith.cmpf oeq, %get3A_1585, %eq3A_2684 : vector<16x32xf32>
      %jit3A_2686 = arith.constant 0.000000e+00 : f32
      %broadcast_in_dim3A_2687 = vector.broadcast %jit3A_2686 : f32 to vector<16x32xf32>
      %select_n3A_2688 = arith.select %eq3A_2685, %div3A_1615, %broadcast_in_dim3A_2687 : vector<16x32xi1>, vector<16x32xf32>
      %reduce_sum3A_2689 = arith.constant dense<0.000000e+00> : vector<16xf32>
      %reduce_sum3A_2690 = vector.multi_reduction <add>, %select_n3A_2688, %reduce_sum3A_2689 [1] : vector<16x32xf32> to vector<16xf32>
      %broadcast_in_dim3A_2691 = vector.shape_cast %reduce_sum3A_2690 : vector<16xf32> to vector<16x1xf32>
      %eq3A_2692 = arith.constant 3.600000e+01 : f32
      %eq3A_2693 = vector.broadcast %eq3A_2692 : f32 to vector<16x128xf32>
      %eq3A_2694 = arith.cmpf oeq, %get3A_1588, %eq3A_2693 : vector<16x128xf32>
      %jit3A_2695 = arith.constant 0.000000e+00 : f32
      %broadcast_in_dim3A_2696 = vector.broadcast %jit3A_2695 : f32 to vector<16x128xf32>
      %select_n3A_2697 = arith.select %eq3A_2694, %div3A_1629, %broadcast_in_dim3A_2696 : vector<16x128xi1>, vector<16x128xf32>
      %reduce_sum3A_2698 = arith.constant dense<0.000000e+00> : vector<16xf32>
      %reduce_sum3A_2699 = vector.multi_reduction <add>, %select_n3A_2697, %reduce_sum3A_2698 [1] : vector<16x128xf32> to vector<16xf32>
      %broadcast_in_dim3A_2700 = vector.shape_cast %reduce_sum3A_2699 : vector<16xf32> to vector<16x1xf32>
      %mul3A_2701 = vector.broadcast %broadcast_in_dim3A_2691 : vector<16x1xf32> to vector<16x64xf32>
      %mul3A_2702 = arith.mulf %mul3A_2701, %get3A_2682 : vector<16x64xf32>
      %add3A_2703 = arith.addf %add3A_2674, %mul3A_2702 : vector<16x64xf32>
      %mul3A_2704 = vector.broadcast %broadcast_in_dim3A_2700 : vector<16x1xf32> to vector<16x64xf32>
      %mul3A_2705 = arith.mulf %mul3A_2704, %get3A_2682 : vector<16x64xf32>
      %add3A_2706 = arith.addf %add3A_2677, %mul3A_2705 : vector<16x64xf32>
      %get3A_2707 = arith.constant 37 : index
      %get3A_2708 = arith.constant 0 : index
      %get3A_2709 = arith.constant 0 : index
      %get3A_2710 = vector.load %arg20[%get3A_2707, %get3A_2708, %get3A_2709] : memref<50x16x64xf32, #tpu.memory_space<vmem>>, vector<1x16x64xf32>
      %get3A_2711 = vector.shape_cast %get3A_2710 : vector<1x16x64xf32> to vector<16x64xf32>
      %eq3A_2712 = arith.constant 3.700000e+01 : f32
      %eq3A_2713 = vector.broadcast %eq3A_2712 : f32 to vector<16x32xf32>
      %eq3A_2714 = arith.cmpf oeq, %get3A_1585, %eq3A_2713 : vector<16x32xf32>
      %jit3A_2715 = arith.constant 0.000000e+00 : f32
      %broadcast_in_dim3A_2716 = vector.broadcast %jit3A_2715 : f32 to vector<16x32xf32>
      %select_n3A_2717 = arith.select %eq3A_2714, %div3A_1615, %broadcast_in_dim3A_2716 : vector<16x32xi1>, vector<16x32xf32>
      %reduce_sum3A_2718 = arith.constant dense<0.000000e+00> : vector<16xf32>
      %reduce_sum3A_2719 = vector.multi_reduction <add>, %select_n3A_2717, %reduce_sum3A_2718 [1] : vector<16x32xf32> to vector<16xf32>
      %broadcast_in_dim3A_2720 = vector.shape_cast %reduce_sum3A_2719 : vector<16xf32> to vector<16x1xf32>
      %eq3A_2721 = arith.constant 3.700000e+01 : f32
      %eq3A_2722 = vector.broadcast %eq3A_2721 : f32 to vector<16x128xf32>
      %eq3A_2723 = arith.cmpf oeq, %get3A_1588, %eq3A_2722 : vector<16x128xf32>
      %jit3A_2724 = arith.constant 0.000000e+00 : f32
      %broadcast_in_dim3A_2725 = vector.broadcast %jit3A_2724 : f32 to vector<16x128xf32>
      %select_n3A_2726 = arith.select %eq3A_2723, %div3A_1629, %broadcast_in_dim3A_2725 : vector<16x128xi1>, vector<16x128xf32>
      %reduce_sum3A_2727 = arith.constant dense<0.000000e+00> : vector<16xf32>
      %reduce_sum3A_2728 = vector.multi_reduction <add>, %select_n3A_2726, %reduce_sum3A_2727 [1] : vector<16x128xf32> to vector<16xf32>
      %broadcast_in_dim3A_2729 = vector.shape_cast %reduce_sum3A_2728 : vector<16xf32> to vector<16x1xf32>
      %mul3A_2730 = vector.broadcast %broadcast_in_dim3A_2720 : vector<16x1xf32> to vector<16x64xf32>
      %mul3A_2731 = arith.mulf %mul3A_2730, %get3A_2711 : vector<16x64xf32>
      %add3A_2732 = arith.addf %add3A_2703, %mul3A_2731 : vector<16x64xf32>
      %mul3A_2733 = vector.broadcast %broadcast_in_dim3A_2729 : vector<16x1xf32> to vector<16x64xf32>
      %mul3A_2734 = arith.mulf %mul3A_2733, %get3A_2711 : vector<16x64xf32>
      %add3A_2735 = arith.addf %add3A_2706, %mul3A_2734 : vector<16x64xf32>
      %get3A_2736 = arith.constant 38 : index
      %get3A_2737 = arith.constant 0 : index
      %get3A_2738 = arith.constant 0 : index
      %get3A_2739 = vector.load %arg20[%get3A_2736, %get3A_2737, %get3A_2738] : memref<50x16x64xf32, #tpu.memory_space<vmem>>, vector<1x16x64xf32>
      %get3A_2740 = vector.shape_cast %get3A_2739 : vector<1x16x64xf32> to vector<16x64xf32>
      %eq3A_2741 = arith.constant 3.800000e+01 : f32
      %eq3A_2742 = vector.broadcast %eq3A_2741 : f32 to vector<16x32xf32>
      %eq3A_2743 = arith.cmpf oeq, %get3A_1585, %eq3A_2742 : vector<16x32xf32>
      %jit3A_2744 = arith.constant 0.000000e+00 : f32
      %broadcast_in_dim3A_2745 = vector.broadcast %jit3A_2744 : f32 to vector<16x32xf32>
      %select_n3A_2746 = arith.select %eq3A_2743, %div3A_1615, %broadcast_in_dim3A_2745 : vector<16x32xi1>, vector<16x32xf32>
      %reduce_sum3A_2747 = arith.constant dense<0.000000e+00> : vector<16xf32>
      %reduce_sum3A_2748 = vector.multi_reduction <add>, %select_n3A_2746, %reduce_sum3A_2747 [1] : vector<16x32xf32> to vector<16xf32>
      %broadcast_in_dim3A_2749 = vector.shape_cast %reduce_sum3A_2748 : vector<16xf32> to vector<16x1xf32>
      %eq3A_2750 = arith.constant 3.800000e+01 : f32
      %eq3A_2751 = vector.broadcast %eq3A_2750 : f32 to vector<16x128xf32>
      %eq3A_2752 = arith.cmpf oeq, %get3A_1588, %eq3A_2751 : vector<16x128xf32>
      %jit3A_2753 = arith.constant 0.000000e+00 : f32
      %broadcast_in_dim3A_2754 = vector.broadcast %jit3A_2753 : f32 to vector<16x128xf32>
      %select_n3A_2755 = arith.select %eq3A_2752, %div3A_1629, %broadcast_in_dim3A_2754 : vector<16x128xi1>, vector<16x128xf32>
      %reduce_sum3A_2756 = arith.constant dense<0.000000e+00> : vector<16xf32>
      %reduce_sum3A_2757 = vector.multi_reduction <add>, %select_n3A_2755, %reduce_sum3A_2756 [1] : vector<16x128xf32> to vector<16xf32>
      %broadcast_in_dim3A_2758 = vector.shape_cast %reduce_sum3A_2757 : vector<16xf32> to vector<16x1xf32>
      %mul3A_2759 = vector.broadcast %broadcast_in_dim3A_2749 : vector<16x1xf32> to vector<16x64xf32>
      %mul3A_2760 = arith.mulf %mul3A_2759, %get3A_2740 : vector<16x64xf32>
      %add3A_2761 = arith.addf %add3A_2732, %mul3A_2760 : vector<16x64xf32>
      %mul3A_2762 = vector.broadcast %broadcast_in_dim3A_2758 : vector<16x1xf32> to vector<16x64xf32>
      %mul3A_2763 = arith.mulf %mul3A_2762, %get3A_2740 : vector<16x64xf32>
      %add3A_2764 = arith.addf %add3A_2735, %mul3A_2763 : vector<16x64xf32>
      %get3A_2765 = arith.constant 39 : index
      %get3A_2766 = arith.constant 0 : index
      %get3A_2767 = arith.constant 0 : index
      %get3A_2768 = vector.load %arg20[%get3A_2765, %get3A_2766, %get3A_2767] : memref<50x16x64xf32, #tpu.memory_space<vmem>>, vector<1x16x64xf32>
      %get3A_2769 = vector.shape_cast %get3A_2768 : vector<1x16x64xf32> to vector<16x64xf32>
      %eq3A_2770 = arith.constant 3.900000e+01 : f32
      %eq3A_2771 = vector.broadcast %eq3A_2770 : f32 to vector<16x32xf32>
      %eq3A_2772 = arith.cmpf oeq, %get3A_1585, %eq3A_2771 : vector<16x32xf32>
      %jit3A_2773 = arith.constant 0.000000e+00 : f32
      %broadcast_in_dim3A_2774 = vector.broadcast %jit3A_2773 : f32 to vector<16x32xf32>
      %select_n3A_2775 = arith.select %eq3A_2772, %div3A_1615, %broadcast_in_dim3A_2774 : vector<16x32xi1>, vector<16x32xf32>
      %reduce_sum3A_2776 = arith.constant dense<0.000000e+00> : vector<16xf32>
      %reduce_sum3A_2777 = vector.multi_reduction <add>, %select_n3A_2775, %reduce_sum3A_2776 [1] : vector<16x32xf32> to vector<16xf32>
      %broadcast_in_dim3A_2778 = vector.shape_cast %reduce_sum3A_2777 : vector<16xf32> to vector<16x1xf32>
      %eq3A_2779 = arith.constant 3.900000e+01 : f32
      %eq3A_2780 = vector.broadcast %eq3A_2779 : f32 to vector<16x128xf32>
      %eq3A_2781 = arith.cmpf oeq, %get3A_1588, %eq3A_2780 : vector<16x128xf32>
      %jit3A_2782 = arith.constant 0.000000e+00 : f32
      %broadcast_in_dim3A_2783 = vector.broadcast %jit3A_2782 : f32 to vector<16x128xf32>
      %select_n3A_2784 = arith.select %eq3A_2781, %div3A_1629, %broadcast_in_dim3A_2783 : vector<16x128xi1>, vector<16x128xf32>
      %reduce_sum3A_2785 = arith.constant dense<0.000000e+00> : vector<16xf32>
      %reduce_sum3A_2786 = vector.multi_reduction <add>, %select_n3A_2784, %reduce_sum3A_2785 [1] : vector<16x128xf32> to vector<16xf32>
      %broadcast_in_dim3A_2787 = vector.shape_cast %reduce_sum3A_2786 : vector<16xf32> to vector<16x1xf32>
      %mul3A_2788 = vector.broadcast %broadcast_in_dim3A_2778 : vector<16x1xf32> to vector<16x64xf32>
      %mul3A_2789 = arith.mulf %mul3A_2788, %get3A_2769 : vector<16x64xf32>
      %add3A_2790 = arith.addf %add3A_2761, %mul3A_2789 : vector<16x64xf32>
      %mul3A_2791 = vector.broadcast %broadcast_in_dim3A_2787 : vector<16x1xf32> to vector<16x64xf32>
      %mul3A_2792 = arith.mulf %mul3A_2791, %get3A_2769 : vector<16x64xf32>
      %add3A_2793 = arith.addf %add3A_2764, %mul3A_2792 : vector<16x64xf32>
      %get3A_2794 = arith.constant 40 : index
      %get3A_2795 = arith.constant 0 : index
      %get3A_2796 = arith.constant 0 : index
      %get3A_2797 = vector.load %arg20[%get3A_2794, %get3A_2795, %get3A_2796] : memref<50x16x64xf32, #tpu.memory_space<vmem>>, vector<1x16x64xf32>
      %get3A_2798 = vector.shape_cast %get3A_2797 : vector<1x16x64xf32> to vector<16x64xf32>
      %eq3A_2799 = arith.constant 4.000000e+01 : f32
      %eq3A_2800 = vector.broadcast %eq3A_2799 : f32 to vector<16x32xf32>
      %eq3A_2801 = arith.cmpf oeq, %get3A_1585, %eq3A_2800 : vector<16x32xf32>
      %jit3A_2802 = arith.constant 0.000000e+00 : f32
      %broadcast_in_dim3A_2803 = vector.broadcast %jit3A_2802 : f32 to vector<16x32xf32>
      %select_n3A_2804 = arith.select %eq3A_2801, %div3A_1615, %broadcast_in_dim3A_2803 : vector<16x32xi1>, vector<16x32xf32>
      %reduce_sum3A_2805 = arith.constant dense<0.000000e+00> : vector<16xf32>
      %reduce_sum3A_2806 = vector.multi_reduction <add>, %select_n3A_2804, %reduce_sum3A_2805 [1] : vector<16x32xf32> to vector<16xf32>
      %broadcast_in_dim3A_2807 = vector.shape_cast %reduce_sum3A_2806 : vector<16xf32> to vector<16x1xf32>
      %eq3A_2808 = arith.constant 4.000000e+01 : f32
      %eq3A_2809 = vector.broadcast %eq3A_2808 : f32 to vector<16x128xf32>
      %eq3A_2810 = arith.cmpf oeq, %get3A_1588, %eq3A_2809 : vector<16x128xf32>
      %jit3A_2811 = arith.constant 0.000000e+00 : f32
      %broadcast_in_dim3A_2812 = vector.broadcast %jit3A_2811 : f32 to vector<16x128xf32>
      %select_n3A_2813 = arith.select %eq3A_2810, %div3A_1629, %broadcast_in_dim3A_2812 : vector<16x128xi1>, vector<16x128xf32>
      %reduce_sum3A_2814 = arith.constant dense<0.000000e+00> : vector<16xf32>
      %reduce_sum3A_2815 = vector.multi_reduction <add>, %select_n3A_2813, %reduce_sum3A_2814 [1] : vector<16x128xf32> to vector<16xf32>
      %broadcast_in_dim3A_2816 = vector.shape_cast %reduce_sum3A_2815 : vector<16xf32> to vector<16x1xf32>
      %mul3A_2817 = vector.broadcast %broadcast_in_dim3A_2807 : vector<16x1xf32> to vector<16x64xf32>
      %mul3A_2818 = arith.mulf %mul3A_2817, %get3A_2798 : vector<16x64xf32>
      %add3A_2819 = arith.addf %add3A_2790, %mul3A_2818 : vector<16x64xf32>
      %mul3A_2820 = vector.broadcast %broadcast_in_dim3A_2816 : vector<16x1xf32> to vector<16x64xf32>
      %mul3A_2821 = arith.mulf %mul3A_2820, %get3A_2798 : vector<16x64xf32>
      %add3A_2822 = arith.addf %add3A_2793, %mul3A_2821 : vector<16x64xf32>
      %get3A_2823 = arith.constant 41 : index
      %get3A_2824 = arith.constant 0 : index
      %get3A_2825 = arith.constant 0 : index
      %get3A_2826 = vector.load %arg20[%get3A_2823, %get3A_2824, %get3A_2825] : memref<50x16x64xf32, #tpu.memory_space<vmem>>, vector<1x16x64xf32>
      %get3A_2827 = vector.shape_cast %get3A_2826 : vector<1x16x64xf32> to vector<16x64xf32>
      %eq3A_2828 = arith.constant 4.100000e+01 : f32
      %eq3A_2829 = vector.broadcast %eq3A_2828 : f32 to vector<16x32xf32>
      %eq3A_2830 = arith.cmpf oeq, %get3A_1585, %eq3A_2829 : vector<16x32xf32>
      %jit3A_2831 = arith.constant 0.000000e+00 : f32
      %broadcast_in_dim3A_2832 = vector.broadcast %jit3A_2831 : f32 to vector<16x32xf32>
      %select_n3A_2833 = arith.select %eq3A_2830, %div3A_1615, %broadcast_in_dim3A_2832 : vector<16x32xi1>, vector<16x32xf32>
      %reduce_sum3A_2834 = arith.constant dense<0.000000e+00> : vector<16xf32>
      %reduce_sum3A_2835 = vector.multi_reduction <add>, %select_n3A_2833, %reduce_sum3A_2834 [1] : vector<16x32xf32> to vector<16xf32>
      %broadcast_in_dim3A_2836 = vector.shape_cast %reduce_sum3A_2835 : vector<16xf32> to vector<16x1xf32>
      %eq3A_2837 = arith.constant 4.100000e+01 : f32
      %eq3A_2838 = vector.broadcast %eq3A_2837 : f32 to vector<16x128xf32>
      %eq3A_2839 = arith.cmpf oeq, %get3A_1588, %eq3A_2838 : vector<16x128xf32>
      %jit3A_2840 = arith.constant 0.000000e+00 : f32
      %broadcast_in_dim3A_2841 = vector.broadcast %jit3A_2840 : f32 to vector<16x128xf32>
      %select_n3A_2842 = arith.select %eq3A_2839, %div3A_1629, %broadcast_in_dim3A_2841 : vector<16x128xi1>, vector<16x128xf32>
      %reduce_sum3A_2843 = arith.constant dense<0.000000e+00> : vector<16xf32>
      %reduce_sum3A_2844 = vector.multi_reduction <add>, %select_n3A_2842, %reduce_sum3A_2843 [1] : vector<16x128xf32> to vector<16xf32>
      %broadcast_in_dim3A_2845 = vector.shape_cast %reduce_sum3A_2844 : vector<16xf32> to vector<16x1xf32>
      %mul3A_2846 = vector.broadcast %broadcast_in_dim3A_2836 : vector<16x1xf32> to vector<16x64xf32>
      %mul3A_2847 = arith.mulf %mul3A_2846, %get3A_2827 : vector<16x64xf32>
      %add3A_2848 = arith.addf %add3A_2819, %mul3A_2847 : vector<16x64xf32>
      %mul3A_2849 = vector.broadcast %broadcast_in_dim3A_2845 : vector<16x1xf32> to vector<16x64xf32>
      %mul3A_2850 = arith.mulf %mul3A_2849, %get3A_2827 : vector<16x64xf32>
      %add3A_2851 = arith.addf %add3A_2822, %mul3A_2850 : vector<16x64xf32>
      %get3A_2852 = arith.constant 42 : index
      %get3A_2853 = arith.constant 0 : index
      %get3A_2854 = arith.constant 0 : index
      %get3A_2855 = vector.load %arg20[%get3A_2852, %get3A_2853, %get3A_2854] : memref<50x16x64xf32, #tpu.memory_space<vmem>>, vector<1x16x64xf32>
      %get3A_2856 = vector.shape_cast %get3A_2855 : vector<1x16x64xf32> to vector<16x64xf32>
      %eq3A_2857 = arith.constant 4.200000e+01 : f32
      %eq3A_2858 = vector.broadcast %eq3A_2857 : f32 to vector<16x32xf32>
      %eq3A_2859 = arith.cmpf oeq, %get3A_1585, %eq3A_2858 : vector<16x32xf32>
      %jit3A_2860 = arith.constant 0.000000e+00 : f32
      %broadcast_in_dim3A_2861 = vector.broadcast %jit3A_2860 : f32 to vector<16x32xf32>
      %select_n3A_2862 = arith.select %eq3A_2859, %div3A_1615, %broadcast_in_dim3A_2861 : vector<16x32xi1>, vector<16x32xf32>
      %reduce_sum3A_2863 = arith.constant dense<0.000000e+00> : vector<16xf32>
      %reduce_sum3A_2864 = vector.multi_reduction <add>, %select_n3A_2862, %reduce_sum3A_2863 [1] : vector<16x32xf32> to vector<16xf32>
      %broadcast_in_dim3A_2865 = vector.shape_cast %reduce_sum3A_2864 : vector<16xf32> to vector<16x1xf32>
      %eq3A_2866 = arith.constant 4.200000e+01 : f32
      %eq3A_2867 = vector.broadcast %eq3A_2866 : f32 to vector<16x128xf32>
      %eq3A_2868 = arith.cmpf oeq, %get3A_1588, %eq3A_2867 : vector<16x128xf32>
      %jit3A_2869 = arith.constant 0.000000e+00 : f32
      %broadcast_in_dim3A_2870 = vector.broadcast %jit3A_2869 : f32 to vector<16x128xf32>
      %select_n3A_2871 = arith.select %eq3A_2868, %div3A_1629, %broadcast_in_dim3A_2870 : vector<16x128xi1>, vector<16x128xf32>
      %reduce_sum3A_2872 = arith.constant dense<0.000000e+00> : vector<16xf32>
      %reduce_sum3A_2873 = vector.multi_reduction <add>, %select_n3A_2871, %reduce_sum3A_2872 [1] : vector<16x128xf32> to vector<16xf32>
      %broadcast_in_dim3A_2874 = vector.shape_cast %reduce_sum3A_2873 : vector<16xf32> to vector<16x1xf32>
      %mul3A_2875 = vector.broadcast %broadcast_in_dim3A_2865 : vector<16x1xf32> to vector<16x64xf32>
      %mul3A_2876 = arith.mulf %mul3A_2875, %get3A_2856 : vector<16x64xf32>
      %add3A_2877 = arith.addf %add3A_2848, %mul3A_2876 : vector<16x64xf32>
      %mul3A_2878 = vector.broadcast %broadcast_in_dim3A_2874 : vector<16x1xf32> to vector<16x64xf32>
      %mul3A_2879 = arith.mulf %mul3A_2878, %get3A_2856 : vector<16x64xf32>
      %add3A_2880 = arith.addf %add3A_2851, %mul3A_2879 : vector<16x64xf32>
      %get3A_2881 = arith.constant 43 : index
      %get3A_2882 = arith.constant 0 : index
      %get3A_2883 = arith.constant 0 : index
      %get3A_2884 = vector.load %arg20[%get3A_2881, %get3A_2882, %get3A_2883] : memref<50x16x64xf32, #tpu.memory_space<vmem>>, vector<1x16x64xf32>
      %get3A_2885 = vector.shape_cast %get3A_2884 : vector<1x16x64xf32> to vector<16x64xf32>
      %eq3A_2886 = arith.constant 4.300000e+01 : f32
      %eq3A_2887 = vector.broadcast %eq3A_2886 : f32 to vector<16x32xf32>
      %eq3A_2888 = arith.cmpf oeq, %get3A_1585, %eq3A_2887 : vector<16x32xf32>
      %jit3A_2889 = arith.constant 0.000000e+00 : f32
      %broadcast_in_dim3A_2890 = vector.broadcast %jit3A_2889 : f32 to vector<16x32xf32>
      %select_n3A_2891 = arith.select %eq3A_2888, %div3A_1615, %broadcast_in_dim3A_2890 : vector<16x32xi1>, vector<16x32xf32>
      %reduce_sum3A_2892 = arith.constant dense<0.000000e+00> : vector<16xf32>
      %reduce_sum3A_2893 = vector.multi_reduction <add>, %select_n3A_2891, %reduce_sum3A_2892 [1] : vector<16x32xf32> to vector<16xf32>
      %broadcast_in_dim3A_2894 = vector.shape_cast %reduce_sum3A_2893 : vector<16xf32> to vector<16x1xf32>
      %eq3A_2895 = arith.constant 4.300000e+01 : f32
      %eq3A_2896 = vector.broadcast %eq3A_2895 : f32 to vector<16x128xf32>
      %eq3A_2897 = arith.cmpf oeq, %get3A_1588, %eq3A_2896 : vector<16x128xf32>
      %jit3A_2898 = arith.constant 0.000000e+00 : f32
      %broadcast_in_dim3A_2899 = vector.broadcast %jit3A_2898 : f32 to vector<16x128xf32>
      %select_n3A_2900 = arith.select %eq3A_2897, %div3A_1629, %broadcast_in_dim3A_2899 : vector<16x128xi1>, vector<16x128xf32>
      %reduce_sum3A_2901 = arith.constant dense<0.000000e+00> : vector<16xf32>
      %reduce_sum3A_2902 = vector.multi_reduction <add>, %select_n3A_2900, %reduce_sum3A_2901 [1] : vector<16x128xf32> to vector<16xf32>
      %broadcast_in_dim3A_2903 = vector.shape_cast %reduce_sum3A_2902 : vector<16xf32> to vector<16x1xf32>
      %mul3A_2904 = vector.broadcast %broadcast_in_dim3A_2894 : vector<16x1xf32> to vector<16x64xf32>
      %mul3A_2905 = arith.mulf %mul3A_2904, %get3A_2885 : vector<16x64xf32>
      %add3A_2906 = arith.addf %add3A_2877, %mul3A_2905 : vector<16x64xf32>
      %mul3A_2907 = vector.broadcast %broadcast_in_dim3A_2903 : vector<16x1xf32> to vector<16x64xf32>
      %mul3A_2908 = arith.mulf %mul3A_2907, %get3A_2885 : vector<16x64xf32>
      %add3A_2909 = arith.addf %add3A_2880, %mul3A_2908 : vector<16x64xf32>
      %get3A_2910 = arith.constant 44 : index
      %get3A_2911 = arith.constant 0 : index
      %get3A_2912 = arith.constant 0 : index
      %get3A_2913 = vector.load %arg20[%get3A_2910, %get3A_2911, %get3A_2912] : memref<50x16x64xf32, #tpu.memory_space<vmem>>, vector<1x16x64xf32>
      %get3A_2914 = vector.shape_cast %get3A_2913 : vector<1x16x64xf32> to vector<16x64xf32>
      %eq3A_2915 = arith.constant 4.400000e+01 : f32
      %eq3A_2916 = vector.broadcast %eq3A_2915 : f32 to vector<16x32xf32>
      %eq3A_2917 = arith.cmpf oeq, %get3A_1585, %eq3A_2916 : vector<16x32xf32>
      %jit3A_2918 = arith.constant 0.000000e+00 : f32
      %broadcast_in_dim3A_2919 = vector.broadcast %jit3A_2918 : f32 to vector<16x32xf32>
      %select_n3A_2920 = arith.select %eq3A_2917, %div3A_1615, %broadcast_in_dim3A_2919 : vector<16x32xi1>, vector<16x32xf32>
      %reduce_sum3A_2921 = arith.constant dense<0.000000e+00> : vector<16xf32>
      %reduce_sum3A_2922 = vector.multi_reduction <add>, %select_n3A_2920, %reduce_sum3A_2921 [1] : vector<16x32xf32> to vector<16xf32>
      %broadcast_in_dim3A_2923 = vector.shape_cast %reduce_sum3A_2922 : vector<16xf32> to vector<16x1xf32>
      %eq3A_2924 = arith.constant 4.400000e+01 : f32
      %eq3A_2925 = vector.broadcast %eq3A_2924 : f32 to vector<16x128xf32>
      %eq3A_2926 = arith.cmpf oeq, %get3A_1588, %eq3A_2925 : vector<16x128xf32>
      %jit3A_2927 = arith.constant 0.000000e+00 : f32
      %broadcast_in_dim3A_2928 = vector.broadcast %jit3A_2927 : f32 to vector<16x128xf32>
      %select_n3A_2929 = arith.select %eq3A_2926, %div3A_1629, %broadcast_in_dim3A_2928 : vector<16x128xi1>, vector<16x128xf32>
      %reduce_sum3A_2930 = arith.constant dense<0.000000e+00> : vector<16xf32>
      %reduce_sum3A_2931 = vector.multi_reduction <add>, %select_n3A_2929, %reduce_sum3A_2930 [1] : vector<16x128xf32> to vector<16xf32>
      %broadcast_in_dim3A_2932 = vector.shape_cast %reduce_sum3A_2931 : vector<16xf32> to vector<16x1xf32>
      %mul3A_2933 = vector.broadcast %broadcast_in_dim3A_2923 : vector<16x1xf32> to vector<16x64xf32>
      %mul3A_2934 = arith.mulf %mul3A_2933, %get3A_2914 : vector<16x64xf32>
      %add3A_2935 = arith.addf %add3A_2906, %mul3A_2934 : vector<16x64xf32>
      %mul3A_2936 = vector.broadcast %broadcast_in_dim3A_2932 : vector<16x1xf32> to vector<16x64xf32>
      %mul3A_2937 = arith.mulf %mul3A_2936, %get3A_2914 : vector<16x64xf32>
      %add3A_2938 = arith.addf %add3A_2909, %mul3A_2937 : vector<16x64xf32>
      %get3A_2939 = arith.constant 45 : index
      %get3A_2940 = arith.constant 0 : index
      %get3A_2941 = arith.constant 0 : index
      %get3A_2942 = vector.load %arg20[%get3A_2939, %get3A_2940, %get3A_2941] : memref<50x16x64xf32, #tpu.memory_space<vmem>>, vector<1x16x64xf32>
      %get3A_2943 = vector.shape_cast %get3A_2942 : vector<1x16x64xf32> to vector<16x64xf32>
      %eq3A_2944 = arith.constant 4.500000e+01 : f32
      %eq3A_2945 = vector.broadcast %eq3A_2944 : f32 to vector<16x32xf32>
      %eq3A_2946 = arith.cmpf oeq, %get3A_1585, %eq3A_2945 : vector<16x32xf32>
      %jit3A_2947 = arith.constant 0.000000e+00 : f32
      %broadcast_in_dim3A_2948 = vector.broadcast %jit3A_2947 : f32 to vector<16x32xf32>
      %select_n3A_2949 = arith.select %eq3A_2946, %div3A_1615, %broadcast_in_dim3A_2948 : vector<16x32xi1>, vector<16x32xf32>
      %reduce_sum3A_2950 = arith.constant dense<0.000000e+00> : vector<16xf32>
      %reduce_sum3A_2951 = vector.multi_reduction <add>, %select_n3A_2949, %reduce_sum3A_2950 [1] : vector<16x32xf32> to vector<16xf32>
      %broadcast_in_dim3A_2952 = vector.shape_cast %reduce_sum3A_2951 : vector<16xf32> to vector<16x1xf32>
      %eq3A_2953 = arith.constant 4.500000e+01 : f32
      %eq3A_2954 = vector.broadcast %eq3A_2953 : f32 to vector<16x128xf32>
      %eq3A_2955 = arith.cmpf oeq, %get3A_1588, %eq3A_2954 : vector<16x128xf32>
      %jit3A_2956 = arith.constant 0.000000e+00 : f32
      %broadcast_in_dim3A_2957 = vector.broadcast %jit3A_2956 : f32 to vector<16x128xf32>
      %select_n3A_2958 = arith.select %eq3A_2955, %div3A_1629, %broadcast_in_dim3A_2957 : vector<16x128xi1>, vector<16x128xf32>
      %reduce_sum3A_2959 = arith.constant dense<0.000000e+00> : vector<16xf32>
      %reduce_sum3A_2960 = vector.multi_reduction <add>, %select_n3A_2958, %reduce_sum3A_2959 [1] : vector<16x128xf32> to vector<16xf32>
      %broadcast_in_dim3A_2961 = vector.shape_cast %reduce_sum3A_2960 : vector<16xf32> to vector<16x1xf32>
      %mul3A_2962 = vector.broadcast %broadcast_in_dim3A_2952 : vector<16x1xf32> to vector<16x64xf32>
      %mul3A_2963 = arith.mulf %mul3A_2962, %get3A_2943 : vector<16x64xf32>
      %add3A_2964 = arith.addf %add3A_2935, %mul3A_2963 : vector<16x64xf32>
      %mul3A_2965 = vector.broadcast %broadcast_in_dim3A_2961 : vector<16x1xf32> to vector<16x64xf32>
      %mul3A_2966 = arith.mulf %mul3A_2965, %get3A_2943 : vector<16x64xf32>
      %add3A_2967 = arith.addf %add3A_2938, %mul3A_2966 : vector<16x64xf32>
      %get3A_2968 = arith.constant 46 : index
      %get3A_2969 = arith.constant 0 : index
      %get3A_2970 = arith.constant 0 : index
      %get3A_2971 = vector.load %arg20[%get3A_2968, %get3A_2969, %get3A_2970] : memref<50x16x64xf32, #tpu.memory_space<vmem>>, vector<1x16x64xf32>
      %get3A_2972 = vector.shape_cast %get3A_2971 : vector<1x16x64xf32> to vector<16x64xf32>
      %eq3A_2973 = arith.constant 4.600000e+01 : f32
      %eq3A_2974 = vector.broadcast %eq3A_2973 : f32 to vector<16x32xf32>
      %eq3A_2975 = arith.cmpf oeq, %get3A_1585, %eq3A_2974 : vector<16x32xf32>
      %jit3A_2976 = arith.constant 0.000000e+00 : f32
      %broadcast_in_dim3A_2977 = vector.broadcast %jit3A_2976 : f32 to vector<16x32xf32>
      %select_n3A_2978 = arith.select %eq3A_2975, %div3A_1615, %broadcast_in_dim3A_2977 : vector<16x32xi1>, vector<16x32xf32>
      %reduce_sum3A_2979 = arith.constant dense<0.000000e+00> : vector<16xf32>
      %reduce_sum3A_2980 = vector.multi_reduction <add>, %select_n3A_2978, %reduce_sum3A_2979 [1] : vector<16x32xf32> to vector<16xf32>
      %broadcast_in_dim3A_2981 = vector.shape_cast %reduce_sum3A_2980 : vector<16xf32> to vector<16x1xf32>
      %eq3A_2982 = arith.constant 4.600000e+01 : f32
      %eq3A_2983 = vector.broadcast %eq3A_2982 : f32 to vector<16x128xf32>
      %eq3A_2984 = arith.cmpf oeq, %get3A_1588, %eq3A_2983 : vector<16x128xf32>
      %jit3A_2985 = arith.constant 0.000000e+00 : f32
      %broadcast_in_dim3A_2986 = vector.broadcast %jit3A_2985 : f32 to vector<16x128xf32>
      %select_n3A_2987 = arith.select %eq3A_2984, %div3A_1629, %broadcast_in_dim3A_2986 : vector<16x128xi1>, vector<16x128xf32>
      %reduce_sum3A_2988 = arith.constant dense<0.000000e+00> : vector<16xf32>
      %reduce_sum3A_2989 = vector.multi_reduction <add>, %select_n3A_2987, %reduce_sum3A_2988 [1] : vector<16x128xf32> to vector<16xf32>
      %broadcast_in_dim3A_2990 = vector.shape_cast %reduce_sum3A_2989 : vector<16xf32> to vector<16x1xf32>
      %mul3A_2991 = vector.broadcast %broadcast_in_dim3A_2981 : vector<16x1xf32> to vector<16x64xf32>
      %mul3A_2992 = arith.mulf %mul3A_2991, %get3A_2972 : vector<16x64xf32>
      %add3A_2993 = arith.addf %add3A_2964, %mul3A_2992 : vector<16x64xf32>
      %mul3A_2994 = vector.broadcast %broadcast_in_dim3A_2990 : vector<16x1xf32> to vector<16x64xf32>
      %mul3A_2995 = arith.mulf %mul3A_2994, %get3A_2972 : vector<16x64xf32>
      %add3A_2996 = arith.addf %add3A_2967, %mul3A_2995 : vector<16x64xf32>
      %concatenate3A_2997 = tpu.concatenate %add3A_2993, %add3A_2996 in 1 : vector<16x64xf32>, vector<16x64xf32> -> vector<16x128xf32>
      %swap3A_2998 = arith.constant 0 : index
      %swap3A_2999 = arith.constant 0 : index
      %swap3A_3000 = vector.load %arg19[%swap3A_2998, %swap3A_2999] : memref<16x128xf32, #tpu.memory_space<vmem>>, vector<16x128xf32>
      tpu.vector_store %arg19[%swap3A_2998, %swap3A_2999], %concatenate3A_2997 {strides = array<i32>} : memref<16x128xf32, #tpu.memory_space<vmem>>, vector<16x128xf32>,
    } else {
    }
    %get3A = arith.constant 0 : index
    %get3A_2 = arith.constant 0 : index
    %get3A_3 = vector.load %arg19[%get3A, %get3A_2] : memref<16x128xf32, #tpu.memory_space<vmem>>, vector<16x128xf32>
    %get3A_4 = arith.constant 0 : index
    %get3A_5 = arith.constant 0 : index
    %get3A_6 = vector.load %arg16[%get3A_4, %get3A_5] : memref<128x16384xf32, #tpu.memory_space<vmem>>, vector<128x16384xf32>
    %dot_general3A = arith.constant dense<0.000000e+00> : vector<16x16384xf32>
    %dot_general3A_7 = tpu.matmul %get3A_3, %get3A_6, %dot_general3A {dimension_numbers = #tpu.dot_dimension_numbers<[1], [0], [0], [1], [0, 0, 1, 1], [], []>, precision = #tpu.contract_precision<fp32>, transpose_lhs_hint = false} : vector<16x128xf32>, vector<128x16384xf32>, vector<16x16384xf32> -> vector<16x16384xf32>
    %get3A_8 = arith.constant 0 : index
    %get3A_9 = arith.constant 0 : index
    %get3A_10 = vector.load %arg17[%get3A_8, %get3A_9] : memref<1x16384xf32, #tpu.memory_space<vmem>>, vector<1x16384xf32>
    %add3A = vector.broadcast %get3A_10 : vector<1x16384xf32> to vector<16x16384xf32>
    %add3A_11 = arith.addf %dot_general3A_7, %add3A : vector<16x16384xf32>
    %swap3A = arith.constant 0 : index
    %swap3A_12 = arith.constant 0 : index
    %swap3A_13 = vector.load %arg18[%swap3A, %swap3A_12] : memref<16x16384xf32, #tpu.memory_space<vmem>>, vector<16x16384xf32>
    tpu.vector_store %arg18[%swap3A, %swap3A_12], %add3A_11 {strides = array<i32>} : memref<16x16384xf32, #tpu.memory_space<vmem>>, vector<16x16384xf32>,
    return
  }
  func.func @transform_0(%arg0: i32) -> (i32, i32) {
    %c0_i32 = arith.constant 0 : i32
    %c0_i32_0 = arith.constant 0 : i32
    %c0_i32_1 = arith.constant 0 : i32
    return %c0_i32, %c0_i32_0 : i32, i32
  }
  func.func @transform_1(%arg0: i32) -> (i32, i32) {
    %c0_i32 = arith.constant 0 : i32
    %c0_i32_0 = arith.constant 0 : i32
    %c0_i32_1 = arith.constant 0 : i32
    return %c0_i32, %c0_i32_0 : i32, i32
  }
  func.func @transform_2(%arg0: i32) -> (i32, i32) {
    %c0_i32 = arith.constant 0 : i32
    %c0_i32_0 = arith.constant 0 : i32
    %c0_i32_1 = arith.constant 0 : i32
    return %c0_i32, %c0_i32_0 : i32, i32
  }
  func.func @transform_3(%arg0: i32) -> (i32, i32) {
    %c0_i32 = arith.constant 0 : i32
    %c0_i32_0 = arith.constant 0 : i32
    %c0_i32_1 = arith.constant 0 : i32
    return %c0_i32, %c0_i32_0 : i32, i32
  }
  func.func @transform_4(%arg0: i32) -> (i32, i32) {
    %c0_i32 = arith.constant 0 : i32
    %c0_i32_0 = arith.constant 0 : i32
    %c0_i32_1 = arith.constant 0 : i32
    return %c0_i32, %c0_i32_0 : i32, i32
  }
  func.func @transform_5(%arg0: i32) -> (i32, i32) {
    %c0_i32 = arith.constant 0 : i32
    %c0_i32_0 = arith.constant 0 : i32
    %c0_i32_1 = arith.constant 0 : i32
    return %c0_i32, %c0_i32_0 : i32, i32
  }
  func.func @transform_6(%arg0: i32) -> (i32, i32) {
    %c0_i32 = arith.constant 0 : i32
    %c0_i32_0 = arith.constant 0 : i32
    %c0_i32_1 = arith.constant 0 : i32
    return %c0_i32, %c0_i32_0 : i32, i32
  }
  func.func @transform_7(%arg0: i32) -> (i32, i32) {
    %c0_i32 = arith.constant 0 : i32
    %c0_i32_0 = arith.constant 0 : i32
    %c0_i32_1 = arith.constant 0 : i32
    return %c0_i32, %c0_i32_0 : i32, i32
  }
  func.func @transform_8(%arg0: i32) -> (i32, i32) {
    %c0_i32 = arith.constant 0 : i32
    %c0_i32_0 = arith.constant 0 : i32
    %c0_i32_1 = arith.constant 0 : i32
    return %c0_i32, %c0_i32_0 : i32, i32
  }
  func.func @transform_9(%arg0: i32) -> (i32, i32) {
    %c0_i32 = arith.constant 0 : i32
    %c0_i32_0 = arith.constant 0 : i32
    %c0_i32_1 = arith.constant 0 : i32
    return %c0_i32, %c0_i32_0 : i32, i32
  }
  func.func @transform_10(%arg0: i32) -> (i32, i32) {
    %c0_i32 = arith.constant 0 : i32
    %c0_i32_0 = arith.constant 0 : i32
    %c0_i32_1 = arith.constant 0 : i32
    return %c0_i32, %c0_i32_0 : i32, i32
  }
  func.func @transform_11(%arg0: i32) -> (i32, i32) {
    %c0_i32 = arith.constant 0 : i32
    %c0_i32_0 = arith.constant 0 : i32
    %c0_i32_1 = arith.constant 0 : i32
    return %c0_i32, %c0_i32_0 : i32, i32
  }
  func.func @transform_12(%arg0: i32) -> (i32, i32) {
    %c0_i32 = arith.constant 0 : i32
    %c0_i32_0 = arith.constant 0 : i32
    %c0_i32_1 = arith.constant 0 : i32
    return %c0_i32, %c0_i32_0 : i32, i32
  }
  func.func @transform_13(%arg0: i32) -> (i32, i32) {
    %c0_i32 = arith.constant 0 : i32
    %c0_i32_0 = arith.constant 0 : i32
    %c0_i32_1 = arith.constant 0 : i32
    return %c0_i32, %c0_i32_0 : i32, i32
  }
  func.func @transform_14(%arg0: i32) -> (i32, i32) {
    %c0_i32 = arith.constant 0 : i32
    %c0_i32_0 = arith.constant 0 : i32
    %c0_i32_1 = arith.constant 0 : i32
    return %c0_i32, %c0_i32_0 : i32, i32
  }
  func.func @transform_15(%arg0: i32) -> (i32, i32) {
    %c0_i32 = arith.constant 0 : i32
    %c0_i32_0 = arith.constant 0 : i32
    return %c0_i32, %arg0 : i32, i32
  }
  func.func @transform_16(%arg0: i32) -> (i32, i32) {
    %c0_i32 = arith.constant 0 : i32
    %c0_i32_0 = arith.constant 0 : i32
    return %c0_i32, %arg0 : i32, i32
  }
  func.func @transform_17(%arg0: i32) -> (i32, i32) {
    %c0_i32 = arith.constant 0 : i32
    %c0_i32_0 = arith.constant 0 : i32
    return %c0_i32, %arg0 : i32, i32
  }
}

</mosaic_0001>

<sc_bundles>
// kernel: kernel.4.cloned.1.call-start
scs
__scs_entry_jumppad:
0x0: {  	(pc) =	sbr.rel $0x88, $3  }
0x1: {  	(tag) =	ssettag $0x0;
	lr =	simm.s32 $0x1  }
0x2: {  	[smem:$0x3F91] =	sst lr;
	_ =	strace $0xD0000000  }
0x3: {  	_ = 	snop  }
0x4: {  	_ = 	snop  }
0x5: {  	_ = 	snop  }
0x6: {  	_ = 	snop  }
0x7: {  	_ = 	snop  }
__scs_overlays_trampoline_lowered:
0x8: {  	[smem:$0x3FA0] =	sst s0  }
0x9: {  	[smem:$0x3FA1] =	sst s1  }
0xa: {  	[smem:$0x3FA2] =	sst s2  }
0xb: {  	[smem:$0x3FA3] =	sst s3  }
0xc: {  	[smem:$0x3FA4] =	sst s4  }
0xd: {  	[smem:$0x3FA5] =	sst s5  }
0xe: {  	[smem:$0x3FA6] =	sst s6  }
0xf: {  	[smem:$0x3FA7] =	sst s7  }
0x10: {  	[smem:$0x3FA8] =	sst s8  }
0x11: {  	[smem:$0x3FA9] =	sst s9;
	s0 =	simm.s32 @!p0 $0x0  }
0x12: {  	s1 =	sld [smem:$0x3F8F];
	s0 =	simm.s32 @p0 $0x1  }
0x13: {  	[smem:$0x3FAA] =	sst s0;
	s0 =	simm.s32 @!p1 $0x0  }
0x14: {  	s2 =	sld [smem:$0x3F8E];
	s0 =	simm.s32 @p1 $0x1  }
0x15: {  	[smem:$0x3FAB] =	sst s0;
	s0 =	simm.s32 @!p2 $0x0  }
0x16: {  	s3 =	sld [smem:$0x3FDB];
	s0 =	simm.s32 @p2 $0x1  }
0x17: {  	s4 =	simm.s32 $0x1BF5;
	[smem:$0x3FAD] =	sst s0  }
0x18: {  	s0 =	sld [smem:$0x3F90];
	_ =	swait.ge [sflag:s4], $0x0  }
0x19: {  	s7 =	sld [smem:$0x3F91]  }
0x1a: {  	s8 =	sadd.s32 $0xFFFFE003, lr  }
0x1b: {  	s9 =	sadd.s32 $0xFFFFFEF7, lr;
	s5 =	simm.s32 $0xFFFFFFFF;
	p2 =	slt.u32 s8, $0xFFFFF086  }
0x1c: {  	p1 =	slt.u32 s9, $0xF7A;
	s5 =	simm.s32 @!p2 $0x0  }
0x1d: {  	s5 =	simm.s32 @p1 $0x1;
	p0 =	seq.s32 s7, s2  }
0x1e: {  	s7 =	smul.u32 @!p0 $0xF7A, s2;
	p2 =	seq.s32 @!p0 s5, $0x0  }
0x1f: {  	s9 =	smul.u32 $0xF7A, s1;
	s8 =	simm.s32 @!p0 $0x1BF5;
	p2 =	por !p2, p0  }
0x20: {  	[sflag:s8] =	ssyncset.s32 @!p0 $0xFFFFF086;
	s6 =	sadd.s32 @!p0 s3, s7;
	s7 =	simm.s32 @!p0 $0x108  }
0x21: {  	s3 =	sadd.s32 s3, s9;
	s6 =	sadd.s32 @!p0 $0x88, s6;
	s7 =	simm.s32 @p2 $0x1082  }
0x22: {  	[simem:s7], [sflag:s8] =	dma.local @!p0 [hbm:s6], $0xF7A  }
0x23: {  	s9 =	sor.u32 $0xD0000000, s2;
	s6 =	simm.s32 $0x108;
	_ =	swait.ge @!p0 [sflag:s8], $0x0  }
0x24: {  	s3 =	sadd.s32 $0x88, s3;
	s6 =	simm.s32 @!p1 $0x1082;
	[sflag:s4] =	ssyncset.s32 $0xFFFFF086  }
0x25: {  	[simem:s6], [sflag:s4] =	dma.local [hbm:s3], $0xF7A  }
0x26: {  	[smem:$0x3F91] =	sst s1;
	(tag) =	ssettag s2;
	_ =	strace s9  }
0x27: {  	s1 =	sld [smem:$0x3FA1]  }
0x28: {  	s2 =	sld [smem:$0x3FA2]  }
0x29: {  	s4 =	sld [smem:$0x3FA4]  }
0x2a: {  	p0 =	seq.s32 s5, $0x0;
	s5 =	sld [smem:$0x3FA5]  }
0x2b: {  	s6 =	sld [smem:$0x3FA6]  }
0x2c: {  	s7 =	sld [smem:$0x3FA7]  }
0x2d: {  	s3 =	simm.s32 $0x108;
	s8 =	sld [smem:$0x3FA8]  }
0x2e: {  	s3 =	simm.s32 @!p0 $0x1082;
	s9 =	sld [smem:$0x3FA9]  }
0x2f: {  	lr =	sadd.s32 s0, s3;
	s0 =	sld [smem:$0x3FA0]  }
0x30: {  	s3 =	sld [smem:$0x3FA3]  }
0x31: {  	[smem:$0x3FAC] =	sst s10  }
0x32: {  	s10 =	sld [smem:$0x3FAA];
	_ =	sdelay $0x3  }
0x33: {  	p0 =	seq.s32 s10, $0x1;
	s10 =	sld [smem:$0x3FAC];
	_ =	sdelay $0x3  }
0x34: {  	[smem:$0x3FAC] =	sst s10  }
0x35: {  	s10 =	sld [smem:$0x3FAB];
	_ =	sdelay $0x3  }
0x36: {  	p1 =	seq.s32 s10, $0x1;
	s10 =	sld [smem:$0x3FAC];
	_ =	sdelay $0x3  }
0x37: {  	[smem:$0x3FAC] =	sst s10  }
0x38: {  	s10 =	sld [smem:$0x3FAD]  }
0x39: {  	_ = 	snop;
	(pc) =	sbr.ind lr, $3  }
0x3a: {  	_ = 	snop  }
0x3b: {  	_ = 	snop  }
0x3c: {  	p2 =	seq.s32 s10, $0x1;
	s10 =	sld [smem:$0x3FAC]  }
0x3d: {  	_ =	shalt  }
0x3e: {  	_ =	shalt  }
0x3f: {  	_ =	shalt  }
0x40: {  	_ =	shalt  }
0x41: {  	_ =	shalt  }
0x42: {  	_ =	shalt  }
0x43: {  	_ =	shalt  }
0x44: {  	_ =	shalt  }
0x45: {  	_ =	shalt  }
0x46: {  	_ =	shalt  }
0x47: {  	_ =	shalt  }
0x48: {  	_ =	shalt  }
0x49: {  	_ =	shalt  }
0x4a: {  	_ =	shalt  }
0x4b: {  	_ =	shalt  }
0x4c: {  	_ =	shalt  }
0x4d: {  	_ =	shalt  }
0x4e: {  	_ =	shalt  }
0x4f: {  	_ =	shalt  }
0x50: {  	_ =	shalt  }
0x51: {  	_ =	shalt  }
0x52: {  	_ =	shalt  }
0x53: {  	_ =	shalt  }
0x54: {  	_ =	shalt  }
0x55: {  	_ =	shalt  }
0x56: {  	_ =	shalt  }
0x57: {  	_ =	shalt  }
0x58: {  	_ =	shalt  }
0x59: {  	_ =	shalt  }
0x5a: {  	_ =	shalt  }
0x5b: {  	_ =	shalt  }
0x5c: {  	_ =	shalt  }
0x5d: {  	_ =	shalt  }
0x5e: {  	_ =	shalt  }
0x5f: {  	_ =	shalt  }
0x60: {  	_ =	shalt  }
0x61: {  	_ =	shalt  }
0x62: {  	_ =	shalt  }
0x63: {  	_ =	shalt  }
0x64: {  	_ =	shalt  }
0x65: {  	_ =	shalt  }
0x66: {  	_ =	shalt  }
0x67: {  	_ =	shalt  }
0x68: {  	_ =	shalt  }
0x69: {  	_ =	shalt  }
0x6a: {  	_ =	shalt  }
0x6b: {  	_ =	shalt  }
0x6c: {  	_ =	shalt  }
0x6d: {  	_ =	shalt  }
0x6e: {  	_ =	shalt  }
0x6f: {  	_ =	shalt  }
0x70: {  	_ =	shalt  }
0x71: {  	_ =	shalt  }
0x72: {  	_ =	shalt  }
0x73: {  	_ =	shalt  }
0x74: {  	_ =	shalt  }
0x75: {  	_ =	shalt  }
0x76: {  	_ =	shalt  }
0x77: {  	_ =	shalt  }
0x78: {  	_ =	shalt  }
0x79: {  	_ =	shalt  }
0x7a: {  	_ =	shalt  }
0x7b: {  	_ =	shalt  }
0x7c: {  	_ =	shalt  }
0x7d: {  	_ =	shalt  }
0x7e: {  	_ =	shalt  }
0x7f: {  	_ =	shalt  }
0x80: {  	_ =	shalt  }
0x81: {  	_ =	shalt  }
0x82: {  	_ =	shalt  }
0x83: {  	_ =	shalt  }
0x84: {  	_ =	shalt  }
0x85: {  	_ =	shalt  }
0x86: {  	_ =	shalt  }
0x87: {  	_ =	shalt  }
.Lfunc_end0:
.L_simem_size_0:
called_computation_lowered:
.L_overlay_start_0:
0x88: {  	s2 =	sld [smem:$0x3FD9]  }
0x89: {  	s3 =	sld [smem:$0x3FFE];
	_ =	sdelay $0x1  }
0x8a: {  	s1 =	srdreg.scid  }
0x8b: {  	s0 =	sand.u32 $0x1, s1  }
0x8c: {  	s17 =	sshll.u32 s0, $0xA;
	s2 =	sadd.s32 s3, s2  }
0x8d: {  	s2 =	sadd.s32 s2, s17  }
0x8e: {  	[smem:$0x3FB8] =	sst s2  }
0x8f: {  	_ = 	snop  }
0x90: {  	s2 =	sld [smem:$0x3FD0];
	(tm) =	ssettm $0x1  }
0x91: {  	s18 =	sld [smem:$0x3FFB];
	_ =	sdelay $0x3  }
0x92: {  	_ =	strace s18  }
0x93: {  	s3 =	sld [smem:$0x3FFC];
	_ =	sdelay $0x3  }
0x94: {  	_ =	strace s3  }
0x95: {  	s3 =	sld [smem:$0x3FFD];
	_ =	sdelay $0x3  }
0x96: {  	_ =	strace s3  }
0x97: {  	_ =	strace $0x8FFFFFFF  }
0x98: {  	s19 =	sld [smem:$0x3FDB];
	_ =	sdelay $0x1  }
0x99: {  	s4 =	simm.s32 $_scs_section_size  }
0x9a: {  	s5 =	simm.s32 $_size__tile_overlayer_lowered;
	s6 =	simm.s32 $_tile_overlayer_lowered  }
0x9b: {  	s22 =	simm.s32 $0x1BFF;
	s21 =	sshll.u32 s6, $0x1;
	s3 =	sadd.s32 s4, s19  }
0x9c: {  	s7 =	simm.s32 $0x0;
	s20 =	sshll.u32 s5, $0x1;
	s5 =	sadd.s32 s21, s3  }
0x9d: {  	[timem:s7], [sflag:s22] =	dma.local [hbm:s5], s20  }
0x9e: {  	_ =	swait.ge [sflag:s22], s20  }
0x9f: {  	s4 =	ssub.s32 $0x0, s20;
	[sflag:s22] =	ssyncset.done $0x0  }
0xa0: {  	[sflag:s22] =	ssyncadd.s32 s4;
	_ =	sdelay $0x1  }
0xa1: {  	s23 =	simm.s32 $0x1B8B  }
0xa2: {  	_ =	swait.ge [sflag:s23], $0x1  }
0xa3: {  	[sflag:s23] =	ssyncset.done $0x0  }
0xa4: {  	s25 =	simm.s32 $0x1B8E;
	s24 =	sld [smem:$0x3FFE];
	[sflag:s23] =	ssyncadd.s32 $0xFFFFFFFF  }
0xa5: {  	s26 =	simm.s32 $execute0_lowered;
	[smem:$0x3FD2] =	sst s25  }
0xa6: {  	s5 =	sshll.u32 s26, $0x1;
	_ =	strace $0x80000046;
	[dreg:$0x1] =	wrdreg $0xFFFFFFFF  }
0xa7: {  	s28 =	simm.s32 $_size_execute0_lowered;
	s3 =	sadd.s32 s3, s5;
	[dreg:$0x0] =	wrdreg $0x0  }
0xa8: {  	s5 =	sshll.u32 s28, $0x1;
	[dreg:$0x2] =	wrdreg s3  }
0xa9: {  	[dreg:$0x3] =	wrdreg s5  }
0xaa: {  	[dreg:$0x4] =	wrdreg $0xC0  }
0xab: {  	_ =	task [dreg:s7], $0x5FFFF  }
0xac: {  	[dreg:$0x1] =	wrdreg $0xFFFFFFFF  }
0xad: {  	[dreg:$0x0] =	wrdreg $0x60  }
0xae: {  	[dreg:$0x2] =	wrdreg s24  }
0xaf: {  	[dreg:$0x3] =	wrdreg s2  }
0xb0: {  	[dreg:$0x4] =	wrdreg $0x9  }
0xb1: {  	_ =	task.clear_ibuf [dreg:s7], $0x5FFFF;
	_ =	strace $0x90000046  }
0xb2: {  	s29 =	simm.s32 $0x9;
	_ =	strace $0x80000048  }
0xb3: {  	_ =	swait.ge [sflag:s29], $0x1  }
0xb4: {  	[sflag:s29] =	ssyncadd.s32 $0xFFFFFFFF  }
0xb5: {  	_ =	strace $0x90000048  }
0xb6: {  	_ =	sfence  }
0xb7: {  	s30 =	sld [smem:$0x0];
	_ =	sdelay $0x2  }
0xb8: {  	s31 =	sshll.u32 s1, $0xD;
	s1 =	sshrl.u32 s1, $0x2  }
0xb9: {  	s3 =	sand.u32 $0x4000, s31;
	s1 =	sadd.s32 s1, s30  }
0xba: {  	s0 =	sor.u32 s3, s0;
	s1 =	sshll.u32 s1, $0x11  }
0xbb: {  	s0 =	sor.u32 s1, s0  }
0xbc: {  	s0 =	sadd.s32 $0x8F2B, s0  }
0xbd: {  	[sflag:s0] =	ssyncadd.remote.s32 $0x1  }
0xbe: {  	_ =	sfence.sel $0xFFFF  }
0xbf: {  	[dreg:$0x0] =	wrdreg $0xFFFFFFFF;
	(pc) =	sbr.abs _section_cstart, $3  }
0xc0: {  	[dreg:$0x1] =	wrdreg $0xFFFFFFFF  }
0xc1: {  	_ =	task.clear_ibuf [dreg:s7], $0x2FFFF;
	_ =	strace $0x9FFFFFFF  }
0xc2: {  	(tm) =	ssettm $0x7FFFFFFF  }
0xc3: {  	_ =	shalt  }
tec
execute0_lowered:
.L_overlay_start_1:
0x0: {  	(tag) =	ssettag $0x1  }
0x1: {  	s1 =	srdreg.scid  }
0x2: {  	s0 =	stileid.u32;
	s6 =	sand.u32 $0x1, s1  }
0x3: {  	s5 =	rddreg [dreg:$0x0];
	s30 =	sshll.u32 s0, $0x6;
	s2 =	sshll.u32 s6, $0x5  }
0x4: {  	s8 =	rddreg [dreg:$0x1];
	s9 =	sor.u32 s2, s30  }
0x5: {  	s1 =	rddreg [dreg:$0x2];
	s2 =	simm.s32 $0x0;
	s3 =	sshrl.u32 s9, $0x3  }
0x6: {  	s10 =	ssub.s32 $0x2, s6;
	[smem:$0x7FF] =	sst s2;
	s3 =	sadd.s32 s3, s5  }
0x7: {  	_ =	strace $0x80000047;
	s4 =	sadd.s32 $0x1C00, s3;
	s3 =	simm.s32 $0x2  }
0x8: {  	[tilespmem:s2], [sflag:$0x2] =	stream.linear.gather [hbm4b:s4+s2], $0x20, $0x38;
	[tilespmem:$0x820] =	vst v63  }
0x9: {  	s7 =	simm.s32 $0x1;
	s11 =	sshrl.u32 s10, $0x1;
	_ =	swait.ge [sflag:s3], $0x20  }
0xa: {  	s6 =	simm.s32 $0x20;
	s10 =	ssub.s32 s10, s11;
	[sflag:s3] =	ssyncset.done $0x0  }
0xb: {  	s5 =	sadd.s32 $0x188600, s5;
	s31 =	smax.u32 s10, $0x1;
	[sflag:s3] =	ssyncadd.s32 $0xFFFFFFE0  }
0xc: {  	[tilespmem:s6], [sflag:$0x1] =	stream.indirect.gather [hbm4b:s5+s6], $0x40, s2, s6, $0xb8;
	[tilespmem:$0x820] =	vst v63  }
0xd: {  	p0 =	sne.s32 s31, $0x1;
	_ =	swait.ge [sflag:s7], $0x800  }
.Ltmp0:
0xe: {  	s9 =	sshll.u32 s9, $0x3;
	[sflag:s7] =	ssyncset.done $0x0;
	(pc) =	sbr.rel @!p0 .LBB2_2-.Ltmp0, $4  }
0xf: {  	s8 =	sadd.s32 s8, s9;
	[sflag:s7] =	ssyncadd.s32 $0xFFFFF800  }
0x10: {  	[hbm4b:s8+s2] =	stream.linear.scatter [tilespmem:s6], [sflag:$0x2], $0x800, $0x38;
	[tilespmem:$0x820] =	vst v63  }
0x11: {  	_ =	swait.ge [sflag:s3], $0x800  }
0x12: {  	s9 =	sadd.s32 $0xFFFFFFFF, s31;
	[sflag:s3] =	ssyncset.done $0x0  }
.LBB2_1:
0x13: {  	p0 =	sne.s32 s9, $0x1;
	s9 =	sadd.s32 $0xFFFFFFFF, s9;
	[sflag:s3] =	ssyncadd.s32 $0xFFFFF800  }
0x14: {  	[tilespmem:s2], [sflag:$0x2] =	stream.linear.gather [hbm4b:s4+s2], $0x20, $0x38;
	[tilespmem:$0x820] =	vst v63  }
0x15: {  	_ =	swait.ge [sflag:s3], $0x20  }
0x16: {  	[sflag:s3] =	ssyncset.done $0x0  }
0x17: {  	[sflag:s3] =	ssyncadd.s32 $0xFFFFFFE0  }
0x18: {  	[tilespmem:s6], [sflag:$0x1] =	stream.indirect.gather [hbm4b:s5+s6], $0x40, s2, s6, $0xb8;
	[tilespmem:$0x820] =	vst v63  }
0x19: {  	_ =	swait.ge [sflag:s7], $0x800  }
.Ltmp1:
0x1a: {  	[sflag:s7] =	ssyncset.done $0x0;
	(pc) =	sbr.rel @p0 .LBB2_1-.Ltmp1, $4  }
0x1b: {  	[sflag:s7] =	ssyncadd.s32 $0xFFFFF800  }
0x1c: {  	[hbm4b:s8+s2] =	stream.linear.scatter [tilespmem:s6], [sflag:$0x2], $0x800, $0x38;
	[tilespmem:$0x820] =	vst v63  }
0x1d: {  	_ =	swait.ge [sflag:s3], $0x800  }
0x1e: {  	[sflag:s3] =	ssyncset.done $0x0  }
.LBB2_2:
0x1f: {  	[sflag:s3] =	ssyncadd.s32 $0xFFFFF800  }
0x20: {  	_ =	sfence.sel $0x180000  }
0x21: {  	[bflag:$0x0] =	sbarrier.arrive $0xFFFF  }
0x22: {  	p0 =	sne.s32 s0, $0x0;
	_ =	strace $0x90000047  }
0x23: {  	s0 =	sadd.s32 @!p0 $0x100000, s1;
	[bflag:$0x2] =	sbarrier.arrive $0xFFFF  }
0x24: {  	[sflag:s0] =	ssyncadd.tile.s32 @!p0 $0x1;
	_ =	shalt  }
.Lfunc_end2:
_tile_overlayer_lowered:
.L_overlay_start_2:
0x25: {  	(tag) =	ssettag $0x2  }
0x26: {  	s0 =	rddreg [dreg:$0x0];
	s2 =	stileid.u32  }
0x27: {  	s1 =	rddreg [dreg:$0x1];
	p0 =	sne.s32 s2, $0x0  }
0x28: {  	s3 =	rddreg [dreg:$0x2];
	[bflag:$0x3] =	sbarrier.arrive $0xFFFF;
	s2 =	simm.s32 @!p0 $0x1C02  }
0x29: {  	[timem:s3], [sflag:s2] =	dma.local @!p0 [hbm:s0], s1  }
0x2a: {  	s0 =	simm.s32 @!p0 $0x2  }
0x2b: {  	_ =	swait.ge @!p0 [sflag:s0], s1  }
0x2c: {  	s1 =	ssub.s32 @!p0 $0x0, s1;
	[sflag:s0] =	ssyncset.done @!p0 $0x0  }
0x2d: {  	[sflag:s0] =	ssyncadd.s32 @!p0 s1  }
0x2e: {  	[bflag:$0x3] =	sbarrier.arrive $0xFFFF  }
0x2f: {  	_ =	shalt  }

</sc_bundles>
